<compile_context>
chip_gen: v7x
topology: tpu7x:2x2x1
jax: 0.10.2.dev20260603
libtpu: 0.0.44.dev20260713+nightly
codegen_flags: <defaults>
</compile_context>

<pallas_src>
import functools

import jax
import jax.numpy as jnp
from jax import lax
from jax.experimental import pallas as pl
from jax.experimental.pallas import tpu as pltpu
from jax.experimental.pallas import tpu_sc as plsc

B, L, C = 1024, 20, 128
NW = 32
BPW = B // NW


def _sc_pool_body(idx_hbm, table, out_hbm, idx_v, rows0, rows1, out_v,
                  sem0, sem1):
    epp = BPW // 2
    nc = plsc.get_sparse_core_info().num_cores
    wid = lax.axis_index("s") * nc + lax.axis_index("c")

    pltpu.sync_copy(idx_hbm.at[pl.ds(wid * BPW, BPW)], idx_v)

    rows = (rows0, rows1)
    sems = (sem0, sem1)

    def fire(h):
        buf, sem = rows[h % 2], sems[h % 2]
        return [
            pltpu.async_copy(table.at[wid].at[idx_v.at[h * epp + e]],
                             buf.at[pl.ds(e * L, L)], sem)
            for e in range(epp)
        ]

    pending = fire(0)
    for h in range(2):
        nxt = fire(h + 1) if h < 1 else []
        for cp in pending:
            cp.wait()
        pending = nxt

        buf = rows[h % 2]

        def body(e, carry, buf=buf, h=h):
            base = e * L
            for c in range(C // 16):
                sl = pl.ds(16 * c, 16)
                acc = buf[base, sl]
                for l in range(1, L):
                    acc = acc + buf[base + l, sl]
                out_v[h * epp + e, sl] = acc * (1.0 / L)
            return carry

        lax.fori_loop(0, epp, body, 0)

    pltpu.sync_copy(out_v, out_hbm.at[pl.ds(wid * BPW, BPW)])


def _sc_pool(style, sty_table_rep):
    mesh = plsc.VectorSubcoreMesh(core_axis_name="c", subcore_axis_name="s")
    return pl.kernel(
        _sc_pool_body,
        out_type=jax.ShapeDtypeStruct((B, C), jnp.float32),
        mesh=mesh,
        scratch_types=[
            pltpu.VMEM((BPW, L), jnp.int32),
            pltpu.VMEM((BPW * L // 2, C), jnp.float32),
            pltpu.VMEM((BPW * L // 2, C), jnp.float32),
            pltpu.VMEM((BPW, C), jnp.float32),
            pltpu.SemaphoreType.DMA,
            pltpu.SemaphoreType.DMA,
        ],
    )(style, sty_table_rep)


def _silu(x):
    return x * jax.nn.sigmoid(x)


def _mm(x, w):
    return jnp.dot(x, w, preferred_element_type=jnp.float32,
                   precision=lax.Precision.HIGHEST)


def _tc_dense_body(emb_ref, eps_ref, cat_ref, cat_t, gen_ref, gen_t,
                   cW1, cb1, cW2, cb2, gW1, gb1, gW2, gb2, sW1, sb1,
                   sW2, sb2, muW1, mub1, muW2, mub2, vW1, vb1, vW2, vb2,
                   out_ref):
    def pooled(idx_ref, table_ref, nv):
        blk_idx = idx_ref[...]
        iota = lax.broadcasted_iota(jnp.int32, (1, nv), 1)
        cnt = jnp.zeros((blk_idx.shape[0], nv), jnp.float32)
        for l in range(L):
            cnt = cnt + (blk_idx[:, l:l + 1] == iota).astype(jnp.float32)
        return _mm(cnt, table_ref[...]) * (1.0 / L)

    ecp = pooled(cat_ref, cat_t, 16)
    egp = pooled(gen_ref, gen_t, 64)
    ec = _silu(_mm(_silu(_mm(ecp, cW1[...]) + cb1[...]),
                   cW2[...]) + cb2[...])
    eg = _silu(_mm(_silu(_mm(egp, gW1[...]) + gb1[...]),
                   gW2[...]) + gb2[...])
    es = _silu(_mm(_silu(_mm(emb_ref[...], sW1[...]) + sb1[...]),
                   sW2[...]) + sb2[...])
    cat = jnp.concatenate([ec, eg, es], axis=1)
    mu = _mm(jax.nn.relu(_mm(cat, muW1[...]) + mub1[...]), muW2[...]) \
        + mub2[...]
    var = _mm(jax.nn.relu(_mm(cat, vW1[...]) + vb1[...]), vW2[...]) \
        + vb2[...]
    out_ref[...] = mu + jnp.exp(0.5 * var) * eps_ref[...]


def _tc_dense(emb, eps, category, cat_table, genre, gen_table, weights):
    full = lambda a: pl.BlockSpec(a.shape, lambda: (0,) * a.ndim)
    args = [emb, eps, category, cat_table, genre, gen_table] + weights
    return pl.pallas_call(
        _tc_dense_body,
        in_specs=[full(a) for a in args],
        out_specs=pl.BlockSpec((B, C), lambda: (0, 0)),
        out_shape=jax.ShapeDtypeStruct((B, C), jnp.float32),
    )(*args)


def kernel(category, genre, style, cat_table, gen_table, sty_table,
           cW1, cb1, cW2, cb2, gW1, gb1, gW2, gb2, sW1, sb1, sW2, sb2,
           muW1, mub1, muW2, mub2, vW1, vb1, vW2, vb2, eps):
    sty_rep = jnp.tile(sty_table[None], (NW, 1, 1))
    emb = _sc_pool(style, sty_rep)
    weights = [cW1, cb1.reshape(1, -1), cW2, cb2.reshape(1, -1),
               gW1, gb1.reshape(1, -1), gW2, gb2.reshape(1, -1),
               sW1, sb1.reshape(1, -1), sW2, sb2.reshape(1, -1),
               muW1, mub1.reshape(1, -1), muW2, mub2.reshape(1, -1),
               vW1, vb1.reshape(1, -1), vW2, vb2.reshape(1, -1)]
    return _tc_dense(emb, eps, category, cat_table, genre, gen_table,
                     weights)

# --- scband reference (transcript-rebuilt; emitter-appended) ---
"""Pipeline reference for scband-tag-embedding-51754355917238 (READ-ONLY COPY).

The authoritative reference and input builder live on the scoring server;
editing this copy changes nothing except your own understanding.
"""

import jax, jax.numpy as jnp
import numpy as np

B, L, C = 1024, 20, 128
VC, VG, VS = 16, 64, 128

def silu(x):
    return x * jax.nn.sigmoid(x)

def setup_inputs(seed: int = 0):
    key = jax.random.key(seed)
    ks = jax.random.split(key, 30)
    inp = {}
    inp['category'] = jax.random.randint(ks[0], (B, L), 0, VC, dtype=jnp.int32)
    inp['genre'] = jax.random.randint(ks[1], (B, L), 0, VG, dtype=jnp.int32)
    inp['style'] = jax.random.randint(ks[2], (B, L), 0, VS, dtype=jnp.int32)
    inp['cat_table'] = jax.random.normal(ks[3], (VC, C), dtype=jnp.float32)
    inp['gen_table'] = jax.random.normal(ks[4], (VG, C), dtype=jnp.float32)
    inp['sty_table'] = jax.random.normal(ks[5], (VS, C), dtype=jnp.float32)
    def lin(k, fan_in, fan_out):
        bound = 1.0 / np.sqrt(fan_in)
        k1, k2 = jax.random.split(k)
        W = jax.random.uniform(k1, (fan_in, fan_out), minval=-bound, maxval=bound, dtype=jnp.float32)
        b = jax.random.uniform(k2, (fan_out,), minval=-bound, maxval=bound, dtype=jnp.float32)
        return W, b
    inp['cW1'], inp['cb1'] = lin(ks[6], C, 2 * C)
    inp['cW2'], inp['cb2'] = lin(ks[7], 2 * C, C)
    inp['gW1'], inp['gb1'] = lin(ks[8], C, 2 * C)
    inp['gW2'], inp['gb2'] = lin(ks[9], 2 * C, C)
    inp['sW1'], inp['sb1'] = lin(ks[10], C, 2 * C)
    inp['sW2'], inp['sb2'] = lin(ks[11], 2 * C, C)
    inp['muW1'], inp['mub1'] = lin(ks[12], 3 * C, C)
    inp['muW2'], inp['mub2'] = lin(ks[13], C, C)
    inp['vW1'], inp['vb1'] = lin(ks[14], 3 * C, C)
    inp['vW2'], inp['vb2'] = lin(ks[15], C, C)
    inp['eps'] = jax.random.uniform(ks[16], (B, C), dtype=jnp.float32)
    return inp

def reference(category, genre, style, cat_table, gen_table, sty_table, cW1, cb1, cW2, cb2, gW1, gb1, gW2, gb2, sW1, sb1, sW2, sb2, muW1, mub1, muW2, mub2, vW1, vb1, vW2, vb2, eps):
    # embedding gather + mean pool over the L tags per example
    ec = jnp.take(cat_table, category, axis=0).mean(axis=1)
    eg = jnp.take(gen_table, genre, axis=0).mean(axis=1)
    es = jnp.take(sty_table, style, axis=0).mean(axis=1)
    # per-field 2-layer silu projections
    ec = silu(silu(ec @ cW1 + cb1) @ cW2 + cb2)
    eg = silu(silu(eg @ gW1 + gb1) @ gW2 + gb2)
    es = silu(silu(es @ sW1 + sb1) @ sW2 + sb2)
    emb = jnp.concatenate([ec, eg, es], axis=1)
    mu = jax.nn.relu(emb @ muW1 + mub1) @ muW2 + mub2
    var = jax.nn.relu(emb @ vW1 + vb1) @ vW2 + vb2
    # reparameterize (torch.rand_like -> uniform noise, materialized as eps)
    z = mu + jnp.exp(0.5 * var) * eps
    return z

if __name__ == "__main__":
    import jax
    _d = setup_inputs()
    print(jax.jit(kernel)(*tuple(_d.values())))

</pallas_src>

<mosaic_0001>
#map = affine_map<(d0, d1) -> (0, 0)>
#map1 = affine_map<(d0, d1) -> (0, 0, 0)>
module attributes {stable_mosaic.version = 14 : i64} {
  func.func @_sc_pool_body(%arg0: i32, %arg1: i32, %arg2: memref<1024x20xi32, #tpu.memory_space<hbm>>, %arg3: memref<32x128x128xf32, #tpu.memory_space<hbm>>, %arg4: memref<1024x128xf32, #tpu.memory_space<hbm>>, %arg5: memref<32x20xi32, #tpu.memory_space<vmem>>, %arg6: memref<320x128xf32, #tpu.memory_space<vmem>>, %arg7: memref<320x128xf32, #tpu.memory_space<vmem>>, %arg8: memref<32x128xf32, #tpu.memory_space<vmem>>, %arg9: memref<!tpu.dma_semaphore, #tpu.memory_space<semaphore_mem>>, %arg10: memref<!tpu.dma_semaphore, #tpu.memory_space<semaphore_mem>>) attributes {dimension_semantics = [#tpu.dimension_semantics<core_parallel>, #tpu.dimension_semantics<subcore_parallel>], iteration_bounds = array<i64: 2, 16>, scalar_prefetch = 0 : i64, scratch_operands = 6 : i64, tpu.core_type = #tpu.core_type<sc_vector_subcore>, window_params = [{transform_indices = #map}, {transform_indices = #map1}, {transform_indices = #map}]} {
    %mul3A = arith.constant 2 : i32
    %mul3A_0 = arith.muli %arg1, %mul3A : i32
    %add3A = arith.addi %mul3A_0, %arg0 : i32
    %mul3A_1 = arith.constant 32 : i32
    %mul3A_2 = arith.muli %add3A, %mul3A_1 : i32
    "tpu.region"() ({
      %run_scoped3A = tpu.sem_alloc : memref<!tpu.dma_semaphore, #tpu.memory_space<semaphore_mem>>
      %dma_start3A_910 = arith.constant 0 : i32
      %dma_start3A_911 = tpu.memref_slice %arg2[%mul3A_2, %dma_start3A_910] : memref<1024x20xi32, #tpu.memory_space<hbm>> -> memref<32x20xi32, #tpu.memory_space<hbm>>
      %dma_start3A_912 = arith.constant 0 : i32
      %dma_start3A_913 = tpu.memref_slice %arg2[%mul3A_2, %dma_start3A_912] : memref<1024x20xi32, #tpu.memory_space<hbm>> -> memref<32x20xi32, #tpu.memory_space<hbm>>
      tpu.enqueue_dma source(%dma_start3A_913 : memref<32x20xi32, #tpu.memory_space<hbm>>) target(%arg5 : memref<32x20xi32, #tpu.memory_space<vmem>>) target_semaphore(%run_scoped3A : memref<!tpu.dma_semaphore, #tpu.memory_space<semaphore_mem>>)
      %dma_wait3A_914 = arith.constant 0 : i32
      %dma_wait3A_915 = tpu.memref_slice %arg2[%mul3A_2, %dma_wait3A_914] : memref<1024x20xi32, #tpu.memory_space<hbm>> -> memref<32x20xi32, #tpu.memory_space<hbm>>
      %dma_wait3A_916 = arith.constant 0 : i32
      %dma_wait3A_917 = tpu.memref_slice %arg2[%mul3A_2, %dma_wait3A_916] : memref<1024x20xi32, #tpu.memory_space<hbm>> -> memref<32x20xi32, #tpu.memory_space<hbm>>
      tpu.wait_dma2 semaphore(%run_scoped3A : memref<!tpu.dma_semaphore, #tpu.memory_space<semaphore_mem>>) src(%dma_wait3A_917 : memref<32x20xi32, #tpu.memory_space<hbm>>) dst(%arg5 : memref<32x20xi32, #tpu.memory_space<vmem>>)
      tpu.yield
    }) : () -> ()
    %dma_start3A = arith.constant 0 : i32
    %dma_start3A_3 = arith.constant 0 : i32
    %dma_start3A_4 = arith.constant 0 : i32
    %dma_start3A_5 = tpu.memref_slice %arg6[%dma_start3A_3, %dma_start3A_4] : memref<320x128xf32, #tpu.memory_space<vmem>> -> memref<20x128xf32, #tpu.memory_space<vmem>>
    %dma_start3A_6 = arith.constant 0 : i32
    %dma_start3A_7 = tpu.memref_slice %arg5[%dma_start3A, %dma_start3A_6] : memref<32x20xi32, #tpu.memory_space<vmem>> -> memref<1x20xi32, #tpu.memory_space<vmem>>
    %dma_start3A_8 = tpu.memref_squeeze %dma_start3A_7 : memref<1x20xi32, #tpu.memory_space<vmem>> -> memref<20xi32, #tpu.memory_space<vmem>>
    %dma_start3A_9 = arith.constant 0 : i32
    %dma_start3A_10 = arith.constant 0 : i32
    %dma_start3A_11 = tpu.memref_slice %arg3[%add3A, %dma_start3A_9, %dma_start3A_10] : memref<32x128x128xf32, #tpu.memory_space<hbm>> -> memref<1x128x128xf32, #tpu.memory_space<hbm>>
    %dma_start3A_12 = tpu.memref_squeeze %dma_start3A_11 : memref<1x128x128xf32, #tpu.memory_space<hbm>> -> memref<128x128xf32, #tpu.memory_space<hbm>>
    %dma_start3A_13 = arith.constant 0 : i32
    %dma_start3A_14 = arith.constant 0 : i32
    %dma_start3A_15 = tpu.memref_slice %dma_start3A_12[%dma_start3A_13, %dma_start3A_14] : memref<128x128xf32, #tpu.memory_space<hbm>> -> memref<128x128xf32, #tpu.memory_space<hbm>>
    tpu.enqueue_indirect_dma source(%dma_start3A_15 : memref<128x128xf32, #tpu.memory_space<hbm>>) target(%dma_start3A_5 : memref<20x128xf32, #tpu.memory_space<vmem>>) offsets(%dma_start3A_8 : memref<20xi32, #tpu.memory_space<vmem>>) semaphore(%arg9 : memref<!tpu.dma_semaphore, #tpu.memory_space<semaphore_mem>>)
    %dma_start3A_16 = arith.constant 1 : i32
    %dma_start3A_17 = arith.constant 20 : i32
    %dma_start3A_18 = arith.constant 0 : i32
    %dma_start3A_19 = tpu.memref_slice %arg6[%dma_start3A_17, %dma_start3A_18] : memref<320x128xf32, #tpu.memory_space<vmem>> -> memref<20x128xf32, #tpu.memory_space<vmem>>
    %dma_start3A_20 = arith.constant 0 : i32
    %dma_start3A_21 = tpu.memref_slice %arg5[%dma_start3A_16, %dma_start3A_20] : memref<32x20xi32, #tpu.memory_space<vmem>> -> memref<1x20xi32, #tpu.memory_space<vmem>>
    %dma_start3A_22 = tpu.memref_squeeze %dma_start3A_21 : memref<1x20xi32, #tpu.memory_space<vmem>> -> memref<20xi32, #tpu.memory_space<vmem>>
    %dma_start3A_23 = arith.constant 0 : i32
    %dma_start3A_24 = arith.constant 0 : i32
    %dma_start3A_25 = tpu.memref_slice %arg3[%add3A, %dma_start3A_23, %dma_start3A_24] : memref<32x128x128xf32, #tpu.memory_space<hbm>> -> memref<1x128x128xf32, #tpu.memory_space<hbm>>
    %dma_start3A_26 = tpu.memref_squeeze %dma_start3A_25 : memref<1x128x128xf32, #tpu.memory_space<hbm>> -> memref<128x128xf32, #tpu.memory_space<hbm>>
    %dma_start3A_27 = arith.constant 0 : i32
    %dma_start3A_28 = arith.constant 0 : i32
    %dma_start3A_29 = tpu.memref_slice %dma_start3A_26[%dma_start3A_27, %dma_start3A_28] : memref<128x128xf32, #tpu.memory_space<hbm>> -> memref<128x128xf32, #tpu.memory_space<hbm>>
    tpu.enqueue_indirect_dma source(%dma_start3A_29 : memref<128x128xf32, #tpu.memory_space<hbm>>) target(%dma_start3A_19 : memref<20x128xf32, #tpu.memory_space<vmem>>) offsets(%dma_start3A_22 : memref<20xi32, #tpu.memory_space<vmem>>) semaphore(%arg9 : memref<!tpu.dma_semaphore, #tpu.memory_space<semaphore_mem>>)
    %dma_start3A_30 = arith.constant 2 : i32
    %dma_start3A_31 = arith.constant 40 : i32
    %dma_start3A_32 = arith.constant 0 : i32
    %dma_start3A_33 = tpu.memref_slice %arg6[%dma_start3A_31, %dma_start3A_32] : memref<320x128xf32, #tpu.memory_space<vmem>> -> memref<20x128xf32, #tpu.memory_space<vmem>>
    %dma_start3A_34 = arith.constant 0 : i32
    %dma_start3A_35 = tpu.memref_slice %arg5[%dma_start3A_30, %dma_start3A_34] : memref<32x20xi32, #tpu.memory_space<vmem>> -> memref<1x20xi32, #tpu.memory_space<vmem>>
    %dma_start3A_36 = tpu.memref_squeeze %dma_start3A_35 : memref<1x20xi32, #tpu.memory_space<vmem>> -> memref<20xi32, #tpu.memory_space<vmem>>
    %dma_start3A_37 = arith.constant 0 : i32
    %dma_start3A_38 = arith.constant 0 : i32
    %dma_start3A_39 = tpu.memref_slice %arg3[%add3A, %dma_start3A_37, %dma_start3A_38] : memref<32x128x128xf32, #tpu.memory_space<hbm>> -> memref<1x128x128xf32, #tpu.memory_space<hbm>>
    %dma_start3A_40 = tpu.memref_squeeze %dma_start3A_39 : memref<1x128x128xf32, #tpu.memory_space<hbm>> -> memref<128x128xf32, #tpu.memory_space<hbm>>
    %dma_start3A_41 = arith.constant 0 : i32
    %dma_start3A_42 = arith.constant 0 : i32
    %dma_start3A_43 = tpu.memref_slice %dma_start3A_40[%dma_start3A_41, %dma_start3A_42] : memref<128x128xf32, #tpu.memory_space<hbm>> -> memref<128x128xf32, #tpu.memory_space<hbm>>
    tpu.enqueue_indirect_dma source(%dma_start3A_43 : memref<128x128xf32, #tpu.memory_space<hbm>>) target(%dma_start3A_33 : memref<20x128xf32, #tpu.memory_space<vmem>>) offsets(%dma_start3A_36 : memref<20xi32, #tpu.memory_space<vmem>>) semaphore(%arg9 : memref<!tpu.dma_semaphore, #tpu.memory_space<semaphore_mem>>)
    %dma_start3A_44 = arith.constant 3 : i32
    %dma_start3A_45 = arith.constant 60 : i32
    %dma_start3A_46 = arith.constant 0 : i32
    %dma_start3A_47 = tpu.memref_slice %arg6[%dma_start3A_45, %dma_start3A_46] : memref<320x128xf32, #tpu.memory_space<vmem>> -> memref<20x128xf32, #tpu.memory_space<vmem>>
    %dma_start3A_48 = arith.constant 0 : i32
    %dma_start3A_49 = tpu.memref_slice %arg5[%dma_start3A_44, %dma_start3A_48] : memref<32x20xi32, #tpu.memory_space<vmem>> -> memref<1x20xi32, #tpu.memory_space<vmem>>
    %dma_start3A_50 = tpu.memref_squeeze %dma_start3A_49 : memref<1x20xi32, #tpu.memory_space<vmem>> -> memref<20xi32, #tpu.memory_space<vmem>>
    %dma_start3A_51 = arith.constant 0 : i32
    %dma_start3A_52 = arith.constant 0 : i32
    %dma_start3A_53 = tpu.memref_slice %arg3[%add3A, %dma_start3A_51, %dma_start3A_52] : memref<32x128x128xf32, #tpu.memory_space<hbm>> -> memref<1x128x128xf32, #tpu.memory_space<hbm>>
    %dma_start3A_54 = tpu.memref_squeeze %dma_start3A_53 : memref<1x128x128xf32, #tpu.memory_space<hbm>> -> memref<128x128xf32, #tpu.memory_space<hbm>>
    %dma_start3A_55 = arith.constant 0 : i32
    %dma_start3A_56 = arith.constant 0 : i32
    %dma_start3A_57 = tpu.memref_slice %dma_start3A_54[%dma_start3A_55, %dma_start3A_56] : memref<128x128xf32, #tpu.memory_space<hbm>> -> memref<128x128xf32, #tpu.memory_space<hbm>>
    tpu.enqueue_indirect_dma source(%dma_start3A_57 : memref<128x128xf32, #tpu.memory_space<hbm>>) target(%dma_start3A_47 : memref<20x128xf32, #tpu.memory_space<vmem>>) offsets(%dma_start3A_50 : memref<20xi32, #tpu.memory_space<vmem>>) semaphore(%arg9 : memref<!tpu.dma_semaphore, #tpu.memory_space<semaphore_mem>>)
    %dma_start3A_58 = arith.constant 4 : i32
    %dma_start3A_59 = arith.constant 80 : i32
    %dma_start3A_60 = arith.constant 0 : i32
    %dma_start3A_61 = tpu.memref_slice %arg6[%dma_start3A_59, %dma_start3A_60] : memref<320x128xf32, #tpu.memory_space<vmem>> -> memref<20x128xf32, #tpu.memory_space<vmem>>
    %dma_start3A_62 = arith.constant 0 : i32
    %dma_start3A_63 = tpu.memref_slice %arg5[%dma_start3A_58, %dma_start3A_62] : memref<32x20xi32, #tpu.memory_space<vmem>> -> memref<1x20xi32, #tpu.memory_space<vmem>>
    %dma_start3A_64 = tpu.memref_squeeze %dma_start3A_63 : memref<1x20xi32, #tpu.memory_space<vmem>> -> memref<20xi32, #tpu.memory_space<vmem>>
    %dma_start3A_65 = arith.constant 0 : i32
    %dma_start3A_66 = arith.constant 0 : i32
    %dma_start3A_67 = tpu.memref_slice %arg3[%add3A, %dma_start3A_65, %dma_start3A_66] : memref<32x128x128xf32, #tpu.memory_space<hbm>> -> memref<1x128x128xf32, #tpu.memory_space<hbm>>
    %dma_start3A_68 = tpu.memref_squeeze %dma_start3A_67 : memref<1x128x128xf32, #tpu.memory_space<hbm>> -> memref<128x128xf32, #tpu.memory_space<hbm>>
    %dma_start3A_69 = arith.constant 0 : i32
    %dma_start3A_70 = arith.constant 0 : i32
    %dma_start3A_71 = tpu.memref_slice %dma_start3A_68[%dma_start3A_69, %dma_start3A_70] : memref<128x128xf32, #tpu.memory_space<hbm>> -> memref<128x128xf32, #tpu.memory_space<hbm>>
    tpu.enqueue_indirect_dma source(%dma_start3A_71 : memref<128x128xf32, #tpu.memory_space<hbm>>) target(%dma_start3A_61 : memref<20x128xf32, #tpu.memory_space<vmem>>) offsets(%dma_start3A_64 : memref<20xi32, #tpu.memory_space<vmem>>) semaphore(%arg9 : memref<!tpu.dma_semaphore, #tpu.memory_space<semaphore_mem>>)
    %dma_start3A_72 = arith.constant 5 : i32
    %dma_start3A_73 = arith.constant 100 : i32
    %dma_start3A_74 = arith.constant 0 : i32
    %dma_start3A_75 = tpu.memref_slice %arg6[%dma_start3A_73, %dma_start3A_74] : memref<320x128xf32, #tpu.memory_space<vmem>> -> memref<20x128xf32, #tpu.memory_space<vmem>>
    %dma_start3A_76 = arith.constant 0 : i32
    %dma_start3A_77 = tpu.memref_slice %arg5[%dma_start3A_72, %dma_start3A_76] : memref<32x20xi32, #tpu.memory_space<vmem>> -> memref<1x20xi32, #tpu.memory_space<vmem>>
    %dma_start3A_78 = tpu.memref_squeeze %dma_start3A_77 : memref<1x20xi32, #tpu.memory_space<vmem>> -> memref<20xi32, #tpu.memory_space<vmem>>
    %dma_start3A_79 = arith.constant 0 : i32
    %dma_start3A_80 = arith.constant 0 : i32
    %dma_start3A_81 = tpu.memref_slice %arg3[%add3A, %dma_start3A_79, %dma_start3A_80] : memref<32x128x128xf32, #tpu.memory_space<hbm>> -> memref<1x128x128xf32, #tpu.memory_space<hbm>>
    %dma_start3A_82 = tpu.memref_squeeze %dma_start3A_81 : memref<1x128x128xf32, #tpu.memory_space<hbm>> -> memref<128x128xf32, #tpu.memory_space<hbm>>
    %dma_start3A_83 = arith.constant 0 : i32
    %dma_start3A_84 = arith.constant 0 : i32
    %dma_start3A_85 = tpu.memref_slice %dma_start3A_82[%dma_start3A_83, %dma_start3A_84] : memref<128x128xf32, #tpu.memory_space<hbm>> -> memref<128x128xf32, #tpu.memory_space<hbm>>
    tpu.enqueue_indirect_dma source(%dma_start3A_85 : memref<128x128xf32, #tpu.memory_space<hbm>>) target(%dma_start3A_75 : memref<20x128xf32, #tpu.memory_space<vmem>>) offsets(%dma_start3A_78 : memref<20xi32, #tpu.memory_space<vmem>>) semaphore(%arg9 : memref<!tpu.dma_semaphore, #tpu.memory_space<semaphore_mem>>)
    %dma_start3A_86 = arith.constant 6 : i32
    %dma_start3A_87 = arith.constant 120 : i32
    %dma_start3A_88 = arith.constant 0 : i32
    %dma_start3A_89 = tpu.memref_slice %arg6[%dma_start3A_87, %dma_start3A_88] : memref<320x128xf32, #tpu.memory_space<vmem>> -> memref<20x128xf32, #tpu.memory_space<vmem>>
    %dma_start3A_90 = arith.constant 0 : i32
    %dma_start3A_91 = tpu.memref_slice %arg5[%dma_start3A_86, %dma_start3A_90] : memref<32x20xi32, #tpu.memory_space<vmem>> -> memref<1x20xi32, #tpu.memory_space<vmem>>
    %dma_start3A_92 = tpu.memref_squeeze %dma_start3A_91 : memref<1x20xi32, #tpu.memory_space<vmem>> -> memref<20xi32, #tpu.memory_space<vmem>>
    %dma_start3A_93 = arith.constant 0 : i32
    %dma_start3A_94 = arith.constant 0 : i32
    %dma_start3A_95 = tpu.memref_slice %arg3[%add3A, %dma_start3A_93, %dma_start3A_94] : memref<32x128x128xf32, #tpu.memory_space<hbm>> -> memref<1x128x128xf32, #tpu.memory_space<hbm>>
    %dma_start3A_96 = tpu.memref_squeeze %dma_start3A_95 : memref<1x128x128xf32, #tpu.memory_space<hbm>> -> memref<128x128xf32, #tpu.memory_space<hbm>>
    %dma_start3A_97 = arith.constant 0 : i32
    %dma_start3A_98 = arith.constant 0 : i32
    %dma_start3A_99 = tpu.memref_slice %dma_start3A_96[%dma_start3A_97, %dma_start3A_98] : memref<128x128xf32, #tpu.memory_space<hbm>> -> memref<128x128xf32, #tpu.memory_space<hbm>>
    tpu.enqueue_indirect_dma source(%dma_start3A_99 : memref<128x128xf32, #tpu.memory_space<hbm>>) target(%dma_start3A_89 : memref<20x128xf32, #tpu.memory_space<vmem>>) offsets(%dma_start3A_92 : memref<20xi32, #tpu.memory_space<vmem>>) semaphore(%arg9 : memref<!tpu.dma_semaphore, #tpu.memory_space<semaphore_mem>>)
    %dma_start3A_100 = arith.constant 7 : i32
    %dma_start3A_101 = arith.constant 140 : i32
    %dma_start3A_102 = arith.constant 0 : i32
    %dma_start3A_103 = tpu.memref_slice %arg6[%dma_start3A_101, %dma_start3A_102] : memref<320x128xf32, #tpu.memory_space<vmem>> -> memref<20x128xf32, #tpu.memory_space<vmem>>
    %dma_start3A_104 = arith.constant 0 : i32
    %dma_start3A_105 = tpu.memref_slice %arg5[%dma_start3A_100, %dma_start3A_104] : memref<32x20xi32, #tpu.memory_space<vmem>> -> memref<1x20xi32, #tpu.memory_space<vmem>>
    %dma_start3A_106 = tpu.memref_squeeze %dma_start3A_105 : memref<1x20xi32, #tpu.memory_space<vmem>> -> memref<20xi32, #tpu.memory_space<vmem>>
    %dma_start3A_107 = arith.constant 0 : i32
    %dma_start3A_108 = arith.constant 0 : i32
    %dma_start3A_109 = tpu.memref_slice %arg3[%add3A, %dma_start3A_107, %dma_start3A_108] : memref<32x128x128xf32, #tpu.memory_space<hbm>> -> memref<1x128x128xf32, #tpu.memory_space<hbm>>
    %dma_start3A_110 = tpu.memref_squeeze %dma_start3A_109 : memref<1x128x128xf32, #tpu.memory_space<hbm>> -> memref<128x128xf32, #tpu.memory_space<hbm>>
    %dma_start3A_111 = arith.constant 0 : i32
    %dma_start3A_112 = arith.constant 0 : i32
    %dma_start3A_113 = tpu.memref_slice %dma_start3A_110[%dma_start3A_111, %dma_start3A_112] : memref<128x128xf32, #tpu.memory_space<hbm>> -> memref<128x128xf32, #tpu.memory_space<hbm>>
    tpu.enqueue_indirect_dma source(%dma_start3A_113 : memref<128x128xf32, #tpu.memory_space<hbm>>) target(%dma_start3A_103 : memref<20x128xf32, #tpu.memory_space<vmem>>) offsets(%dma_start3A_106 : memref<20xi32, #tpu.memory_space<vmem>>) semaphore(%arg9 : memref<!tpu.dma_semaphore, #tpu.memory_space<semaphore_mem>>)
    %dma_start3A_114 = arith.constant 8 : i32
    %dma_start3A_115 = arith.constant 160 : i32
    %dma_start3A_116 = arith.constant 0 : i32
    %dma_start3A_117 = tpu.memref_slice %arg6[%dma_start3A_115, %dma_start3A_116] : memref<320x128xf32, #tpu.memory_space<vmem>> -> memref<20x128xf32, #tpu.memory_space<vmem>>
    %dma_start3A_118 = arith.constant 0 : i32
    %dma_start3A_119 = tpu.memref_slice %arg5[%dma_start3A_114, %dma_start3A_118] : memref<32x20xi32, #tpu.memory_space<vmem>> -> memref<1x20xi32, #tpu.memory_space<vmem>>
    %dma_start3A_120 = tpu.memref_squeeze %dma_start3A_119 : memref<1x20xi32, #tpu.memory_space<vmem>> -> memref<20xi32, #tpu.memory_space<vmem>>
    %dma_start3A_121 = arith.constant 0 : i32
    %dma_start3A_122 = arith.constant 0 : i32
    %dma_start3A_123 = tpu.memref_slice %arg3[%add3A, %dma_start3A_121, %dma_start3A_122] : memref<32x128x128xf32, #tpu.memory_space<hbm>> -> memref<1x128x128xf32, #tpu.memory_space<hbm>>
    %dma_start3A_124 = tpu.memref_squeeze %dma_start3A_123 : memref<1x128x128xf32, #tpu.memory_space<hbm>> -> memref<128x128xf32, #tpu.memory_space<hbm>>
    %dma_start3A_125 = arith.constant 0 : i32
    %dma_start3A_126 = arith.constant 0 : i32
    %dma_start3A_127 = tpu.memref_slice %dma_start3A_124[%dma_start3A_125, %dma_start3A_126] : memref<128x128xf32, #tpu.memory_space<hbm>> -> memref<128x128xf32, #tpu.memory_space<hbm>>
    tpu.enqueue_indirect_dma source(%dma_start3A_127 : memref<128x128xf32, #tpu.memory_space<hbm>>) target(%dma_start3A_117 : memref<20x128xf32, #tpu.memory_space<vmem>>) offsets(%dma_start3A_120 : memref<20xi32, #tpu.memory_space<vmem>>) semaphore(%arg9 : memref<!tpu.dma_semaphore, #tpu.memory_space<semaphore_mem>>)
    %dma_start3A_128 = arith.constant 9 : i32
    %dma_start3A_129 = arith.constant 180 : i32
    %dma_start3A_130 = arith.constant 0 : i32
    %dma_start3A_131 = tpu.memref_slice %arg6[%dma_start3A_129, %dma_start3A_130] : memref<320x128xf32, #tpu.memory_space<vmem>> -> memref<20x128xf32, #tpu.memory_space<vmem>>
    %dma_start3A_132 = arith.constant 0 : i32
    %dma_start3A_133 = tpu.memref_slice %arg5[%dma_start3A_128, %dma_start3A_132] : memref<32x20xi32, #tpu.memory_space<vmem>> -> memref<1x20xi32, #tpu.memory_space<vmem>>
    %dma_start3A_134 = tpu.memref_squeeze %dma_start3A_133 : memref<1x20xi32, #tpu.memory_space<vmem>> -> memref<20xi32, #tpu.memory_space<vmem>>
    %dma_start3A_135 = arith.constant 0 : i32
    %dma_start3A_136 = arith.constant 0 : i32
    %dma_start3A_137 = tpu.memref_slice %arg3[%add3A, %dma_start3A_135, %dma_start3A_136] : memref<32x128x128xf32, #tpu.memory_space<hbm>> -> memref<1x128x128xf32, #tpu.memory_space<hbm>>
    %dma_start3A_138 = tpu.memref_squeeze %dma_start3A_137 : memref<1x128x128xf32, #tpu.memory_space<hbm>> -> memref<128x128xf32, #tpu.memory_space<hbm>>
    %dma_start3A_139 = arith.constant 0 : i32
    %dma_start3A_140 = arith.constant 0 : i32
    %dma_start3A_141 = tpu.memref_slice %dma_start3A_138[%dma_start3A_139, %dma_start3A_140] : memref<128x128xf32, #tpu.memory_space<hbm>> -> memref<128x128xf32, #tpu.memory_space<hbm>>
    tpu.enqueue_indirect_dma source(%dma_start3A_141 : memref<128x128xf32, #tpu.memory_space<hbm>>) target(%dma_start3A_131 : memref<20x128xf32, #tpu.memory_space<vmem>>) offsets(%dma_start3A_134 : memref<20xi32, #tpu.memory_space<vmem>>) semaphore(%arg9 : memref<!tpu.dma_semaphore, #tpu.memory_space<semaphore_mem>>)
    %dma_start3A_142 = arith.constant 10 : i32
    %dma_start3A_143 = arith.constant 200 : i32
    %dma_start3A_144 = arith.constant 0 : i32
    %dma_start3A_145 = tpu.memref_slice %arg6[%dma_start3A_143, %dma_start3A_144] : memref<320x128xf32, #tpu.memory_space<vmem>> -> memref<20x128xf32, #tpu.memory_space<vmem>>
    %dma_start3A_146 = arith.constant 0 : i32
    %dma_start3A_147 = tpu.memref_slice %arg5[%dma_start3A_142, %dma_start3A_146] : memref<32x20xi32, #tpu.memory_space<vmem>> -> memref<1x20xi32, #tpu.memory_space<vmem>>
    %dma_start3A_148 = tpu.memref_squeeze %dma_start3A_147 : memref<1x20xi32, #tpu.memory_space<vmem>> -> memref<20xi32, #tpu.memory_space<vmem>>
    %dma_start3A_149 = arith.constant 0 : i32
    %dma_start3A_150 = arith.constant 0 : i32
    %dma_start3A_151 = tpu.memref_slice %arg3[%add3A, %dma_start3A_149, %dma_start3A_150] : memref<32x128x128xf32, #tpu.memory_space<hbm>> -> memref<1x128x128xf32, #tpu.memory_space<hbm>>
    %dma_start3A_152 = tpu.memref_squeeze %dma_start3A_151 : memref<1x128x128xf32, #tpu.memory_space<hbm>> -> memref<128x128xf32, #tpu.memory_space<hbm>>
    %dma_start3A_153 = arith.constant 0 : i32
    %dma_start3A_154 = arith.constant 0 : i32
    %dma_start3A_155 = tpu.memref_slice %dma_start3A_152[%dma_start3A_153, %dma_start3A_154] : memref<128x128xf32, #tpu.memory_space<hbm>> -> memref<128x128xf32, #tpu.memory_space<hbm>>
    tpu.enqueue_indirect_dma source(%dma_start3A_155 : memref<128x128xf32, #tpu.memory_space<hbm>>) target(%dma_start3A_145 : memref<20x128xf32, #tpu.memory_space<vmem>>) offsets(%dma_start3A_148 : memref<20xi32, #tpu.memory_space<vmem>>) semaphore(%arg9 : memref<!tpu.dma_semaphore, #tpu.memory_space<semaphore_mem>>)
    %dma_start3A_156 = arith.constant 11 : i32
    %dma_start3A_157 = arith.constant 220 : i32
    %dma_start3A_158 = arith.constant 0 : i32
    %dma_start3A_159 = tpu.memref_slice %arg6[%dma_start3A_157, %dma_start3A_158] : memref<320x128xf32, #tpu.memory_space<vmem>> -> memref<20x128xf32, #tpu.memory_space<vmem>>
    %dma_start3A_160 = arith.constant 0 : i32
    %dma_start3A_161 = tpu.memref_slice %arg5[%dma_start3A_156, %dma_start3A_160] : memref<32x20xi32, #tpu.memory_space<vmem>> -> memref<1x20xi32, #tpu.memory_space<vmem>>
    %dma_start3A_162 = tpu.memref_squeeze %dma_start3A_161 : memref<1x20xi32, #tpu.memory_space<vmem>> -> memref<20xi32, #tpu.memory_space<vmem>>
    %dma_start3A_163 = arith.constant 0 : i32
    %dma_start3A_164 = arith.constant 0 : i32
    %dma_start3A_165 = tpu.memref_slice %arg3[%add3A, %dma_start3A_163, %dma_start3A_164] : memref<32x128x128xf32, #tpu.memory_space<hbm>> -> memref<1x128x128xf32, #tpu.memory_space<hbm>>
    %dma_start3A_166 = tpu.memref_squeeze %dma_start3A_165 : memref<1x128x128xf32, #tpu.memory_space<hbm>> -> memref<128x128xf32, #tpu.memory_space<hbm>>
    %dma_start3A_167 = arith.constant 0 : i32
    %dma_start3A_168 = arith.constant 0 : i32
    %dma_start3A_169 = tpu.memref_slice %dma_start3A_166[%dma_start3A_167, %dma_start3A_168] : memref<128x128xf32, #tpu.memory_space<hbm>> -> memref<128x128xf32, #tpu.memory_space<hbm>>
    tpu.enqueue_indirect_dma source(%dma_start3A_169 : memref<128x128xf32, #tpu.memory_space<hbm>>) target(%dma_start3A_159 : memref<20x128xf32, #tpu.memory_space<vmem>>) offsets(%dma_start3A_162 : memref<20xi32, #tpu.memory_space<vmem>>) semaphore(%arg9 : memref<!tpu.dma_semaphore, #tpu.memory_space<semaphore_mem>>)
    %dma_start3A_170 = arith.constant 12 : i32
    %dma_start3A_171 = arith.constant 240 : i32
    %dma_start3A_172 = arith.constant 0 : i32
    %dma_start3A_173 = tpu.memref_slice %arg6[%dma_start3A_171, %dma_start3A_172] : memref<320x128xf32, #tpu.memory_space<vmem>> -> memref<20x128xf32, #tpu.memory_space<vmem>>
    %dma_start3A_174 = arith.constant 0 : i32
    %dma_start3A_175 = tpu.memref_slice %arg5[%dma_start3A_170, %dma_start3A_174] : memref<32x20xi32, #tpu.memory_space<vmem>> -> memref<1x20xi32, #tpu.memory_space<vmem>>
    %dma_start3A_176 = tpu.memref_squeeze %dma_start3A_175 : memref<1x20xi32, #tpu.memory_space<vmem>> -> memref<20xi32, #tpu.memory_space<vmem>>
    %dma_start3A_177 = arith.constant 0 : i32
    %dma_start3A_178 = arith.constant 0 : i32
    %dma_start3A_179 = tpu.memref_slice %arg3[%add3A, %dma_start3A_177, %dma_start3A_178] : memref<32x128x128xf32, #tpu.memory_space<hbm>> -> memref<1x128x128xf32, #tpu.memory_space<hbm>>
    %dma_start3A_180 = tpu.memref_squeeze %dma_start3A_179 : memref<1x128x128xf32, #tpu.memory_space<hbm>> -> memref<128x128xf32, #tpu.memory_space<hbm>>
    %dma_start3A_181 = arith.constant 0 : i32
    %dma_start3A_182 = arith.constant 0 : i32
    %dma_start3A_183 = tpu.memref_slice %dma_start3A_180[%dma_start3A_181, %dma_start3A_182] : memref<128x128xf32, #tpu.memory_space<hbm>> -> memref<128x128xf32, #tpu.memory_space<hbm>>
    tpu.enqueue_indirect_dma source(%dma_start3A_183 : memref<128x128xf32, #tpu.memory_space<hbm>>) target(%dma_start3A_173 : memref<20x128xf32, #tpu.memory_space<vmem>>) offsets(%dma_start3A_176 : memref<20xi32, #tpu.memory_space<vmem>>) semaphore(%arg9 : memref<!tpu.dma_semaphore, #tpu.memory_space<semaphore_mem>>)
    %dma_start3A_184 = arith.constant 13 : i32
    %dma_start3A_185 = arith.constant 260 : i32
    %dma_start3A_186 = arith.constant 0 : i32
    %dma_start3A_187 = tpu.memref_slice %arg6[%dma_start3A_185, %dma_start3A_186] : memref<320x128xf32, #tpu.memory_space<vmem>> -> memref<20x128xf32, #tpu.memory_space<vmem>>
    %dma_start3A_188 = arith.constant 0 : i32
    %dma_start3A_189 = tpu.memref_slice %arg5[%dma_start3A_184, %dma_start3A_188] : memref<32x20xi32, #tpu.memory_space<vmem>> -> memref<1x20xi32, #tpu.memory_space<vmem>>
    %dma_start3A_190 = tpu.memref_squeeze %dma_start3A_189 : memref<1x20xi32, #tpu.memory_space<vmem>> -> memref<20xi32, #tpu.memory_space<vmem>>
    %dma_start3A_191 = arith.constant 0 : i32
    %dma_start3A_192 = arith.constant 0 : i32
    %dma_start3A_193 = tpu.memref_slice %arg3[%add3A, %dma_start3A_191, %dma_start3A_192] : memref<32x128x128xf32, #tpu.memory_space<hbm>> -> memref<1x128x128xf32, #tpu.memory_space<hbm>>
    %dma_start3A_194 = tpu.memref_squeeze %dma_start3A_193 : memref<1x128x128xf32, #tpu.memory_space<hbm>> -> memref<128x128xf32, #tpu.memory_space<hbm>>
    %dma_start3A_195 = arith.constant 0 : i32
    %dma_start3A_196 = arith.constant 0 : i32
    %dma_start3A_197 = tpu.memref_slice %dma_start3A_194[%dma_start3A_195, %dma_start3A_196] : memref<128x128xf32, #tpu.memory_space<hbm>> -> memref<128x128xf32, #tpu.memory_space<hbm>>
    tpu.enqueue_indirect_dma source(%dma_start3A_197 : memref<128x128xf32, #tpu.memory_space<hbm>>) target(%dma_start3A_187 : memref<20x128xf32, #tpu.memory_space<vmem>>) offsets(%dma_start3A_190 : memref<20xi32, #tpu.memory_space<vmem>>) semaphore(%arg9 : memref<!tpu.dma_semaphore, #tpu.memory_space<semaphore_mem>>)
    %dma_start3A_198 = arith.constant 14 : i32
    %dma_start3A_199 = arith.constant 280 : i32
    %dma_start3A_200 = arith.constant 0 : i32
    %dma_start3A_201 = tpu.memref_slice %arg6[%dma_start3A_199, %dma_start3A_200] : memref<320x128xf32, #tpu.memory_space<vmem>> -> memref<20x128xf32, #tpu.memory_space<vmem>>
    %dma_start3A_202 = arith.constant 0 : i32
    %dma_start3A_203 = tpu.memref_slice %arg5[%dma_start3A_198, %dma_start3A_202] : memref<32x20xi32, #tpu.memory_space<vmem>> -> memref<1x20xi32, #tpu.memory_space<vmem>>
    %dma_start3A_204 = tpu.memref_squeeze %dma_start3A_203 : memref<1x20xi32, #tpu.memory_space<vmem>> -> memref<20xi32, #tpu.memory_space<vmem>>
    %dma_start3A_205 = arith.constant 0 : i32
    %dma_start3A_206 = arith.constant 0 : i32
    %dma_start3A_207 = tpu.memref_slice %arg3[%add3A, %dma_start3A_205, %dma_start3A_206] : memref<32x128x128xf32, #tpu.memory_space<hbm>> -> memref<1x128x128xf32, #tpu.memory_space<hbm>>
    %dma_start3A_208 = tpu.memref_squeeze %dma_start3A_207 : memref<1x128x128xf32, #tpu.memory_space<hbm>> -> memref<128x128xf32, #tpu.memory_space<hbm>>
    %dma_start3A_209 = arith.constant 0 : i32
    %dma_start3A_210 = arith.constant 0 : i32
    %dma_start3A_211 = tpu.memref_slice %dma_start3A_208[%dma_start3A_209, %dma_start3A_210] : memref<128x128xf32, #tpu.memory_space<hbm>> -> memref<128x128xf32, #tpu.memory_space<hbm>>
    tpu.enqueue_indirect_dma source(%dma_start3A_211 : memref<128x128xf32, #tpu.memory_space<hbm>>) target(%dma_start3A_201 : memref<20x128xf32, #tpu.memory_space<vmem>>) offsets(%dma_start3A_204 : memref<20xi32, #tpu.memory_space<vmem>>) semaphore(%arg9 : memref<!tpu.dma_semaphore, #tpu.memory_space<semaphore_mem>>)
    %dma_start3A_212 = arith.constant 15 : i32
    %dma_start3A_213 = arith.constant 300 : i32
    %dma_start3A_214 = arith.constant 0 : i32
    %dma_start3A_215 = tpu.memref_slice %arg6[%dma_start3A_213, %dma_start3A_214] : memref<320x128xf32, #tpu.memory_space<vmem>> -> memref<20x128xf32, #tpu.memory_space<vmem>>
    %dma_start3A_216 = arith.constant 0 : i32
    %dma_start3A_217 = tpu.memref_slice %arg5[%dma_start3A_212, %dma_start3A_216] : memref<32x20xi32, #tpu.memory_space<vmem>> -> memref<1x20xi32, #tpu.memory_space<vmem>>
    %dma_start3A_218 = tpu.memref_squeeze %dma_start3A_217 : memref<1x20xi32, #tpu.memory_space<vmem>> -> memref<20xi32, #tpu.memory_space<vmem>>
    %dma_start3A_219 = arith.constant 0 : i32
    %dma_start3A_220 = arith.constant 0 : i32
    %dma_start3A_221 = tpu.memref_slice %arg3[%add3A, %dma_start3A_219, %dma_start3A_220] : memref<32x128x128xf32, #tpu.memory_space<hbm>> -> memref<1x128x128xf32, #tpu.memory_space<hbm>>
    %dma_start3A_222 = tpu.memref_squeeze %dma_start3A_221 : memref<1x128x128xf32, #tpu.memory_space<hbm>> -> memref<128x128xf32, #tpu.memory_space<hbm>>
    %dma_start3A_223 = arith.constant 0 : i32
    %dma_start3A_224 = arith.constant 0 : i32
    %dma_start3A_225 = tpu.memref_slice %dma_start3A_222[%dma_start3A_223, %dma_start3A_224] : memref<128x128xf32, #tpu.memory_space<hbm>> -> memref<128x128xf32, #tpu.memory_space<hbm>>
    tpu.enqueue_indirect_dma source(%dma_start3A_225 : memref<128x128xf32, #tpu.memory_space<hbm>>) target(%dma_start3A_215 : memref<20x128xf32, #tpu.memory_space<vmem>>) offsets(%dma_start3A_218 : memref<20xi32, #tpu.memory_space<vmem>>) semaphore(%arg9 : memref<!tpu.dma_semaphore, #tpu.memory_space<semaphore_mem>>)
    %dma_start3A_226 = arith.constant 16 : i32
    %dma_start3A_227 = arith.constant 0 : i32
    %dma_start3A_228 = arith.constant 0 : i32
    %dma_start3A_229 = tpu.memref_slice %arg7[%dma_start3A_227, %dma_start3A_228] : memref<320x128xf32, #tpu.memory_space<vmem>> -> memref<20x128xf32, #tpu.memory_space<vmem>>
    %dma_start3A_230 = arith.constant 0 : i32
    %dma_start3A_231 = tpu.memref_slice %arg5[%dma_start3A_226, %dma_start3A_230] : memref<32x20xi32, #tpu.memory_space<vmem>> -> memref<1x20xi32, #tpu.memory_space<vmem>>
    %dma_start3A_232 = tpu.memref_squeeze %dma_start3A_231 : memref<1x20xi32, #tpu.memory_space<vmem>> -> memref<20xi32, #tpu.memory_space<vmem>>
    %dma_start3A_233 = arith.constant 0 : i32
    %dma_start3A_234 = arith.constant 0 : i32
    %dma_start3A_235 = tpu.memref_slice %arg3[%add3A, %dma_start3A_233, %dma_start3A_234] : memref<32x128x128xf32, #tpu.memory_space<hbm>> -> memref<1x128x128xf32, #tpu.memory_space<hbm>>
    %dma_start3A_236 = tpu.memref_squeeze %dma_start3A_235 : memref<1x128x128xf32, #tpu.memory_space<hbm>> -> memref<128x128xf32, #tpu.memory_space<hbm>>
    %dma_start3A_237 = arith.constant 0 : i32
    %dma_start3A_238 = arith.constant 0 : i32
    %dma_start3A_239 = tpu.memref_slice %dma_start3A_236[%dma_start3A_237, %dma_start3A_238] : memref<128x128xf32, #tpu.memory_space<hbm>> -> memref<128x128xf32, #tpu.memory_space<hbm>>
    tpu.enqueue_indirect_dma source(%dma_start3A_239 : memref<128x128xf32, #tpu.memory_space<hbm>>) target(%dma_start3A_229 : memref<20x128xf32, #tpu.memory_space<vmem>>) offsets(%dma_start3A_232 : memref<20xi32, #tpu.memory_space<vmem>>) semaphore(%arg10 : memref<!tpu.dma_semaphore, #tpu.memory_space<semaphore_mem>>)
    %dma_start3A_240 = arith.constant 17 : i32
    %dma_start3A_241 = arith.constant 20 : i32
    %dma_start3A_242 = arith.constant 0 : i32
    %dma_start3A_243 = tpu.memref_slice %arg7[%dma_start3A_241, %dma_start3A_242] : memref<320x128xf32, #tpu.memory_space<vmem>> -> memref<20x128xf32, #tpu.memory_space<vmem>>
    %dma_start3A_244 = arith.constant 0 : i32
    %dma_start3A_245 = tpu.memref_slice %arg5[%dma_start3A_240, %dma_start3A_244] : memref<32x20xi32, #tpu.memory_space<vmem>> -> memref<1x20xi32, #tpu.memory_space<vmem>>
    %dma_start3A_246 = tpu.memref_squeeze %dma_start3A_245 : memref<1x20xi32, #tpu.memory_space<vmem>> -> memref<20xi32, #tpu.memory_space<vmem>>
    %dma_start3A_247 = arith.constant 0 : i32
    %dma_start3A_248 = arith.constant 0 : i32
    %dma_start3A_249 = tpu.memref_slice %arg3[%add3A, %dma_start3A_247, %dma_start3A_248] : memref<32x128x128xf32, #tpu.memory_space<hbm>> -> memref<1x128x128xf32, #tpu.memory_space<hbm>>
    %dma_start3A_250 = tpu.memref_squeeze %dma_start3A_249 : memref<1x128x128xf32, #tpu.memory_space<hbm>> -> memref<128x128xf32, #tpu.memory_space<hbm>>
    %dma_start3A_251 = arith.constant 0 : i32
    %dma_start3A_252 = arith.constant 0 : i32
    %dma_start3A_253 = tpu.memref_slice %dma_start3A_250[%dma_start3A_251, %dma_start3A_252] : memref<128x128xf32, #tpu.memory_space<hbm>> -> memref<128x128xf32, #tpu.memory_space<hbm>>
    tpu.enqueue_indirect_dma source(%dma_start3A_253 : memref<128x128xf32, #tpu.memory_space<hbm>>) target(%dma_start3A_243 : memref<20x128xf32, #tpu.memory_space<vmem>>) offsets(%dma_start3A_246 : memref<20xi32, #tpu.memory_space<vmem>>) semaphore(%arg10 : memref<!tpu.dma_semaphore, #tpu.memory_space<semaphore_mem>>)
    %dma_start3A_254 = arith.constant 18 : i32
    %dma_start3A_255 = arith.constant 40 : i32
    %dma_start3A_256 = arith.constant 0 : i32
    %dma_start3A_257 = tpu.memref_slice %arg7[%dma_start3A_255, %dma_start3A_256] : memref<320x128xf32, #tpu.memory_space<vmem>> -> memref<20x128xf32, #tpu.memory_space<vmem>>
    %dma_start3A_258 = arith.constant 0 : i32
    %dma_start3A_259 = tpu.memref_slice %arg5[%dma_start3A_254, %dma_start3A_258] : memref<32x20xi32, #tpu.memory_space<vmem>> -> memref<1x20xi32, #tpu.memory_space<vmem>>
    %dma_start3A_260 = tpu.memref_squeeze %dma_start3A_259 : memref<1x20xi32, #tpu.memory_space<vmem>> -> memref<20xi32, #tpu.memory_space<vmem>>
    %dma_start3A_261 = arith.constant 0 : i32
    %dma_start3A_262 = arith.constant 0 : i32
    %dma_start3A_263 = tpu.memref_slice %arg3[%add3A, %dma_start3A_261, %dma_start3A_262] : memref<32x128x128xf32, #tpu.memory_space<hbm>> -> memref<1x128x128xf32, #tpu.memory_space<hbm>>
    %dma_start3A_264 = tpu.memref_squeeze %dma_start3A_263 : memref<1x128x128xf32, #tpu.memory_space<hbm>> -> memref<128x128xf32, #tpu.memory_space<hbm>>
    %dma_start3A_265 = arith.constant 0 : i32
    %dma_start3A_266 = arith.constant 0 : i32
    %dma_start3A_267 = tpu.memref_slice %dma_start3A_264[%dma_start3A_265, %dma_start3A_266] : memref<128x128xf32, #tpu.memory_space<hbm>> -> memref<128x128xf32, #tpu.memory_space<hbm>>
    tpu.enqueue_indirect_dma source(%dma_start3A_267 : memref<128x128xf32, #tpu.memory_space<hbm>>) target(%dma_start3A_257 : memref<20x128xf32, #tpu.memory_space<vmem>>) offsets(%dma_start3A_260 : memref<20xi32, #tpu.memory_space<vmem>>) semaphore(%arg10 : memref<!tpu.dma_semaphore, #tpu.memory_space<semaphore_mem>>)
    %dma_start3A_268 = arith.constant 19 : i32
    %dma_start3A_269 = arith.constant 60 : i32
    %dma_start3A_270 = arith.constant 0 : i32
    %dma_start3A_271 = tpu.memref_slice %arg7[%dma_start3A_269, %dma_start3A_270] : memref<320x128xf32, #tpu.memory_space<vmem>> -> memref<20x128xf32, #tpu.memory_space<vmem>>
    %dma_start3A_272 = arith.constant 0 : i32
    %dma_start3A_273 = tpu.memref_slice %arg5[%dma_start3A_268, %dma_start3A_272] : memref<32x20xi32, #tpu.memory_space<vmem>> -> memref<1x20xi32, #tpu.memory_space<vmem>>
    %dma_start3A_274 = tpu.memref_squeeze %dma_start3A_273 : memref<1x20xi32, #tpu.memory_space<vmem>> -> memref<20xi32, #tpu.memory_space<vmem>>
    %dma_start3A_275 = arith.constant 0 : i32
    %dma_start3A_276 = arith.constant 0 : i32
    %dma_start3A_277 = tpu.memref_slice %arg3[%add3A, %dma_start3A_275, %dma_start3A_276] : memref<32x128x128xf32, #tpu.memory_space<hbm>> -> memref<1x128x128xf32, #tpu.memory_space<hbm>>
    %dma_start3A_278 = tpu.memref_squeeze %dma_start3A_277 : memref<1x128x128xf32, #tpu.memory_space<hbm>> -> memref<128x128xf32, #tpu.memory_space<hbm>>
    %dma_start3A_279 = arith.constant 0 : i32
    %dma_start3A_280 = arith.constant 0 : i32
    %dma_start3A_281 = tpu.memref_slice %dma_start3A_278[%dma_start3A_279, %dma_start3A_280] : memref<128x128xf32, #tpu.memory_space<hbm>> -> memref<128x128xf32, #tpu.memory_space<hbm>>
    tpu.enqueue_indirect_dma source(%dma_start3A_281 : memref<128x128xf32, #tpu.memory_space<hbm>>) target(%dma_start3A_271 : memref<20x128xf32, #tpu.memory_space<vmem>>) offsets(%dma_start3A_274 : memref<20xi32, #tpu.memory_space<vmem>>) semaphore(%arg10 : memref<!tpu.dma_semaphore, #tpu.memory_space<semaphore_mem>>)
    %dma_start3A_282 = arith.constant 20 : i32
    %dma_start3A_283 = arith.constant 80 : i32
    %dma_start3A_284 = arith.constant 0 : i32
    %dma_start3A_285 = tpu.memref_slice %arg7[%dma_start3A_283, %dma_start3A_284] : memref<320x128xf32, #tpu.memory_space<vmem>> -> memref<20x128xf32, #tpu.memory_space<vmem>>
    %dma_start3A_286 = arith.constant 0 : i32
    %dma_start3A_287 = tpu.memref_slice %arg5[%dma_start3A_282, %dma_start3A_286] : memref<32x20xi32, #tpu.memory_space<vmem>> -> memref<1x20xi32, #tpu.memory_space<vmem>>
    %dma_start3A_288 = tpu.memref_squeeze %dma_start3A_287 : memref<1x20xi32, #tpu.memory_space<vmem>> -> memref<20xi32, #tpu.memory_space<vmem>>
    %dma_start3A_289 = arith.constant 0 : i32
    %dma_start3A_290 = arith.constant 0 : i32
    %dma_start3A_291 = tpu.memref_slice %arg3[%add3A, %dma_start3A_289, %dma_start3A_290] : memref<32x128x128xf32, #tpu.memory_space<hbm>> -> memref<1x128x128xf32, #tpu.memory_space<hbm>>
    %dma_start3A_292 = tpu.memref_squeeze %dma_start3A_291 : memref<1x128x128xf32, #tpu.memory_space<hbm>> -> memref<128x128xf32, #tpu.memory_space<hbm>>
    %dma_start3A_293 = arith.constant 0 : i32
    %dma_start3A_294 = arith.constant 0 : i32
    %dma_start3A_295 = tpu.memref_slice %dma_start3A_292[%dma_start3A_293, %dma_start3A_294] : memref<128x128xf32, #tpu.memory_space<hbm>> -> memref<128x128xf32, #tpu.memory_space<hbm>>
    tpu.enqueue_indirect_dma source(%dma_start3A_295 : memref<128x128xf32, #tpu.memory_space<hbm>>) target(%dma_start3A_285 : memref<20x128xf32, #tpu.memory_space<vmem>>) offsets(%dma_start3A_288 : memref<20xi32, #tpu.memory_space<vmem>>) semaphore(%arg10 : memref<!tpu.dma_semaphore, #tpu.memory_space<semaphore_mem>>)
    %dma_start3A_296 = arith.constant 21 : i32
    %dma_start3A_297 = arith.constant 100 : i32
    %dma_start3A_298 = arith.constant 0 : i32
    %dma_start3A_299 = tpu.memref_slice %arg7[%dma_start3A_297, %dma_start3A_298] : memref<320x128xf32, #tpu.memory_space<vmem>> -> memref<20x128xf32, #tpu.memory_space<vmem>>
    %dma_start3A_300 = arith.constant 0 : i32
    %dma_start3A_301 = tpu.memref_slice %arg5[%dma_start3A_296, %dma_start3A_300] : memref<32x20xi32, #tpu.memory_space<vmem>> -> memref<1x20xi32, #tpu.memory_space<vmem>>
    %dma_start3A_302 = tpu.memref_squeeze %dma_start3A_301 : memref<1x20xi32, #tpu.memory_space<vmem>> -> memref<20xi32, #tpu.memory_space<vmem>>
    %dma_start3A_303 = arith.constant 0 : i32
    %dma_start3A_304 = arith.constant 0 : i32
    %dma_start3A_305 = tpu.memref_slice %arg3[%add3A, %dma_start3A_303, %dma_start3A_304] : memref<32x128x128xf32, #tpu.memory_space<hbm>> -> memref<1x128x128xf32, #tpu.memory_space<hbm>>
    %dma_start3A_306 = tpu.memref_squeeze %dma_start3A_305 : memref<1x128x128xf32, #tpu.memory_space<hbm>> -> memref<128x128xf32, #tpu.memory_space<hbm>>
    %dma_start3A_307 = arith.constant 0 : i32
    %dma_start3A_308 = arith.constant 0 : i32
    %dma_start3A_309 = tpu.memref_slice %dma_start3A_306[%dma_start3A_307, %dma_start3A_308] : memref<128x128xf32, #tpu.memory_space<hbm>> -> memref<128x128xf32, #tpu.memory_space<hbm>>
    tpu.enqueue_indirect_dma source(%dma_start3A_309 : memref<128x128xf32, #tpu.memory_space<hbm>>) target(%dma_start3A_299 : memref<20x128xf32, #tpu.memory_space<vmem>>) offsets(%dma_start3A_302 : memref<20xi32, #tpu.memory_space<vmem>>) semaphore(%arg10 : memref<!tpu.dma_semaphore, #tpu.memory_space<semaphore_mem>>)
    %dma_start3A_310 = arith.constant 22 : i32
    %dma_start3A_311 = arith.constant 120 : i32
    %dma_start3A_312 = arith.constant 0 : i32
    %dma_start3A_313 = tpu.memref_slice %arg7[%dma_start3A_311, %dma_start3A_312] : memref<320x128xf32, #tpu.memory_space<vmem>> -> memref<20x128xf32, #tpu.memory_space<vmem>>
    %dma_start3A_314 = arith.constant 0 : i32
    %dma_start3A_315 = tpu.memref_slice %arg5[%dma_start3A_310, %dma_start3A_314] : memref<32x20xi32, #tpu.memory_space<vmem>> -> memref<1x20xi32, #tpu.memory_space<vmem>>
    %dma_start3A_316 = tpu.memref_squeeze %dma_start3A_315 : memref<1x20xi32, #tpu.memory_space<vmem>> -> memref<20xi32, #tpu.memory_space<vmem>>
    %dma_start3A_317 = arith.constant 0 : i32
    %dma_start3A_318 = arith.constant 0 : i32
    %dma_start3A_319 = tpu.memref_slice %arg3[%add3A, %dma_start3A_317, %dma_start3A_318] : memref<32x128x128xf32, #tpu.memory_space<hbm>> -> memref<1x128x128xf32, #tpu.memory_space<hbm>>
    %dma_start3A_320 = tpu.memref_squeeze %dma_start3A_319 : memref<1x128x128xf32, #tpu.memory_space<hbm>> -> memref<128x128xf32, #tpu.memory_space<hbm>>
    %dma_start3A_321 = arith.constant 0 : i32
    %dma_start3A_322 = arith.constant 0 : i32
    %dma_start3A_323 = tpu.memref_slice %dma_start3A_320[%dma_start3A_321, %dma_start3A_322] : memref<128x128xf32, #tpu.memory_space<hbm>> -> memref<128x128xf32, #tpu.memory_space<hbm>>
    tpu.enqueue_indirect_dma source(%dma_start3A_323 : memref<128x128xf32, #tpu.memory_space<hbm>>) target(%dma_start3A_313 : memref<20x128xf32, #tpu.memory_space<vmem>>) offsets(%dma_start3A_316 : memref<20xi32, #tpu.memory_space<vmem>>) semaphore(%arg10 : memref<!tpu.dma_semaphore, #tpu.memory_space<semaphore_mem>>)
    %dma_start3A_324 = arith.constant 23 : i32
    %dma_start3A_325 = arith.constant 140 : i32
    %dma_start3A_326 = arith.constant 0 : i32
    %dma_start3A_327 = tpu.memref_slice %arg7[%dma_start3A_325, %dma_start3A_326] : memref<320x128xf32, #tpu.memory_space<vmem>> -> memref<20x128xf32, #tpu.memory_space<vmem>>
    %dma_start3A_328 = arith.constant 0 : i32
    %dma_start3A_329 = tpu.memref_slice %arg5[%dma_start3A_324, %dma_start3A_328] : memref<32x20xi32, #tpu.memory_space<vmem>> -> memref<1x20xi32, #tpu.memory_space<vmem>>
    %dma_start3A_330 = tpu.memref_squeeze %dma_start3A_329 : memref<1x20xi32, #tpu.memory_space<vmem>> -> memref<20xi32, #tpu.memory_space<vmem>>
    %dma_start3A_331 = arith.constant 0 : i32
    %dma_start3A_332 = arith.constant 0 : i32
    %dma_start3A_333 = tpu.memref_slice %arg3[%add3A, %dma_start3A_331, %dma_start3A_332] : memref<32x128x128xf32, #tpu.memory_space<hbm>> -> memref<1x128x128xf32, #tpu.memory_space<hbm>>
    %dma_start3A_334 = tpu.memref_squeeze %dma_start3A_333 : memref<1x128x128xf32, #tpu.memory_space<hbm>> -> memref<128x128xf32, #tpu.memory_space<hbm>>
    %dma_start3A_335 = arith.constant 0 : i32
    %dma_start3A_336 = arith.constant 0 : i32
    %dma_start3A_337 = tpu.memref_slice %dma_start3A_334[%dma_start3A_335, %dma_start3A_336] : memref<128x128xf32, #tpu.memory_space<hbm>> -> memref<128x128xf32, #tpu.memory_space<hbm>>
    tpu.enqueue_indirect_dma source(%dma_start3A_337 : memref<128x128xf32, #tpu.memory_space<hbm>>) target(%dma_start3A_327 : memref<20x128xf32, #tpu.memory_space<vmem>>) offsets(%dma_start3A_330 : memref<20xi32, #tpu.memory_space<vmem>>) semaphore(%arg10 : memref<!tpu.dma_semaphore, #tpu.memory_space<semaphore_mem>>)
    %dma_start3A_338 = arith.constant 24 : i32
    %dma_start3A_339 = arith.constant 160 : i32
    %dma_start3A_340 = arith.constant 0 : i32
    %dma_start3A_341 = tpu.memref_slice %arg7[%dma_start3A_339, %dma_start3A_340] : memref<320x128xf32, #tpu.memory_space<vmem>> -> memref<20x128xf32, #tpu.memory_space<vmem>>
    %dma_start3A_342 = arith.constant 0 : i32
    %dma_start3A_343 = tpu.memref_slice %arg5[%dma_start3A_338, %dma_start3A_342] : memref<32x20xi32, #tpu.memory_space<vmem>> -> memref<1x20xi32, #tpu.memory_space<vmem>>
    %dma_start3A_344 = tpu.memref_squeeze %dma_start3A_343 : memref<1x20xi32, #tpu.memory_space<vmem>> -> memref<20xi32, #tpu.memory_space<vmem>>
    %dma_start3A_345 = arith.constant 0 : i32
    %dma_start3A_346 = arith.constant 0 : i32
    %dma_start3A_347 = tpu.memref_slice %arg3[%add3A, %dma_start3A_345, %dma_start3A_346] : memref<32x128x128xf32, #tpu.memory_space<hbm>> -> memref<1x128x128xf32, #tpu.memory_space<hbm>>
    %dma_start3A_348 = tpu.memref_squeeze %dma_start3A_347 : memref<1x128x128xf32, #tpu.memory_space<hbm>> -> memref<128x128xf32, #tpu.memory_space<hbm>>
    %dma_start3A_349 = arith.constant 0 : i32
    %dma_start3A_350 = arith.constant 0 : i32
    %dma_start3A_351 = tpu.memref_slice %dma_start3A_348[%dma_start3A_349, %dma_start3A_350] : memref<128x128xf32, #tpu.memory_space<hbm>> -> memref<128x128xf32, #tpu.memory_space<hbm>>
    tpu.enqueue_indirect_dma source(%dma_start3A_351 : memref<128x128xf32, #tpu.memory_space<hbm>>) target(%dma_start3A_341 : memref<20x128xf32, #tpu.memory_space<vmem>>) offsets(%dma_start3A_344 : memref<20xi32, #tpu.memory_space<vmem>>) semaphore(%arg10 : memref<!tpu.dma_semaphore, #tpu.memory_space<semaphore_mem>>)
    %dma_start3A_352 = arith.constant 25 : i32
    %dma_start3A_353 = arith.constant 180 : i32
    %dma_start3A_354 = arith.constant 0 : i32
    %dma_start3A_355 = tpu.memref_slice %arg7[%dma_start3A_353, %dma_start3A_354] : memref<320x128xf32, #tpu.memory_space<vmem>> -> memref<20x128xf32, #tpu.memory_space<vmem>>
    %dma_start3A_356 = arith.constant 0 : i32
    %dma_start3A_357 = tpu.memref_slice %arg5[%dma_start3A_352, %dma_start3A_356] : memref<32x20xi32, #tpu.memory_space<vmem>> -> memref<1x20xi32, #tpu.memory_space<vmem>>
    %dma_start3A_358 = tpu.memref_squeeze %dma_start3A_357 : memref<1x20xi32, #tpu.memory_space<vmem>> -> memref<20xi32, #tpu.memory_space<vmem>>
    %dma_start3A_359 = arith.constant 0 : i32
    %dma_start3A_360 = arith.constant 0 : i32
    %dma_start3A_361 = tpu.memref_slice %arg3[%add3A, %dma_start3A_359, %dma_start3A_360] : memref<32x128x128xf32, #tpu.memory_space<hbm>> -> memref<1x128x128xf32, #tpu.memory_space<hbm>>
    %dma_start3A_362 = tpu.memref_squeeze %dma_start3A_361 : memref<1x128x128xf32, #tpu.memory_space<hbm>> -> memref<128x128xf32, #tpu.memory_space<hbm>>
    %dma_start3A_363 = arith.constant 0 : i32
    %dma_start3A_364 = arith.constant 0 : i32
    %dma_start3A_365 = tpu.memref_slice %dma_start3A_362[%dma_start3A_363, %dma_start3A_364] : memref<128x128xf32, #tpu.memory_space<hbm>> -> memref<128x128xf32, #tpu.memory_space<hbm>>
    tpu.enqueue_indirect_dma source(%dma_start3A_365 : memref<128x128xf32, #tpu.memory_space<hbm>>) target(%dma_start3A_355 : memref<20x128xf32, #tpu.memory_space<vmem>>) offsets(%dma_start3A_358 : memref<20xi32, #tpu.memory_space<vmem>>) semaphore(%arg10 : memref<!tpu.dma_semaphore, #tpu.memory_space<semaphore_mem>>)
    %dma_start3A_366 = arith.constant 26 : i32
    %dma_start3A_367 = arith.constant 200 : i32
    %dma_start3A_368 = arith.constant 0 : i32
    %dma_start3A_369 = tpu.memref_slice %arg7[%dma_start3A_367, %dma_start3A_368] : memref<320x128xf32, #tpu.memory_space<vmem>> -> memref<20x128xf32, #tpu.memory_space<vmem>>
    %dma_start3A_370 = arith.constant 0 : i32
    %dma_start3A_371 = tpu.memref_slice %arg5[%dma_start3A_366, %dma_start3A_370] : memref<32x20xi32, #tpu.memory_space<vmem>> -> memref<1x20xi32, #tpu.memory_space<vmem>>
    %dma_start3A_372 = tpu.memref_squeeze %dma_start3A_371 : memref<1x20xi32, #tpu.memory_space<vmem>> -> memref<20xi32, #tpu.memory_space<vmem>>
    %dma_start3A_373 = arith.constant 0 : i32
    %dma_start3A_374 = arith.constant 0 : i32
    %dma_start3A_375 = tpu.memref_slice %arg3[%add3A, %dma_start3A_373, %dma_start3A_374] : memref<32x128x128xf32, #tpu.memory_space<hbm>> -> memref<1x128x128xf32, #tpu.memory_space<hbm>>
    %dma_start3A_376 = tpu.memref_squeeze %dma_start3A_375 : memref<1x128x128xf32, #tpu.memory_space<hbm>> -> memref<128x128xf32, #tpu.memory_space<hbm>>
    %dma_start3A_377 = arith.constant 0 : i32
    %dma_start3A_378 = arith.constant 0 : i32
    %dma_start3A_379 = tpu.memref_slice %dma_start3A_376[%dma_start3A_377, %dma_start3A_378] : memref<128x128xf32, #tpu.memory_space<hbm>> -> memref<128x128xf32, #tpu.memory_space<hbm>>
    tpu.enqueue_indirect_dma source(%dma_start3A_379 : memref<128x128xf32, #tpu.memory_space<hbm>>) target(%dma_start3A_369 : memref<20x128xf32, #tpu.memory_space<vmem>>) offsets(%dma_start3A_372 : memref<20xi32, #tpu.memory_space<vmem>>) semaphore(%arg10 : memref<!tpu.dma_semaphore, #tpu.memory_space<semaphore_mem>>)
    %dma_start3A_380 = arith.constant 27 : i32
    %dma_start3A_381 = arith.constant 220 : i32
    %dma_start3A_382 = arith.constant 0 : i32
    %dma_start3A_383 = tpu.memref_slice %arg7[%dma_start3A_381, %dma_start3A_382] : memref<320x128xf32, #tpu.memory_space<vmem>> -> memref<20x128xf32, #tpu.memory_space<vmem>>
    %dma_start3A_384 = arith.constant 0 : i32
    %dma_start3A_385 = tpu.memref_slice %arg5[%dma_start3A_380, %dma_start3A_384] : memref<32x20xi32, #tpu.memory_space<vmem>> -> memref<1x20xi32, #tpu.memory_space<vmem>>
    %dma_start3A_386 = tpu.memref_squeeze %dma_start3A_385 : memref<1x20xi32, #tpu.memory_space<vmem>> -> memref<20xi32, #tpu.memory_space<vmem>>
    %dma_start3A_387 = arith.constant 0 : i32
    %dma_start3A_388 = arith.constant 0 : i32
    %dma_start3A_389 = tpu.memref_slice %arg3[%add3A, %dma_start3A_387, %dma_start3A_388] : memref<32x128x128xf32, #tpu.memory_space<hbm>> -> memref<1x128x128xf32, #tpu.memory_space<hbm>>
    %dma_start3A_390 = tpu.memref_squeeze %dma_start3A_389 : memref<1x128x128xf32, #tpu.memory_space<hbm>> -> memref<128x128xf32, #tpu.memory_space<hbm>>
    %dma_start3A_391 = arith.constant 0 : i32
    %dma_start3A_392 = arith.constant 0 : i32
    %dma_start3A_393 = tpu.memref_slice %dma_start3A_390[%dma_start3A_391, %dma_start3A_392] : memref<128x128xf32, #tpu.memory_space<hbm>> -> memref<128x128xf32, #tpu.memory_space<hbm>>
    tpu.enqueue_indirect_dma source(%dma_start3A_393 : memref<128x128xf32, #tpu.memory_space<hbm>>) target(%dma_start3A_383 : memref<20x128xf32, #tpu.memory_space<vmem>>) offsets(%dma_start3A_386 : memref<20xi32, #tpu.memory_space<vmem>>) semaphore(%arg10 : memref<!tpu.dma_semaphore, #tpu.memory_space<semaphore_mem>>)
    %dma_start3A_394 = arith.constant 28 : i32
    %dma_start3A_395 = arith.constant 240 : i32
    %dma_start3A_396 = arith.constant 0 : i32
    %dma_start3A_397 = tpu.memref_slice %arg7[%dma_start3A_395, %dma_start3A_396] : memref<320x128xf32, #tpu.memory_space<vmem>> -> memref<20x128xf32, #tpu.memory_space<vmem>>
    %dma_start3A_398 = arith.constant 0 : i32
    %dma_start3A_399 = tpu.memref_slice %arg5[%dma_start3A_394, %dma_start3A_398] : memref<32x20xi32, #tpu.memory_space<vmem>> -> memref<1x20xi32, #tpu.memory_space<vmem>>
    %dma_start3A_400 = tpu.memref_squeeze %dma_start3A_399 : memref<1x20xi32, #tpu.memory_space<vmem>> -> memref<20xi32, #tpu.memory_space<vmem>>
    %dma_start3A_401 = arith.constant 0 : i32
    %dma_start3A_402 = arith.constant 0 : i32
    %dma_start3A_403 = tpu.memref_slice %arg3[%add3A, %dma_start3A_401, %dma_start3A_402] : memref<32x128x128xf32, #tpu.memory_space<hbm>> -> memref<1x128x128xf32, #tpu.memory_space<hbm>>
    %dma_start3A_404 = tpu.memref_squeeze %dma_start3A_403 : memref<1x128x128xf32, #tpu.memory_space<hbm>> -> memref<128x128xf32, #tpu.memory_space<hbm>>
    %dma_start3A_405 = arith.constant 0 : i32
    %dma_start3A_406 = arith.constant 0 : i32
    %dma_start3A_407 = tpu.memref_slice %dma_start3A_404[%dma_start3A_405, %dma_start3A_406] : memref<128x128xf32, #tpu.memory_space<hbm>> -> memref<128x128xf32, #tpu.memory_space<hbm>>
    tpu.enqueue_indirect_dma source(%dma_start3A_407 : memref<128x128xf32, #tpu.memory_space<hbm>>) target(%dma_start3A_397 : memref<20x128xf32, #tpu.memory_space<vmem>>) offsets(%dma_start3A_400 : memref<20xi32, #tpu.memory_space<vmem>>) semaphore(%arg10 : memref<!tpu.dma_semaphore, #tpu.memory_space<semaphore_mem>>)
    %dma_start3A_408 = arith.constant 29 : i32
    %dma_start3A_409 = arith.constant 260 : i32
    %dma_start3A_410 = arith.constant 0 : i32
    %dma_start3A_411 = tpu.memref_slice %arg7[%dma_start3A_409, %dma_start3A_410] : memref<320x128xf32, #tpu.memory_space<vmem>> -> memref<20x128xf32, #tpu.memory_space<vmem>>
    %dma_start3A_412 = arith.constant 0 : i32
    %dma_start3A_413 = tpu.memref_slice %arg5[%dma_start3A_408, %dma_start3A_412] : memref<32x20xi32, #tpu.memory_space<vmem>> -> memref<1x20xi32, #tpu.memory_space<vmem>>
    %dma_start3A_414 = tpu.memref_squeeze %dma_start3A_413 : memref<1x20xi32, #tpu.memory_space<vmem>> -> memref<20xi32, #tpu.memory_space<vmem>>
    %dma_start3A_415 = arith.constant 0 : i32
    %dma_start3A_416 = arith.constant 0 : i32
    %dma_start3A_417 = tpu.memref_slice %arg3[%add3A, %dma_start3A_415, %dma_start3A_416] : memref<32x128x128xf32, #tpu.memory_space<hbm>> -> memref<1x128x128xf32, #tpu.memory_space<hbm>>
    %dma_start3A_418 = tpu.memref_squeeze %dma_start3A_417 : memref<1x128x128xf32, #tpu.memory_space<hbm>> -> memref<128x128xf32, #tpu.memory_space<hbm>>
    %dma_start3A_419 = arith.constant 0 : i32
    %dma_start3A_420 = arith.constant 0 : i32
    %dma_start3A_421 = tpu.memref_slice %dma_start3A_418[%dma_start3A_419, %dma_start3A_420] : memref<128x128xf32, #tpu.memory_space<hbm>> -> memref<128x128xf32, #tpu.memory_space<hbm>>
    tpu.enqueue_indirect_dma source(%dma_start3A_421 : memref<128x128xf32, #tpu.memory_space<hbm>>) target(%dma_start3A_411 : memref<20x128xf32, #tpu.memory_space<vmem>>) offsets(%dma_start3A_414 : memref<20xi32, #tpu.memory_space<vmem>>) semaphore(%arg10 : memref<!tpu.dma_semaphore, #tpu.memory_space<semaphore_mem>>)
    %dma_start3A_422 = arith.constant 30 : i32
    %dma_start3A_423 = arith.constant 280 : i32
    %dma_start3A_424 = arith.constant 0 : i32
    %dma_start3A_425 = tpu.memref_slice %arg7[%dma_start3A_423, %dma_start3A_424] : memref<320x128xf32, #tpu.memory_space<vmem>> -> memref<20x128xf32, #tpu.memory_space<vmem>>
    %dma_start3A_426 = arith.constant 0 : i32
    %dma_start3A_427 = tpu.memref_slice %arg5[%dma_start3A_422, %dma_start3A_426] : memref<32x20xi32, #tpu.memory_space<vmem>> -> memref<1x20xi32, #tpu.memory_space<vmem>>
    %dma_start3A_428 = tpu.memref_squeeze %dma_start3A_427 : memref<1x20xi32, #tpu.memory_space<vmem>> -> memref<20xi32, #tpu.memory_space<vmem>>
    %dma_start3A_429 = arith.constant 0 : i32
    %dma_start3A_430 = arith.constant 0 : i32
    %dma_start3A_431 = tpu.memref_slice %arg3[%add3A, %dma_start3A_429, %dma_start3A_430] : memref<32x128x128xf32, #tpu.memory_space<hbm>> -> memref<1x128x128xf32, #tpu.memory_space<hbm>>
    %dma_start3A_432 = tpu.memref_squeeze %dma_start3A_431 : memref<1x128x128xf32, #tpu.memory_space<hbm>> -> memref<128x128xf32, #tpu.memory_space<hbm>>
    %dma_start3A_433 = arith.constant 0 : i32
    %dma_start3A_434 = arith.constant 0 : i32
    %dma_start3A_435 = tpu.memref_slice %dma_start3A_432[%dma_start3A_433, %dma_start3A_434] : memref<128x128xf32, #tpu.memory_space<hbm>> -> memref<128x128xf32, #tpu.memory_space<hbm>>
    tpu.enqueue_indirect_dma source(%dma_start3A_435 : memref<128x128xf32, #tpu.memory_space<hbm>>) target(%dma_start3A_425 : memref<20x128xf32, #tpu.memory_space<vmem>>) offsets(%dma_start3A_428 : memref<20xi32, #tpu.memory_space<vmem>>) semaphore(%arg10 : memref<!tpu.dma_semaphore, #tpu.memory_space<semaphore_mem>>)
    %dma_start3A_436 = arith.constant 31 : i32
    %dma_start3A_437 = arith.constant 300 : i32
    %dma_start3A_438 = arith.constant 0 : i32
    %dma_start3A_439 = tpu.memref_slice %arg7[%dma_start3A_437, %dma_start3A_438] : memref<320x128xf32, #tpu.memory_space<vmem>> -> memref<20x128xf32, #tpu.memory_space<vmem>>
    %dma_start3A_440 = arith.constant 0 : i32
    %dma_start3A_441 = tpu.memref_slice %arg5[%dma_start3A_436, %dma_start3A_440] : memref<32x20xi32, #tpu.memory_space<vmem>> -> memref<1x20xi32, #tpu.memory_space<vmem>>
    %dma_start3A_442 = tpu.memref_squeeze %dma_start3A_441 : memref<1x20xi32, #tpu.memory_space<vmem>> -> memref<20xi32, #tpu.memory_space<vmem>>
    %dma_start3A_443 = arith.constant 0 : i32
    %dma_start3A_444 = arith.constant 0 : i32
    %dma_start3A_445 = tpu.memref_slice %arg3[%add3A, %dma_start3A_443, %dma_start3A_444] : memref<32x128x128xf32, #tpu.memory_space<hbm>> -> memref<1x128x128xf32, #tpu.memory_space<hbm>>
    %dma_start3A_446 = tpu.memref_squeeze %dma_start3A_445 : memref<1x128x128xf32, #tpu.memory_space<hbm>> -> memref<128x128xf32, #tpu.memory_space<hbm>>
    %dma_start3A_447 = arith.constant 0 : i32
    %dma_start3A_448 = arith.constant 0 : i32
    %dma_start3A_449 = tpu.memref_slice %dma_start3A_446[%dma_start3A_447, %dma_start3A_448] : memref<128x128xf32, #tpu.memory_space<hbm>> -> memref<128x128xf32, #tpu.memory_space<hbm>>
    tpu.enqueue_indirect_dma source(%dma_start3A_449 : memref<128x128xf32, #tpu.memory_space<hbm>>) target(%dma_start3A_439 : memref<20x128xf32, #tpu.memory_space<vmem>>) offsets(%dma_start3A_442 : memref<20xi32, #tpu.memory_space<vmem>>) semaphore(%arg10 : memref<!tpu.dma_semaphore, #tpu.memory_space<semaphore_mem>>)
    %dma_wait3A = arith.constant 0 : i32
    %dma_wait3A_450 = arith.constant 0 : i32
    %dma_wait3A_451 = arith.constant 0 : i32
    %dma_wait3A_452 = tpu.memref_slice %arg6[%dma_wait3A_450, %dma_wait3A_451] : memref<320x128xf32, #tpu.memory_space<vmem>> -> memref<20x128xf32, #tpu.memory_space<vmem>>
    %dma_wait3A_453 = arith.constant 0 : i32
    %dma_wait3A_454 = tpu.memref_slice %arg5[%dma_wait3A, %dma_wait3A_453] : memref<32x20xi32, #tpu.memory_space<vmem>> -> memref<1x20xi32, #tpu.memory_space<vmem>>
    %dma_wait3A_455 = tpu.memref_squeeze %dma_wait3A_454 : memref<1x20xi32, #tpu.memory_space<vmem>> -> memref<20xi32, #tpu.memory_space<vmem>>
    %dma_wait3A_456 = arith.constant 0 : i32
    %dma_wait3A_457 = arith.constant 0 : i32
    %dma_wait3A_458 = tpu.memref_slice %arg3[%add3A, %dma_wait3A_456, %dma_wait3A_457] : memref<32x128x128xf32, #tpu.memory_space<hbm>> -> memref<1x128x128xf32, #tpu.memory_space<hbm>>
    %dma_wait3A_459 = tpu.memref_squeeze %dma_wait3A_458 : memref<1x128x128xf32, #tpu.memory_space<hbm>> -> memref<128x128xf32, #tpu.memory_space<hbm>>
    %dma_wait3A_460 = arith.constant 0 : i32
    %dma_wait3A_461 = arith.constant 0 : i32
    %dma_wait3A_462 = tpu.memref_slice %dma_wait3A_459[%dma_wait3A_460, %dma_wait3A_461] : memref<128x128xf32, #tpu.memory_space<hbm>> -> memref<128x128xf32, #tpu.memory_space<hbm>>
    tpu.wait_indirect_dma semaphore(%arg9 : memref<!tpu.dma_semaphore, #tpu.memory_space<semaphore_mem>>) src(%dma_wait3A_462 : memref<128x128xf32, #tpu.memory_space<hbm>>) dst(%dma_wait3A_452 : memref<20x128xf32, #tpu.memory_space<vmem>>)
    %dma_wait3A_463 = arith.constant 1 : i32
    %dma_wait3A_464 = arith.constant 20 : i32
    %dma_wait3A_465 = arith.constant 0 : i32
    %dma_wait3A_466 = tpu.memref_slice %arg6[%dma_wait3A_464, %dma_wait3A_465] : memref<320x128xf32, #tpu.memory_space<vmem>> -> memref<20x128xf32, #tpu.memory_space<vmem>>
    %dma_wait3A_467 = arith.constant 0 : i32
    %dma_wait3A_468 = tpu.memref_slice %arg5[%dma_wait3A_463, %dma_wait3A_467] : memref<32x20xi32, #tpu.memory_space<vmem>> -> memref<1x20xi32, #tpu.memory_space<vmem>>
    %dma_wait3A_469 = tpu.memref_squeeze %dma_wait3A_468 : memref<1x20xi32, #tpu.memory_space<vmem>> -> memref<20xi32, #tpu.memory_space<vmem>>
    %dma_wait3A_470 = arith.constant 0 : i32
    %dma_wait3A_471 = arith.constant 0 : i32
    %dma_wait3A_472 = tpu.memref_slice %arg3[%add3A, %dma_wait3A_470, %dma_wait3A_471] : memref<32x128x128xf32, #tpu.memory_space<hbm>> -> memref<1x128x128xf32, #tpu.memory_space<hbm>>
    %dma_wait3A_473 = tpu.memref_squeeze %dma_wait3A_472 : memref<1x128x128xf32, #tpu.memory_space<hbm>> -> memref<128x128xf32, #tpu.memory_space<hbm>>
    %dma_wait3A_474 = arith.constant 0 : i32
    %dma_wait3A_475 = arith.constant 0 : i32
    %dma_wait3A_476 = tpu.memref_slice %dma_wait3A_473[%dma_wait3A_474, %dma_wait3A_475] : memref<128x128xf32, #tpu.memory_space<hbm>> -> memref<128x128xf32, #tpu.memory_space<hbm>>
    tpu.wait_indirect_dma semaphore(%arg9 : memref<!tpu.dma_semaphore, #tpu.memory_space<semaphore_mem>>) src(%dma_wait3A_476 : memref<128x128xf32, #tpu.memory_space<hbm>>) dst(%dma_wait3A_466 : memref<20x128xf32, #tpu.memory_space<vmem>>)
    %dma_wait3A_477 = arith.constant 2 : i32
    %dma_wait3A_478 = arith.constant 40 : i32
    %dma_wait3A_479 = arith.constant 0 : i32
    %dma_wait3A_480 = tpu.memref_slice %arg6[%dma_wait3A_478, %dma_wait3A_479] : memref<320x128xf32, #tpu.memory_space<vmem>> -> memref<20x128xf32, #tpu.memory_space<vmem>>
    %dma_wait3A_481 = arith.constant 0 : i32
    %dma_wait3A_482 = tpu.memref_slice %arg5[%dma_wait3A_477, %dma_wait3A_481] : memref<32x20xi32, #tpu.memory_space<vmem>> -> memref<1x20xi32, #tpu.memory_space<vmem>>
    %dma_wait3A_483 = tpu.memref_squeeze %dma_wait3A_482 : memref<1x20xi32, #tpu.memory_space<vmem>> -> memref<20xi32, #tpu.memory_space<vmem>>
    %dma_wait3A_484 = arith.constant 0 : i32
    %dma_wait3A_485 = arith.constant 0 : i32
    %dma_wait3A_486 = tpu.memref_slice %arg3[%add3A, %dma_wait3A_484, %dma_wait3A_485] : memref<32x128x128xf32, #tpu.memory_space<hbm>> -> memref<1x128x128xf32, #tpu.memory_space<hbm>>
    %dma_wait3A_487 = tpu.memref_squeeze %dma_wait3A_486 : memref<1x128x128xf32, #tpu.memory_space<hbm>> -> memref<128x128xf32, #tpu.memory_space<hbm>>
    %dma_wait3A_488 = arith.constant 0 : i32
    %dma_wait3A_489 = arith.constant 0 : i32
    %dma_wait3A_490 = tpu.memref_slice %dma_wait3A_487[%dma_wait3A_488, %dma_wait3A_489] : memref<128x128xf32, #tpu.memory_space<hbm>> -> memref<128x128xf32, #tpu.memory_space<hbm>>
    tpu.wait_indirect_dma semaphore(%arg9 : memref<!tpu.dma_semaphore, #tpu.memory_space<semaphore_mem>>) src(%dma_wait3A_490 : memref<128x128xf32, #tpu.memory_space<hbm>>) dst(%dma_wait3A_480 : memref<20x128xf32, #tpu.memory_space<vmem>>)
    %dma_wait3A_491 = arith.constant 3 : i32
    %dma_wait3A_492 = arith.constant 60 : i32
    %dma_wait3A_493 = arith.constant 0 : i32
    %dma_wait3A_494 = tpu.memref_slice %arg6[%dma_wait3A_492, %dma_wait3A_493] : memref<320x128xf32, #tpu.memory_space<vmem>> -> memref<20x128xf32, #tpu.memory_space<vmem>>
    %dma_wait3A_495 = arith.constant 0 : i32
    %dma_wait3A_496 = tpu.memref_slice %arg5[%dma_wait3A_491, %dma_wait3A_495] : memref<32x20xi32, #tpu.memory_space<vmem>> -> memref<1x20xi32, #tpu.memory_space<vmem>>
    %dma_wait3A_497 = tpu.memref_squeeze %dma_wait3A_496 : memref<1x20xi32, #tpu.memory_space<vmem>> -> memref<20xi32, #tpu.memory_space<vmem>>
    %dma_wait3A_498 = arith.constant 0 : i32
    %dma_wait3A_499 = arith.constant 0 : i32
    %dma_wait3A_500 = tpu.memref_slice %arg3[%add3A, %dma_wait3A_498, %dma_wait3A_499] : memref<32x128x128xf32, #tpu.memory_space<hbm>> -> memref<1x128x128xf32, #tpu.memory_space<hbm>>
    %dma_wait3A_501 = tpu.memref_squeeze %dma_wait3A_500 : memref<1x128x128xf32, #tpu.memory_space<hbm>> -> memref<128x128xf32, #tpu.memory_space<hbm>>
    %dma_wait3A_502 = arith.constant 0 : i32
    %dma_wait3A_503 = arith.constant 0 : i32
    %dma_wait3A_504 = tpu.memref_slice %dma_wait3A_501[%dma_wait3A_502, %dma_wait3A_503] : memref<128x128xf32, #tpu.memory_space<hbm>> -> memref<128x128xf32, #tpu.memory_space<hbm>>
    tpu.wait_indirect_dma semaphore(%arg9 : memref<!tpu.dma_semaphore, #tpu.memory_space<semaphore_mem>>) src(%dma_wait3A_504 : memref<128x128xf32, #tpu.memory_space<hbm>>) dst(%dma_wait3A_494 : memref<20x128xf32, #tpu.memory_space<vmem>>)
    %dma_wait3A_505 = arith.constant 4 : i32
    %dma_wait3A_506 = arith.constant 80 : i32
    %dma_wait3A_507 = arith.constant 0 : i32
    %dma_wait3A_508 = tpu.memref_slice %arg6[%dma_wait3A_506, %dma_wait3A_507] : memref<320x128xf32, #tpu.memory_space<vmem>> -> memref<20x128xf32, #tpu.memory_space<vmem>>
    %dma_wait3A_509 = arith.constant 0 : i32
    %dma_wait3A_510 = tpu.memref_slice %arg5[%dma_wait3A_505, %dma_wait3A_509] : memref<32x20xi32, #tpu.memory_space<vmem>> -> memref<1x20xi32, #tpu.memory_space<vmem>>
    %dma_wait3A_511 = tpu.memref_squeeze %dma_wait3A_510 : memref<1x20xi32, #tpu.memory_space<vmem>> -> memref<20xi32, #tpu.memory_space<vmem>>
    %dma_wait3A_512 = arith.constant 0 : i32
    %dma_wait3A_513 = arith.constant 0 : i32
    %dma_wait3A_514 = tpu.memref_slice %arg3[%add3A, %dma_wait3A_512, %dma_wait3A_513] : memref<32x128x128xf32, #tpu.memory_space<hbm>> -> memref<1x128x128xf32, #tpu.memory_space<hbm>>
    %dma_wait3A_515 = tpu.memref_squeeze %dma_wait3A_514 : memref<1x128x128xf32, #tpu.memory_space<hbm>> -> memref<128x128xf32, #tpu.memory_space<hbm>>
    %dma_wait3A_516 = arith.constant 0 : i32
    %dma_wait3A_517 = arith.constant 0 : i32
    %dma_wait3A_518 = tpu.memref_slice %dma_wait3A_515[%dma_wait3A_516, %dma_wait3A_517] : memref<128x128xf32, #tpu.memory_space<hbm>> -> memref<128x128xf32, #tpu.memory_space<hbm>>
    tpu.wait_indirect_dma semaphore(%arg9 : memref<!tpu.dma_semaphore, #tpu.memory_space<semaphore_mem>>) src(%dma_wait3A_518 : memref<128x128xf32, #tpu.memory_space<hbm>>) dst(%dma_wait3A_508 : memref<20x128xf32, #tpu.memory_space<vmem>>)
    %dma_wait3A_519 = arith.constant 5 : i32
    %dma_wait3A_520 = arith.constant 100 : i32
    %dma_wait3A_521 = arith.constant 0 : i32
    %dma_wait3A_522 = tpu.memref_slice %arg6[%dma_wait3A_520, %dma_wait3A_521] : memref<320x128xf32, #tpu.memory_space<vmem>> -> memref<20x128xf32, #tpu.memory_space<vmem>>
    %dma_wait3A_523 = arith.constant 0 : i32
    %dma_wait3A_524 = tpu.memref_slice %arg5[%dma_wait3A_519, %dma_wait3A_523] : memref<32x20xi32, #tpu.memory_space<vmem>> -> memref<1x20xi32, #tpu.memory_space<vmem>>
    %dma_wait3A_525 = tpu.memref_squeeze %dma_wait3A_524 : memref<1x20xi32, #tpu.memory_space<vmem>> -> memref<20xi32, #tpu.memory_space<vmem>>
    %dma_wait3A_526 = arith.constant 0 : i32
    %dma_wait3A_527 = arith.constant 0 : i32
    %dma_wait3A_528 = tpu.memref_slice %arg3[%add3A, %dma_wait3A_526, %dma_wait3A_527] : memref<32x128x128xf32, #tpu.memory_space<hbm>> -> memref<1x128x128xf32, #tpu.memory_space<hbm>>
    %dma_wait3A_529 = tpu.memref_squeeze %dma_wait3A_528 : memref<1x128x128xf32, #tpu.memory_space<hbm>> -> memref<128x128xf32, #tpu.memory_space<hbm>>
    %dma_wait3A_530 = arith.constant 0 : i32
    %dma_wait3A_531 = arith.constant 0 : i32
    %dma_wait3A_532 = tpu.memref_slice %dma_wait3A_529[%dma_wait3A_530, %dma_wait3A_531] : memref<128x128xf32, #tpu.memory_space<hbm>> -> memref<128x128xf32, #tpu.memory_space<hbm>>
    tpu.wait_indirect_dma semaphore(%arg9 : memref<!tpu.dma_semaphore, #tpu.memory_space<semaphore_mem>>) src(%dma_wait3A_532 : memref<128x128xf32, #tpu.memory_space<hbm>>) dst(%dma_wait3A_522 : memref<20x128xf32, #tpu.memory_space<vmem>>)
    %dma_wait3A_533 = arith.constant 6 : i32
    %dma_wait3A_534 = arith.constant 120 : i32
    %dma_wait3A_535 = arith.constant 0 : i32
    %dma_wait3A_536 = tpu.memref_slice %arg6[%dma_wait3A_534, %dma_wait3A_535] : memref<320x128xf32, #tpu.memory_space<vmem>> -> memref<20x128xf32, #tpu.memory_space<vmem>>
    %dma_wait3A_537 = arith.constant 0 : i32
    %dma_wait3A_538 = tpu.memref_slice %arg5[%dma_wait3A_533, %dma_wait3A_537] : memref<32x20xi32, #tpu.memory_space<vmem>> -> memref<1x20xi32, #tpu.memory_space<vmem>>
    %dma_wait3A_539 = tpu.memref_squeeze %dma_wait3A_538 : memref<1x20xi32, #tpu.memory_space<vmem>> -> memref<20xi32, #tpu.memory_space<vmem>>
    %dma_wait3A_540 = arith.constant 0 : i32
    %dma_wait3A_541 = arith.constant 0 : i32
    %dma_wait3A_542 = tpu.memref_slice %arg3[%add3A, %dma_wait3A_540, %dma_wait3A_541] : memref<32x128x128xf32, #tpu.memory_space<hbm>> -> memref<1x128x128xf32, #tpu.memory_space<hbm>>
    %dma_wait3A_543 = tpu.memref_squeeze %dma_wait3A_542 : memref<1x128x128xf32, #tpu.memory_space<hbm>> -> memref<128x128xf32, #tpu.memory_space<hbm>>
    %dma_wait3A_544 = arith.constant 0 : i32
    %dma_wait3A_545 = arith.constant 0 : i32
    %dma_wait3A_546 = tpu.memref_slice %dma_wait3A_543[%dma_wait3A_544, %dma_wait3A_545] : memref<128x128xf32, #tpu.memory_space<hbm>> -> memref<128x128xf32, #tpu.memory_space<hbm>>
    tpu.wait_indirect_dma semaphore(%arg9 : memref<!tpu.dma_semaphore, #tpu.memory_space<semaphore_mem>>) src(%dma_wait3A_546 : memref<128x128xf32, #tpu.memory_space<hbm>>) dst(%dma_wait3A_536 : memref<20x128xf32, #tpu.memory_space<vmem>>)
    %dma_wait3A_547 = arith.constant 7 : i32
    %dma_wait3A_548 = arith.constant 140 : i32
    %dma_wait3A_549 = arith.constant 0 : i32
    %dma_wait3A_550 = tpu.memref_slice %arg6[%dma_wait3A_548, %dma_wait3A_549] : memref<320x128xf32, #tpu.memory_space<vmem>> -> memref<20x128xf32, #tpu.memory_space<vmem>>
    %dma_wait3A_551 = arith.constant 0 : i32
    %dma_wait3A_552 = tpu.memref_slice %arg5[%dma_wait3A_547, %dma_wait3A_551] : memref<32x20xi32, #tpu.memory_space<vmem>> -> memref<1x20xi32, #tpu.memory_space<vmem>>
    %dma_wait3A_553 = tpu.memref_squeeze %dma_wait3A_552 : memref<1x20xi32, #tpu.memory_space<vmem>> -> memref<20xi32, #tpu.memory_space<vmem>>
    %dma_wait3A_554 = arith.constant 0 : i32
    %dma_wait3A_555 = arith.constant 0 : i32
    %dma_wait3A_556 = tpu.memref_slice %arg3[%add3A, %dma_wait3A_554, %dma_wait3A_555] : memref<32x128x128xf32, #tpu.memory_space<hbm>> -> memref<1x128x128xf32, #tpu.memory_space<hbm>>
    %dma_wait3A_557 = tpu.memref_squeeze %dma_wait3A_556 : memref<1x128x128xf32, #tpu.memory_space<hbm>> -> memref<128x128xf32, #tpu.memory_space<hbm>>
    %dma_wait3A_558 = arith.constant 0 : i32
    %dma_wait3A_559 = arith.constant 0 : i32
    %dma_wait3A_560 = tpu.memref_slice %dma_wait3A_557[%dma_wait3A_558, %dma_wait3A_559] : memref<128x128xf32, #tpu.memory_space<hbm>> -> memref<128x128xf32, #tpu.memory_space<hbm>>
    tpu.wait_indirect_dma semaphore(%arg9 : memref<!tpu.dma_semaphore, #tpu.memory_space<semaphore_mem>>) src(%dma_wait3A_560 : memref<128x128xf32, #tpu.memory_space<hbm>>) dst(%dma_wait3A_550 : memref<20x128xf32, #tpu.memory_space<vmem>>)
    %dma_wait3A_561 = arith.constant 8 : i32
    %dma_wait3A_562 = arith.constant 160 : i32
    %dma_wait3A_563 = arith.constant 0 : i32
    %dma_wait3A_564 = tpu.memref_slice %arg6[%dma_wait3A_562, %dma_wait3A_563] : memref<320x128xf32, #tpu.memory_space<vmem>> -> memref<20x128xf32, #tpu.memory_space<vmem>>
    %dma_wait3A_565 = arith.constant 0 : i32
    %dma_wait3A_566 = tpu.memref_slice %arg5[%dma_wait3A_561, %dma_wait3A_565] : memref<32x20xi32, #tpu.memory_space<vmem>> -> memref<1x20xi32, #tpu.memory_space<vmem>>
    %dma_wait3A_567 = tpu.memref_squeeze %dma_wait3A_566 : memref<1x20xi32, #tpu.memory_space<vmem>> -> memref<20xi32, #tpu.memory_space<vmem>>
    %dma_wait3A_568 = arith.constant 0 : i32
    %dma_wait3A_569 = arith.constant 0 : i32
    %dma_wait3A_570 = tpu.memref_slice %arg3[%add3A, %dma_wait3A_568, %dma_wait3A_569] : memref<32x128x128xf32, #tpu.memory_space<hbm>> -> memref<1x128x128xf32, #tpu.memory_space<hbm>>
    %dma_wait3A_571 = tpu.memref_squeeze %dma_wait3A_570 : memref<1x128x128xf32, #tpu.memory_space<hbm>> -> memref<128x128xf32, #tpu.memory_space<hbm>>
    %dma_wait3A_572 = arith.constant 0 : i32
    %dma_wait3A_573 = arith.constant 0 : i32
    %dma_wait3A_574 = tpu.memref_slice %dma_wait3A_571[%dma_wait3A_572, %dma_wait3A_573] : memref<128x128xf32, #tpu.memory_space<hbm>> -> memref<128x128xf32, #tpu.memory_space<hbm>>
    tpu.wait_indirect_dma semaphore(%arg9 : memref<!tpu.dma_semaphore, #tpu.memory_space<semaphore_mem>>) src(%dma_wait3A_574 : memref<128x128xf32, #tpu.memory_space<hbm>>) dst(%dma_wait3A_564 : memref<20x128xf32, #tpu.memory_space<vmem>>)
    %dma_wait3A_575 = arith.constant 9 : i32
    %dma_wait3A_576 = arith.constant 180 : i32
    %dma_wait3A_577 = arith.constant 0 : i32
    %dma_wait3A_578 = tpu.memref_slice %arg6[%dma_wait3A_576, %dma_wait3A_577] : memref<320x128xf32, #tpu.memory_space<vmem>> -> memref<20x128xf32, #tpu.memory_space<vmem>>
    %dma_wait3A_579 = arith.constant 0 : i32
    %dma_wait3A_580 = tpu.memref_slice %arg5[%dma_wait3A_575, %dma_wait3A_579] : memref<32x20xi32, #tpu.memory_space<vmem>> -> memref<1x20xi32, #tpu.memory_space<vmem>>
    %dma_wait3A_581 = tpu.memref_squeeze %dma_wait3A_580 : memref<1x20xi32, #tpu.memory_space<vmem>> -> memref<20xi32, #tpu.memory_space<vmem>>
    %dma_wait3A_582 = arith.constant 0 : i32
    %dma_wait3A_583 = arith.constant 0 : i32
    %dma_wait3A_584 = tpu.memref_slice %arg3[%add3A, %dma_wait3A_582, %dma_wait3A_583] : memref<32x128x128xf32, #tpu.memory_space<hbm>> -> memref<1x128x128xf32, #tpu.memory_space<hbm>>
    %dma_wait3A_585 = tpu.memref_squeeze %dma_wait3A_584 : memref<1x128x128xf32, #tpu.memory_space<hbm>> -> memref<128x128xf32, #tpu.memory_space<hbm>>
    %dma_wait3A_586 = arith.constant 0 : i32
    %dma_wait3A_587 = arith.constant 0 : i32
    %dma_wait3A_588 = tpu.memref_slice %dma_wait3A_585[%dma_wait3A_586, %dma_wait3A_587] : memref<128x128xf32, #tpu.memory_space<hbm>> -> memref<128x128xf32, #tpu.memory_space<hbm>>
    tpu.wait_indirect_dma semaphore(%arg9 : memref<!tpu.dma_semaphore, #tpu.memory_space<semaphore_mem>>) src(%dma_wait3A_588 : memref<128x128xf32, #tpu.memory_space<hbm>>) dst(%dma_wait3A_578 : memref<20x128xf32, #tpu.memory_space<vmem>>)
    %dma_wait3A_589 = arith.constant 10 : i32
    %dma_wait3A_590 = arith.constant 200 : i32
    %dma_wait3A_591 = arith.constant 0 : i32
    %dma_wait3A_592 = tpu.memref_slice %arg6[%dma_wait3A_590, %dma_wait3A_591] : memref<320x128xf32, #tpu.memory_space<vmem>> -> memref<20x128xf32, #tpu.memory_space<vmem>>
    %dma_wait3A_593 = arith.constant 0 : i32
    %dma_wait3A_594 = tpu.memref_slice %arg5[%dma_wait3A_589, %dma_wait3A_593] : memref<32x20xi32, #tpu.memory_space<vmem>> -> memref<1x20xi32, #tpu.memory_space<vmem>>
    %dma_wait3A_595 = tpu.memref_squeeze %dma_wait3A_594 : memref<1x20xi32, #tpu.memory_space<vmem>> -> memref<20xi32, #tpu.memory_space<vmem>>
    %dma_wait3A_596 = arith.constant 0 : i32
    %dma_wait3A_597 = arith.constant 0 : i32
    %dma_wait3A_598 = tpu.memref_slice %arg3[%add3A, %dma_wait3A_596, %dma_wait3A_597] : memref<32x128x128xf32, #tpu.memory_space<hbm>> -> memref<1x128x128xf32, #tpu.memory_space<hbm>>
    %dma_wait3A_599 = tpu.memref_squeeze %dma_wait3A_598 : memref<1x128x128xf32, #tpu.memory_space<hbm>> -> memref<128x128xf32, #tpu.memory_space<hbm>>
    %dma_wait3A_600 = arith.constant 0 : i32
    %dma_wait3A_601 = arith.constant 0 : i32
    %dma_wait3A_602 = tpu.memref_slice %dma_wait3A_599[%dma_wait3A_600, %dma_wait3A_601] : memref<128x128xf32, #tpu.memory_space<hbm>> -> memref<128x128xf32, #tpu.memory_space<hbm>>
    tpu.wait_indirect_dma semaphore(%arg9 : memref<!tpu.dma_semaphore, #tpu.memory_space<semaphore_mem>>) src(%dma_wait3A_602 : memref<128x128xf32, #tpu.memory_space<hbm>>) dst(%dma_wait3A_592 : memref<20x128xf32, #tpu.memory_space<vmem>>)
    %dma_wait3A_603 = arith.constant 11 : i32
    %dma_wait3A_604 = arith.constant 220 : i32
    %dma_wait3A_605 = arith.constant 0 : i32
    %dma_wait3A_606 = tpu.memref_slice %arg6[%dma_wait3A_604, %dma_wait3A_605] : memref<320x128xf32, #tpu.memory_space<vmem>> -> memref<20x128xf32, #tpu.memory_space<vmem>>
    %dma_wait3A_607 = arith.constant 0 : i32
    %dma_wait3A_608 = tpu.memref_slice %arg5[%dma_wait3A_603, %dma_wait3A_607] : memref<32x20xi32, #tpu.memory_space<vmem>> -> memref<1x20xi32, #tpu.memory_space<vmem>>
    %dma_wait3A_609 = tpu.memref_squeeze %dma_wait3A_608 : memref<1x20xi32, #tpu.memory_space<vmem>> -> memref<20xi32, #tpu.memory_space<vmem>>
    %dma_wait3A_610 = arith.constant 0 : i32
    %dma_wait3A_611 = arith.constant 0 : i32
    %dma_wait3A_612 = tpu.memref_slice %arg3[%add3A, %dma_wait3A_610, %dma_wait3A_611] : memref<32x128x128xf32, #tpu.memory_space<hbm>> -> memref<1x128x128xf32, #tpu.memory_space<hbm>>
    %dma_wait3A_613 = tpu.memref_squeeze %dma_wait3A_612 : memref<1x128x128xf32, #tpu.memory_space<hbm>> -> memref<128x128xf32, #tpu.memory_space<hbm>>
    %dma_wait3A_614 = arith.constant 0 : i32
    %dma_wait3A_615 = arith.constant 0 : i32
    %dma_wait3A_616 = tpu.memref_slice %dma_wait3A_613[%dma_wait3A_614, %dma_wait3A_615] : memref<128x128xf32, #tpu.memory_space<hbm>> -> memref<128x128xf32, #tpu.memory_space<hbm>>
    tpu.wait_indirect_dma semaphore(%arg9 : memref<!tpu.dma_semaphore, #tpu.memory_space<semaphore_mem>>) src(%dma_wait3A_616 : memref<128x128xf32, #tpu.memory_space<hbm>>) dst(%dma_wait3A_606 : memref<20x128xf32, #tpu.memory_space<vmem>>)
    %dma_wait3A_617 = arith.constant 12 : i32
    %dma_wait3A_618 = arith.constant 240 : i32
    %dma_wait3A_619 = arith.constant 0 : i32
    %dma_wait3A_620 = tpu.memref_slice %arg6[%dma_wait3A_618, %dma_wait3A_619] : memref<320x128xf32, #tpu.memory_space<vmem>> -> memref<20x128xf32, #tpu.memory_space<vmem>>
    %dma_wait3A_621 = arith.constant 0 : i32
    %dma_wait3A_622 = tpu.memref_slice %arg5[%dma_wait3A_617, %dma_wait3A_621] : memref<32x20xi32, #tpu.memory_space<vmem>> -> memref<1x20xi32, #tpu.memory_space<vmem>>
    %dma_wait3A_623 = tpu.memref_squeeze %dma_wait3A_622 : memref<1x20xi32, #tpu.memory_space<vmem>> -> memref<20xi32, #tpu.memory_space<vmem>>
    %dma_wait3A_624 = arith.constant 0 : i32
    %dma_wait3A_625 = arith.constant 0 : i32
    %dma_wait3A_626 = tpu.memref_slice %arg3[%add3A, %dma_wait3A_624, %dma_wait3A_625] : memref<32x128x128xf32, #tpu.memory_space<hbm>> -> memref<1x128x128xf32, #tpu.memory_space<hbm>>
    %dma_wait3A_627 = tpu.memref_squeeze %dma_wait3A_626 : memref<1x128x128xf32, #tpu.memory_space<hbm>> -> memref<128x128xf32, #tpu.memory_space<hbm>>
    %dma_wait3A_628 = arith.constant 0 : i32
    %dma_wait3A_629 = arith.constant 0 : i32
    %dma_wait3A_630 = tpu.memref_slice %dma_wait3A_627[%dma_wait3A_628, %dma_wait3A_629] : memref<128x128xf32, #tpu.memory_space<hbm>> -> memref<128x128xf32, #tpu.memory_space<hbm>>
    tpu.wait_indirect_dma semaphore(%arg9 : memref<!tpu.dma_semaphore, #tpu.memory_space<semaphore_mem>>) src(%dma_wait3A_630 : memref<128x128xf32, #tpu.memory_space<hbm>>) dst(%dma_wait3A_620 : memref<20x128xf32, #tpu.memory_space<vmem>>)
    %dma_wait3A_631 = arith.constant 13 : i32
    %dma_wait3A_632 = arith.constant 260 : i32
    %dma_wait3A_633 = arith.constant 0 : i32
    %dma_wait3A_634 = tpu.memref_slice %arg6[%dma_wait3A_632, %dma_wait3A_633] : memref<320x128xf32, #tpu.memory_space<vmem>> -> memref<20x128xf32, #tpu.memory_space<vmem>>
    %dma_wait3A_635 = arith.constant 0 : i32
    %dma_wait3A_636 = tpu.memref_slice %arg5[%dma_wait3A_631, %dma_wait3A_635] : memref<32x20xi32, #tpu.memory_space<vmem>> -> memref<1x20xi32, #tpu.memory_space<vmem>>
    %dma_wait3A_637 = tpu.memref_squeeze %dma_wait3A_636 : memref<1x20xi32, #tpu.memory_space<vmem>> -> memref<20xi32, #tpu.memory_space<vmem>>
    %dma_wait3A_638 = arith.constant 0 : i32
    %dma_wait3A_639 = arith.constant 0 : i32
    %dma_wait3A_640 = tpu.memref_slice %arg3[%add3A, %dma_wait3A_638, %dma_wait3A_639] : memref<32x128x128xf32, #tpu.memory_space<hbm>> -> memref<1x128x128xf32, #tpu.memory_space<hbm>>
    %dma_wait3A_641 = tpu.memref_squeeze %dma_wait3A_640 : memref<1x128x128xf32, #tpu.memory_space<hbm>> -> memref<128x128xf32, #tpu.memory_space<hbm>>
    %dma_wait3A_642 = arith.constant 0 : i32
    %dma_wait3A_643 = arith.constant 0 : i32
    %dma_wait3A_644 = tpu.memref_slice %dma_wait3A_641[%dma_wait3A_642, %dma_wait3A_643] : memref<128x128xf32, #tpu.memory_space<hbm>> -> memref<128x128xf32, #tpu.memory_space<hbm>>
    tpu.wait_indirect_dma semaphore(%arg9 : memref<!tpu.dma_semaphore, #tpu.memory_space<semaphore_mem>>) src(%dma_wait3A_644 : memref<128x128xf32, #tpu.memory_space<hbm>>) dst(%dma_wait3A_634 : memref<20x128xf32, #tpu.memory_space<vmem>>)
    %dma_wait3A_645 = arith.constant 14 : i32
    %dma_wait3A_646 = arith.constant 280 : i32
    %dma_wait3A_647 = arith.constant 0 : i32
    %dma_wait3A_648 = tpu.memref_slice %arg6[%dma_wait3A_646, %dma_wait3A_647] : memref<320x128xf32, #tpu.memory_space<vmem>> -> memref<20x128xf32, #tpu.memory_space<vmem>>
    %dma_wait3A_649 = arith.constant 0 : i32
    %dma_wait3A_650 = tpu.memref_slice %arg5[%dma_wait3A_645, %dma_wait3A_649] : memref<32x20xi32, #tpu.memory_space<vmem>> -> memref<1x20xi32, #tpu.memory_space<vmem>>
    %dma_wait3A_651 = tpu.memref_squeeze %dma_wait3A_650 : memref<1x20xi32, #tpu.memory_space<vmem>> -> memref<20xi32, #tpu.memory_space<vmem>>
    %dma_wait3A_652 = arith.constant 0 : i32
    %dma_wait3A_653 = arith.constant 0 : i32
    %dma_wait3A_654 = tpu.memref_slice %arg3[%add3A, %dma_wait3A_652, %dma_wait3A_653] : memref<32x128x128xf32, #tpu.memory_space<hbm>> -> memref<1x128x128xf32, #tpu.memory_space<hbm>>
    %dma_wait3A_655 = tpu.memref_squeeze %dma_wait3A_654 : memref<1x128x128xf32, #tpu.memory_space<hbm>> -> memref<128x128xf32, #tpu.memory_space<hbm>>
    %dma_wait3A_656 = arith.constant 0 : i32
    %dma_wait3A_657 = arith.constant 0 : i32
    %dma_wait3A_658 = tpu.memref_slice %dma_wait3A_655[%dma_wait3A_656, %dma_wait3A_657] : memref<128x128xf32, #tpu.memory_space<hbm>> -> memref<128x128xf32, #tpu.memory_space<hbm>>
    tpu.wait_indirect_dma semaphore(%arg9 : memref<!tpu.dma_semaphore, #tpu.memory_space<semaphore_mem>>) src(%dma_wait3A_658 : memref<128x128xf32, #tpu.memory_space<hbm>>) dst(%dma_wait3A_648 : memref<20x128xf32, #tpu.memory_space<vmem>>)
    %dma_wait3A_659 = arith.constant 15 : i32
    %dma_wait3A_660 = arith.constant 300 : i32
    %dma_wait3A_661 = arith.constant 0 : i32
    %dma_wait3A_662 = tpu.memref_slice %arg6[%dma_wait3A_660, %dma_wait3A_661] : memref<320x128xf32, #tpu.memory_space<vmem>> -> memref<20x128xf32, #tpu.memory_space<vmem>>
    %dma_wait3A_663 = arith.constant 0 : i32
    %dma_wait3A_664 = tpu.memref_slice %arg5[%dma_wait3A_659, %dma_wait3A_663] : memref<32x20xi32, #tpu.memory_space<vmem>> -> memref<1x20xi32, #tpu.memory_space<vmem>>
    %dma_wait3A_665 = tpu.memref_squeeze %dma_wait3A_664 : memref<1x20xi32, #tpu.memory_space<vmem>> -> memref<20xi32, #tpu.memory_space<vmem>>
    %dma_wait3A_666 = arith.constant 0 : i32
    %dma_wait3A_667 = arith.constant 0 : i32
    %dma_wait3A_668 = tpu.memref_slice %arg3[%add3A, %dma_wait3A_666, %dma_wait3A_667] : memref<32x128x128xf32, #tpu.memory_space<hbm>> -> memref<1x128x128xf32, #tpu.memory_space<hbm>>
    %dma_wait3A_669 = tpu.memref_squeeze %dma_wait3A_668 : memref<1x128x128xf32, #tpu.memory_space<hbm>> -> memref<128x128xf32, #tpu.memory_space<hbm>>
    %dma_wait3A_670 = arith.constant 0 : i32
    %dma_wait3A_671 = arith.constant 0 : i32
    %dma_wait3A_672 = tpu.memref_slice %dma_wait3A_669[%dma_wait3A_670, %dma_wait3A_671] : memref<128x128xf32, #tpu.memory_space<hbm>> -> memref<128x128xf32, #tpu.memory_space<hbm>>
    tpu.wait_indirect_dma semaphore(%arg9 : memref<!tpu.dma_semaphore, #tpu.memory_space<semaphore_mem>>) src(%dma_wait3A_672 : memref<128x128xf32, #tpu.memory_space<hbm>>) dst(%dma_wait3A_662 : memref<20x128xf32, #tpu.memory_space<vmem>>)
    %scan3A = arith.constant 0 : i32
    %scan3A_673 = arith.constant 0 : i32
    %scan3A_674 = arith.constant 16 : i32
    %scan3A_675 = arith.addi %scan3A_673, %scan3A_674 : i32
    %scan3A_676 = arith.constant 1 : i32
    scf.for %scan3A_910 = %scan3A_673 to %scan3A_675 step %scan3A_676  : i32 {
      %mul3A_911 = arith.constant 20 : i32
      %mul3A_912 = arith.muli %scan3A_910, %mul3A_911 : i32
      %get3A = arith.index_cast %mul3A_912 : i32 to index
      %get3A_913 = arith.constant 0 : index
      %get3A_914 = tpu.vector_load %arg6[%get3A, %get3A_913] {strides = array<i32>} : memref<320x128xf32, #tpu.memory_space<vmem>>, vector<1x16xf32>,
      %get3A_915 = vector.shape_cast %get3A_914 : vector<1x16xf32> to vector<16xf32>
      %add3A_916 = arith.constant 1 : i32
      %add3A_917 = arith.addi %mul3A_912, %add3A_916 : i32
      %get3A_918 = arith.index_cast %add3A_917 : i32 to index
      %get3A_919 = arith.constant 0 : index
      %get3A_920 = tpu.vector_load %arg6[%get3A_918, %get3A_919] {strides = array<i32>} : memref<320x128xf32, #tpu.memory_space<vmem>>, vector<1x16xf32>,
      %get3A_921 = vector.shape_cast %get3A_920 : vector<1x16xf32> to vector<16xf32>
      %add3A_922 = arith.addf %get3A_915, %get3A_921 : vector<16xf32>
      %add3A_923 = arith.constant 2 : i32
      %add3A_924 = arith.addi %mul3A_912, %add3A_923 : i32
      %get3A_925 = arith.index_cast %add3A_924 : i32 to index
      %get3A_926 = arith.constant 0 : index
      %get3A_927 = tpu.vector_load %arg6[%get3A_925, %get3A_926] {strides = array<i32>} : memref<320x128xf32, #tpu.memory_space<vmem>>, vector<1x16xf32>,
      %get3A_928 = vector.shape_cast %get3A_927 : vector<1x16xf32> to vector<16xf32>
      %add3A_929 = arith.addf %add3A_922, %get3A_928 : vector<16xf32>
      %add3A_930 = arith.constant 3 : i32
      %add3A_931 = arith.addi %mul3A_912, %add3A_930 : i32
      %get3A_932 = arith.index_cast %add3A_931 : i32 to index
      %get3A_933 = arith.constant 0 : index
      %get3A_934 = tpu.vector_load %arg6[%get3A_932, %get3A_933] {strides = array<i32>} : memref<320x128xf32, #tpu.memory_space<vmem>>, vector<1x16xf32>,
      %get3A_935 = vector.shape_cast %get3A_934 : vector<1x16xf32> to vector<16xf32>
      %add3A_936 = arith.addf %add3A_929, %get3A_935 : vector<16xf32>
      %add3A_937 = arith.constant 4 : i32
      %add3A_938 = arith.addi %mul3A_912, %add3A_937 : i32
      %get3A_939 = arith.index_cast %add3A_938 : i32 to index
      %get3A_940 = arith.constant 0 : index
      %get3A_941 = tpu.vector_load %arg6[%get3A_939, %get3A_940] {strides = array<i32>} : memref<320x128xf32, #tpu.memory_space<vmem>>, vector<1x16xf32>,
      %get3A_942 = vector.shape_cast %get3A_941 : vector<1x16xf32> to vector<16xf32>
      %add3A_943 = arith.addf %add3A_936, %get3A_942 : vector<16xf32>
      %add3A_944 = arith.constant 5 : i32
      %add3A_945 = arith.addi %mul3A_912, %add3A_944 : i32
      %get3A_946 = arith.index_cast %add3A_945 : i32 to index
      %get3A_947 = arith.constant 0 : index
      %get3A_948 = tpu.vector_load %arg6[%get3A_946, %get3A_947] {strides = array<i32>} : memref<320x128xf32, #tpu.memory_space<vmem>>, vector<1x16xf32>,
      %get3A_949 = vector.shape_cast %get3A_948 : vector<1x16xf32> to vector<16xf32>
      %add3A_950 = arith.addf %add3A_943, %get3A_949 : vector<16xf32>
      %add3A_951 = arith.constant 6 : i32
      %add3A_952 = arith.addi %mul3A_912, %add3A_951 : i32
      %get3A_953 = arith.index_cast %add3A_952 : i32 to index
      %get3A_954 = arith.constant 0 : index
      %get3A_955 = tpu.vector_load %arg6[%get3A_953, %get3A_954] {strides = array<i32>} : memref<320x128xf32, #tpu.memory_space<vmem>>, vector<1x16xf32>,
      %get3A_956 = vector.shape_cast %get3A_955 : vector<1x16xf32> to vector<16xf32>
      %add3A_957 = arith.addf %add3A_950, %get3A_956 : vector<16xf32>
      %add3A_958 = arith.constant 7 : i32
      %add3A_959 = arith.addi %mul3A_912, %add3A_958 : i32
      %get3A_960 = arith.index_cast %add3A_959 : i32 to index
      %get3A_961 = arith.constant 0 : index
      %get3A_962 = tpu.vector_load %arg6[%get3A_960, %get3A_961] {strides = array<i32>} : memref<320x128xf32, #tpu.memory_space<vmem>>, vector<1x16xf32>,
      %get3A_963 = vector.shape_cast %get3A_962 : vector<1x16xf32> to vector<16xf32>
      %add3A_964 = arith.addf %add3A_957, %get3A_963 : vector<16xf32>
      %add3A_965 = arith.constant 8 : i32
      %add3A_966 = arith.addi %mul3A_912, %add3A_965 : i32
      %get3A_967 = arith.index_cast %add3A_966 : i32 to index
      %get3A_968 = arith.constant 0 : index
      %get3A_969 = tpu.vector_load %arg6[%get3A_967, %get3A_968] {strides = array<i32>} : memref<320x128xf32, #tpu.memory_space<vmem>>, vector<1x16xf32>,
      %get3A_970 = vector.shape_cast %get3A_969 : vector<1x16xf32> to vector<16xf32>
      %add3A_971 = arith.addf %add3A_964, %get3A_970 : vector<16xf32>
      %add3A_972 = arith.constant 9 : i32
      %add3A_973 = arith.addi %mul3A_912, %add3A_972 : i32
      %get3A_974 = arith.index_cast %add3A_973 : i32 to index
      %get3A_975 = arith.constant 0 : index
      %get3A_976 = tpu.vector_load %arg6[%get3A_974, %get3A_975] {strides = array<i32>} : memref<320x128xf32, #tpu.memory_space<vmem>>, vector<1x16xf32>,
      %get3A_977 = vector.shape_cast %get3A_976 : vector<1x16xf32> to vector<16xf32>
      %add3A_978 = arith.addf %add3A_971, %get3A_977 : vector<16xf32>
      %add3A_979 = arith.constant 10 : i32
      %add3A_980 = arith.addi %mul3A_912, %add3A_979 : i32
      %get3A_981 = arith.index_cast %add3A_980 : i32 to index
      %get3A_982 = arith.constant 0 : index
      %get3A_983 = tpu.vector_load %arg6[%get3A_981, %get3A_982] {strides = array<i32>} : memref<320x128xf32, #tpu.memory_space<vmem>>, vector<1x16xf32>,
      %get3A_984 = vector.shape_cast %get3A_983 : vector<1x16xf32> to vector<16xf32>
      %add3A_985 = arith.addf %add3A_978, %get3A_984 : vector<16xf32>
      %add3A_986 = arith.constant 11 : i32
      %add3A_987 = arith.addi %mul3A_912, %add3A_986 : i32
      %get3A_988 = arith.index_cast %add3A_987 : i32 to index
      %get3A_989 = arith.constant 0 : index
      %get3A_990 = tpu.vector_load %arg6[%get3A_988, %get3A_989] {strides = array<i32>} : memref<320x128xf32, #tpu.memory_space<vmem>>, vector<1x16xf32>,
      %get3A_991 = vector.shape_cast %get3A_990 : vector<1x16xf32> to vector<16xf32>
      %add3A_992 = arith.addf %add3A_985, %get3A_991 : vector<16xf32>
      %add3A_993 = arith.constant 12 : i32
      %add3A_994 = arith.addi %mul3A_912, %add3A_993 : i32
      %get3A_995 = arith.index_cast %add3A_994 : i32 to index
      %get3A_996 = arith.constant 0 : index
      %get3A_997 = tpu.vector_load %arg6[%get3A_995, %get3A_996] {strides = array<i32>} : memref<320x128xf32, #tpu.memory_space<vmem>>, vector<1x16xf32>,
      %get3A_998 = vector.shape_cast %get3A_997 : vector<1x16xf32> to vector<16xf32>
      %add3A_999 = arith.addf %add3A_992, %get3A_998 : vector<16xf32>
      %add3A_1000 = arith.constant 13 : i32
      %add3A_1001 = arith.addi %mul3A_912, %add3A_1000 : i32
      %get3A_1002 = arith.index_cast %add3A_1001 : i32 to index
      %get3A_1003 = arith.constant 0 : index
      %get3A_1004 = tpu.vector_load %arg6[%get3A_1002, %get3A_1003] {strides = array<i32>} : memref<320x128xf32, #tpu.memory_space<vmem>>, vector<1x16xf32>,
      %get3A_1005 = vector.shape_cast %get3A_1004 : vector<1x16xf32> to vector<16xf32>
      %add3A_1006 = arith.addf %add3A_999, %get3A_1005 : vector<16xf32>
      %add3A_1007 = arith.constant 14 : i32
      %add3A_1008 = arith.addi %mul3A_912, %add3A_1007 : i32
      %get3A_1009 = arith.index_cast %add3A_1008 : i32 to index
      %get3A_1010 = arith.constant 0 : index
      %get3A_1011 = tpu.vector_load %arg6[%get3A_1009, %get3A_1010] {strides = array<i32>} : memref<320x128xf32, #tpu.memory_space<vmem>>, vector<1x16xf32>,
      %get3A_1012 = vector.shape_cast %get3A_1011 : vector<1x16xf32> to vector<16xf32>
      %add3A_1013 = arith.addf %add3A_1006, %get3A_1012 : vector<16xf32>
      %add3A_1014 = arith.constant 15 : i32
      %add3A_1015 = arith.addi %mul3A_912, %add3A_1014 : i32
      %get3A_1016 = arith.index_cast %add3A_1015 : i32 to index
      %get3A_1017 = arith.constant 0 : index
      %get3A_1018 = tpu.vector_load %arg6[%get3A_1016, %get3A_1017] {strides = array<i32>} : memref<320x128xf32, #tpu.memory_space<vmem>>, vector<1x16xf32>,
      %get3A_1019 = vector.shape_cast %get3A_1018 : vector<1x16xf32> to vector<16xf32>
      %add3A_1020 = arith.addf %add3A_1013, %get3A_1019 : vector<16xf32>
      %add3A_1021 = arith.constant 16 : i32
      %add3A_1022 = arith.addi %mul3A_912, %add3A_1021 : i32
      %get3A_1023 = arith.index_cast %add3A_1022 : i32 to index
      %get3A_1024 = arith.constant 0 : index
      %get3A_1025 = tpu.vector_load %arg6[%get3A_1023, %get3A_1024] {strides = array<i32>} : memref<320x128xf32, #tpu.memory_space<vmem>>, vector<1x16xf32>,
      %get3A_1026 = vector.shape_cast %get3A_1025 : vector<1x16xf32> to vector<16xf32>
      %add3A_1027 = arith.addf %add3A_1020, %get3A_1026 : vector<16xf32>
      %add3A_1028 = arith.constant 17 : i32
      %add3A_1029 = arith.addi %mul3A_912, %add3A_1028 : i32
      %get3A_1030 = arith.index_cast %add3A_1029 : i32 to index
      %get3A_1031 = arith.constant 0 : index
      %get3A_1032 = tpu.vector_load %arg6[%get3A_1030, %get3A_1031] {strides = array<i32>} : memref<320x128xf32, #tpu.memory_space<vmem>>, vector<1x16xf32>,
      %get3A_1033 = vector.shape_cast %get3A_1032 : vector<1x16xf32> to vector<16xf32>
      %add3A_1034 = arith.addf %add3A_1027, %get3A_1033 : vector<16xf32>
      %add3A_1035 = arith.constant 18 : i32
      %add3A_1036 = arith.addi %mul3A_912, %add3A_1035 : i32
      %get3A_1037 = arith.index_cast %add3A_1036 : i32 to index
      %get3A_1038 = arith.constant 0 : index
      %get3A_1039 = tpu.vector_load %arg6[%get3A_1037, %get3A_1038] {strides = array<i32>} : memref<320x128xf32, #tpu.memory_space<vmem>>, vector<1x16xf32>,
      %get3A_1040 = vector.shape_cast %get3A_1039 : vector<1x16xf32> to vector<16xf32>
      %add3A_1041 = arith.addf %add3A_1034, %get3A_1040 : vector<16xf32>
      %add3A_1042 = arith.constant 19 : i32
      %add3A_1043 = arith.addi %mul3A_912, %add3A_1042 : i32
      %get3A_1044 = arith.index_cast %add3A_1043 : i32 to index
      %get3A_1045 = arith.constant 0 : index
      %get3A_1046 = tpu.vector_load %arg6[%get3A_1044, %get3A_1045] {strides = array<i32>} : memref<320x128xf32, #tpu.memory_space<vmem>>, vector<1x16xf32>,
      %get3A_1047 = vector.shape_cast %get3A_1046 : vector<1x16xf32> to vector<16xf32>
      %add3A_1048 = arith.addf %add3A_1041, %get3A_1047 : vector<16xf32>
      %mul3A_1049 = arith.constant 5.000000e-02 : f32
      %mul3A_1050 = vector.broadcast %mul3A_1049 : f32 to vector<16xf32>
      %mul3A_1051 = arith.mulf %add3A_1048, %mul3A_1050 : vector<16xf32>
      %add3A_1052 = arith.constant 0 : i32
      %add3A_1053 = arith.addi %add3A_1052, %scan3A_910 : i32
      %swap3A = arith.index_cast %add3A_1053 : i32 to index
      %swap3A_1054 = arith.constant 0 : index
      %swap3A_1055 = tpu.vector_load %arg8[%swap3A, %swap3A_1054] {strides = array<i32>} : memref<32x128xf32, #tpu.memory_space<vmem>>, vector<1x16xf32>,
      %swap3A_1056 = vector.shape_cast %swap3A_1055 : vector<1x16xf32> to vector<16xf32>
      %swap3A_1057 = vector.shape_cast %mul3A_1051 : vector<16xf32> to vector<1x16xf32>
      tpu.vector_store %arg8[%swap3A, %swap3A_1054], %swap3A_1057 {strides = array<i32>} : memref<32x128xf32, #tpu.memory_space<vmem>>, vector<1x16xf32>,
      %get3A_1058 = arith.index_cast %mul3A_912 : i32 to index
      %get3A_1059 = arith.constant 16 : index
      %get3A_1060 = tpu.vector_load %arg6[%get3A_1058, %get3A_1059] {strides = array<i32>} : memref<320x128xf32, #tpu.memory_space<vmem>>, vector<1x16xf32>,
      %get3A_1061 = vector.shape_cast %get3A_1060 : vector<1x16xf32> to vector<16xf32>
      %add3A_1062 = arith.constant 1 : i32
      %add3A_1063 = arith.addi %mul3A_912, %add3A_1062 : i32
      %get3A_1064 = arith.index_cast %add3A_1063 : i32 to index
      %get3A_1065 = arith.constant 16 : index
      %get3A_1066 = tpu.vector_load %arg6[%get3A_1064, %get3A_1065] {strides = array<i32>} : memref<320x128xf32, #tpu.memory_space<vmem>>, vector<1x16xf32>,
      %get3A_1067 = vector.shape_cast %get3A_1066 : vector<1x16xf32> to vector<16xf32>
      %add3A_1068 = arith.addf %get3A_1061, %get3A_1067 : vector<16xf32>
      %add3A_1069 = arith.constant 2 : i32
      %add3A_1070 = arith.addi %mul3A_912, %add3A_1069 : i32
      %get3A_1071 = arith.index_cast %add3A_1070 : i32 to index
      %get3A_1072 = arith.constant 16 : index
      %get3A_1073 = tpu.vector_load %arg6[%get3A_1071, %get3A_1072] {strides = array<i32>} : memref<320x128xf32, #tpu.memory_space<vmem>>, vector<1x16xf32>,
      %get3A_1074 = vector.shape_cast %get3A_1073 : vector<1x16xf32> to vector<16xf32>
      %add3A_1075 = arith.addf %add3A_1068, %get3A_1074 : vector<16xf32>
      %add3A_1076 = arith.constant 3 : i32
      %add3A_1077 = arith.addi %mul3A_912, %add3A_1076 : i32
      %get3A_1078 = arith.index_cast %add3A_1077 : i32 to index
      %get3A_1079 = arith.constant 16 : index
      %get3A_1080 = tpu.vector_load %arg6[%get3A_1078, %get3A_1079] {strides = array<i32>} : memref<320x128xf32, #tpu.memory_space<vmem>>, vector<1x16xf32>,
      %get3A_1081 = vector.shape_cast %get3A_1080 : vector<1x16xf32> to vector<16xf32>
      %add3A_1082 = arith.addf %add3A_1075, %get3A_1081 : vector<16xf32>
      %add3A_1083 = arith.constant 4 : i32
      %add3A_1084 = arith.addi %mul3A_912, %add3A_1083 : i32
      %get3A_1085 = arith.index_cast %add3A_1084 : i32 to index
      %get3A_1086 = arith.constant 16 : index
      %get3A_1087 = tpu.vector_load %arg6[%get3A_1085, %get3A_1086] {strides = array<i32>} : memref<320x128xf32, #tpu.memory_space<vmem>>, vector<1x16xf32>,
      %get3A_1088 = vector.shape_cast %get3A_1087 : vector<1x16xf32> to vector<16xf32>
      %add3A_1089 = arith.addf %add3A_1082, %get3A_1088 : vector<16xf32>
      %add3A_1090 = arith.constant 5 : i32
      %add3A_1091 = arith.addi %mul3A_912, %add3A_1090 : i32
      %get3A_1092 = arith.index_cast %add3A_1091 : i32 to index
      %get3A_1093 = arith.constant 16 : index
      %get3A_1094 = tpu.vector_load %arg6[%get3A_1092, %get3A_1093] {strides = array<i32>} : memref<320x128xf32, #tpu.memory_space<vmem>>, vector<1x16xf32>,
      %get3A_1095 = vector.shape_cast %get3A_1094 : vector<1x16xf32> to vector<16xf32>
      %add3A_1096 = arith.addf %add3A_1089, %get3A_1095 : vector<16xf32>
      %add3A_1097 = arith.constant 6 : i32
      %add3A_1098 = arith.addi %mul3A_912, %add3A_1097 : i32
      %get3A_1099 = arith.index_cast %add3A_1098 : i32 to index
      %get3A_1100 = arith.constant 16 : index
      %get3A_1101 = tpu.vector_load %arg6[%get3A_1099, %get3A_1100] {strides = array<i32>} : memref<320x128xf32, #tpu.memory_space<vmem>>, vector<1x16xf32>,
      %get3A_1102 = vector.shape_cast %get3A_1101 : vector<1x16xf32> to vector<16xf32>
      %add3A_1103 = arith.addf %add3A_1096, %get3A_1102 : vector<16xf32>
      %add3A_1104 = arith.constant 7 : i32
      %add3A_1105 = arith.addi %mul3A_912, %add3A_1104 : i32
      %get3A_1106 = arith.index_cast %add3A_1105 : i32 to index
      %get3A_1107 = arith.constant 16 : index
      %get3A_1108 = tpu.vector_load %arg6[%get3A_1106, %get3A_1107] {strides = array<i32>} : memref<320x128xf32, #tpu.memory_space<vmem>>, vector<1x16xf32>,
      %get3A_1109 = vector.shape_cast %get3A_1108 : vector<1x16xf32> to vector<16xf32>
      %add3A_1110 = arith.addf %add3A_1103, %get3A_1109 : vector<16xf32>
      %add3A_1111 = arith.constant 8 : i32
      %add3A_1112 = arith.addi %mul3A_912, %add3A_1111 : i32
      %get3A_1113 = arith.index_cast %add3A_1112 : i32 to index
      %get3A_1114 = arith.constant 16 : index
      %get3A_1115 = tpu.vector_load %arg6[%get3A_1113, %get3A_1114] {strides = array<i32>} : memref<320x128xf32, #tpu.memory_space<vmem>>, vector<1x16xf32>,
      %get3A_1116 = vector.shape_cast %get3A_1115 : vector<1x16xf32> to vector<16xf32>
      %add3A_1117 = arith.addf %add3A_1110, %get3A_1116 : vector<16xf32>
      %add3A_1118 = arith.constant 9 : i32
      %add3A_1119 = arith.addi %mul3A_912, %add3A_1118 : i32
      %get3A_1120 = arith.index_cast %add3A_1119 : i32 to index
      %get3A_1121 = arith.constant 16 : index
      %get3A_1122 = tpu.vector_load %arg6[%get3A_1120, %get3A_1121] {strides = array<i32>} : memref<320x128xf32, #tpu.memory_space<vmem>>, vector<1x16xf32>,
      %get3A_1123 = vector.shape_cast %get3A_1122 : vector<1x16xf32> to vector<16xf32>
      %add3A_1124 = arith.addf %add3A_1117, %get3A_1123 : vector<16xf32>
      %add3A_1125 = arith.constant 10 : i32
      %add3A_1126 = arith.addi %mul3A_912, %add3A_1125 : i32
      %get3A_1127 = arith.index_cast %add3A_1126 : i32 to index
      %get3A_1128 = arith.constant 16 : index
      %get3A_1129 = tpu.vector_load %arg6[%get3A_1127, %get3A_1128] {strides = array<i32>} : memref<320x128xf32, #tpu.memory_space<vmem>>, vector<1x16xf32>,
      %get3A_1130 = vector.shape_cast %get3A_1129 : vector<1x16xf32> to vector<16xf32>
      %add3A_1131 = arith.addf %add3A_1124, %get3A_1130 : vector<16xf32>
      %add3A_1132 = arith.constant 11 : i32
      %add3A_1133 = arith.addi %mul3A_912, %add3A_1132 : i32
      %get3A_1134 = arith.index_cast %add3A_1133 : i32 to index
      %get3A_1135 = arith.constant 16 : index
      %get3A_1136 = tpu.vector_load %arg6[%get3A_1134, %get3A_1135] {strides = array<i32>} : memref<320x128xf32, #tpu.memory_space<vmem>>, vector<1x16xf32>,
      %get3A_1137 = vector.shape_cast %get3A_1136 : vector<1x16xf32> to vector<16xf32>
      %add3A_1138 = arith.addf %add3A_1131, %get3A_1137 : vector<16xf32>
      %add3A_1139 = arith.constant 12 : i32
      %add3A_1140 = arith.addi %mul3A_912, %add3A_1139 : i32
      %get3A_1141 = arith.index_cast %add3A_1140 : i32 to index
      %get3A_1142 = arith.constant 16 : index
      %get3A_1143 = tpu.vector_load %arg6[%get3A_1141, %get3A_1142] {strides = array<i32>} : memref<320x128xf32, #tpu.memory_space<vmem>>, vector<1x16xf32>,
      %get3A_1144 = vector.shape_cast %get3A_1143 : vector<1x16xf32> to vector<16xf32>
      %add3A_1145 = arith.addf %add3A_1138, %get3A_1144 : vector<16xf32>
      %add3A_1146 = arith.constant 13 : i32
      %add3A_1147 = arith.addi %mul3A_912, %add3A_1146 : i32
      %get3A_1148 = arith.index_cast %add3A_1147 : i32 to index
      %get3A_1149 = arith.constant 16 : index
      %get3A_1150 = tpu.vector_load %arg6[%get3A_1148, %get3A_1149] {strides = array<i32>} : memref<320x128xf32, #tpu.memory_space<vmem>>, vector<1x16xf32>,
      %get3A_1151 = vector.shape_cast %get3A_1150 : vector<1x16xf32> to vector<16xf32>
      %add3A_1152 = arith.addf %add3A_1145, %get3A_1151 : vector<16xf32>
      %add3A_1153 = arith.constant 14 : i32
      %add3A_1154 = arith.addi %mul3A_912, %add3A_1153 : i32
      %get3A_1155 = arith.index_cast %add3A_1154 : i32 to index
      %get3A_1156 = arith.constant 16 : index
      %get3A_1157 = tpu.vector_load %arg6[%get3A_1155, %get3A_1156] {strides = array<i32>} : memref<320x128xf32, #tpu.memory_space<vmem>>, vector<1x16xf32>,
      %get3A_1158 = vector.shape_cast %get3A_1157 : vector<1x16xf32> to vector<16xf32>
      %add3A_1159 = arith.addf %add3A_1152, %get3A_1158 : vector<16xf32>
      %add3A_1160 = arith.constant 15 : i32
      %add3A_1161 = arith.addi %mul3A_912, %add3A_1160 : i32
      %get3A_1162 = arith.index_cast %add3A_1161 : i32 to index
      %get3A_1163 = arith.constant 16 : index
      %get3A_1164 = tpu.vector_load %arg6[%get3A_1162, %get3A_1163] {strides = array<i32>} : memref<320x128xf32, #tpu.memory_space<vmem>>, vector<1x16xf32>,
      %get3A_1165 = vector.shape_cast %get3A_1164 : vector<1x16xf32> to vector<16xf32>
      %add3A_1166 = arith.addf %add3A_1159, %get3A_1165 : vector<16xf32>
      %add3A_1167 = arith.constant 16 : i32
      %add3A_1168 = arith.addi %mul3A_912, %add3A_1167 : i32
      %get3A_1169 = arith.index_cast %add3A_1168 : i32 to index
      %get3A_1170 = arith.constant 16 : index
      %get3A_1171 = tpu.vector_load %arg6[%get3A_1169, %get3A_1170] {strides = array<i32>} : memref<320x128xf32, #tpu.memory_space<vmem>>, vector<1x16xf32>,
      %get3A_1172 = vector.shape_cast %get3A_1171 : vector<1x16xf32> to vector<16xf32>
      %add3A_1173 = arith.addf %add3A_1166, %get3A_1172 : vector<16xf32>
      %add3A_1174 = arith.constant 17 : i32
      %add3A_1175 = arith.addi %mul3A_912, %add3A_1174 : i32
      %get3A_1176 = arith.index_cast %add3A_1175 : i32 to index
      %get3A_1177 = arith.constant 16 : index
      %get3A_1178 = tpu.vector_load %arg6[%get3A_1176, %get3A_1177] {strides = array<i32>} : memref<320x128xf32, #tpu.memory_space<vmem>>, vector<1x16xf32>,
      %get3A_1179 = vector.shape_cast %get3A_1178 : vector<1x16xf32> to vector<16xf32>
      %add3A_1180 = arith.addf %add3A_1173, %get3A_1179 : vector<16xf32>
      %add3A_1181 = arith.constant 18 : i32
      %add3A_1182 = arith.addi %mul3A_912, %add3A_1181 : i32
      %get3A_1183 = arith.index_cast %add3A_1182 : i32 to index
      %get3A_1184 = arith.constant 16 : index
      %get3A_1185 = tpu.vector_load %arg6[%get3A_1183, %get3A_1184] {strides = array<i32>} : memref<320x128xf32, #tpu.memory_space<vmem>>, vector<1x16xf32>,
      %get3A_1186 = vector.shape_cast %get3A_1185 : vector<1x16xf32> to vector<16xf32>
      %add3A_1187 = arith.addf %add3A_1180, %get3A_1186 : vector<16xf32>
      %add3A_1188 = arith.constant 19 : i32
      %add3A_1189 = arith.addi %mul3A_912, %add3A_1188 : i32
      %get3A_1190 = arith.index_cast %add3A_1189 : i32 to index
      %get3A_1191 = arith.constant 16 : index
      %get3A_1192 = tpu.vector_load %arg6[%get3A_1190, %get3A_1191] {strides = array<i32>} : memref<320x128xf32, #tpu.memory_space<vmem>>, vector<1x16xf32>,
      %get3A_1193 = vector.shape_cast %get3A_1192 : vector<1x16xf32> to vector<16xf32>
      %add3A_1194 = arith.addf %add3A_1187, %get3A_1193 : vector<16xf32>
      %mul3A_1195 = arith.constant 5.000000e-02 : f32
      %mul3A_1196 = vector.broadcast %mul3A_1195 : f32 to vector<16xf32>
      %mul3A_1197 = arith.mulf %add3A_1194, %mul3A_1196 : vector<16xf32>
      %add3A_1198 = arith.constant 0 : i32
      %add3A_1199 = arith.addi %add3A_1198, %scan3A_910 : i32
      %swap3A_1200 = arith.index_cast %add3A_1199 : i32 to index
      %swap3A_1201 = arith.constant 16 : index
      %swap3A_1202 = tpu.vector_load %arg8[%swap3A_1200, %swap3A_1201] {strides = array<i32>} : memref<32x128xf32, #tpu.memory_space<vmem>>, vector<1x16xf32>,
      %swap3A_1203 = vector.shape_cast %swap3A_1202 : vector<1x16xf32> to vector<16xf32>
      %swap3A_1204 = vector.shape_cast %mul3A_1197 : vector<16xf32> to vector<1x16xf32>
      tpu.vector_store %arg8[%swap3A_1200, %swap3A_1201], %swap3A_1204 {strides = array<i32>} : memref<32x128xf32, #tpu.memory_space<vmem>>, vector<1x16xf32>,
      %get3A_1205 = arith.index_cast %mul3A_912 : i32 to index
      %get3A_1206 = arith.constant 32 : index
      %get3A_1207 = tpu.vector_load %arg6[%get3A_1205, %get3A_1206] {strides = array<i32>} : memref<320x128xf32, #tpu.memory_space<vmem>>, vector<1x16xf32>,
      %get3A_1208 = vector.shape_cast %get3A_1207 : vector<1x16xf32> to vector<16xf32>
      %add3A_1209 = arith.constant 1 : i32
      %add3A_1210 = arith.addi %mul3A_912, %add3A_1209 : i32
      %get3A_1211 = arith.index_cast %add3A_1210 : i32 to index
      %get3A_1212 = arith.constant 32 : index
      %get3A_1213 = tpu.vector_load %arg6[%get3A_1211, %get3A_1212] {strides = array<i32>} : memref<320x128xf32, #tpu.memory_space<vmem>>, vector<1x16xf32>,
      %get3A_1214 = vector.shape_cast %get3A_1213 : vector<1x16xf32> to vector<16xf32>
      %add3A_1215 = arith.addf %get3A_1208, %get3A_1214 : vector<16xf32>
      %add3A_1216 = arith.constant 2 : i32
      %add3A_1217 = arith.addi %mul3A_912, %add3A_1216 : i32
      %get3A_1218 = arith.index_cast %add3A_1217 : i32 to index
      %get3A_1219 = arith.constant 32 : index
      %get3A_1220 = tpu.vector_load %arg6[%get3A_1218, %get3A_1219] {strides = array<i32>} : memref<320x128xf32, #tpu.memory_space<vmem>>, vector<1x16xf32>,
      %get3A_1221 = vector.shape_cast %get3A_1220 : vector<1x16xf32> to vector<16xf32>
      %add3A_1222 = arith.addf %add3A_1215, %get3A_1221 : vector<16xf32>
      %add3A_1223 = arith.constant 3 : i32
      %add3A_1224 = arith.addi %mul3A_912, %add3A_1223 : i32
      %get3A_1225 = arith.index_cast %add3A_1224 : i32 to index
      %get3A_1226 = arith.constant 32 : index
      %get3A_1227 = tpu.vector_load %arg6[%get3A_1225, %get3A_1226] {strides = array<i32>} : memref<320x128xf32, #tpu.memory_space<vmem>>, vector<1x16xf32>,
      %get3A_1228 = vector.shape_cast %get3A_1227 : vector<1x16xf32> to vector<16xf32>
      %add3A_1229 = arith.addf %add3A_1222, %get3A_1228 : vector<16xf32>
      %add3A_1230 = arith.constant 4 : i32
      %add3A_1231 = arith.addi %mul3A_912, %add3A_1230 : i32
      %get3A_1232 = arith.index_cast %add3A_1231 : i32 to index
      %get3A_1233 = arith.constant 32 : index
      %get3A_1234 = tpu.vector_load %arg6[%get3A_1232, %get3A_1233] {strides = array<i32>} : memref<320x128xf32, #tpu.memory_space<vmem>>, vector<1x16xf32>,
      %get3A_1235 = vector.shape_cast %get3A_1234 : vector<1x16xf32> to vector<16xf32>
      %add3A_1236 = arith.addf %add3A_1229, %get3A_1235 : vector<16xf32>
      %add3A_1237 = arith.constant 5 : i32
      %add3A_1238 = arith.addi %mul3A_912, %add3A_1237 : i32
      %get3A_1239 = arith.index_cast %add3A_1238 : i32 to index
      %get3A_1240 = arith.constant 32 : index
      %get3A_1241 = tpu.vector_load %arg6[%get3A_1239, %get3A_1240] {strides = array<i32>} : memref<320x128xf32, #tpu.memory_space<vmem>>, vector<1x16xf32>,
      %get3A_1242 = vector.shape_cast %get3A_1241 : vector<1x16xf32> to vector<16xf32>
      %add3A_1243 = arith.addf %add3A_1236, %get3A_1242 : vector<16xf32>
      %add3A_1244 = arith.constant 6 : i32
      %add3A_1245 = arith.addi %mul3A_912, %add3A_1244 : i32
      %get3A_1246 = arith.index_cast %add3A_1245 : i32 to index
      %get3A_1247 = arith.constant 32 : index
      %get3A_1248 = tpu.vector_load %arg6[%get3A_1246, %get3A_1247] {strides = array<i32>} : memref<320x128xf32, #tpu.memory_space<vmem>>, vector<1x16xf32>,
      %get3A_1249 = vector.shape_cast %get3A_1248 : vector<1x16xf32> to vector<16xf32>
      %add3A_1250 = arith.addf %add3A_1243, %get3A_1249 : vector<16xf32>
      %add3A_1251 = arith.constant 7 : i32
      %add3A_1252 = arith.addi %mul3A_912, %add3A_1251 : i32
      %get3A_1253 = arith.index_cast %add3A_1252 : i32 to index
      %get3A_1254 = arith.constant 32 : index
      %get3A_1255 = tpu.vector_load %arg6[%get3A_1253, %get3A_1254] {strides = array<i32>} : memref<320x128xf32, #tpu.memory_space<vmem>>, vector<1x16xf32>,
      %get3A_1256 = vector.shape_cast %get3A_1255 : vector<1x16xf32> to vector<16xf32>
      %add3A_1257 = arith.addf %add3A_1250, %get3A_1256 : vector<16xf32>
      %add3A_1258 = arith.constant 8 : i32
      %add3A_1259 = arith.addi %mul3A_912, %add3A_1258 : i32
      %get3A_1260 = arith.index_cast %add3A_1259 : i32 to index
      %get3A_1261 = arith.constant 32 : index
      %get3A_1262 = tpu.vector_load %arg6[%get3A_1260, %get3A_1261] {strides = array<i32>} : memref<320x128xf32, #tpu.memory_space<vmem>>, vector<1x16xf32>,
      %get3A_1263 = vector.shape_cast %get3A_1262 : vector<1x16xf32> to vector<16xf32>
      %add3A_1264 = arith.addf %add3A_1257, %get3A_1263 : vector<16xf32>
      %add3A_1265 = arith.constant 9 : i32
      %add3A_1266 = arith.addi %mul3A_912, %add3A_1265 : i32
      %get3A_1267 = arith.index_cast %add3A_1266 : i32 to index
      %get3A_1268 = arith.constant 32 : index
      %get3A_1269 = tpu.vector_load %arg6[%get3A_1267, %get3A_1268] {strides = array<i32>} : memref<320x128xf32, #tpu.memory_space<vmem>>, vector<1x16xf32>,
      %get3A_1270 = vector.shape_cast %get3A_1269 : vector<1x16xf32> to vector<16xf32>
      %add3A_1271 = arith.addf %add3A_1264, %get3A_1270 : vector<16xf32>
      %add3A_1272 = arith.constant 10 : i32
      %add3A_1273 = arith.addi %mul3A_912, %add3A_1272 : i32
      %get3A_1274 = arith.index_cast %add3A_1273 : i32 to index
      %get3A_1275 = arith.constant 32 : index
      %get3A_1276 = tpu.vector_load %arg6[%get3A_1274, %get3A_1275] {strides = array<i32>} : memref<320x128xf32, #tpu.memory_space<vmem>>, vector<1x16xf32>,
      %get3A_1277 = vector.shape_cast %get3A_1276 : vector<1x16xf32> to vector<16xf32>
      %add3A_1278 = arith.addf %add3A_1271, %get3A_1277 : vector<16xf32>
      %add3A_1279 = arith.constant 11 : i32
      %add3A_1280 = arith.addi %mul3A_912, %add3A_1279 : i32
      %get3A_1281 = arith.index_cast %add3A_1280 : i32 to index
      %get3A_1282 = arith.constant 32 : index
      %get3A_1283 = tpu.vector_load %arg6[%get3A_1281, %get3A_1282] {strides = array<i32>} : memref<320x128xf32, #tpu.memory_space<vmem>>, vector<1x16xf32>,
      %get3A_1284 = vector.shape_cast %get3A_1283 : vector<1x16xf32> to vector<16xf32>
      %add3A_1285 = arith.addf %add3A_1278, %get3A_1284 : vector<16xf32>
      %add3A_1286 = arith.constant 12 : i32
      %add3A_1287 = arith.addi %mul3A_912, %add3A_1286 : i32
      %get3A_1288 = arith.index_cast %add3A_1287 : i32 to index
      %get3A_1289 = arith.constant 32 : index
      %get3A_1290 = tpu.vector_load %arg6[%get3A_1288, %get3A_1289] {strides = array<i32>} : memref<320x128xf32, #tpu.memory_space<vmem>>, vector<1x16xf32>,
      %get3A_1291 = vector.shape_cast %get3A_1290 : vector<1x16xf32> to vector<16xf32>
      %add3A_1292 = arith.addf %add3A_1285, %get3A_1291 : vector<16xf32>
      %add3A_1293 = arith.constant 13 : i32
      %add3A_1294 = arith.addi %mul3A_912, %add3A_1293 : i32
      %get3A_1295 = arith.index_cast %add3A_1294 : i32 to index
      %get3A_1296 = arith.constant 32 : index
      %get3A_1297 = tpu.vector_load %arg6[%get3A_1295, %get3A_1296] {strides = array<i32>} : memref<320x128xf32, #tpu.memory_space<vmem>>, vector<1x16xf32>,
      %get3A_1298 = vector.shape_cast %get3A_1297 : vector<1x16xf32> to vector<16xf32>
      %add3A_1299 = arith.addf %add3A_1292, %get3A_1298 : vector<16xf32>
      %add3A_1300 = arith.constant 14 : i32
      %add3A_1301 = arith.addi %mul3A_912, %add3A_1300 : i32
      %get3A_1302 = arith.index_cast %add3A_1301 : i32 to index
      %get3A_1303 = arith.constant 32 : index
      %get3A_1304 = tpu.vector_load %arg6[%get3A_1302, %get3A_1303] {strides = array<i32>} : memref<320x128xf32, #tpu.memory_space<vmem>>, vector<1x16xf32>,
      %get3A_1305 = vector.shape_cast %get3A_1304 : vector<1x16xf32> to vector<16xf32>
      %add3A_1306 = arith.addf %add3A_1299, %get3A_1305 : vector<16xf32>
      %add3A_1307 = arith.constant 15 : i32
      %add3A_1308 = arith.addi %mul3A_912, %add3A_1307 : i32
      %get3A_1309 = arith.index_cast %add3A_1308 : i32 to index
      %get3A_1310 = arith.constant 32 : index
      %get3A_1311 = tpu.vector_load %arg6[%get3A_1309, %get3A_1310] {strides = array<i32>} : memref<320x128xf32, #tpu.memory_space<vmem>>, vector<1x16xf32>,
      %get3A_1312 = vector.shape_cast %get3A_1311 : vector<1x16xf32> to vector<16xf32>
      %add3A_1313 = arith.addf %add3A_1306, %get3A_1312 : vector<16xf32>
      %add3A_1314 = arith.constant 16 : i32
      %add3A_1315 = arith.addi %mul3A_912, %add3A_1314 : i32
      %get3A_1316 = arith.index_cast %add3A_1315 : i32 to index
      %get3A_1317 = arith.constant 32 : index
      %get3A_1318 = tpu.vector_load %arg6[%get3A_1316, %get3A_1317] {strides = array<i32>} : memref<320x128xf32, #tpu.memory_space<vmem>>, vector<1x16xf32>,
      %get3A_1319 = vector.shape_cast %get3A_1318 : vector<1x16xf32> to vector<16xf32>
      %add3A_1320 = arith.addf %add3A_1313, %get3A_1319 : vector<16xf32>
      %add3A_1321 = arith.constant 17 : i32
      %add3A_1322 = arith.addi %mul3A_912, %add3A_1321 : i32
      %get3A_1323 = arith.index_cast %add3A_1322 : i32 to index
      %get3A_1324 = arith.constant 32 : index
      %get3A_1325 = tpu.vector_load %arg6[%get3A_1323, %get3A_1324] {strides = array<i32>} : memref<320x128xf32, #tpu.memory_space<vmem>>, vector<1x16xf32>,
      %get3A_1326 = vector.shape_cast %get3A_1325 : vector<1x16xf32> to vector<16xf32>
      %add3A_1327 = arith.addf %add3A_1320, %get3A_1326 : vector<16xf32>
      %add3A_1328 = arith.constant 18 : i32
      %add3A_1329 = arith.addi %mul3A_912, %add3A_1328 : i32
      %get3A_1330 = arith.index_cast %add3A_1329 : i32 to index
      %get3A_1331 = arith.constant 32 : index
      %get3A_1332 = tpu.vector_load %arg6[%get3A_1330, %get3A_1331] {strides = array<i32>} : memref<320x128xf32, #tpu.memory_space<vmem>>, vector<1x16xf32>,
      %get3A_1333 = vector.shape_cast %get3A_1332 : vector<1x16xf32> to vector<16xf32>
      %add3A_1334 = arith.addf %add3A_1327, %get3A_1333 : vector<16xf32>
      %add3A_1335 = arith.constant 19 : i32
      %add3A_1336 = arith.addi %mul3A_912, %add3A_1335 : i32
      %get3A_1337 = arith.index_cast %add3A_1336 : i32 to index
      %get3A_1338 = arith.constant 32 : index
      %get3A_1339 = tpu.vector_load %arg6[%get3A_1337, %get3A_1338] {strides = array<i32>} : memref<320x128xf32, #tpu.memory_space<vmem>>, vector<1x16xf32>,
      %get3A_1340 = vector.shape_cast %get3A_1339 : vector<1x16xf32> to vector<16xf32>
      %add3A_1341 = arith.addf %add3A_1334, %get3A_1340 : vector<16xf32>
      %mul3A_1342 = arith.constant 5.000000e-02 : f32
      %mul3A_1343 = vector.broadcast %mul3A_1342 : f32 to vector<16xf32>
      %mul3A_1344 = arith.mulf %add3A_1341, %mul3A_1343 : vector<16xf32>
      %add3A_1345 = arith.constant 0 : i32
      %add3A_1346 = arith.addi %add3A_1345, %scan3A_910 : i32
      %swap3A_1347 = arith.index_cast %add3A_1346 : i32 to index
      %swap3A_1348 = arith.constant 32 : index
      %swap3A_1349 = tpu.vector_load %arg8[%swap3A_1347, %swap3A_1348] {strides = array<i32>} : memref<32x128xf32, #tpu.memory_space<vmem>>, vector<1x16xf32>,
      %swap3A_1350 = vector.shape_cast %swap3A_1349 : vector<1x16xf32> to vector<16xf32>
      %swap3A_1351 = vector.shape_cast %mul3A_1344 : vector<16xf32> to vector<1x16xf32>
      tpu.vector_store %arg8[%swap3A_1347, %swap3A_1348], %swap3A_1351 {strides = array<i32>} : memref<32x128xf32, #tpu.memory_space<vmem>>, vector<1x16xf32>,
      %get3A_1352 = arith.index_cast %mul3A_912 : i32 to index
      %get3A_1353 = arith.constant 48 : index
      %get3A_1354 = tpu.vector_load %arg6[%get3A_1352, %get3A_1353] {strides = array<i32>} : memref<320x128xf32, #tpu.memory_space<vmem>>, vector<1x16xf32>,
      %get3A_1355 = vector.shape_cast %get3A_1354 : vector<1x16xf32> to vector<16xf32>
      %add3A_1356 = arith.constant 1 : i32
      %add3A_1357 = arith.addi %mul3A_912, %add3A_1356 : i32
      %get3A_1358 = arith.index_cast %add3A_1357 : i32 to index
      %get3A_1359 = arith.constant 48 : index
      %get3A_1360 = tpu.vector_load %arg6[%get3A_1358, %get3A_1359] {strides = array<i32>} : memref<320x128xf32, #tpu.memory_space<vmem>>, vector<1x16xf32>,
      %get3A_1361 = vector.shape_cast %get3A_1360 : vector<1x16xf32> to vector<16xf32>
      %add3A_1362 = arith.addf %get3A_1355, %get3A_1361 : vector<16xf32>
      %add3A_1363 = arith.constant 2 : i32
      %add3A_1364 = arith.addi %mul3A_912, %add3A_1363 : i32
      %get3A_1365 = arith.index_cast %add3A_1364 : i32 to index
      %get3A_1366 = arith.constant 48 : index
      %get3A_1367 = tpu.vector_load %arg6[%get3A_1365, %get3A_1366] {strides = array<i32>} : memref<320x128xf32, #tpu.memory_space<vmem>>, vector<1x16xf32>,
      %get3A_1368 = vector.shape_cast %get3A_1367 : vector<1x16xf32> to vector<16xf32>
      %add3A_1369 = arith.addf %add3A_1362, %get3A_1368 : vector<16xf32>
      %add3A_1370 = arith.constant 3 : i32
      %add3A_1371 = arith.addi %mul3A_912, %add3A_1370 : i32
      %get3A_1372 = arith.index_cast %add3A_1371 : i32 to index
      %get3A_1373 = arith.constant 48 : index
      %get3A_1374 = tpu.vector_load %arg6[%get3A_1372, %get3A_1373] {strides = array<i32>} : memref<320x128xf32, #tpu.memory_space<vmem>>, vector<1x16xf32>,
      %get3A_1375 = vector.shape_cast %get3A_1374 : vector<1x16xf32> to vector<16xf32>
      %add3A_1376 = arith.addf %add3A_1369, %get3A_1375 : vector<16xf32>
      %add3A_1377 = arith.constant 4 : i32
      %add3A_1378 = arith.addi %mul3A_912, %add3A_1377 : i32
      %get3A_1379 = arith.index_cast %add3A_1378 : i32 to index
      %get3A_1380 = arith.constant 48 : index
      %get3A_1381 = tpu.vector_load %arg6[%get3A_1379, %get3A_1380] {strides = array<i32>} : memref<320x128xf32, #tpu.memory_space<vmem>>, vector<1x16xf32>,
      %get3A_1382 = vector.shape_cast %get3A_1381 : vector<1x16xf32> to vector<16xf32>
      %add3A_1383 = arith.addf %add3A_1376, %get3A_1382 : vector<16xf32>
      %add3A_1384 = arith.constant 5 : i32
      %add3A_1385 = arith.addi %mul3A_912, %add3A_1384 : i32
      %get3A_1386 = arith.index_cast %add3A_1385 : i32 to index
      %get3A_1387 = arith.constant 48 : index
      %get3A_1388 = tpu.vector_load %arg6[%get3A_1386, %get3A_1387] {strides = array<i32>} : memref<320x128xf32, #tpu.memory_space<vmem>>, vector<1x16xf32>,
      %get3A_1389 = vector.shape_cast %get3A_1388 : vector<1x16xf32> to vector<16xf32>
      %add3A_1390 = arith.addf %add3A_1383, %get3A_1389 : vector<16xf32>
      %add3A_1391 = arith.constant 6 : i32
      %add3A_1392 = arith.addi %mul3A_912, %add3A_1391 : i32
      %get3A_1393 = arith.index_cast %add3A_1392 : i32 to index
      %get3A_1394 = arith.constant 48 : index
      %get3A_1395 = tpu.vector_load %arg6[%get3A_1393, %get3A_1394] {strides = array<i32>} : memref<320x128xf32, #tpu.memory_space<vmem>>, vector<1x16xf32>,
      %get3A_1396 = vector.shape_cast %get3A_1395 : vector<1x16xf32> to vector<16xf32>
      %add3A_1397 = arith.addf %add3A_1390, %get3A_1396 : vector<16xf32>
      %add3A_1398 = arith.constant 7 : i32
      %add3A_1399 = arith.addi %mul3A_912, %add3A_1398 : i32
      %get3A_1400 = arith.index_cast %add3A_1399 : i32 to index
      %get3A_1401 = arith.constant 48 : index
      %get3A_1402 = tpu.vector_load %arg6[%get3A_1400, %get3A_1401] {strides = array<i32>} : memref<320x128xf32, #tpu.memory_space<vmem>>, vector<1x16xf32>,
      %get3A_1403 = vector.shape_cast %get3A_1402 : vector<1x16xf32> to vector<16xf32>
      %add3A_1404 = arith.addf %add3A_1397, %get3A_1403 : vector<16xf32>
      %add3A_1405 = arith.constant 8 : i32
      %add3A_1406 = arith.addi %mul3A_912, %add3A_1405 : i32
      %get3A_1407 = arith.index_cast %add3A_1406 : i32 to index
      %get3A_1408 = arith.constant 48 : index
      %get3A_1409 = tpu.vector_load %arg6[%get3A_1407, %get3A_1408] {strides = array<i32>} : memref<320x128xf32, #tpu.memory_space<vmem>>, vector<1x16xf32>,
      %get3A_1410 = vector.shape_cast %get3A_1409 : vector<1x16xf32> to vector<16xf32>
      %add3A_1411 = arith.addf %add3A_1404, %get3A_1410 : vector<16xf32>
      %add3A_1412 = arith.constant 9 : i32
      %add3A_1413 = arith.addi %mul3A_912, %add3A_1412 : i32
      %get3A_1414 = arith.index_cast %add3A_1413 : i32 to index
      %get3A_1415 = arith.constant 48 : index
      %get3A_1416 = tpu.vector_load %arg6[%get3A_1414, %get3A_1415] {strides = array<i32>} : memref<320x128xf32, #tpu.memory_space<vmem>>, vector<1x16xf32>,
      %get3A_1417 = vector.shape_cast %get3A_1416 : vector<1x16xf32> to vector<16xf32>
      %add3A_1418 = arith.addf %add3A_1411, %get3A_1417 : vector<16xf32>
      %add3A_1419 = arith.constant 10 : i32
      %add3A_1420 = arith.addi %mul3A_912, %add3A_1419 : i32
      %get3A_1421 = arith.index_cast %add3A_1420 : i32 to index
      %get3A_1422 = arith.constant 48 : index
      %get3A_1423 = tpu.vector_load %arg6[%get3A_1421, %get3A_1422] {strides = array<i32>} : memref<320x128xf32, #tpu.memory_space<vmem>>, vector<1x16xf32>,
      %get3A_1424 = vector.shape_cast %get3A_1423 : vector<1x16xf32> to vector<16xf32>
      %add3A_1425 = arith.addf %add3A_1418, %get3A_1424 : vector<16xf32>
      %add3A_1426 = arith.constant 11 : i32
      %add3A_1427 = arith.addi %mul3A_912, %add3A_1426 : i32
      %get3A_1428 = arith.index_cast %add3A_1427 : i32 to index
      %get3A_1429 = arith.constant 48 : index
      %get3A_1430 = tpu.vector_load %arg6[%get3A_1428, %get3A_1429] {strides = array<i32>} : memref<320x128xf32, #tpu.memory_space<vmem>>, vector<1x16xf32>,
      %get3A_1431 = vector.shape_cast %get3A_1430 : vector<1x16xf32> to vector<16xf32>
      %add3A_1432 = arith.addf %add3A_1425, %get3A_1431 : vector<16xf32>
      %add3A_1433 = arith.constant 12 : i32
      %add3A_1434 = arith.addi %mul3A_912, %add3A_1433 : i32
      %get3A_1435 = arith.index_cast %add3A_1434 : i32 to index
      %get3A_1436 = arith.constant 48 : index
      %get3A_1437 = tpu.vector_load %arg6[%get3A_1435, %get3A_1436] {strides = array<i32>} : memref<320x128xf32, #tpu.memory_space<vmem>>, vector<1x16xf32>,
      %get3A_1438 = vector.shape_cast %get3A_1437 : vector<1x16xf32> to vector<16xf32>
      %add3A_1439 = arith.addf %add3A_1432, %get3A_1438 : vector<16xf32>
      %add3A_1440 = arith.constant 13 : i32
      %add3A_1441 = arith.addi %mul3A_912, %add3A_1440 : i32
      %get3A_1442 = arith.index_cast %add3A_1441 : i32 to index
      %get3A_1443 = arith.constant 48 : index
      %get3A_1444 = tpu.vector_load %arg6[%get3A_1442, %get3A_1443] {strides = array<i32>} : memref<320x128xf32, #tpu.memory_space<vmem>>, vector<1x16xf32>,
      %get3A_1445 = vector.shape_cast %get3A_1444 : vector<1x16xf32> to vector<16xf32>
      %add3A_1446 = arith.addf %add3A_1439, %get3A_1445 : vector<16xf32>
      %add3A_1447 = arith.constant 14 : i32
      %add3A_1448 = arith.addi %mul3A_912, %add3A_1447 : i32
      %get3A_1449 = arith.index_cast %add3A_1448 : i32 to index
      %get3A_1450 = arith.constant 48 : index
      %get3A_1451 = tpu.vector_load %arg6[%get3A_1449, %get3A_1450] {strides = array<i32>} : memref<320x128xf32, #tpu.memory_space<vmem>>, vector<1x16xf32>,
      %get3A_1452 = vector.shape_cast %get3A_1451 : vector<1x16xf32> to vector<16xf32>
      %add3A_1453 = arith.addf %add3A_1446, %get3A_1452 : vector<16xf32>
      %add3A_1454 = arith.constant 15 : i32
      %add3A_1455 = arith.addi %mul3A_912, %add3A_1454 : i32
      %get3A_1456 = arith.index_cast %add3A_1455 : i32 to index
      %get3A_1457 = arith.constant 48 : index
      %get3A_1458 = tpu.vector_load %arg6[%get3A_1456, %get3A_1457] {strides = array<i32>} : memref<320x128xf32, #tpu.memory_space<vmem>>, vector<1x16xf32>,
      %get3A_1459 = vector.shape_cast %get3A_1458 : vector<1x16xf32> to vector<16xf32>
      %add3A_1460 = arith.addf %add3A_1453, %get3A_1459 : vector<16xf32>
      %add3A_1461 = arith.constant 16 : i32
      %add3A_1462 = arith.addi %mul3A_912, %add3A_1461 : i32
      %get3A_1463 = arith.index_cast %add3A_1462 : i32 to index
      %get3A_1464 = arith.constant 48 : index
      %get3A_1465 = tpu.vector_load %arg6[%get3A_1463, %get3A_1464] {strides = array<i32>} : memref<320x128xf32, #tpu.memory_space<vmem>>, vector<1x16xf32>,
      %get3A_1466 = vector.shape_cast %get3A_1465 : vector<1x16xf32> to vector<16xf32>
      %add3A_1467 = arith.addf %add3A_1460, %get3A_1466 : vector<16xf32>
      %add3A_1468 = arith.constant 17 : i32
      %add3A_1469 = arith.addi %mul3A_912, %add3A_1468 : i32
      %get3A_1470 = arith.index_cast %add3A_1469 : i32 to index
      %get3A_1471 = arith.constant 48 : index
      %get3A_1472 = tpu.vector_load %arg6[%get3A_1470, %get3A_1471] {strides = array<i32>} : memref<320x128xf32, #tpu.memory_space<vmem>>, vector<1x16xf32>,
      %get3A_1473 = vector.shape_cast %get3A_1472 : vector<1x16xf32> to vector<16xf32>
      %add3A_1474 = arith.addf %add3A_1467, %get3A_1473 : vector<16xf32>
      %add3A_1475 = arith.constant 18 : i32
      %add3A_1476 = arith.addi %mul3A_912, %add3A_1475 : i32
      %get3A_1477 = arith.index_cast %add3A_1476 : i32 to index
      %get3A_1478 = arith.constant 48 : index
      %get3A_1479 = tpu.vector_load %arg6[%get3A_1477, %get3A_1478] {strides = array<i32>} : memref<320x128xf32, #tpu.memory_space<vmem>>, vector<1x16xf32>,
      %get3A_1480 = vector.shape_cast %get3A_1479 : vector<1x16xf32> to vector<16xf32>
      %add3A_1481 = arith.addf %add3A_1474, %get3A_1480 : vector<16xf32>
      %add3A_1482 = arith.constant 19 : i32
      %add3A_1483 = arith.addi %mul3A_912, %add3A_1482 : i32
      %get3A_1484 = arith.index_cast %add3A_1483 : i32 to index
      %get3A_1485 = arith.constant 48 : index
      %get3A_1486 = tpu.vector_load %arg6[%get3A_1484, %get3A_1485] {strides = array<i32>} : memref<320x128xf32, #tpu.memory_space<vmem>>, vector<1x16xf32>,
      %get3A_1487 = vector.shape_cast %get3A_1486 : vector<1x16xf32> to vector<16xf32>
      %add3A_1488 = arith.addf %add3A_1481, %get3A_1487 : vector<16xf32>
      %mul3A_1489 = arith.constant 5.000000e-02 : f32
      %mul3A_1490 = vector.broadcast %mul3A_1489 : f32 to vector<16xf32>
      %mul3A_1491 = arith.mulf %add3A_1488, %mul3A_1490 : vector<16xf32>
      %add3A_1492 = arith.constant 0 : i32
      %add3A_1493 = arith.addi %add3A_1492, %scan3A_910 : i32
      %swap3A_1494 = arith.index_cast %add3A_1493 : i32 to index
      %swap3A_1495 = arith.constant 48 : index
      %swap3A_1496 = tpu.vector_load %arg8[%swap3A_1494, %swap3A_1495] {strides = array<i32>} : memref<32x128xf32, #tpu.memory_space<vmem>>, vector<1x16xf32>,
      %swap3A_1497 = vector.shape_cast %swap3A_1496 : vector<1x16xf32> to vector<16xf32>
      %swap3A_1498 = vector.shape_cast %mul3A_1491 : vector<16xf32> to vector<1x16xf32>
      tpu.vector_store %arg8[%swap3A_1494, %swap3A_1495], %swap3A_1498 {strides = array<i32>} : memref<32x128xf32, #tpu.memory_space<vmem>>, vector<1x16xf32>,
      %get3A_1499 = arith.index_cast %mul3A_912 : i32 to index
      %get3A_1500 = arith.constant 64 : index
      %get3A_1501 = tpu.vector_load %arg6[%get3A_1499, %get3A_1500] {strides = array<i32>} : memref<320x128xf32, #tpu.memory_space<vmem>>, vector<1x16xf32>,
      %get3A_1502 = vector.shape_cast %get3A_1501 : vector<1x16xf32> to vector<16xf32>
      %add3A_1503 = arith.constant 1 : i32
      %add3A_1504 = arith.addi %mul3A_912, %add3A_1503 : i32
      %get3A_1505 = arith.index_cast %add3A_1504 : i32 to index
      %get3A_1506 = arith.constant 64 : index
      %get3A_1507 = tpu.vector_load %arg6[%get3A_1505, %get3A_1506] {strides = array<i32>} : memref<320x128xf32, #tpu.memory_space<vmem>>, vector<1x16xf32>,
      %get3A_1508 = vector.shape_cast %get3A_1507 : vector<1x16xf32> to vector<16xf32>
      %add3A_1509 = arith.addf %get3A_1502, %get3A_1508 : vector<16xf32>
      %add3A_1510 = arith.constant 2 : i32
      %add3A_1511 = arith.addi %mul3A_912, %add3A_1510 : i32
      %get3A_1512 = arith.index_cast %add3A_1511 : i32 to index
      %get3A_1513 = arith.constant 64 : index
      %get3A_1514 = tpu.vector_load %arg6[%get3A_1512, %get3A_1513] {strides = array<i32>} : memref<320x128xf32, #tpu.memory_space<vmem>>, vector<1x16xf32>,
      %get3A_1515 = vector.shape_cast %get3A_1514 : vector<1x16xf32> to vector<16xf32>
      %add3A_1516 = arith.addf %add3A_1509, %get3A_1515 : vector<16xf32>
      %add3A_1517 = arith.constant 3 : i32
      %add3A_1518 = arith.addi %mul3A_912, %add3A_1517 : i32
      %get3A_1519 = arith.index_cast %add3A_1518 : i32 to index
      %get3A_1520 = arith.constant 64 : index
      %get3A_1521 = tpu.vector_load %arg6[%get3A_1519, %get3A_1520] {strides = array<i32>} : memref<320x128xf32, #tpu.memory_space<vmem>>, vector<1x16xf32>,
      %get3A_1522 = vector.shape_cast %get3A_1521 : vector<1x16xf32> to vector<16xf32>
      %add3A_1523 = arith.addf %add3A_1516, %get3A_1522 : vector<16xf32>
      %add3A_1524 = arith.constant 4 : i32
      %add3A_1525 = arith.addi %mul3A_912, %add3A_1524 : i32
      %get3A_1526 = arith.index_cast %add3A_1525 : i32 to index
      %get3A_1527 = arith.constant 64 : index
      %get3A_1528 = tpu.vector_load %arg6[%get3A_1526, %get3A_1527] {strides = array<i32>} : memref<320x128xf32, #tpu.memory_space<vmem>>, vector<1x16xf32>,
      %get3A_1529 = vector.shape_cast %get3A_1528 : vector<1x16xf32> to vector<16xf32>
      %add3A_1530 = arith.addf %add3A_1523, %get3A_1529 : vector<16xf32>
      %add3A_1531 = arith.constant 5 : i32
      %add3A_1532 = arith.addi %mul3A_912, %add3A_1531 : i32
      %get3A_1533 = arith.index_cast %add3A_1532 : i32 to index
      %get3A_1534 = arith.constant 64 : index
      %get3A_1535 = tpu.vector_load %arg6[%get3A_1533, %get3A_1534] {strides = array<i32>} : memref<320x128xf32, #tpu.memory_space<vmem>>, vector<1x16xf32>,
      %get3A_1536 = vector.shape_cast %get3A_1535 : vector<1x16xf32> to vector<16xf32>
      %add3A_1537 = arith.addf %add3A_1530, %get3A_1536 : vector<16xf32>
      %add3A_1538 = arith.constant 6 : i32
      %add3A_1539 = arith.addi %mul3A_912, %add3A_1538 : i32
      %get3A_1540 = arith.index_cast %add3A_1539 : i32 to index
      %get3A_1541 = arith.constant 64 : index
      %get3A_1542 = tpu.vector_load %arg6[%get3A_1540, %get3A_1541] {strides = array<i32>} : memref<320x128xf32, #tpu.memory_space<vmem>>, vector<1x16xf32>,
      %get3A_1543 = vector.shape_cast %get3A_1542 : vector<1x16xf32> to vector<16xf32>
      %add3A_1544 = arith.addf %add3A_1537, %get3A_1543 : vector<16xf32>
      %add3A_1545 = arith.constant 7 : i32
      %add3A_1546 = arith.addi %mul3A_912, %add3A_1545 : i32
      %get3A_1547 = arith.index_cast %add3A_1546 : i32 to index
      %get3A_1548 = arith.constant 64 : index
      %get3A_1549 = tpu.vector_load %arg6[%get3A_1547, %get3A_1548] {strides = array<i32>} : memref<320x128xf32, #tpu.memory_space<vmem>>, vector<1x16xf32>,
      %get3A_1550 = vector.shape_cast %get3A_1549 : vector<1x16xf32> to vector<16xf32>
      %add3A_1551 = arith.addf %add3A_1544, %get3A_1550 : vector<16xf32>
      %add3A_1552 = arith.constant 8 : i32
      %add3A_1553 = arith.addi %mul3A_912, %add3A_1552 : i32
      %get3A_1554 = arith.index_cast %add3A_1553 : i32 to index
      %get3A_1555 = arith.constant 64 : index
      %get3A_1556 = tpu.vector_load %arg6[%get3A_1554, %get3A_1555] {strides = array<i32>} : memref<320x128xf32, #tpu.memory_space<vmem>>, vector<1x16xf32>,
      %get3A_1557 = vector.shape_cast %get3A_1556 : vector<1x16xf32> to vector<16xf32>
      %add3A_1558 = arith.addf %add3A_1551, %get3A_1557 : vector<16xf32>
      %add3A_1559 = arith.constant 9 : i32
      %add3A_1560 = arith.addi %mul3A_912, %add3A_1559 : i32
      %get3A_1561 = arith.index_cast %add3A_1560 : i32 to index
      %get3A_1562 = arith.constant 64 : index
      %get3A_1563 = tpu.vector_load %arg6[%get3A_1561, %get3A_1562] {strides = array<i32>} : memref<320x128xf32, #tpu.memory_space<vmem>>, vector<1x16xf32>,
      %get3A_1564 = vector.shape_cast %get3A_1563 : vector<1x16xf32> to vector<16xf32>
      %add3A_1565 = arith.addf %add3A_1558, %get3A_1564 : vector<16xf32>
      %add3A_1566 = arith.constant 10 : i32
      %add3A_1567 = arith.addi %mul3A_912, %add3A_1566 : i32
      %get3A_1568 = arith.index_cast %add3A_1567 : i32 to index
      %get3A_1569 = arith.constant 64 : index
      %get3A_1570 = tpu.vector_load %arg6[%get3A_1568, %get3A_1569] {strides = array<i32>} : memref<320x128xf32, #tpu.memory_space<vmem>>, vector<1x16xf32>,
      %get3A_1571 = vector.shape_cast %get3A_1570 : vector<1x16xf32> to vector<16xf32>
      %add3A_1572 = arith.addf %add3A_1565, %get3A_1571 : vector<16xf32>
      %add3A_1573 = arith.constant 11 : i32
      %add3A_1574 = arith.addi %mul3A_912, %add3A_1573 : i32
      %get3A_1575 = arith.index_cast %add3A_1574 : i32 to index
      %get3A_1576 = arith.constant 64 : index
      %get3A_1577 = tpu.vector_load %arg6[%get3A_1575, %get3A_1576] {strides = array<i32>} : memref<320x128xf32, #tpu.memory_space<vmem>>, vector<1x16xf32>,
      %get3A_1578 = vector.shape_cast %get3A_1577 : vector<1x16xf32> to vector<16xf32>
      %add3A_1579 = arith.addf %add3A_1572, %get3A_1578 : vector<16xf32>
      %add3A_1580 = arith.constant 12 : i32
      %add3A_1581 = arith.addi %mul3A_912, %add3A_1580 : i32
      %get3A_1582 = arith.index_cast %add3A_1581 : i32 to index
      %get3A_1583 = arith.constant 64 : index
      %get3A_1584 = tpu.vector_load %arg6[%get3A_1582, %get3A_1583] {strides = array<i32>} : memref<320x128xf32, #tpu.memory_space<vmem>>, vector<1x16xf32>,
      %get3A_1585 = vector.shape_cast %get3A_1584 : vector<1x16xf32> to vector<16xf32>
      %add3A_1586 = arith.addf %add3A_1579, %get3A_1585 : vector<16xf32>
      %add3A_1587 = arith.constant 13 : i32
      %add3A_1588 = arith.addi %mul3A_912, %add3A_1587 : i32
      %get3A_1589 = arith.index_cast %add3A_1588 : i32 to index
      %get3A_1590 = arith.constant 64 : index
      %get3A_1591 = tpu.vector_load %arg6[%get3A_1589, %get3A_1590] {strides = array<i32>} : memref<320x128xf32, #tpu.memory_space<vmem>>, vector<1x16xf32>,
      %get3A_1592 = vector.shape_cast %get3A_1591 : vector<1x16xf32> to vector<16xf32>
      %add3A_1593 = arith.addf %add3A_1586, %get3A_1592 : vector<16xf32>
      %add3A_1594 = arith.constant 14 : i32
      %add3A_1595 = arith.addi %mul3A_912, %add3A_1594 : i32
      %get3A_1596 = arith.index_cast %add3A_1595 : i32 to index
      %get3A_1597 = arith.constant 64 : index
      %get3A_1598 = tpu.vector_load %arg6[%get3A_1596, %get3A_1597] {strides = array<i32>} : memref<320x128xf32, #tpu.memory_space<vmem>>, vector<1x16xf32>,
      %get3A_1599 = vector.shape_cast %get3A_1598 : vector<1x16xf32> to vector<16xf32>
      %add3A_1600 = arith.addf %add3A_1593, %get3A_1599 : vector<16xf32>
      %add3A_1601 = arith.constant 15 : i32
      %add3A_1602 = arith.addi %mul3A_912, %add3A_1601 : i32
      %get3A_1603 = arith.index_cast %add3A_1602 : i32 to index
      %get3A_1604 = arith.constant 64 : index
      %get3A_1605 = tpu.vector_load %arg6[%get3A_1603, %get3A_1604] {strides = array<i32>} : memref<320x128xf32, #tpu.memory_space<vmem>>, vector<1x16xf32>,
      %get3A_1606 = vector.shape_cast %get3A_1605 : vector<1x16xf32> to vector<16xf32>
      %add3A_1607 = arith.addf %add3A_1600, %get3A_1606 : vector<16xf32>
      %add3A_1608 = arith.constant 16 : i32
      %add3A_1609 = arith.addi %mul3A_912, %add3A_1608 : i32
      %get3A_1610 = arith.index_cast %add3A_1609 : i32 to index
      %get3A_1611 = arith.constant 64 : index
      %get3A_1612 = tpu.vector_load %arg6[%get3A_1610, %get3A_1611] {strides = array<i32>} : memref<320x128xf32, #tpu.memory_space<vmem>>, vector<1x16xf32>,
      %get3A_1613 = vector.shape_cast %get3A_1612 : vector<1x16xf32> to vector<16xf32>
      %add3A_1614 = arith.addf %add3A_1607, %get3A_1613 : vector<16xf32>
      %add3A_1615 = arith.constant 17 : i32
      %add3A_1616 = arith.addi %mul3A_912, %add3A_1615 : i32
      %get3A_1617 = arith.index_cast %add3A_1616 : i32 to index
      %get3A_1618 = arith.constant 64 : index
      %get3A_1619 = tpu.vector_load %arg6[%get3A_1617, %get3A_1618] {strides = array<i32>} : memref<320x128xf32, #tpu.memory_space<vmem>>, vector<1x16xf32>,
      %get3A_1620 = vector.shape_cast %get3A_1619 : vector<1x16xf32> to vector<16xf32>
      %add3A_1621 = arith.addf %add3A_1614, %get3A_1620 : vector<16xf32>
      %add3A_1622 = arith.constant 18 : i32
      %add3A_1623 = arith.addi %mul3A_912, %add3A_1622 : i32
      %get3A_1624 = arith.index_cast %add3A_1623 : i32 to index
      %get3A_1625 = arith.constant 64 : index
      %get3A_1626 = tpu.vector_load %arg6[%get3A_1624, %get3A_1625] {strides = array<i32>} : memref<320x128xf32, #tpu.memory_space<vmem>>, vector<1x16xf32>,
      %get3A_1627 = vector.shape_cast %get3A_1626 : vector<1x16xf32> to vector<16xf32>
      %add3A_1628 = arith.addf %add3A_1621, %get3A_1627 : vector<16xf32>
      %add3A_1629 = arith.constant 19 : i32
      %add3A_1630 = arith.addi %mul3A_912, %add3A_1629 : i32
      %get3A_1631 = arith.index_cast %add3A_1630 : i32 to index
      %get3A_1632 = arith.constant 64 : index
      %get3A_1633 = tpu.vector_load %arg6[%get3A_1631, %get3A_1632] {strides = array<i32>} : memref<320x128xf32, #tpu.memory_space<vmem>>, vector<1x16xf32>,
      %get3A_1634 = vector.shape_cast %get3A_1633 : vector<1x16xf32> to vector<16xf32>
      %add3A_1635 = arith.addf %add3A_1628, %get3A_1634 : vector<16xf32>
      %mul3A_1636 = arith.constant 5.000000e-02 : f32
      %mul3A_1637 = vector.broadcast %mul3A_1636 : f32 to vector<16xf32>
      %mul3A_1638 = arith.mulf %add3A_1635, %mul3A_1637 : vector<16xf32>
      %add3A_1639 = arith.constant 0 : i32
      %add3A_1640 = arith.addi %add3A_1639, %scan3A_910 : i32
      %swap3A_1641 = arith.index_cast %add3A_1640 : i32 to index
      %swap3A_1642 = arith.constant 64 : index
      %swap3A_1643 = tpu.vector_load %arg8[%swap3A_1641, %swap3A_1642] {strides = array<i32>} : memref<32x128xf32, #tpu.memory_space<vmem>>, vector<1x16xf32>,
      %swap3A_1644 = vector.shape_cast %swap3A_1643 : vector<1x16xf32> to vector<16xf32>
      %swap3A_1645 = vector.shape_cast %mul3A_1638 : vector<16xf32> to vector<1x16xf32>
      tpu.vector_store %arg8[%swap3A_1641, %swap3A_1642], %swap3A_1645 {strides = array<i32>} : memref<32x128xf32, #tpu.memory_space<vmem>>, vector<1x16xf32>,
      %get3A_1646 = arith.index_cast %mul3A_912 : i32 to index
      %get3A_1647 = arith.constant 80 : index
      %get3A_1648 = tpu.vector_load %arg6[%get3A_1646, %get3A_1647] {strides = array<i32>} : memref<320x128xf32, #tpu.memory_space<vmem>>, vector<1x16xf32>,
      %get3A_1649 = vector.shape_cast %get3A_1648 : vector<1x16xf32> to vector<16xf32>
      %add3A_1650 = arith.constant 1 : i32
      %add3A_1651 = arith.addi %mul3A_912, %add3A_1650 : i32
      %get3A_1652 = arith.index_cast %add3A_1651 : i32 to index
      %get3A_1653 = arith.constant 80 : index
      %get3A_1654 = tpu.vector_load %arg6[%get3A_1652, %get3A_1653] {strides = array<i32>} : memref<320x128xf32, #tpu.memory_space<vmem>>, vector<1x16xf32>,
      %get3A_1655 = vector.shape_cast %get3A_1654 : vector<1x16xf32> to vector<16xf32>
      %add3A_1656 = arith.addf %get3A_1649, %get3A_1655 : vector<16xf32>
      %add3A_1657 = arith.constant 2 : i32
      %add3A_1658 = arith.addi %mul3A_912, %add3A_1657 : i32
      %get3A_1659 = arith.index_cast %add3A_1658 : i32 to index
      %get3A_1660 = arith.constant 80 : index
      %get3A_1661 = tpu.vector_load %arg6[%get3A_1659, %get3A_1660] {strides = array<i32>} : memref<320x128xf32, #tpu.memory_space<vmem>>, vector<1x16xf32>,
      %get3A_1662 = vector.shape_cast %get3A_1661 : vector<1x16xf32> to vector<16xf32>
      %add3A_1663 = arith.addf %add3A_1656, %get3A_1662 : vector<16xf32>
      %add3A_1664 = arith.constant 3 : i32
      %add3A_1665 = arith.addi %mul3A_912, %add3A_1664 : i32
      %get3A_1666 = arith.index_cast %add3A_1665 : i32 to index
      %get3A_1667 = arith.constant 80 : index
      %get3A_1668 = tpu.vector_load %arg6[%get3A_1666, %get3A_1667] {strides = array<i32>} : memref<320x128xf32, #tpu.memory_space<vmem>>, vector<1x16xf32>,
      %get3A_1669 = vector.shape_cast %get3A_1668 : vector<1x16xf32> to vector<16xf32>
      %add3A_1670 = arith.addf %add3A_1663, %get3A_1669 : vector<16xf32>
      %add3A_1671 = arith.constant 4 : i32
      %add3A_1672 = arith.addi %mul3A_912, %add3A_1671 : i32
      %get3A_1673 = arith.index_cast %add3A_1672 : i32 to index
      %get3A_1674 = arith.constant 80 : index
      %get3A_1675 = tpu.vector_load %arg6[%get3A_1673, %get3A_1674] {strides = array<i32>} : memref<320x128xf32, #tpu.memory_space<vmem>>, vector<1x16xf32>,
      %get3A_1676 = vector.shape_cast %get3A_1675 : vector<1x16xf32> to vector<16xf32>
      %add3A_1677 = arith.addf %add3A_1670, %get3A_1676 : vector<16xf32>
      %add3A_1678 = arith.constant 5 : i32
      %add3A_1679 = arith.addi %mul3A_912, %add3A_1678 : i32
      %get3A_1680 = arith.index_cast %add3A_1679 : i32 to index
      %get3A_1681 = arith.constant 80 : index
      %get3A_1682 = tpu.vector_load %arg6[%get3A_1680, %get3A_1681] {strides = array<i32>} : memref<320x128xf32, #tpu.memory_space<vmem>>, vector<1x16xf32>,
      %get3A_1683 = vector.shape_cast %get3A_1682 : vector<1x16xf32> to vector<16xf32>
      %add3A_1684 = arith.addf %add3A_1677, %get3A_1683 : vector<16xf32>
      %add3A_1685 = arith.constant 6 : i32
      %add3A_1686 = arith.addi %mul3A_912, %add3A_1685 : i32
      %get3A_1687 = arith.index_cast %add3A_1686 : i32 to index
      %get3A_1688 = arith.constant 80 : index
      %get3A_1689 = tpu.vector_load %arg6[%get3A_1687, %get3A_1688] {strides = array<i32>} : memref<320x128xf32, #tpu.memory_space<vmem>>, vector<1x16xf32>,
      %get3A_1690 = vector.shape_cast %get3A_1689 : vector<1x16xf32> to vector<16xf32>
      %add3A_1691 = arith.addf %add3A_1684, %get3A_1690 : vector<16xf32>
      %add3A_1692 = arith.constant 7 : i32
      %add3A_1693 = arith.addi %mul3A_912, %add3A_1692 : i32
      %get3A_1694 = arith.index_cast %add3A_1693 : i32 to index
      %get3A_1695 = arith.constant 80 : index
      %get3A_1696 = tpu.vector_load %arg6[%get3A_1694, %get3A_1695] {strides = array<i32>} : memref<320x128xf32, #tpu.memory_space<vmem>>, vector<1x16xf32>,
      %get3A_1697 = vector.shape_cast %get3A_1696 : vector<1x16xf32> to vector<16xf32>
      %add3A_1698 = arith.addf %add3A_1691, %get3A_1697 : vector<16xf32>
      %add3A_1699 = arith.constant 8 : i32
      %add3A_1700 = arith.addi %mul3A_912, %add3A_1699 : i32
      %get3A_1701 = arith.index_cast %add3A_1700 : i32 to index
      %get3A_1702 = arith.constant 80 : index
      %get3A_1703 = tpu.vector_load %arg6[%get3A_1701, %get3A_1702] {strides = array<i32>} : memref<320x128xf32, #tpu.memory_space<vmem>>, vector<1x16xf32>,
      %get3A_1704 = vector.shape_cast %get3A_1703 : vector<1x16xf32> to vector<16xf32>
      %add3A_1705 = arith.addf %add3A_1698, %get3A_1704 : vector<16xf32>
      %add3A_1706 = arith.constant 9 : i32
      %add3A_1707 = arith.addi %mul3A_912, %add3A_1706 : i32
      %get3A_1708 = arith.index_cast %add3A_1707 : i32 to index
      %get3A_1709 = arith.constant 80 : index
      %get3A_1710 = tpu.vector_load %arg6[%get3A_1708, %get3A_1709] {strides = array<i32>} : memref<320x128xf32, #tpu.memory_space<vmem>>, vector<1x16xf32>,
      %get3A_1711 = vector.shape_cast %get3A_1710 : vector<1x16xf32> to vector<16xf32>
      %add3A_1712 = arith.addf %add3A_1705, %get3A_1711 : vector<16xf32>
      %add3A_1713 = arith.constant 10 : i32
      %add3A_1714 = arith.addi %mul3A_912, %add3A_1713 : i32
      %get3A_1715 = arith.index_cast %add3A_1714 : i32 to index
      %get3A_1716 = arith.constant 80 : index
      %get3A_1717 = tpu.vector_load %arg6[%get3A_1715, %get3A_1716] {strides = array<i32>} : memref<320x128xf32, #tpu.memory_space<vmem>>, vector<1x16xf32>,
      %get3A_1718 = vector.shape_cast %get3A_1717 : vector<1x16xf32> to vector<16xf32>
      %add3A_1719 = arith.addf %add3A_1712, %get3A_1718 : vector<16xf32>
      %add3A_1720 = arith.constant 11 : i32
      %add3A_1721 = arith.addi %mul3A_912, %add3A_1720 : i32
      %get3A_1722 = arith.index_cast %add3A_1721 : i32 to index
      %get3A_1723 = arith.constant 80 : index
      %get3A_1724 = tpu.vector_load %arg6[%get3A_1722, %get3A_1723] {strides = array<i32>} : memref<320x128xf32, #tpu.memory_space<vmem>>, vector<1x16xf32>,
      %get3A_1725 = vector.shape_cast %get3A_1724 : vector<1x16xf32> to vector<16xf32>
      %add3A_1726 = arith.addf %add3A_1719, %get3A_1725 : vector<16xf32>
      %add3A_1727 = arith.constant 12 : i32
      %add3A_1728 = arith.addi %mul3A_912, %add3A_1727 : i32
      %get3A_1729 = arith.index_cast %add3A_1728 : i32 to index
      %get3A_1730 = arith.constant 80 : index
      %get3A_1731 = tpu.vector_load %arg6[%get3A_1729, %get3A_1730] {strides = array<i32>} : memref<320x128xf32, #tpu.memory_space<vmem>>, vector<1x16xf32>,
      %get3A_1732 = vector.shape_cast %get3A_1731 : vector<1x16xf32> to vector<16xf32>
      %add3A_1733 = arith.addf %add3A_1726, %get3A_1732 : vector<16xf32>
      %add3A_1734 = arith.constant 13 : i32
      %add3A_1735 = arith.addi %mul3A_912, %add3A_1734 : i32
      %get3A_1736 = arith.index_cast %add3A_1735 : i32 to index
      %get3A_1737 = arith.constant 80 : index
      %get3A_1738 = tpu.vector_load %arg6[%get3A_1736, %get3A_1737] {strides = array<i32>} : memref<320x128xf32, #tpu.memory_space<vmem>>, vector<1x16xf32>,
      %get3A_1739 = vector.shape_cast %get3A_1738 : vector<1x16xf32> to vector<16xf32>
      %add3A_1740 = arith.addf %add3A_1733, %get3A_1739 : vector<16xf32>
      %add3A_1741 = arith.constant 14 : i32
      %add3A_1742 = arith.addi %mul3A_912, %add3A_1741 : i32
      %get3A_1743 = arith.index_cast %add3A_1742 : i32 to index
      %get3A_1744 = arith.constant 80 : index
      %get3A_1745 = tpu.vector_load %arg6[%get3A_1743, %get3A_1744] {strides = array<i32>} : memref<320x128xf32, #tpu.memory_space<vmem>>, vector<1x16xf32>,
      %get3A_1746 = vector.shape_cast %get3A_1745 : vector<1x16xf32> to vector<16xf32>
      %add3A_1747 = arith.addf %add3A_1740, %get3A_1746 : vector<16xf32>
      %add3A_1748 = arith.constant 15 : i32
      %add3A_1749 = arith.addi %mul3A_912, %add3A_1748 : i32
      %get3A_1750 = arith.index_cast %add3A_1749 : i32 to index
      %get3A_1751 = arith.constant 80 : index
      %get3A_1752 = tpu.vector_load %arg6[%get3A_1750, %get3A_1751] {strides = array<i32>} : memref<320x128xf32, #tpu.memory_space<vmem>>, vector<1x16xf32>,
      %get3A_1753 = vector.shape_cast %get3A_1752 : vector<1x16xf32> to vector<16xf32>
      %add3A_1754 = arith.addf %add3A_1747, %get3A_1753 : vector<16xf32>
      %add3A_1755 = arith.constant 16 : i32
      %add3A_1756 = arith.addi %mul3A_912, %add3A_1755 : i32
      %get3A_1757 = arith.index_cast %add3A_1756 : i32 to index
      %get3A_1758 = arith.constant 80 : index
      %get3A_1759 = tpu.vector_load %arg6[%get3A_1757, %get3A_1758] {strides = array<i32>} : memref<320x128xf32, #tpu.memory_space<vmem>>, vector<1x16xf32>,
      %get3A_1760 = vector.shape_cast %get3A_1759 : vector<1x16xf32> to vector<16xf32>
      %add3A_1761 = arith.addf %add3A_1754, %get3A_1760 : vector<16xf32>
      %add3A_1762 = arith.constant 17 : i32
      %add3A_1763 = arith.addi %mul3A_912, %add3A_1762 : i32
      %get3A_1764 = arith.index_cast %add3A_1763 : i32 to index
      %get3A_1765 = arith.constant 80 : index
      %get3A_1766 = tpu.vector_load %arg6[%get3A_1764, %get3A_1765] {strides = array<i32>} : memref<320x128xf32, #tpu.memory_space<vmem>>, vector<1x16xf32>,
      %get3A_1767 = vector.shape_cast %get3A_1766 : vector<1x16xf32> to vector<16xf32>
      %add3A_1768 = arith.addf %add3A_1761, %get3A_1767 : vector<16xf32>
      %add3A_1769 = arith.constant 18 : i32
      %add3A_1770 = arith.addi %mul3A_912, %add3A_1769 : i32
      %get3A_1771 = arith.index_cast %add3A_1770 : i32 to index
      %get3A_1772 = arith.constant 80 : index
      %get3A_1773 = tpu.vector_load %arg6[%get3A_1771, %get3A_1772] {strides = array<i32>} : memref<320x128xf32, #tpu.memory_space<vmem>>, vector<1x16xf32>,
      %get3A_1774 = vector.shape_cast %get3A_1773 : vector<1x16xf32> to vector<16xf32>
      %add3A_1775 = arith.addf %add3A_1768, %get3A_1774 : vector<16xf32>
      %add3A_1776 = arith.constant 19 : i32
      %add3A_1777 = arith.addi %mul3A_912, %add3A_1776 : i32
      %get3A_1778 = arith.index_cast %add3A_1777 : i32 to index
      %get3A_1779 = arith.constant 80 : index
      %get3A_1780 = tpu.vector_load %arg6[%get3A_1778, %get3A_1779] {strides = array<i32>} : memref<320x128xf32, #tpu.memory_space<vmem>>, vector<1x16xf32>,
      %get3A_1781 = vector.shape_cast %get3A_1780 : vector<1x16xf32> to vector<16xf32>
      %add3A_1782 = arith.addf %add3A_1775, %get3A_1781 : vector<16xf32>
      %mul3A_1783 = arith.constant 5.000000e-02 : f32
      %mul3A_1784 = vector.broadcast %mul3A_1783 : f32 to vector<16xf32>
      %mul3A_1785 = arith.mulf %add3A_1782, %mul3A_1784 : vector<16xf32>
      %add3A_1786 = arith.constant 0 : i32
      %add3A_1787 = arith.addi %add3A_1786, %scan3A_910 : i32
      %swap3A_1788 = arith.index_cast %add3A_1787 : i32 to index
      %swap3A_1789 = arith.constant 80 : index
      %swap3A_1790 = tpu.vector_load %arg8[%swap3A_1788, %swap3A_1789] {strides = array<i32>} : memref<32x128xf32, #tpu.memory_space<vmem>>, vector<1x16xf32>,
      %swap3A_1791 = vector.shape_cast %swap3A_1790 : vector<1x16xf32> to vector<16xf32>
      %swap3A_1792 = vector.shape_cast %mul3A_1785 : vector<16xf32> to vector<1x16xf32>
      tpu.vector_store %arg8[%swap3A_1788, %swap3A_1789], %swap3A_1792 {strides = array<i32>} : memref<32x128xf32, #tpu.memory_space<vmem>>, vector<1x16xf32>,
      %get3A_1793 = arith.index_cast %mul3A_912 : i32 to index
      %get3A_1794 = arith.constant 96 : index
      %get3A_1795 = tpu.vector_load %arg6[%get3A_1793, %get3A_1794] {strides = array<i32>} : memref<320x128xf32, #tpu.memory_space<vmem>>, vector<1x16xf32>,
      %get3A_1796 = vector.shape_cast %get3A_1795 : vector<1x16xf32> to vector<16xf32>
      %add3A_1797 = arith.constant 1 : i32
      %add3A_1798 = arith.addi %mul3A_912, %add3A_1797 : i32
      %get3A_1799 = arith.index_cast %add3A_1798 : i32 to index
      %get3A_1800 = arith.constant 96 : index
      %get3A_1801 = tpu.vector_load %arg6[%get3A_1799, %get3A_1800] {strides = array<i32>} : memref<320x128xf32, #tpu.memory_space<vmem>>, vector<1x16xf32>,
      %get3A_1802 = vector.shape_cast %get3A_1801 : vector<1x16xf32> to vector<16xf32>
      %add3A_1803 = arith.addf %get3A_1796, %get3A_1802 : vector<16xf32>
      %add3A_1804 = arith.constant 2 : i32
      %add3A_1805 = arith.addi %mul3A_912, %add3A_1804 : i32
      %get3A_1806 = arith.index_cast %add3A_1805 : i32 to index
      %get3A_1807 = arith.constant 96 : index
      %get3A_1808 = tpu.vector_load %arg6[%get3A_1806, %get3A_1807] {strides = array<i32>} : memref<320x128xf32, #tpu.memory_space<vmem>>, vector<1x16xf32>,
      %get3A_1809 = vector.shape_cast %get3A_1808 : vector<1x16xf32> to vector<16xf32>
      %add3A_1810 = arith.addf %add3A_1803, %get3A_1809 : vector<16xf32>
      %add3A_1811 = arith.constant 3 : i32
      %add3A_1812 = arith.addi %mul3A_912, %add3A_1811 : i32
      %get3A_1813 = arith.index_cast %add3A_1812 : i32 to index
      %get3A_1814 = arith.constant 96 : index
      %get3A_1815 = tpu.vector_load %arg6[%get3A_1813, %get3A_1814] {strides = array<i32>} : memref<320x128xf32, #tpu.memory_space<vmem>>, vector<1x16xf32>,
      %get3A_1816 = vector.shape_cast %get3A_1815 : vector<1x16xf32> to vector<16xf32>
      %add3A_1817 = arith.addf %add3A_1810, %get3A_1816 : vector<16xf32>
      %add3A_1818 = arith.constant 4 : i32
      %add3A_1819 = arith.addi %mul3A_912, %add3A_1818 : i32
      %get3A_1820 = arith.index_cast %add3A_1819 : i32 to index
      %get3A_1821 = arith.constant 96 : index
      %get3A_1822 = tpu.vector_load %arg6[%get3A_1820, %get3A_1821] {strides = array<i32>} : memref<320x128xf32, #tpu.memory_space<vmem>>, vector<1x16xf32>,
      %get3A_1823 = vector.shape_cast %get3A_1822 : vector<1x16xf32> to vector<16xf32>
      %add3A_1824 = arith.addf %add3A_1817, %get3A_1823 : vector<16xf32>
      %add3A_1825 = arith.constant 5 : i32
      %add3A_1826 = arith.addi %mul3A_912, %add3A_1825 : i32
      %get3A_1827 = arith.index_cast %add3A_1826 : i32 to index
      %get3A_1828 = arith.constant 96 : index
      %get3A_1829 = tpu.vector_load %arg6[%get3A_1827, %get3A_1828] {strides = array<i32>} : memref<320x128xf32, #tpu.memory_space<vmem>>, vector<1x16xf32>,
      %get3A_1830 = vector.shape_cast %get3A_1829 : vector<1x16xf32> to vector<16xf32>
      %add3A_1831 = arith.addf %add3A_1824, %get3A_1830 : vector<16xf32>
      %add3A_1832 = arith.constant 6 : i32
      %add3A_1833 = arith.addi %mul3A_912, %add3A_1832 : i32
      %get3A_1834 = arith.index_cast %add3A_1833 : i32 to index
      %get3A_1835 = arith.constant 96 : index
      %get3A_1836 = tpu.vector_load %arg6[%get3A_1834, %get3A_1835] {strides = array<i32>} : memref<320x128xf32, #tpu.memory_space<vmem>>, vector<1x16xf32>,
      %get3A_1837 = vector.shape_cast %get3A_1836 : vector<1x16xf32> to vector<16xf32>
      %add3A_1838 = arith.addf %add3A_1831, %get3A_1837 : vector<16xf32>
      %add3A_1839 = arith.constant 7 : i32
      %add3A_1840 = arith.addi %mul3A_912, %add3A_1839 : i32
      %get3A_1841 = arith.index_cast %add3A_1840 : i32 to index
      %get3A_1842 = arith.constant 96 : index
      %get3A_1843 = tpu.vector_load %arg6[%get3A_1841, %get3A_1842] {strides = array<i32>} : memref<320x128xf32, #tpu.memory_space<vmem>>, vector<1x16xf32>,
      %get3A_1844 = vector.shape_cast %get3A_1843 : vector<1x16xf32> to vector<16xf32>
      %add3A_1845 = arith.addf %add3A_1838, %get3A_1844 : vector<16xf32>
      %add3A_1846 = arith.constant 8 : i32
      %add3A_1847 = arith.addi %mul3A_912, %add3A_1846 : i32
      %get3A_1848 = arith.index_cast %add3A_1847 : i32 to index
      %get3A_1849 = arith.constant 96 : index
      %get3A_1850 = tpu.vector_load %arg6[%get3A_1848, %get3A_1849] {strides = array<i32>} : memref<320x128xf32, #tpu.memory_space<vmem>>, vector<1x16xf32>,
      %get3A_1851 = vector.shape_cast %get3A_1850 : vector<1x16xf32> to vector<16xf32>
      %add3A_1852 = arith.addf %add3A_1845, %get3A_1851 : vector<16xf32>
      %add3A_1853 = arith.constant 9 : i32
      %add3A_1854 = arith.addi %mul3A_912, %add3A_1853 : i32
      %get3A_1855 = arith.index_cast %add3A_1854 : i32 to index
      %get3A_1856 = arith.constant 96 : index
      %get3A_1857 = tpu.vector_load %arg6[%get3A_1855, %get3A_1856] {strides = array<i32>} : memref<320x128xf32, #tpu.memory_space<vmem>>, vector<1x16xf32>,
      %get3A_1858 = vector.shape_cast %get3A_1857 : vector<1x16xf32> to vector<16xf32>
      %add3A_1859 = arith.addf %add3A_1852, %get3A_1858 : vector<16xf32>
      %add3A_1860 = arith.constant 10 : i32
      %add3A_1861 = arith.addi %mul3A_912, %add3A_1860 : i32
      %get3A_1862 = arith.index_cast %add3A_1861 : i32 to index
      %get3A_1863 = arith.constant 96 : index
      %get3A_1864 = tpu.vector_load %arg6[%get3A_1862, %get3A_1863] {strides = array<i32>} : memref<320x128xf32, #tpu.memory_space<vmem>>, vector<1x16xf32>,
      %get3A_1865 = vector.shape_cast %get3A_1864 : vector<1x16xf32> to vector<16xf32>
      %add3A_1866 = arith.addf %add3A_1859, %get3A_1865 : vector<16xf32>
      %add3A_1867 = arith.constant 11 : i32
      %add3A_1868 = arith.addi %mul3A_912, %add3A_1867 : i32
      %get3A_1869 = arith.index_cast %add3A_1868 : i32 to index
      %get3A_1870 = arith.constant 96 : index
      %get3A_1871 = tpu.vector_load %arg6[%get3A_1869, %get3A_1870] {strides = array<i32>} : memref<320x128xf32, #tpu.memory_space<vmem>>, vector<1x16xf32>,
      %get3A_1872 = vector.shape_cast %get3A_1871 : vector<1x16xf32> to vector<16xf32>
      %add3A_1873 = arith.addf %add3A_1866, %get3A_1872 : vector<16xf32>
      %add3A_1874 = arith.constant 12 : i32
      %add3A_1875 = arith.addi %mul3A_912, %add3A_1874 : i32
      %get3A_1876 = arith.index_cast %add3A_1875 : i32 to index
      %get3A_1877 = arith.constant 96 : index
      %get3A_1878 = tpu.vector_load %arg6[%get3A_1876, %get3A_1877] {strides = array<i32>} : memref<320x128xf32, #tpu.memory_space<vmem>>, vector<1x16xf32>,
      %get3A_1879 = vector.shape_cast %get3A_1878 : vector<1x16xf32> to vector<16xf32>
      %add3A_1880 = arith.addf %add3A_1873, %get3A_1879 : vector<16xf32>
      %add3A_1881 = arith.constant 13 : i32
      %add3A_1882 = arith.addi %mul3A_912, %add3A_1881 : i32
      %get3A_1883 = arith.index_cast %add3A_1882 : i32 to index
      %get3A_1884 = arith.constant 96 : index
      %get3A_1885 = tpu.vector_load %arg6[%get3A_1883, %get3A_1884] {strides = array<i32>} : memref<320x128xf32, #tpu.memory_space<vmem>>, vector<1x16xf32>,
      %get3A_1886 = vector.shape_cast %get3A_1885 : vector<1x16xf32> to vector<16xf32>
      %add3A_1887 = arith.addf %add3A_1880, %get3A_1886 : vector<16xf32>
      %add3A_1888 = arith.constant 14 : i32
      %add3A_1889 = arith.addi %mul3A_912, %add3A_1888 : i32
      %get3A_1890 = arith.index_cast %add3A_1889 : i32 to index
      %get3A_1891 = arith.constant 96 : index
      %get3A_1892 = tpu.vector_load %arg6[%get3A_1890, %get3A_1891] {strides = array<i32>} : memref<320x128xf32, #tpu.memory_space<vmem>>, vector<1x16xf32>,
      %get3A_1893 = vector.shape_cast %get3A_1892 : vector<1x16xf32> to vector<16xf32>
      %add3A_1894 = arith.addf %add3A_1887, %get3A_1893 : vector<16xf32>
      %add3A_1895 = arith.constant 15 : i32
      %add3A_1896 = arith.addi %mul3A_912, %add3A_1895 : i32
      %get3A_1897 = arith.index_cast %add3A_1896 : i32 to index
      %get3A_1898 = arith.constant 96 : index
      %get3A_1899 = tpu.vector_load %arg6[%get3A_1897, %get3A_1898] {strides = array<i32>} : memref<320x128xf32, #tpu.memory_space<vmem>>, vector<1x16xf32>,
      %get3A_1900 = vector.shape_cast %get3A_1899 : vector<1x16xf32> to vector<16xf32>
      %add3A_1901 = arith.addf %add3A_1894, %get3A_1900 : vector<16xf32>
      %add3A_1902 = arith.constant 16 : i32
      %add3A_1903 = arith.addi %mul3A_912, %add3A_1902 : i32
      %get3A_1904 = arith.index_cast %add3A_1903 : i32 to index
      %get3A_1905 = arith.constant 96 : index
      %get3A_1906 = tpu.vector_load %arg6[%get3A_1904, %get3A_1905] {strides = array<i32>} : memref<320x128xf32, #tpu.memory_space<vmem>>, vector<1x16xf32>,
      %get3A_1907 = vector.shape_cast %get3A_1906 : vector<1x16xf32> to vector<16xf32>
      %add3A_1908 = arith.addf %add3A_1901, %get3A_1907 : vector<16xf32>
      %add3A_1909 = arith.constant 17 : i32
      %add3A_1910 = arith.addi %mul3A_912, %add3A_1909 : i32
      %get3A_1911 = arith.index_cast %add3A_1910 : i32 to index
      %get3A_1912 = arith.constant 96 : index
      %get3A_1913 = tpu.vector_load %arg6[%get3A_1911, %get3A_1912] {strides = array<i32>} : memref<320x128xf32, #tpu.memory_space<vmem>>, vector<1x16xf32>,
      %get3A_1914 = vector.shape_cast %get3A_1913 : vector<1x16xf32> to vector<16xf32>
      %add3A_1915 = arith.addf %add3A_1908, %get3A_1914 : vector<16xf32>
      %add3A_1916 = arith.constant 18 : i32
      %add3A_1917 = arith.addi %mul3A_912, %add3A_1916 : i32
      %get3A_1918 = arith.index_cast %add3A_1917 : i32 to index
      %get3A_1919 = arith.constant 96 : index
      %get3A_1920 = tpu.vector_load %arg6[%get3A_1918, %get3A_1919] {strides = array<i32>} : memref<320x128xf32, #tpu.memory_space<vmem>>, vector<1x16xf32>,
      %get3A_1921 = vector.shape_cast %get3A_1920 : vector<1x16xf32> to vector<16xf32>
      %add3A_1922 = arith.addf %add3A_1915, %get3A_1921 : vector<16xf32>
      %add3A_1923 = arith.constant 19 : i32
      %add3A_1924 = arith.addi %mul3A_912, %add3A_1923 : i32
      %get3A_1925 = arith.index_cast %add3A_1924 : i32 to index
      %get3A_1926 = arith.constant 96 : index
      %get3A_1927 = tpu.vector_load %arg6[%get3A_1925, %get3A_1926] {strides = array<i32>} : memref<320x128xf32, #tpu.memory_space<vmem>>, vector<1x16xf32>,
      %get3A_1928 = vector.shape_cast %get3A_1927 : vector<1x16xf32> to vector<16xf32>
      %add3A_1929 = arith.addf %add3A_1922, %get3A_1928 : vector<16xf32>
      %mul3A_1930 = arith.constant 5.000000e-02 : f32
      %mul3A_1931 = vector.broadcast %mul3A_1930 : f32 to vector<16xf32>
      %mul3A_1932 = arith.mulf %add3A_1929, %mul3A_1931 : vector<16xf32>
      %add3A_1933 = arith.constant 0 : i32
      %add3A_1934 = arith.addi %add3A_1933, %scan3A_910 : i32
      %swap3A_1935 = arith.index_cast %add3A_1934 : i32 to index
      %swap3A_1936 = arith.constant 96 : index
      %swap3A_1937 = tpu.vector_load %arg8[%swap3A_1935, %swap3A_1936] {strides = array<i32>} : memref<32x128xf32, #tpu.memory_space<vmem>>, vector<1x16xf32>,
      %swap3A_1938 = vector.shape_cast %swap3A_1937 : vector<1x16xf32> to vector<16xf32>
      %swap3A_1939 = vector.shape_cast %mul3A_1932 : vector<16xf32> to vector<1x16xf32>
      tpu.vector_store %arg8[%swap3A_1935, %swap3A_1936], %swap3A_1939 {strides = array<i32>} : memref<32x128xf32, #tpu.memory_space<vmem>>, vector<1x16xf32>,
      %get3A_1940 = arith.index_cast %mul3A_912 : i32 to index
      %get3A_1941 = arith.constant 112 : index
      %get3A_1942 = tpu.vector_load %arg6[%get3A_1940, %get3A_1941] {strides = array<i32>} : memref<320x128xf32, #tpu.memory_space<vmem>>, vector<1x16xf32>,
      %get3A_1943 = vector.shape_cast %get3A_1942 : vector<1x16xf32> to vector<16xf32>
      %add3A_1944 = arith.constant 1 : i32
      %add3A_1945 = arith.addi %mul3A_912, %add3A_1944 : i32
      %get3A_1946 = arith.index_cast %add3A_1945 : i32 to index
      %get3A_1947 = arith.constant 112 : index
      %get3A_1948 = tpu.vector_load %arg6[%get3A_1946, %get3A_1947] {strides = array<i32>} : memref<320x128xf32, #tpu.memory_space<vmem>>, vector<1x16xf32>,
      %get3A_1949 = vector.shape_cast %get3A_1948 : vector<1x16xf32> to vector<16xf32>
      %add3A_1950 = arith.addf %get3A_1943, %get3A_1949 : vector<16xf32>
      %add3A_1951 = arith.constant 2 : i32
      %add3A_1952 = arith.addi %mul3A_912, %add3A_1951 : i32
      %get3A_1953 = arith.index_cast %add3A_1952 : i32 to index
      %get3A_1954 = arith.constant 112 : index
      %get3A_1955 = tpu.vector_load %arg6[%get3A_1953, %get3A_1954] {strides = array<i32>} : memref<320x128xf32, #tpu.memory_space<vmem>>, vector<1x16xf32>,
      %get3A_1956 = vector.shape_cast %get3A_1955 : vector<1x16xf32> to vector<16xf32>
      %add3A_1957 = arith.addf %add3A_1950, %get3A_1956 : vector<16xf32>
      %add3A_1958 = arith.constant 3 : i32
      %add3A_1959 = arith.addi %mul3A_912, %add3A_1958 : i32
      %get3A_1960 = arith.index_cast %add3A_1959 : i32 to index
      %get3A_1961 = arith.constant 112 : index
      %get3A_1962 = tpu.vector_load %arg6[%get3A_1960, %get3A_1961] {strides = array<i32>} : memref<320x128xf32, #tpu.memory_space<vmem>>, vector<1x16xf32>,
      %get3A_1963 = vector.shape_cast %get3A_1962 : vector<1x16xf32> to vector<16xf32>
      %add3A_1964 = arith.addf %add3A_1957, %get3A_1963 : vector<16xf32>
      %add3A_1965 = arith.constant 4 : i32
      %add3A_1966 = arith.addi %mul3A_912, %add3A_1965 : i32
      %get3A_1967 = arith.index_cast %add3A_1966 : i32 to index
      %get3A_1968 = arith.constant 112 : index
      %get3A_1969 = tpu.vector_load %arg6[%get3A_1967, %get3A_1968] {strides = array<i32>} : memref<320x128xf32, #tpu.memory_space<vmem>>, vector<1x16xf32>,
      %get3A_1970 = vector.shape_cast %get3A_1969 : vector<1x16xf32> to vector<16xf32>
      %add3A_1971 = arith.addf %add3A_1964, %get3A_1970 : vector<16xf32>
      %add3A_1972 = arith.constant 5 : i32
      %add3A_1973 = arith.addi %mul3A_912, %add3A_1972 : i32
      %get3A_1974 = arith.index_cast %add3A_1973 : i32 to index
      %get3A_1975 = arith.constant 112 : index
      %get3A_1976 = tpu.vector_load %arg6[%get3A_1974, %get3A_1975] {strides = array<i32>} : memref<320x128xf32, #tpu.memory_space<vmem>>, vector<1x16xf32>,
      %get3A_1977 = vector.shape_cast %get3A_1976 : vector<1x16xf32> to vector<16xf32>
      %add3A_1978 = arith.addf %add3A_1971, %get3A_1977 : vector<16xf32>
      %add3A_1979 = arith.constant 6 : i32
      %add3A_1980 = arith.addi %mul3A_912, %add3A_1979 : i32
      %get3A_1981 = arith.index_cast %add3A_1980 : i32 to index
      %get3A_1982 = arith.constant 112 : index
      %get3A_1983 = tpu.vector_load %arg6[%get3A_1981, %get3A_1982] {strides = array<i32>} : memref<320x128xf32, #tpu.memory_space<vmem>>, vector<1x16xf32>,
      %get3A_1984 = vector.shape_cast %get3A_1983 : vector<1x16xf32> to vector<16xf32>
      %add3A_1985 = arith.addf %add3A_1978, %get3A_1984 : vector<16xf32>
      %add3A_1986 = arith.constant 7 : i32
      %add3A_1987 = arith.addi %mul3A_912, %add3A_1986 : i32
      %get3A_1988 = arith.index_cast %add3A_1987 : i32 to index
      %get3A_1989 = arith.constant 112 : index
      %get3A_1990 = tpu.vector_load %arg6[%get3A_1988, %get3A_1989] {strides = array<i32>} : memref<320x128xf32, #tpu.memory_space<vmem>>, vector<1x16xf32>,
      %get3A_1991 = vector.shape_cast %get3A_1990 : vector<1x16xf32> to vector<16xf32>
      %add3A_1992 = arith.addf %add3A_1985, %get3A_1991 : vector<16xf32>
      %add3A_1993 = arith.constant 8 : i32
      %add3A_1994 = arith.addi %mul3A_912, %add3A_1993 : i32
      %get3A_1995 = arith.index_cast %add3A_1994 : i32 to index
      %get3A_1996 = arith.constant 112 : index
      %get3A_1997 = tpu.vector_load %arg6[%get3A_1995, %get3A_1996] {strides = array<i32>} : memref<320x128xf32, #tpu.memory_space<vmem>>, vector<1x16xf32>,
      %get3A_1998 = vector.shape_cast %get3A_1997 : vector<1x16xf32> to vector<16xf32>
      %add3A_1999 = arith.addf %add3A_1992, %get3A_1998 : vector<16xf32>
      %add3A_2000 = arith.constant 9 : i32
      %add3A_2001 = arith.addi %mul3A_912, %add3A_2000 : i32
      %get3A_2002 = arith.index_cast %add3A_2001 : i32 to index
      %get3A_2003 = arith.constant 112 : index
      %get3A_2004 = tpu.vector_load %arg6[%get3A_2002, %get3A_2003] {strides = array<i32>} : memref<320x128xf32, #tpu.memory_space<vmem>>, vector<1x16xf32>,
      %get3A_2005 = vector.shape_cast %get3A_2004 : vector<1x16xf32> to vector<16xf32>
      %add3A_2006 = arith.addf %add3A_1999, %get3A_2005 : vector<16xf32>
      %add3A_2007 = arith.constant 10 : i32
      %add3A_2008 = arith.addi %mul3A_912, %add3A_2007 : i32
      %get3A_2009 = arith.index_cast %add3A_2008 : i32 to index
      %get3A_2010 = arith.constant 112 : index
      %get3A_2011 = tpu.vector_load %arg6[%get3A_2009, %get3A_2010] {strides = array<i32>} : memref<320x128xf32, #tpu.memory_space<vmem>>, vector<1x16xf32>,
      %get3A_2012 = vector.shape_cast %get3A_2011 : vector<1x16xf32> to vector<16xf32>
      %add3A_2013 = arith.addf %add3A_2006, %get3A_2012 : vector<16xf32>
      %add3A_2014 = arith.constant 11 : i32
      %add3A_2015 = arith.addi %mul3A_912, %add3A_2014 : i32
      %get3A_2016 = arith.index_cast %add3A_2015 : i32 to index
      %get3A_2017 = arith.constant 112 : index
      %get3A_2018 = tpu.vector_load %arg6[%get3A_2016, %get3A_2017] {strides = array<i32>} : memref<320x128xf32, #tpu.memory_space<vmem>>, vector<1x16xf32>,
      %get3A_2019 = vector.shape_cast %get3A_2018 : vector<1x16xf32> to vector<16xf32>
      %add3A_2020 = arith.addf %add3A_2013, %get3A_2019 : vector<16xf32>
      %add3A_2021 = arith.constant 12 : i32
      %add3A_2022 = arith.addi %mul3A_912, %add3A_2021 : i32
      %get3A_2023 = arith.index_cast %add3A_2022 : i32 to index
      %get3A_2024 = arith.constant 112 : index
      %get3A_2025 = tpu.vector_load %arg6[%get3A_2023, %get3A_2024] {strides = array<i32>} : memref<320x128xf32, #tpu.memory_space<vmem>>, vector<1x16xf32>,
      %get3A_2026 = vector.shape_cast %get3A_2025 : vector<1x16xf32> to vector<16xf32>
      %add3A_2027 = arith.addf %add3A_2020, %get3A_2026 : vector<16xf32>
      %add3A_2028 = arith.constant 13 : i32
      %add3A_2029 = arith.addi %mul3A_912, %add3A_2028 : i32
      %get3A_2030 = arith.index_cast %add3A_2029 : i32 to index
      %get3A_2031 = arith.constant 112 : index
      %get3A_2032 = tpu.vector_load %arg6[%get3A_2030, %get3A_2031] {strides = array<i32>} : memref<320x128xf32, #tpu.memory_space<vmem>>, vector<1x16xf32>,
      %get3A_2033 = vector.shape_cast %get3A_2032 : vector<1x16xf32> to vector<16xf32>
      %add3A_2034 = arith.addf %add3A_2027, %get3A_2033 : vector<16xf32>
      %add3A_2035 = arith.constant 14 : i32
      %add3A_2036 = arith.addi %mul3A_912, %add3A_2035 : i32
      %get3A_2037 = arith.index_cast %add3A_2036 : i32 to index
      %get3A_2038 = arith.constant 112 : index
      %get3A_2039 = tpu.vector_load %arg6[%get3A_2037, %get3A_2038] {strides = array<i32>} : memref<320x128xf32, #tpu.memory_space<vmem>>, vector<1x16xf32>,
      %get3A_2040 = vector.shape_cast %get3A_2039 : vector<1x16xf32> to vector<16xf32>
      %add3A_2041 = arith.addf %add3A_2034, %get3A_2040 : vector<16xf32>
      %add3A_2042 = arith.constant 15 : i32
      %add3A_2043 = arith.addi %mul3A_912, %add3A_2042 : i32
      %get3A_2044 = arith.index_cast %add3A_2043 : i32 to index
      %get3A_2045 = arith.constant 112 : index
      %get3A_2046 = tpu.vector_load %arg6[%get3A_2044, %get3A_2045] {strides = array<i32>} : memref<320x128xf32, #tpu.memory_space<vmem>>, vector<1x16xf32>,
      %get3A_2047 = vector.shape_cast %get3A_2046 : vector<1x16xf32> to vector<16xf32>
      %add3A_2048 = arith.addf %add3A_2041, %get3A_2047 : vector<16xf32>
      %add3A_2049 = arith.constant 16 : i32
      %add3A_2050 = arith.addi %mul3A_912, %add3A_2049 : i32
      %get3A_2051 = arith.index_cast %add3A_2050 : i32 to index
      %get3A_2052 = arith.constant 112 : index
      %get3A_2053 = tpu.vector_load %arg6[%get3A_2051, %get3A_2052] {strides = array<i32>} : memref<320x128xf32, #tpu.memory_space<vmem>>, vector<1x16xf32>,
      %get3A_2054 = vector.shape_cast %get3A_2053 : vector<1x16xf32> to vector<16xf32>
      %add3A_2055 = arith.addf %add3A_2048, %get3A_2054 : vector<16xf32>
      %add3A_2056 = arith.constant 17 : i32
      %add3A_2057 = arith.addi %mul3A_912, %add3A_2056 : i32
      %get3A_2058 = arith.index_cast %add3A_2057 : i32 to index
      %get3A_2059 = arith.constant 112 : index
      %get3A_2060 = tpu.vector_load %arg6[%get3A_2058, %get3A_2059] {strides = array<i32>} : memref<320x128xf32, #tpu.memory_space<vmem>>, vector<1x16xf32>,
      %get3A_2061 = vector.shape_cast %get3A_2060 : vector<1x16xf32> to vector<16xf32>
      %add3A_2062 = arith.addf %add3A_2055, %get3A_2061 : vector<16xf32>
      %add3A_2063 = arith.constant 18 : i32
      %add3A_2064 = arith.addi %mul3A_912, %add3A_2063 : i32
      %get3A_2065 = arith.index_cast %add3A_2064 : i32 to index
      %get3A_2066 = arith.constant 112 : index
      %get3A_2067 = tpu.vector_load %arg6[%get3A_2065, %get3A_2066] {strides = array<i32>} : memref<320x128xf32, #tpu.memory_space<vmem>>, vector<1x16xf32>,
      %get3A_2068 = vector.shape_cast %get3A_2067 : vector<1x16xf32> to vector<16xf32>
      %add3A_2069 = arith.addf %add3A_2062, %get3A_2068 : vector<16xf32>
      %add3A_2070 = arith.constant 19 : i32
      %add3A_2071 = arith.addi %mul3A_912, %add3A_2070 : i32
      %get3A_2072 = arith.index_cast %add3A_2071 : i32 to index
      %get3A_2073 = arith.constant 112 : index
      %get3A_2074 = tpu.vector_load %arg6[%get3A_2072, %get3A_2073] {strides = array<i32>} : memref<320x128xf32, #tpu.memory_space<vmem>>, vector<1x16xf32>,
      %get3A_2075 = vector.shape_cast %get3A_2074 : vector<1x16xf32> to vector<16xf32>
      %add3A_2076 = arith.addf %add3A_2069, %get3A_2075 : vector<16xf32>
      %mul3A_2077 = arith.constant 5.000000e-02 : f32
      %mul3A_2078 = vector.broadcast %mul3A_2077 : f32 to vector<16xf32>
      %mul3A_2079 = arith.mulf %add3A_2076, %mul3A_2078 : vector<16xf32>
      %add3A_2080 = arith.constant 0 : i32
      %add3A_2081 = arith.addi %add3A_2080, %scan3A_910 : i32
      %swap3A_2082 = arith.index_cast %add3A_2081 : i32 to index
      %swap3A_2083 = arith.constant 112 : index
      %swap3A_2084 = tpu.vector_load %arg8[%swap3A_2082, %swap3A_2083] {strides = array<i32>} : memref<32x128xf32, #tpu.memory_space<vmem>>, vector<1x16xf32>,
      %swap3A_2085 = vector.shape_cast %swap3A_2084 : vector<1x16xf32> to vector<16xf32>
      %swap3A_2086 = vector.shape_cast %mul3A_2079 : vector<16xf32> to vector<1x16xf32>
      tpu.vector_store %arg8[%swap3A_2082, %swap3A_2083], %swap3A_2086 {strides = array<i32>} : memref<32x128xf32, #tpu.memory_space<vmem>>, vector<1x16xf32>,
    }
    %scan3A_677 = arith.constant 16 : i32
    %dma_wait3A_678 = arith.constant 16 : i32
    %dma_wait3A_679 = arith.constant 0 : i32
    %dma_wait3A_680 = arith.constant 0 : i32
    %dma_wait3A_681 = tpu.memref_slice %arg7[%dma_wait3A_679, %dma_wait3A_680] : memref<320x128xf32, #tpu.memory_space<vmem>> -> memref<20x128xf32, #tpu.memory_space<vmem>>
    %dma_wait3A_682 = arith.constant 0 : i32
    %dma_wait3A_683 = tpu.memref_slice %arg5[%dma_wait3A_678, %dma_wait3A_682] : memref<32x20xi32, #tpu.memory_space<vmem>> -> memref<1x20xi32, #tpu.memory_space<vmem>>
    %dma_wait3A_684 = tpu.memref_squeeze %dma_wait3A_683 : memref<1x20xi32, #tpu.memory_space<vmem>> -> memref<20xi32, #tpu.memory_space<vmem>>
    %dma_wait3A_685 = arith.constant 0 : i32
    %dma_wait3A_686 = arith.constant 0 : i32
    %dma_wait3A_687 = tpu.memref_slice %arg3[%add3A, %dma_wait3A_685, %dma_wait3A_686] : memref<32x128x128xf32, #tpu.memory_space<hbm>> -> memref<1x128x128xf32, #tpu.memory_space<hbm>>
    %dma_wait3A_688 = tpu.memref_squeeze %dma_wait3A_687 : memref<1x128x128xf32, #tpu.memory_space<hbm>> -> memref<128x128xf32, #tpu.memory_space<hbm>>
    %dma_wait3A_689 = arith.constant 0 : i32
    %dma_wait3A_690 = arith.constant 0 : i32
    %dma_wait3A_691 = tpu.memref_slice %dma_wait3A_688[%dma_wait3A_689, %dma_wait3A_690] : memref<128x128xf32, #tpu.memory_space<hbm>> -> memref<128x128xf32, #tpu.memory_space<hbm>>
    tpu.wait_indirect_dma semaphore(%arg10 : memref<!tpu.dma_semaphore, #tpu.memory_space<semaphore_mem>>) src(%dma_wait3A_691 : memref<128x128xf32, #tpu.memory_space<hbm>>) dst(%dma_wait3A_681 : memref<20x128xf32, #tpu.memory_space<vmem>>)
    %dma_wait3A_692 = arith.constant 17 : i32
    %dma_wait3A_693 = arith.constant 20 : i32
    %dma_wait3A_694 = arith.constant 0 : i32
    %dma_wait3A_695 = tpu.memref_slice %arg7[%dma_wait3A_693, %dma_wait3A_694] : memref<320x128xf32, #tpu.memory_space<vmem>> -> memref<20x128xf32, #tpu.memory_space<vmem>>
    %dma_wait3A_696 = arith.constant 0 : i32
    %dma_wait3A_697 = tpu.memref_slice %arg5[%dma_wait3A_692, %dma_wait3A_696] : memref<32x20xi32, #tpu.memory_space<vmem>> -> memref<1x20xi32, #tpu.memory_space<vmem>>
    %dma_wait3A_698 = tpu.memref_squeeze %dma_wait3A_697 : memref<1x20xi32, #tpu.memory_space<vmem>> -> memref<20xi32, #tpu.memory_space<vmem>>
    %dma_wait3A_699 = arith.constant 0 : i32
    %dma_wait3A_700 = arith.constant 0 : i32
    %dma_wait3A_701 = tpu.memref_slice %arg3[%add3A, %dma_wait3A_699, %dma_wait3A_700] : memref<32x128x128xf32, #tpu.memory_space<hbm>> -> memref<1x128x128xf32, #tpu.memory_space<hbm>>
    %dma_wait3A_702 = tpu.memref_squeeze %dma_wait3A_701 : memref<1x128x128xf32, #tpu.memory_space<hbm>> -> memref<128x128xf32, #tpu.memory_space<hbm>>
    %dma_wait3A_703 = arith.constant 0 : i32
    %dma_wait3A_704 = arith.constant 0 : i32
    %dma_wait3A_705 = tpu.memref_slice %dma_wait3A_702[%dma_wait3A_703, %dma_wait3A_704] : memref<128x128xf32, #tpu.memory_space<hbm>> -> memref<128x128xf32, #tpu.memory_space<hbm>>
    tpu.wait_indirect_dma semaphore(%arg10 : memref<!tpu.dma_semaphore, #tpu.memory_space<semaphore_mem>>) src(%dma_wait3A_705 : memref<128x128xf32, #tpu.memory_space<hbm>>) dst(%dma_wait3A_695 : memref<20x128xf32, #tpu.memory_space<vmem>>)
    %dma_wait3A_706 = arith.constant 18 : i32
    %dma_wait3A_707 = arith.constant 40 : i32
    %dma_wait3A_708 = arith.constant 0 : i32
    %dma_wait3A_709 = tpu.memref_slice %arg7[%dma_wait3A_707, %dma_wait3A_708] : memref<320x128xf32, #tpu.memory_space<vmem>> -> memref<20x128xf32, #tpu.memory_space<vmem>>
    %dma_wait3A_710 = arith.constant 0 : i32
    %dma_wait3A_711 = tpu.memref_slice %arg5[%dma_wait3A_706, %dma_wait3A_710] : memref<32x20xi32, #tpu.memory_space<vmem>> -> memref<1x20xi32, #tpu.memory_space<vmem>>
    %dma_wait3A_712 = tpu.memref_squeeze %dma_wait3A_711 : memref<1x20xi32, #tpu.memory_space<vmem>> -> memref<20xi32, #tpu.memory_space<vmem>>
    %dma_wait3A_713 = arith.constant 0 : i32
    %dma_wait3A_714 = arith.constant 0 : i32
    %dma_wait3A_715 = tpu.memref_slice %arg3[%add3A, %dma_wait3A_713, %dma_wait3A_714] : memref<32x128x128xf32, #tpu.memory_space<hbm>> -> memref<1x128x128xf32, #tpu.memory_space<hbm>>
    %dma_wait3A_716 = tpu.memref_squeeze %dma_wait3A_715 : memref<1x128x128xf32, #tpu.memory_space<hbm>> -> memref<128x128xf32, #tpu.memory_space<hbm>>
    %dma_wait3A_717 = arith.constant 0 : i32
    %dma_wait3A_718 = arith.constant 0 : i32
    %dma_wait3A_719 = tpu.memref_slice %dma_wait3A_716[%dma_wait3A_717, %dma_wait3A_718] : memref<128x128xf32, #tpu.memory_space<hbm>> -> memref<128x128xf32, #tpu.memory_space<hbm>>
    tpu.wait_indirect_dma semaphore(%arg10 : memref<!tpu.dma_semaphore, #tpu.memory_space<semaphore_mem>>) src(%dma_wait3A_719 : memref<128x128xf32, #tpu.memory_space<hbm>>) dst(%dma_wait3A_709 : memref<20x128xf32, #tpu.memory_space<vmem>>)
    %dma_wait3A_720 = arith.constant 19 : i32
    %dma_wait3A_721 = arith.constant 60 : i32
    %dma_wait3A_722 = arith.constant 0 : i32
    %dma_wait3A_723 = tpu.memref_slice %arg7[%dma_wait3A_721, %dma_wait3A_722] : memref<320x128xf32, #tpu.memory_space<vmem>> -> memref<20x128xf32, #tpu.memory_space<vmem>>
    %dma_wait3A_724 = arith.constant 0 : i32
    %dma_wait3A_725 = tpu.memref_slice %arg5[%dma_wait3A_720, %dma_wait3A_724] : memref<32x20xi32, #tpu.memory_space<vmem>> -> memref<1x20xi32, #tpu.memory_space<vmem>>
    %dma_wait3A_726 = tpu.memref_squeeze %dma_wait3A_725 : memref<1x20xi32, #tpu.memory_space<vmem>> -> memref<20xi32, #tpu.memory_space<vmem>>
    %dma_wait3A_727 = arith.constant 0 : i32
    %dma_wait3A_728 = arith.constant 0 : i32
    %dma_wait3A_729 = tpu.memref_slice %arg3[%add3A, %dma_wait3A_727, %dma_wait3A_728] : memref<32x128x128xf32, #tpu.memory_space<hbm>> -> memref<1x128x128xf32, #tpu.memory_space<hbm>>
    %dma_wait3A_730 = tpu.memref_squeeze %dma_wait3A_729 : memref<1x128x128xf32, #tpu.memory_space<hbm>> -> memref<128x128xf32, #tpu.memory_space<hbm>>
    %dma_wait3A_731 = arith.constant 0 : i32
    %dma_wait3A_732 = arith.constant 0 : i32
    %dma_wait3A_733 = tpu.memref_slice %dma_wait3A_730[%dma_wait3A_731, %dma_wait3A_732] : memref<128x128xf32, #tpu.memory_space<hbm>> -> memref<128x128xf32, #tpu.memory_space<hbm>>
    tpu.wait_indirect_dma semaphore(%arg10 : memref<!tpu.dma_semaphore, #tpu.memory_space<semaphore_mem>>) src(%dma_wait3A_733 : memref<128x128xf32, #tpu.memory_space<hbm>>) dst(%dma_wait3A_723 : memref<20x128xf32, #tpu.memory_space<vmem>>)
    %dma_wait3A_734 = arith.constant 20 : i32
    %dma_wait3A_735 = arith.constant 80 : i32
    %dma_wait3A_736 = arith.constant 0 : i32
    %dma_wait3A_737 = tpu.memref_slice %arg7[%dma_wait3A_735, %dma_wait3A_736] : memref<320x128xf32, #tpu.memory_space<vmem>> -> memref<20x128xf32, #tpu.memory_space<vmem>>
    %dma_wait3A_738 = arith.constant 0 : i32
    %dma_wait3A_739 = tpu.memref_slice %arg5[%dma_wait3A_734, %dma_wait3A_738] : memref<32x20xi32, #tpu.memory_space<vmem>> -> memref<1x20xi32, #tpu.memory_space<vmem>>
    %dma_wait3A_740 = tpu.memref_squeeze %dma_wait3A_739 : memref<1x20xi32, #tpu.memory_space<vmem>> -> memref<20xi32, #tpu.memory_space<vmem>>
    %dma_wait3A_741 = arith.constant 0 : i32
    %dma_wait3A_742 = arith.constant 0 : i32
    %dma_wait3A_743 = tpu.memref_slice %arg3[%add3A, %dma_wait3A_741, %dma_wait3A_742] : memref<32x128x128xf32, #tpu.memory_space<hbm>> -> memref<1x128x128xf32, #tpu.memory_space<hbm>>
    %dma_wait3A_744 = tpu.memref_squeeze %dma_wait3A_743 : memref<1x128x128xf32, #tpu.memory_space<hbm>> -> memref<128x128xf32, #tpu.memory_space<hbm>>
    %dma_wait3A_745 = arith.constant 0 : i32
    %dma_wait3A_746 = arith.constant 0 : i32
    %dma_wait3A_747 = tpu.memref_slice %dma_wait3A_744[%dma_wait3A_745, %dma_wait3A_746] : memref<128x128xf32, #tpu.memory_space<hbm>> -> memref<128x128xf32, #tpu.memory_space<hbm>>
    tpu.wait_indirect_dma semaphore(%arg10 : memref<!tpu.dma_semaphore, #tpu.memory_space<semaphore_mem>>) src(%dma_wait3A_747 : memref<128x128xf32, #tpu.memory_space<hbm>>) dst(%dma_wait3A_737 : memref<20x128xf32, #tpu.memory_space<vmem>>)
    %dma_wait3A_748 = arith.constant 21 : i32
    %dma_wait3A_749 = arith.constant 100 : i32
    %dma_wait3A_750 = arith.constant 0 : i32
    %dma_wait3A_751 = tpu.memref_slice %arg7[%dma_wait3A_749, %dma_wait3A_750] : memref<320x128xf32, #tpu.memory_space<vmem>> -> memref<20x128xf32, #tpu.memory_space<vmem>>
    %dma_wait3A_752 = arith.constant 0 : i32
    %dma_wait3A_753 = tpu.memref_slice %arg5[%dma_wait3A_748, %dma_wait3A_752] : memref<32x20xi32, #tpu.memory_space<vmem>> -> memref<1x20xi32, #tpu.memory_space<vmem>>
    %dma_wait3A_754 = tpu.memref_squeeze %dma_wait3A_753 : memref<1x20xi32, #tpu.memory_space<vmem>> -> memref<20xi32, #tpu.memory_space<vmem>>
    %dma_wait3A_755 = arith.constant 0 : i32
    %dma_wait3A_756 = arith.constant 0 : i32
    %dma_wait3A_757 = tpu.memref_slice %arg3[%add3A, %dma_wait3A_755, %dma_wait3A_756] : memref<32x128x128xf32, #tpu.memory_space<hbm>> -> memref<1x128x128xf32, #tpu.memory_space<hbm>>
    %dma_wait3A_758 = tpu.memref_squeeze %dma_wait3A_757 : memref<1x128x128xf32, #tpu.memory_space<hbm>> -> memref<128x128xf32, #tpu.memory_space<hbm>>
    %dma_wait3A_759 = arith.constant 0 : i32
    %dma_wait3A_760 = arith.constant 0 : i32
    %dma_wait3A_761 = tpu.memref_slice %dma_wait3A_758[%dma_wait3A_759, %dma_wait3A_760] : memref<128x128xf32, #tpu.memory_space<hbm>> -> memref<128x128xf32, #tpu.memory_space<hbm>>
    tpu.wait_indirect_dma semaphore(%arg10 : memref<!tpu.dma_semaphore, #tpu.memory_space<semaphore_mem>>) src(%dma_wait3A_761 : memref<128x128xf32, #tpu.memory_space<hbm>>) dst(%dma_wait3A_751 : memref<20x128xf32, #tpu.memory_space<vmem>>)
    %dma_wait3A_762 = arith.constant 22 : i32
    %dma_wait3A_763 = arith.constant 120 : i32
    %dma_wait3A_764 = arith.constant 0 : i32
    %dma_wait3A_765 = tpu.memref_slice %arg7[%dma_wait3A_763, %dma_wait3A_764] : memref<320x128xf32, #tpu.memory_space<vmem>> -> memref<20x128xf32, #tpu.memory_space<vmem>>
    %dma_wait3A_766 = arith.constant 0 : i32
    %dma_wait3A_767 = tpu.memref_slice %arg5[%dma_wait3A_762, %dma_wait3A_766] : memref<32x20xi32, #tpu.memory_space<vmem>> -> memref<1x20xi32, #tpu.memory_space<vmem>>
    %dma_wait3A_768 = tpu.memref_squeeze %dma_wait3A_767 : memref<1x20xi32, #tpu.memory_space<vmem>> -> memref<20xi32, #tpu.memory_space<vmem>>
    %dma_wait3A_769 = arith.constant 0 : i32
    %dma_wait3A_770 = arith.constant 0 : i32
    %dma_wait3A_771 = tpu.memref_slice %arg3[%add3A, %dma_wait3A_769, %dma_wait3A_770] : memref<32x128x128xf32, #tpu.memory_space<hbm>> -> memref<1x128x128xf32, #tpu.memory_space<hbm>>
    %dma_wait3A_772 = tpu.memref_squeeze %dma_wait3A_771 : memref<1x128x128xf32, #tpu.memory_space<hbm>> -> memref<128x128xf32, #tpu.memory_space<hbm>>
    %dma_wait3A_773 = arith.constant 0 : i32
    %dma_wait3A_774 = arith.constant 0 : i32
    %dma_wait3A_775 = tpu.memref_slice %dma_wait3A_772[%dma_wait3A_773, %dma_wait3A_774] : memref<128x128xf32, #tpu.memory_space<hbm>> -> memref<128x128xf32, #tpu.memory_space<hbm>>
    tpu.wait_indirect_dma semaphore(%arg10 : memref<!tpu.dma_semaphore, #tpu.memory_space<semaphore_mem>>) src(%dma_wait3A_775 : memref<128x128xf32, #tpu.memory_space<hbm>>) dst(%dma_wait3A_765 : memref<20x128xf32, #tpu.memory_space<vmem>>)
    %dma_wait3A_776 = arith.constant 23 : i32
    %dma_wait3A_777 = arith.constant 140 : i32
    %dma_wait3A_778 = arith.constant 0 : i32
    %dma_wait3A_779 = tpu.memref_slice %arg7[%dma_wait3A_777, %dma_wait3A_778] : memref<320x128xf32, #tpu.memory_space<vmem>> -> memref<20x128xf32, #tpu.memory_space<vmem>>
    %dma_wait3A_780 = arith.constant 0 : i32
    %dma_wait3A_781 = tpu.memref_slice %arg5[%dma_wait3A_776, %dma_wait3A_780] : memref<32x20xi32, #tpu.memory_space<vmem>> -> memref<1x20xi32, #tpu.memory_space<vmem>>
    %dma_wait3A_782 = tpu.memref_squeeze %dma_wait3A_781 : memref<1x20xi32, #tpu.memory_space<vmem>> -> memref<20xi32, #tpu.memory_space<vmem>>
    %dma_wait3A_783 = arith.constant 0 : i32
    %dma_wait3A_784 = arith.constant 0 : i32
    %dma_wait3A_785 = tpu.memref_slice %arg3[%add3A, %dma_wait3A_783, %dma_wait3A_784] : memref<32x128x128xf32, #tpu.memory_space<hbm>> -> memref<1x128x128xf32, #tpu.memory_space<hbm>>
    %dma_wait3A_786 = tpu.memref_squeeze %dma_wait3A_785 : memref<1x128x128xf32, #tpu.memory_space<hbm>> -> memref<128x128xf32, #tpu.memory_space<hbm>>
    %dma_wait3A_787 = arith.constant 0 : i32
    %dma_wait3A_788 = arith.constant 0 : i32
    %dma_wait3A_789 = tpu.memref_slice %dma_wait3A_786[%dma_wait3A_787, %dma_wait3A_788] : memref<128x128xf32, #tpu.memory_space<hbm>> -> memref<128x128xf32, #tpu.memory_space<hbm>>
    tpu.wait_indirect_dma semaphore(%arg10 : memref<!tpu.dma_semaphore, #tpu.memory_space<semaphore_mem>>) src(%dma_wait3A_789 : memref<128x128xf32, #tpu.memory_space<hbm>>) dst(%dma_wait3A_779 : memref<20x128xf32, #tpu.memory_space<vmem>>)
    %dma_wait3A_790 = arith.constant 24 : i32
    %dma_wait3A_791 = arith.constant 160 : i32
    %dma_wait3A_792 = arith.constant 0 : i32
    %dma_wait3A_793 = tpu.memref_slice %arg7[%dma_wait3A_791, %dma_wait3A_792] : memref<320x128xf32, #tpu.memory_space<vmem>> -> memref<20x128xf32, #tpu.memory_space<vmem>>
    %dma_wait3A_794 = arith.constant 0 : i32
    %dma_wait3A_795 = tpu.memref_slice %arg5[%dma_wait3A_790, %dma_wait3A_794] : memref<32x20xi32, #tpu.memory_space<vmem>> -> memref<1x20xi32, #tpu.memory_space<vmem>>
    %dma_wait3A_796 = tpu.memref_squeeze %dma_wait3A_795 : memref<1x20xi32, #tpu.memory_space<vmem>> -> memref<20xi32, #tpu.memory_space<vmem>>
    %dma_wait3A_797 = arith.constant 0 : i32
    %dma_wait3A_798 = arith.constant 0 : i32
    %dma_wait3A_799 = tpu.memref_slice %arg3[%add3A, %dma_wait3A_797, %dma_wait3A_798] : memref<32x128x128xf32, #tpu.memory_space<hbm>> -> memref<1x128x128xf32, #tpu.memory_space<hbm>>
    %dma_wait3A_800 = tpu.memref_squeeze %dma_wait3A_799 : memref<1x128x128xf32, #tpu.memory_space<hbm>> -> memref<128x128xf32, #tpu.memory_space<hbm>>
    %dma_wait3A_801 = arith.constant 0 : i32
    %dma_wait3A_802 = arith.constant 0 : i32
    %dma_wait3A_803 = tpu.memref_slice %dma_wait3A_800[%dma_wait3A_801, %dma_wait3A_802] : memref<128x128xf32, #tpu.memory_space<hbm>> -> memref<128x128xf32, #tpu.memory_space<hbm>>
    tpu.wait_indirect_dma semaphore(%arg10 : memref<!tpu.dma_semaphore, #tpu.memory_space<semaphore_mem>>) src(%dma_wait3A_803 : memref<128x128xf32, #tpu.memory_space<hbm>>) dst(%dma_wait3A_793 : memref<20x128xf32, #tpu.memory_space<vmem>>)
    %dma_wait3A_804 = arith.constant 25 : i32
    %dma_wait3A_805 = arith.constant 180 : i32
    %dma_wait3A_806 = arith.constant 0 : i32
    %dma_wait3A_807 = tpu.memref_slice %arg7[%dma_wait3A_805, %dma_wait3A_806] : memref<320x128xf32, #tpu.memory_space<vmem>> -> memref<20x128xf32, #tpu.memory_space<vmem>>
    %dma_wait3A_808 = arith.constant 0 : i32
    %dma_wait3A_809 = tpu.memref_slice %arg5[%dma_wait3A_804, %dma_wait3A_808] : memref<32x20xi32, #tpu.memory_space<vmem>> -> memref<1x20xi32, #tpu.memory_space<vmem>>
    %dma_wait3A_810 = tpu.memref_squeeze %dma_wait3A_809 : memref<1x20xi32, #tpu.memory_space<vmem>> -> memref<20xi32, #tpu.memory_space<vmem>>
    %dma_wait3A_811 = arith.constant 0 : i32
    %dma_wait3A_812 = arith.constant 0 : i32
    %dma_wait3A_813 = tpu.memref_slice %arg3[%add3A, %dma_wait3A_811, %dma_wait3A_812] : memref<32x128x128xf32, #tpu.memory_space<hbm>> -> memref<1x128x128xf32, #tpu.memory_space<hbm>>
    %dma_wait3A_814 = tpu.memref_squeeze %dma_wait3A_813 : memref<1x128x128xf32, #tpu.memory_space<hbm>> -> memref<128x128xf32, #tpu.memory_space<hbm>>
    %dma_wait3A_815 = arith.constant 0 : i32
    %dma_wait3A_816 = arith.constant 0 : i32
    %dma_wait3A_817 = tpu.memref_slice %dma_wait3A_814[%dma_wait3A_815, %dma_wait3A_816] : memref<128x128xf32, #tpu.memory_space<hbm>> -> memref<128x128xf32, #tpu.memory_space<hbm>>
    tpu.wait_indirect_dma semaphore(%arg10 : memref<!tpu.dma_semaphore, #tpu.memory_space<semaphore_mem>>) src(%dma_wait3A_817 : memref<128x128xf32, #tpu.memory_space<hbm>>) dst(%dma_wait3A_807 : memref<20x128xf32, #tpu.memory_space<vmem>>)
    %dma_wait3A_818 = arith.constant 26 : i32
    %dma_wait3A_819 = arith.constant 200 : i32
    %dma_wait3A_820 = arith.constant 0 : i32
    %dma_wait3A_821 = tpu.memref_slice %arg7[%dma_wait3A_819, %dma_wait3A_820] : memref<320x128xf32, #tpu.memory_space<vmem>> -> memref<20x128xf32, #tpu.memory_space<vmem>>
    %dma_wait3A_822 = arith.constant 0 : i32
    %dma_wait3A_823 = tpu.memref_slice %arg5[%dma_wait3A_818, %dma_wait3A_822] : memref<32x20xi32, #tpu.memory_space<vmem>> -> memref<1x20xi32, #tpu.memory_space<vmem>>
    %dma_wait3A_824 = tpu.memref_squeeze %dma_wait3A_823 : memref<1x20xi32, #tpu.memory_space<vmem>> -> memref<20xi32, #tpu.memory_space<vmem>>
    %dma_wait3A_825 = arith.constant 0 : i32
    %dma_wait3A_826 = arith.constant 0 : i32
    %dma_wait3A_827 = tpu.memref_slice %arg3[%add3A, %dma_wait3A_825, %dma_wait3A_826] : memref<32x128x128xf32, #tpu.memory_space<hbm>> -> memref<1x128x128xf32, #tpu.memory_space<hbm>>
    %dma_wait3A_828 = tpu.memref_squeeze %dma_wait3A_827 : memref<1x128x128xf32, #tpu.memory_space<hbm>> -> memref<128x128xf32, #tpu.memory_space<hbm>>
    %dma_wait3A_829 = arith.constant 0 : i32
    %dma_wait3A_830 = arith.constant 0 : i32
    %dma_wait3A_831 = tpu.memref_slice %dma_wait3A_828[%dma_wait3A_829, %dma_wait3A_830] : memref<128x128xf32, #tpu.memory_space<hbm>> -> memref<128x128xf32, #tpu.memory_space<hbm>>
    tpu.wait_indirect_dma semaphore(%arg10 : memref<!tpu.dma_semaphore, #tpu.memory_space<semaphore_mem>>) src(%dma_wait3A_831 : memref<128x128xf32, #tpu.memory_space<hbm>>) dst(%dma_wait3A_821 : memref<20x128xf32, #tpu.memory_space<vmem>>)
    %dma_wait3A_832 = arith.constant 27 : i32
    %dma_wait3A_833 = arith.constant 220 : i32
    %dma_wait3A_834 = arith.constant 0 : i32
    %dma_wait3A_835 = tpu.memref_slice %arg7[%dma_wait3A_833, %dma_wait3A_834] : memref<320x128xf32, #tpu.memory_space<vmem>> -> memref<20x128xf32, #tpu.memory_space<vmem>>
    %dma_wait3A_836 = arith.constant 0 : i32
    %dma_wait3A_837 = tpu.memref_slice %arg5[%dma_wait3A_832, %dma_wait3A_836] : memref<32x20xi32, #tpu.memory_space<vmem>> -> memref<1x20xi32, #tpu.memory_space<vmem>>
    %dma_wait3A_838 = tpu.memref_squeeze %dma_wait3A_837 : memref<1x20xi32, #tpu.memory_space<vmem>> -> memref<20xi32, #tpu.memory_space<vmem>>
    %dma_wait3A_839 = arith.constant 0 : i32
    %dma_wait3A_840 = arith.constant 0 : i32
    %dma_wait3A_841 = tpu.memref_slice %arg3[%add3A, %dma_wait3A_839, %dma_wait3A_840] : memref<32x128x128xf32, #tpu.memory_space<hbm>> -> memref<1x128x128xf32, #tpu.memory_space<hbm>>
    %dma_wait3A_842 = tpu.memref_squeeze %dma_wait3A_841 : memref<1x128x128xf32, #tpu.memory_space<hbm>> -> memref<128x128xf32, #tpu.memory_space<hbm>>
    %dma_wait3A_843 = arith.constant 0 : i32
    %dma_wait3A_844 = arith.constant 0 : i32
    %dma_wait3A_845 = tpu.memref_slice %dma_wait3A_842[%dma_wait3A_843, %dma_wait3A_844] : memref<128x128xf32, #tpu.memory_space<hbm>> -> memref<128x128xf32, #tpu.memory_space<hbm>>
    tpu.wait_indirect_dma semaphore(%arg10 : memref<!tpu.dma_semaphore, #tpu.memory_space<semaphore_mem>>) src(%dma_wait3A_845 : memref<128x128xf32, #tpu.memory_space<hbm>>) dst(%dma_wait3A_835 : memref<20x128xf32, #tpu.memory_space<vmem>>)
    %dma_wait3A_846 = arith.constant 28 : i32
    %dma_wait3A_847 = arith.constant 240 : i32
    %dma_wait3A_848 = arith.constant 0 : i32
    %dma_wait3A_849 = tpu.memref_slice %arg7[%dma_wait3A_847, %dma_wait3A_848] : memref<320x128xf32, #tpu.memory_space<vmem>> -> memref<20x128xf32, #tpu.memory_space<vmem>>
    %dma_wait3A_850 = arith.constant 0 : i32
    %dma_wait3A_851 = tpu.memref_slice %arg5[%dma_wait3A_846, %dma_wait3A_850] : memref<32x20xi32, #tpu.memory_space<vmem>> -> memref<1x20xi32, #tpu.memory_space<vmem>>
    %dma_wait3A_852 = tpu.memref_squeeze %dma_wait3A_851 : memref<1x20xi32, #tpu.memory_space<vmem>> -> memref<20xi32, #tpu.memory_space<vmem>>
    %dma_wait3A_853 = arith.constant 0 : i32
    %dma_wait3A_854 = arith.constant 0 : i32
    %dma_wait3A_855 = tpu.memref_slice %arg3[%add3A, %dma_wait3A_853, %dma_wait3A_854] : memref<32x128x128xf32, #tpu.memory_space<hbm>> -> memref<1x128x128xf32, #tpu.memory_space<hbm>>
    %dma_wait3A_856 = tpu.memref_squeeze %dma_wait3A_855 : memref<1x128x128xf32, #tpu.memory_space<hbm>> -> memref<128x128xf32, #tpu.memory_space<hbm>>
    %dma_wait3A_857 = arith.constant 0 : i32
    %dma_wait3A_858 = arith.constant 0 : i32
    %dma_wait3A_859 = tpu.memref_slice %dma_wait3A_856[%dma_wait3A_857, %dma_wait3A_858] : memref<128x128xf32, #tpu.memory_space<hbm>> -> memref<128x128xf32, #tpu.memory_space<hbm>>
    tpu.wait_indirect_dma semaphore(%arg10 : memref<!tpu.dma_semaphore, #tpu.memory_space<semaphore_mem>>) src(%dma_wait3A_859 : memref<128x128xf32, #tpu.memory_space<hbm>>) dst(%dma_wait3A_849 : memref<20x128xf32, #tpu.memory_space<vmem>>)
    %dma_wait3A_860 = arith.constant 29 : i32
    %dma_wait3A_861 = arith.constant 260 : i32
    %dma_wait3A_862 = arith.constant 0 : i32
    %dma_wait3A_863 = tpu.memref_slice %arg7[%dma_wait3A_861, %dma_wait3A_862] : memref<320x128xf32, #tpu.memory_space<vmem>> -> memref<20x128xf32, #tpu.memory_space<vmem>>
    %dma_wait3A_864 = arith.constant 0 : i32
    %dma_wait3A_865 = tpu.memref_slice %arg5[%dma_wait3A_860, %dma_wait3A_864] : memref<32x20xi32, #tpu.memory_space<vmem>> -> memref<1x20xi32, #tpu.memory_space<vmem>>
    %dma_wait3A_866 = tpu.memref_squeeze %dma_wait3A_865 : memref<1x20xi32, #tpu.memory_space<vmem>> -> memref<20xi32, #tpu.memory_space<vmem>>
    %dma_wait3A_867 = arith.constant 0 : i32
    %dma_wait3A_868 = arith.constant 0 : i32
    %dma_wait3A_869 = tpu.memref_slice %arg3[%add3A, %dma_wait3A_867, %dma_wait3A_868] : memref<32x128x128xf32, #tpu.memory_space<hbm>> -> memref<1x128x128xf32, #tpu.memory_space<hbm>>
    %dma_wait3A_870 = tpu.memref_squeeze %dma_wait3A_869 : memref<1x128x128xf32, #tpu.memory_space<hbm>> -> memref<128x128xf32, #tpu.memory_space<hbm>>
    %dma_wait3A_871 = arith.constant 0 : i32
    %dma_wait3A_872 = arith.constant 0 : i32
    %dma_wait3A_873 = tpu.memref_slice %dma_wait3A_870[%dma_wait3A_871, %dma_wait3A_872] : memref<128x128xf32, #tpu.memory_space<hbm>> -> memref<128x128xf32, #tpu.memory_space<hbm>>
    tpu.wait_indirect_dma semaphore(%arg10 : memref<!tpu.dma_semaphore, #tpu.memory_space<semaphore_mem>>) src(%dma_wait3A_873 : memref<128x128xf32, #tpu.memory_space<hbm>>) dst(%dma_wait3A_863 : memref<20x128xf32, #tpu.memory_space<vmem>>)
    %dma_wait3A_874 = arith.constant 30 : i32
    %dma_wait3A_875 = arith.constant 280 : i32
    %dma_wait3A_876 = arith.constant 0 : i32
    %dma_wait3A_877 = tpu.memref_slice %arg7[%dma_wait3A_875, %dma_wait3A_876] : memref<320x128xf32, #tpu.memory_space<vmem>> -> memref<20x128xf32, #tpu.memory_space<vmem>>
    %dma_wait3A_878 = arith.constant 0 : i32
    %dma_wait3A_879 = tpu.memref_slice %arg5[%dma_wait3A_874, %dma_wait3A_878] : memref<32x20xi32, #tpu.memory_space<vmem>> -> memref<1x20xi32, #tpu.memory_space<vmem>>
    %dma_wait3A_880 = tpu.memref_squeeze %dma_wait3A_879 : memref<1x20xi32, #tpu.memory_space<vmem>> -> memref<20xi32, #tpu.memory_space<vmem>>
    %dma_wait3A_881 = arith.constant 0 : i32
    %dma_wait3A_882 = arith.constant 0 : i32
    %dma_wait3A_883 = tpu.memref_slice %arg3[%add3A, %dma_wait3A_881, %dma_wait3A_882] : memref<32x128x128xf32, #tpu.memory_space<hbm>> -> memref<1x128x128xf32, #tpu.memory_space<hbm>>
    %dma_wait3A_884 = tpu.memref_squeeze %dma_wait3A_883 : memref<1x128x128xf32, #tpu.memory_space<hbm>> -> memref<128x128xf32, #tpu.memory_space<hbm>>
    %dma_wait3A_885 = arith.constant 0 : i32
    %dma_wait3A_886 = arith.constant 0 : i32
    %dma_wait3A_887 = tpu.memref_slice %dma_wait3A_884[%dma_wait3A_885, %dma_wait3A_886] : memref<128x128xf32, #tpu.memory_space<hbm>> -> memref<128x128xf32, #tpu.memory_space<hbm>>
    tpu.wait_indirect_dma semaphore(%arg10 : memref<!tpu.dma_semaphore, #tpu.memory_space<semaphore_mem>>) src(%dma_wait3A_887 : memref<128x128xf32, #tpu.memory_space<hbm>>) dst(%dma_wait3A_877 : memref<20x128xf32, #tpu.memory_space<vmem>>)
    %dma_wait3A_888 = arith.constant 31 : i32
    %dma_wait3A_889 = arith.constant 300 : i32
    %dma_wait3A_890 = arith.constant 0 : i32
    %dma_wait3A_891 = tpu.memref_slice %arg7[%dma_wait3A_889, %dma_wait3A_890] : memref<320x128xf32, #tpu.memory_space<vmem>> -> memref<20x128xf32, #tpu.memory_space<vmem>>
    %dma_wait3A_892 = arith.constant 0 : i32
    %dma_wait3A_893 = tpu.memref_slice %arg5[%dma_wait3A_888, %dma_wait3A_892] : memref<32x20xi32, #tpu.memory_space<vmem>> -> memref<1x20xi32, #tpu.memory_space<vmem>>
    %dma_wait3A_894 = tpu.memref_squeeze %dma_wait3A_893 : memref<1x20xi32, #tpu.memory_space<vmem>> -> memref<20xi32, #tpu.memory_space<vmem>>
    %dma_wait3A_895 = arith.constant 0 : i32
    %dma_wait3A_896 = arith.constant 0 : i32
    %dma_wait3A_897 = tpu.memref_slice %arg3[%add3A, %dma_wait3A_895, %dma_wait3A_896] : memref<32x128x128xf32, #tpu.memory_space<hbm>> -> memref<1x128x128xf32, #tpu.memory_space<hbm>>
    %dma_wait3A_898 = tpu.memref_squeeze %dma_wait3A_897 : memref<1x128x128xf32, #tpu.memory_space<hbm>> -> memref<128x128xf32, #tpu.memory_space<hbm>>
    %dma_wait3A_899 = arith.constant 0 : i32
    %dma_wait3A_900 = arith.constant 0 : i32
    %dma_wait3A_901 = tpu.memref_slice %dma_wait3A_898[%dma_wait3A_899, %dma_wait3A_900] : memref<128x128xf32, #tpu.memory_space<hbm>> -> memref<128x128xf32, #tpu.memory_space<hbm>>
    tpu.wait_indirect_dma semaphore(%arg10 : memref<!tpu.dma_semaphore, #tpu.memory_space<semaphore_mem>>) src(%dma_wait3A_901 : memref<128x128xf32, #tpu.memory_space<hbm>>) dst(%dma_wait3A_891 : memref<20x128xf32, #tpu.memory_space<vmem>>)
    %scan3A_902 = arith.constant 0 : i32
    %scan3A_903 = arith.constant 0 : i32
    %scan3A_904 = arith.constant 16 : i32
    %scan3A_905 = arith.addi %scan3A_903, %scan3A_904 : i32
    %scan3A_906 = arith.constant 1 : i32
    scf.for %scan3A_910 = %scan3A_903 to %scan3A_905 step %scan3A_906  : i32 {
      %mul3A_911 = arith.constant 20 : i32
      %mul3A_912 = arith.muli %scan3A_910, %mul3A_911 : i32
      %get3A = arith.index_cast %mul3A_912 : i32 to index
      %get3A_913 = arith.constant 0 : index
      %get3A_914 = tpu.vector_load %arg7[%get3A, %get3A_913] {strides = array<i32>} : memref<320x128xf32, #tpu.memory_space<vmem>>, vector<1x16xf32>,
      %get3A_915 = vector.shape_cast %get3A_914 : vector<1x16xf32> to vector<16xf32>
      %add3A_916 = arith.constant 1 : i32
      %add3A_917 = arith.addi %mul3A_912, %add3A_916 : i32
      %get3A_918 = arith.index_cast %add3A_917 : i32 to index
      %get3A_919 = arith.constant 0 : index
      %get3A_920 = tpu.vector_load %arg7[%get3A_918, %get3A_919] {strides = array<i32>} : memref<320x128xf32, #tpu.memory_space<vmem>>, vector<1x16xf32>,
      %get3A_921 = vector.shape_cast %get3A_920 : vector<1x16xf32> to vector<16xf32>
      %add3A_922 = arith.addf %get3A_915, %get3A_921 : vector<16xf32>
      %add3A_923 = arith.constant 2 : i32
      %add3A_924 = arith.addi %mul3A_912, %add3A_923 : i32
      %get3A_925 = arith.index_cast %add3A_924 : i32 to index
      %get3A_926 = arith.constant 0 : index
      %get3A_927 = tpu.vector_load %arg7[%get3A_925, %get3A_926] {strides = array<i32>} : memref<320x128xf32, #tpu.memory_space<vmem>>, vector<1x16xf32>,
      %get3A_928 = vector.shape_cast %get3A_927 : vector<1x16xf32> to vector<16xf32>
      %add3A_929 = arith.addf %add3A_922, %get3A_928 : vector<16xf32>
      %add3A_930 = arith.constant 3 : i32
      %add3A_931 = arith.addi %mul3A_912, %add3A_930 : i32
      %get3A_932 = arith.index_cast %add3A_931 : i32 to index
      %get3A_933 = arith.constant 0 : index
      %get3A_934 = tpu.vector_load %arg7[%get3A_932, %get3A_933] {strides = array<i32>} : memref<320x128xf32, #tpu.memory_space<vmem>>, vector<1x16xf32>,
      %get3A_935 = vector.shape_cast %get3A_934 : vector<1x16xf32> to vector<16xf32>
      %add3A_936 = arith.addf %add3A_929, %get3A_935 : vector<16xf32>
      %add3A_937 = arith.constant 4 : i32
      %add3A_938 = arith.addi %mul3A_912, %add3A_937 : i32
      %get3A_939 = arith.index_cast %add3A_938 : i32 to index
      %get3A_940 = arith.constant 0 : index
      %get3A_941 = tpu.vector_load %arg7[%get3A_939, %get3A_940] {strides = array<i32>} : memref<320x128xf32, #tpu.memory_space<vmem>>, vector<1x16xf32>,
      %get3A_942 = vector.shape_cast %get3A_941 : vector<1x16xf32> to vector<16xf32>
      %add3A_943 = arith.addf %add3A_936, %get3A_942 : vector<16xf32>
      %add3A_944 = arith.constant 5 : i32
      %add3A_945 = arith.addi %mul3A_912, %add3A_944 : i32
      %get3A_946 = arith.index_cast %add3A_945 : i32 to index
      %get3A_947 = arith.constant 0 : index
      %get3A_948 = tpu.vector_load %arg7[%get3A_946, %get3A_947] {strides = array<i32>} : memref<320x128xf32, #tpu.memory_space<vmem>>, vector<1x16xf32>,
      %get3A_949 = vector.shape_cast %get3A_948 : vector<1x16xf32> to vector<16xf32>
      %add3A_950 = arith.addf %add3A_943, %get3A_949 : vector<16xf32>
      %add3A_951 = arith.constant 6 : i32
      %add3A_952 = arith.addi %mul3A_912, %add3A_951 : i32
      %get3A_953 = arith.index_cast %add3A_952 : i32 to index
      %get3A_954 = arith.constant 0 : index
      %get3A_955 = tpu.vector_load %arg7[%get3A_953, %get3A_954] {strides = array<i32>} : memref<320x128xf32, #tpu.memory_space<vmem>>, vector<1x16xf32>,
      %get3A_956 = vector.shape_cast %get3A_955 : vector<1x16xf32> to vector<16xf32>
      %add3A_957 = arith.addf %add3A_950, %get3A_956 : vector<16xf32>
      %add3A_958 = arith.constant 7 : i32
      %add3A_959 = arith.addi %mul3A_912, %add3A_958 : i32
      %get3A_960 = arith.index_cast %add3A_959 : i32 to index
      %get3A_961 = arith.constant 0 : index
      %get3A_962 = tpu.vector_load %arg7[%get3A_960, %get3A_961] {strides = array<i32>} : memref<320x128xf32, #tpu.memory_space<vmem>>, vector<1x16xf32>,
      %get3A_963 = vector.shape_cast %get3A_962 : vector<1x16xf32> to vector<16xf32>
      %add3A_964 = arith.addf %add3A_957, %get3A_963 : vector<16xf32>
      %add3A_965 = arith.constant 8 : i32
      %add3A_966 = arith.addi %mul3A_912, %add3A_965 : i32
      %get3A_967 = arith.index_cast %add3A_966 : i32 to index
      %get3A_968 = arith.constant 0 : index
      %get3A_969 = tpu.vector_load %arg7[%get3A_967, %get3A_968] {strides = array<i32>} : memref<320x128xf32, #tpu.memory_space<vmem>>, vector<1x16xf32>,
      %get3A_970 = vector.shape_cast %get3A_969 : vector<1x16xf32> to vector<16xf32>
      %add3A_971 = arith.addf %add3A_964, %get3A_970 : vector<16xf32>
      %add3A_972 = arith.constant 9 : i32
      %add3A_973 = arith.addi %mul3A_912, %add3A_972 : i32
      %get3A_974 = arith.index_cast %add3A_973 : i32 to index
      %get3A_975 = arith.constant 0 : index
      %get3A_976 = tpu.vector_load %arg7[%get3A_974, %get3A_975] {strides = array<i32>} : memref<320x128xf32, #tpu.memory_space<vmem>>, vector<1x16xf32>,
      %get3A_977 = vector.shape_cast %get3A_976 : vector<1x16xf32> to vector<16xf32>
      %add3A_978 = arith.addf %add3A_971, %get3A_977 : vector<16xf32>
      %add3A_979 = arith.constant 10 : i32
      %add3A_980 = arith.addi %mul3A_912, %add3A_979 : i32
      %get3A_981 = arith.index_cast %add3A_980 : i32 to index
      %get3A_982 = arith.constant 0 : index
      %get3A_983 = tpu.vector_load %arg7[%get3A_981, %get3A_982] {strides = array<i32>} : memref<320x128xf32, #tpu.memory_space<vmem>>, vector<1x16xf32>,
      %get3A_984 = vector.shape_cast %get3A_983 : vector<1x16xf32> to vector<16xf32>
      %add3A_985 = arith.addf %add3A_978, %get3A_984 : vector<16xf32>
      %add3A_986 = arith.constant 11 : i32
      %add3A_987 = arith.addi %mul3A_912, %add3A_986 : i32
      %get3A_988 = arith.index_cast %add3A_987 : i32 to index
      %get3A_989 = arith.constant 0 : index
      %get3A_990 = tpu.vector_load %arg7[%get3A_988, %get3A_989] {strides = array<i32>} : memref<320x128xf32, #tpu.memory_space<vmem>>, vector<1x16xf32>,
      %get3A_991 = vector.shape_cast %get3A_990 : vector<1x16xf32> to vector<16xf32>
      %add3A_992 = arith.addf %add3A_985, %get3A_991 : vector<16xf32>
      %add3A_993 = arith.constant 12 : i32
      %add3A_994 = arith.addi %mul3A_912, %add3A_993 : i32
      %get3A_995 = arith.index_cast %add3A_994 : i32 to index
      %get3A_996 = arith.constant 0 : index
      %get3A_997 = tpu.vector_load %arg7[%get3A_995, %get3A_996] {strides = array<i32>} : memref<320x128xf32, #tpu.memory_space<vmem>>, vector<1x16xf32>,
      %get3A_998 = vector.shape_cast %get3A_997 : vector<1x16xf32> to vector<16xf32>
      %add3A_999 = arith.addf %add3A_992, %get3A_998 : vector<16xf32>
      %add3A_1000 = arith.constant 13 : i32
      %add3A_1001 = arith.addi %mul3A_912, %add3A_1000 : i32
      %get3A_1002 = arith.index_cast %add3A_1001 : i32 to index
      %get3A_1003 = arith.constant 0 : index
      %get3A_1004 = tpu.vector_load %arg7[%get3A_1002, %get3A_1003] {strides = array<i32>} : memref<320x128xf32, #tpu.memory_space<vmem>>, vector<1x16xf32>,
      %get3A_1005 = vector.shape_cast %get3A_1004 : vector<1x16xf32> to vector<16xf32>
      %add3A_1006 = arith.addf %add3A_999, %get3A_1005 : vector<16xf32>
      %add3A_1007 = arith.constant 14 : i32
      %add3A_1008 = arith.addi %mul3A_912, %add3A_1007 : i32
      %get3A_1009 = arith.index_cast %add3A_1008 : i32 to index
      %get3A_1010 = arith.constant 0 : index
      %get3A_1011 = tpu.vector_load %arg7[%get3A_1009, %get3A_1010] {strides = array<i32>} : memref<320x128xf32, #tpu.memory_space<vmem>>, vector<1x16xf32>,
      %get3A_1012 = vector.shape_cast %get3A_1011 : vector<1x16xf32> to vector<16xf32>
      %add3A_1013 = arith.addf %add3A_1006, %get3A_1012 : vector<16xf32>
      %add3A_1014 = arith.constant 15 : i32
      %add3A_1015 = arith.addi %mul3A_912, %add3A_1014 : i32
      %get3A_1016 = arith.index_cast %add3A_1015 : i32 to index
      %get3A_1017 = arith.constant 0 : index
      %get3A_1018 = tpu.vector_load %arg7[%get3A_1016, %get3A_1017] {strides = array<i32>} : memref<320x128xf32, #tpu.memory_space<vmem>>, vector<1x16xf32>,
      %get3A_1019 = vector.shape_cast %get3A_1018 : vector<1x16xf32> to vector<16xf32>
      %add3A_1020 = arith.addf %add3A_1013, %get3A_1019 : vector<16xf32>
      %add3A_1021 = arith.constant 16 : i32
      %add3A_1022 = arith.addi %mul3A_912, %add3A_1021 : i32
      %get3A_1023 = arith.index_cast %add3A_1022 : i32 to index
      %get3A_1024 = arith.constant 0 : index
      %get3A_1025 = tpu.vector_load %arg7[%get3A_1023, %get3A_1024] {strides = array<i32>} : memref<320x128xf32, #tpu.memory_space<vmem>>, vector<1x16xf32>,
      %get3A_1026 = vector.shape_cast %get3A_1025 : vector<1x16xf32> to vector<16xf32>
      %add3A_1027 = arith.addf %add3A_1020, %get3A_1026 : vector<16xf32>
      %add3A_1028 = arith.constant 17 : i32
      %add3A_1029 = arith.addi %mul3A_912, %add3A_1028 : i32
      %get3A_1030 = arith.index_cast %add3A_1029 : i32 to index
      %get3A_1031 = arith.constant 0 : index
      %get3A_1032 = tpu.vector_load %arg7[%get3A_1030, %get3A_1031] {strides = array<i32>} : memref<320x128xf32, #tpu.memory_space<vmem>>, vector<1x16xf32>,
      %get3A_1033 = vector.shape_cast %get3A_1032 : vector<1x16xf32> to vector<16xf32>
      %add3A_1034 = arith.addf %add3A_1027, %get3A_1033 : vector<16xf32>
      %add3A_1035 = arith.constant 18 : i32
      %add3A_1036 = arith.addi %mul3A_912, %add3A_1035 : i32
      %get3A_1037 = arith.index_cast %add3A_1036 : i32 to index
      %get3A_1038 = arith.constant 0 : index
      %get3A_1039 = tpu.vector_load %arg7[%get3A_1037, %get3A_1038] {strides = array<i32>} : memref<320x128xf32, #tpu.memory_space<vmem>>, vector<1x16xf32>,
      %get3A_1040 = vector.shape_cast %get3A_1039 : vector<1x16xf32> to vector<16xf32>
      %add3A_1041 = arith.addf %add3A_1034, %get3A_1040 : vector<16xf32>
      %add3A_1042 = arith.constant 19 : i32
      %add3A_1043 = arith.addi %mul3A_912, %add3A_1042 : i32
      %get3A_1044 = arith.index_cast %add3A_1043 : i32 to index
      %get3A_1045 = arith.constant 0 : index
      %get3A_1046 = tpu.vector_load %arg7[%get3A_1044, %get3A_1045] {strides = array<i32>} : memref<320x128xf32, #tpu.memory_space<vmem>>, vector<1x16xf32>,
      %get3A_1047 = vector.shape_cast %get3A_1046 : vector<1x16xf32> to vector<16xf32>
      %add3A_1048 = arith.addf %add3A_1041, %get3A_1047 : vector<16xf32>
      %mul3A_1049 = arith.constant 5.000000e-02 : f32
      %mul3A_1050 = vector.broadcast %mul3A_1049 : f32 to vector<16xf32>
      %mul3A_1051 = arith.mulf %add3A_1048, %mul3A_1050 : vector<16xf32>
      %add3A_1052 = arith.constant 16 : i32
      %add3A_1053 = arith.addi %add3A_1052, %scan3A_910 : i32
      %swap3A = arith.index_cast %add3A_1053 : i32 to index
      %swap3A_1054 = arith.constant 0 : index
      %swap3A_1055 = tpu.vector_load %arg8[%swap3A, %swap3A_1054] {strides = array<i32>} : memref<32x128xf32, #tpu.memory_space<vmem>>, vector<1x16xf32>,
      %swap3A_1056 = vector.shape_cast %swap3A_1055 : vector<1x16xf32> to vector<16xf32>
      %swap3A_1057 = vector.shape_cast %mul3A_1051 : vector<16xf32> to vector<1x16xf32>
      tpu.vector_store %arg8[%swap3A, %swap3A_1054], %swap3A_1057 {strides = array<i32>} : memref<32x128xf32, #tpu.memory_space<vmem>>, vector<1x16xf32>,
      %get3A_1058 = arith.index_cast %mul3A_912 : i32 to index
      %get3A_1059 = arith.constant 16 : index
      %get3A_1060 = tpu.vector_load %arg7[%get3A_1058, %get3A_1059] {strides = array<i32>} : memref<320x128xf32, #tpu.memory_space<vmem>>, vector<1x16xf32>,
      %get3A_1061 = vector.shape_cast %get3A_1060 : vector<1x16xf32> to vector<16xf32>
      %add3A_1062 = arith.constant 1 : i32
      %add3A_1063 = arith.addi %mul3A_912, %add3A_1062 : i32
      %get3A_1064 = arith.index_cast %add3A_1063 : i32 to index
      %get3A_1065 = arith.constant 16 : index
      %get3A_1066 = tpu.vector_load %arg7[%get3A_1064, %get3A_1065] {strides = array<i32>} : memref<320x128xf32, #tpu.memory_space<vmem>>, vector<1x16xf32>,
      %get3A_1067 = vector.shape_cast %get3A_1066 : vector<1x16xf32> to vector<16xf32>
      %add3A_1068 = arith.addf %get3A_1061, %get3A_1067 : vector<16xf32>
      %add3A_1069 = arith.constant 2 : i32
      %add3A_1070 = arith.addi %mul3A_912, %add3A_1069 : i32
      %get3A_1071 = arith.index_cast %add3A_1070 : i32 to index
      %get3A_1072 = arith.constant 16 : index
      %get3A_1073 = tpu.vector_load %arg7[%get3A_1071, %get3A_1072] {strides = array<i32>} : memref<320x128xf32, #tpu.memory_space<vmem>>, vector<1x16xf32>,
      %get3A_1074 = vector.shape_cast %get3A_1073 : vector<1x16xf32> to vector<16xf32>
      %add3A_1075 = arith.addf %add3A_1068, %get3A_1074 : vector<16xf32>
      %add3A_1076 = arith.constant 3 : i32
      %add3A_1077 = arith.addi %mul3A_912, %add3A_1076 : i32
      %get3A_1078 = arith.index_cast %add3A_1077 : i32 to index
      %get3A_1079 = arith.constant 16 : index
      %get3A_1080 = tpu.vector_load %arg7[%get3A_1078, %get3A_1079] {strides = array<i32>} : memref<320x128xf32, #tpu.memory_space<vmem>>, vector<1x16xf32>,
      %get3A_1081 = vector.shape_cast %get3A_1080 : vector<1x16xf32> to vector<16xf32>
      %add3A_1082 = arith.addf %add3A_1075, %get3A_1081 : vector<16xf32>
      %add3A_1083 = arith.constant 4 : i32
      %add3A_1084 = arith.addi %mul3A_912, %add3A_1083 : i32
      %get3A_1085 = arith.index_cast %add3A_1084 : i32 to index
      %get3A_1086 = arith.constant 16 : index
      %get3A_1087 = tpu.vector_load %arg7[%get3A_1085, %get3A_1086] {strides = array<i32>} : memref<320x128xf32, #tpu.memory_space<vmem>>, vector<1x16xf32>,
      %get3A_1088 = vector.shape_cast %get3A_1087 : vector<1x16xf32> to vector<16xf32>
      %add3A_1089 = arith.addf %add3A_1082, %get3A_1088 : vector<16xf32>
      %add3A_1090 = arith.constant 5 : i32
      %add3A_1091 = arith.addi %mul3A_912, %add3A_1090 : i32
      %get3A_1092 = arith.index_cast %add3A_1091 : i32 to index
      %get3A_1093 = arith.constant 16 : index
      %get3A_1094 = tpu.vector_load %arg7[%get3A_1092, %get3A_1093] {strides = array<i32>} : memref<320x128xf32, #tpu.memory_space<vmem>>, vector<1x16xf32>,
      %get3A_1095 = vector.shape_cast %get3A_1094 : vector<1x16xf32> to vector<16xf32>
      %add3A_1096 = arith.addf %add3A_1089, %get3A_1095 : vector<16xf32>
      %add3A_1097 = arith.constant 6 : i32
      %add3A_1098 = arith.addi %mul3A_912, %add3A_1097 : i32
      %get3A_1099 = arith.index_cast %add3A_1098 : i32 to index
      %get3A_1100 = arith.constant 16 : index
      %get3A_1101 = tpu.vector_load %arg7[%get3A_1099, %get3A_1100] {strides = array<i32>} : memref<320x128xf32, #tpu.memory_space<vmem>>, vector<1x16xf32>,
      %get3A_1102 = vector.shape_cast %get3A_1101 : vector<1x16xf32> to vector<16xf32>
      %add3A_1103 = arith.addf %add3A_1096, %get3A_1102 : vector<16xf32>
      %add3A_1104 = arith.constant 7 : i32
      %add3A_1105 = arith.addi %mul3A_912, %add3A_1104 : i32
      %get3A_1106 = arith.index_cast %add3A_1105 : i32 to index
      %get3A_1107 = arith.constant 16 : index
      %get3A_1108 = tpu.vector_load %arg7[%get3A_1106, %get3A_1107] {strides = array<i32>} : memref<320x128xf32, #tpu.memory_space<vmem>>, vector<1x16xf32>,
      %get3A_1109 = vector.shape_cast %get3A_1108 : vector<1x16xf32> to vector<16xf32>
      %add3A_1110 = arith.addf %add3A_1103, %get3A_1109 : vector<16xf32>
      %add3A_1111 = arith.constant 8 : i32
      %add3A_1112 = arith.addi %mul3A_912, %add3A_1111 : i32
      %get3A_1113 = arith.index_cast %add3A_1112 : i32 to index
      %get3A_1114 = arith.constant 16 : index
      %get3A_1115 = tpu.vector_load %arg7[%get3A_1113, %get3A_1114] {strides = array<i32>} : memref<320x128xf32, #tpu.memory_space<vmem>>, vector<1x16xf32>,
      %get3A_1116 = vector.shape_cast %get3A_1115 : vector<1x16xf32> to vector<16xf32>
      %add3A_1117 = arith.addf %add3A_1110, %get3A_1116 : vector<16xf32>
      %add3A_1118 = arith.constant 9 : i32
      %add3A_1119 = arith.addi %mul3A_912, %add3A_1118 : i32
      %get3A_1120 = arith.index_cast %add3A_1119 : i32 to index
      %get3A_1121 = arith.constant 16 : index
      %get3A_1122 = tpu.vector_load %arg7[%get3A_1120, %get3A_1121] {strides = array<i32>} : memref<320x128xf32, #tpu.memory_space<vmem>>, vector<1x16xf32>,
      %get3A_1123 = vector.shape_cast %get3A_1122 : vector<1x16xf32> to vector<16xf32>
      %add3A_1124 = arith.addf %add3A_1117, %get3A_1123 : vector<16xf32>
      %add3A_1125 = arith.constant 10 : i32
      %add3A_1126 = arith.addi %mul3A_912, %add3A_1125 : i32
      %get3A_1127 = arith.index_cast %add3A_1126 : i32 to index
      %get3A_1128 = arith.constant 16 : index
      %get3A_1129 = tpu.vector_load %arg7[%get3A_1127, %get3A_1128] {strides = array<i32>} : memref<320x128xf32, #tpu.memory_space<vmem>>, vector<1x16xf32>,
      %get3A_1130 = vector.shape_cast %get3A_1129 : vector<1x16xf32> to vector<16xf32>
      %add3A_1131 = arith.addf %add3A_1124, %get3A_1130 : vector<16xf32>
      %add3A_1132 = arith.constant 11 : i32
      %add3A_1133 = arith.addi %mul3A_912, %add3A_1132 : i32
      %get3A_1134 = arith.index_cast %add3A_1133 : i32 to index
      %get3A_1135 = arith.constant 16 : index
      %get3A_1136 = tpu.vector_load %arg7[%get3A_1134, %get3A_1135] {strides = array<i32>} : memref<320x128xf32, #tpu.memory_space<vmem>>, vector<1x16xf32>,
      %get3A_1137 = vector.shape_cast %get3A_1136 : vector<1x16xf32> to vector<16xf32>
      %add3A_1138 = arith.addf %add3A_1131, %get3A_1137 : vector<16xf32>
      %add3A_1139 = arith.constant 12 : i32
      %add3A_1140 = arith.addi %mul3A_912, %add3A_1139 : i32
      %get3A_1141 = arith.index_cast %add3A_1140 : i32 to index
      %get3A_1142 = arith.constant 16 : index
      %get3A_1143 = tpu.vector_load %arg7[%get3A_1141, %get3A_1142] {strides = array<i32>} : memref<320x128xf32, #tpu.memory_space<vmem>>, vector<1x16xf32>,
      %get3A_1144 = vector.shape_cast %get3A_1143 : vector<1x16xf32> to vector<16xf32>
      %add3A_1145 = arith.addf %add3A_1138, %get3A_1144 : vector<16xf32>
      %add3A_1146 = arith.constant 13 : i32
      %add3A_1147 = arith.addi %mul3A_912, %add3A_1146 : i32
      %get3A_1148 = arith.index_cast %add3A_1147 : i32 to index
      %get3A_1149 = arith.constant 16 : index
      %get3A_1150 = tpu.vector_load %arg7[%get3A_1148, %get3A_1149] {strides = array<i32>} : memref<320x128xf32, #tpu.memory_space<vmem>>, vector<1x16xf32>,
      %get3A_1151 = vector.shape_cast %get3A_1150 : vector<1x16xf32> to vector<16xf32>
      %add3A_1152 = arith.addf %add3A_1145, %get3A_1151 : vector<16xf32>
      %add3A_1153 = arith.constant 14 : i32
      %add3A_1154 = arith.addi %mul3A_912, %add3A_1153 : i32
      %get3A_1155 = arith.index_cast %add3A_1154 : i32 to index
      %get3A_1156 = arith.constant 16 : index
      %get3A_1157 = tpu.vector_load %arg7[%get3A_1155, %get3A_1156] {strides = array<i32>} : memref<320x128xf32, #tpu.memory_space<vmem>>, vector<1x16xf32>,
      %get3A_1158 = vector.shape_cast %get3A_1157 : vector<1x16xf32> to vector<16xf32>
      %add3A_1159 = arith.addf %add3A_1152, %get3A_1158 : vector<16xf32>
      %add3A_1160 = arith.constant 15 : i32
      %add3A_1161 = arith.addi %mul3A_912, %add3A_1160 : i32
      %get3A_1162 = arith.index_cast %add3A_1161 : i32 to index
      %get3A_1163 = arith.constant 16 : index
      %get3A_1164 = tpu.vector_load %arg7[%get3A_1162, %get3A_1163] {strides = array<i32>} : memref<320x128xf32, #tpu.memory_space<vmem>>, vector<1x16xf32>,
      %get3A_1165 = vector.shape_cast %get3A_1164 : vector<1x16xf32> to vector<16xf32>
      %add3A_1166 = arith.addf %add3A_1159, %get3A_1165 : vector<16xf32>
      %add3A_1167 = arith.constant 16 : i32
      %add3A_1168 = arith.addi %mul3A_912, %add3A_1167 : i32
      %get3A_1169 = arith.index_cast %add3A_1168 : i32 to index
      %get3A_1170 = arith.constant 16 : index
      %get3A_1171 = tpu.vector_load %arg7[%get3A_1169, %get3A_1170] {strides = array<i32>} : memref<320x128xf32, #tpu.memory_space<vmem>>, vector<1x16xf32>,
      %get3A_1172 = vector.shape_cast %get3A_1171 : vector<1x16xf32> to vector<16xf32>
      %add3A_1173 = arith.addf %add3A_1166, %get3A_1172 : vector<16xf32>
      %add3A_1174 = arith.constant 17 : i32
      %add3A_1175 = arith.addi %mul3A_912, %add3A_1174 : i32
      %get3A_1176 = arith.index_cast %add3A_1175 : i32 to index
      %get3A_1177 = arith.constant 16 : index
      %get3A_1178 = tpu.vector_load %arg7[%get3A_1176, %get3A_1177] {strides = array<i32>} : memref<320x128xf32, #tpu.memory_space<vmem>>, vector<1x16xf32>,
      %get3A_1179 = vector.shape_cast %get3A_1178 : vector<1x16xf32> to vector<16xf32>
      %add3A_1180 = arith.addf %add3A_1173, %get3A_1179 : vector<16xf32>
      %add3A_1181 = arith.constant 18 : i32
      %add3A_1182 = arith.addi %mul3A_912, %add3A_1181 : i32
      %get3A_1183 = arith.index_cast %add3A_1182 : i32 to index
      %get3A_1184 = arith.constant 16 : index
      %get3A_1185 = tpu.vector_load %arg7[%get3A_1183, %get3A_1184] {strides = array<i32>} : memref<320x128xf32, #tpu.memory_space<vmem>>, vector<1x16xf32>,
      %get3A_1186 = vector.shape_cast %get3A_1185 : vector<1x16xf32> to vector<16xf32>
      %add3A_1187 = arith.addf %add3A_1180, %get3A_1186 : vector<16xf32>
      %add3A_1188 = arith.constant 19 : i32
      %add3A_1189 = arith.addi %mul3A_912, %add3A_1188 : i32
      %get3A_1190 = arith.index_cast %add3A_1189 : i32 to index
      %get3A_1191 = arith.constant 16 : index
      %get3A_1192 = tpu.vector_load %arg7[%get3A_1190, %get3A_1191] {strides = array<i32>} : memref<320x128xf32, #tpu.memory_space<vmem>>, vector<1x16xf32>,
      %get3A_1193 = vector.shape_cast %get3A_1192 : vector<1x16xf32> to vector<16xf32>
      %add3A_1194 = arith.addf %add3A_1187, %get3A_1193 : vector<16xf32>
      %mul3A_1195 = arith.constant 5.000000e-02 : f32
      %mul3A_1196 = vector.broadcast %mul3A_1195 : f32 to vector<16xf32>
      %mul3A_1197 = arith.mulf %add3A_1194, %mul3A_1196 : vector<16xf32>
      %add3A_1198 = arith.constant 16 : i32
      %add3A_1199 = arith.addi %add3A_1198, %scan3A_910 : i32
      %swap3A_1200 = arith.index_cast %add3A_1199 : i32 to index
      %swap3A_1201 = arith.constant 16 : index
      %swap3A_1202 = tpu.vector_load %arg8[%swap3A_1200, %swap3A_1201] {strides = array<i32>} : memref<32x128xf32, #tpu.memory_space<vmem>>, vector<1x16xf32>,
      %swap3A_1203 = vector.shape_cast %swap3A_1202 : vector<1x16xf32> to vector<16xf32>
      %swap3A_1204 = vector.shape_cast %mul3A_1197 : vector<16xf32> to vector<1x16xf32>
      tpu.vector_store %arg8[%swap3A_1200, %swap3A_1201], %swap3A_1204 {strides = array<i32>} : memref<32x128xf32, #tpu.memory_space<vmem>>, vector<1x16xf32>,
      %get3A_1205 = arith.index_cast %mul3A_912 : i32 to index
      %get3A_1206 = arith.constant 32 : index
      %get3A_1207 = tpu.vector_load %arg7[%get3A_1205, %get3A_1206] {strides = array<i32>} : memref<320x128xf32, #tpu.memory_space<vmem>>, vector<1x16xf32>,
      %get3A_1208 = vector.shape_cast %get3A_1207 : vector<1x16xf32> to vector<16xf32>
      %add3A_1209 = arith.constant 1 : i32
      %add3A_1210 = arith.addi %mul3A_912, %add3A_1209 : i32
      %get3A_1211 = arith.index_cast %add3A_1210 : i32 to index
      %get3A_1212 = arith.constant 32 : index
      %get3A_1213 = tpu.vector_load %arg7[%get3A_1211, %get3A_1212] {strides = array<i32>} : memref<320x128xf32, #tpu.memory_space<vmem>>, vector<1x16xf32>,
      %get3A_1214 = vector.shape_cast %get3A_1213 : vector<1x16xf32> to vector<16xf32>
      %add3A_1215 = arith.addf %get3A_1208, %get3A_1214 : vector<16xf32>
      %add3A_1216 = arith.constant 2 : i32
      %add3A_1217 = arith.addi %mul3A_912, %add3A_1216 : i32
      %get3A_1218 = arith.index_cast %add3A_1217 : i32 to index
      %get3A_1219 = arith.constant 32 : index
      %get3A_1220 = tpu.vector_load %arg7[%get3A_1218, %get3A_1219] {strides = array<i32>} : memref<320x128xf32, #tpu.memory_space<vmem>>, vector<1x16xf32>,
      %get3A_1221 = vector.shape_cast %get3A_1220 : vector<1x16xf32> to vector<16xf32>
      %add3A_1222 = arith.addf %add3A_1215, %get3A_1221 : vector<16xf32>
      %add3A_1223 = arith.constant 3 : i32
      %add3A_1224 = arith.addi %mul3A_912, %add3A_1223 : i32
      %get3A_1225 = arith.index_cast %add3A_1224 : i32 to index
      %get3A_1226 = arith.constant 32 : index
      %get3A_1227 = tpu.vector_load %arg7[%get3A_1225, %get3A_1226] {strides = array<i32>} : memref<320x128xf32, #tpu.memory_space<vmem>>, vector<1x16xf32>,
      %get3A_1228 = vector.shape_cast %get3A_1227 : vector<1x16xf32> to vector<16xf32>
      %add3A_1229 = arith.addf %add3A_1222, %get3A_1228 : vector<16xf32>
      %add3A_1230 = arith.constant 4 : i32
      %add3A_1231 = arith.addi %mul3A_912, %add3A_1230 : i32
      %get3A_1232 = arith.index_cast %add3A_1231 : i32 to index
      %get3A_1233 = arith.constant 32 : index
      %get3A_1234 = tpu.vector_load %arg7[%get3A_1232, %get3A_1233] {strides = array<i32>} : memref<320x128xf32, #tpu.memory_space<vmem>>, vector<1x16xf32>,
      %get3A_1235 = vector.shape_cast %get3A_1234 : vector<1x16xf32> to vector<16xf32>
      %add3A_1236 = arith.addf %add3A_1229, %get3A_1235 : vector<16xf32>
      %add3A_1237 = arith.constant 5 : i32
      %add3A_1238 = arith.addi %mul3A_912, %add3A_1237 : i32
      %get3A_1239 = arith.index_cast %add3A_1238 : i32 to index
      %get3A_1240 = arith.constant 32 : index
      %get3A_1241 = tpu.vector_load %arg7[%get3A_1239, %get3A_1240] {strides = array<i32>} : memref<320x128xf32, #tpu.memory_space<vmem>>, vector<1x16xf32>,
      %get3A_1242 = vector.shape_cast %get3A_1241 : vector<1x16xf32> to vector<16xf32>
      %add3A_1243 = arith.addf %add3A_1236, %get3A_1242 : vector<16xf32>
      %add3A_1244 = arith.constant 6 : i32
      %add3A_1245 = arith.addi %mul3A_912, %add3A_1244 : i32
      %get3A_1246 = arith.index_cast %add3A_1245 : i32 to index
      %get3A_1247 = arith.constant 32 : index
      %get3A_1248 = tpu.vector_load %arg7[%get3A_1246, %get3A_1247] {strides = array<i32>} : memref<320x128xf32, #tpu.memory_space<vmem>>, vector<1x16xf32>,
      %get3A_1249 = vector.shape_cast %get3A_1248 : vector<1x16xf32> to vector<16xf32>
      %add3A_1250 = arith.addf %add3A_1243, %get3A_1249 : vector<16xf32>
      %add3A_1251 = arith.constant 7 : i32
      %add3A_1252 = arith.addi %mul3A_912, %add3A_1251 : i32
      %get3A_1253 = arith.index_cast %add3A_1252 : i32 to index
      %get3A_1254 = arith.constant 32 : index
      %get3A_1255 = tpu.vector_load %arg7[%get3A_1253, %get3A_1254] {strides = array<i32>} : memref<320x128xf32, #tpu.memory_space<vmem>>, vector<1x16xf32>,
      %get3A_1256 = vector.shape_cast %get3A_1255 : vector<1x16xf32> to vector<16xf32>
      %add3A_1257 = arith.addf %add3A_1250, %get3A_1256 : vector<16xf32>
      %add3A_1258 = arith.constant 8 : i32
      %add3A_1259 = arith.addi %mul3A_912, %add3A_1258 : i32
      %get3A_1260 = arith.index_cast %add3A_1259 : i32 to index
      %get3A_1261 = arith.constant 32 : index
      %get3A_1262 = tpu.vector_load %arg7[%get3A_1260, %get3A_1261] {strides = array<i32>} : memref<320x128xf32, #tpu.memory_space<vmem>>, vector<1x16xf32>,
      %get3A_1263 = vector.shape_cast %get3A_1262 : vector<1x16xf32> to vector<16xf32>
      %add3A_1264 = arith.addf %add3A_1257, %get3A_1263 : vector<16xf32>
      %add3A_1265 = arith.constant 9 : i32
      %add3A_1266 = arith.addi %mul3A_912, %add3A_1265 : i32
      %get3A_1267 = arith.index_cast %add3A_1266 : i32 to index
      %get3A_1268 = arith.constant 32 : index
      %get3A_1269 = tpu.vector_load %arg7[%get3A_1267, %get3A_1268] {strides = array<i32>} : memref<320x128xf32, #tpu.memory_space<vmem>>, vector<1x16xf32>,
      %get3A_1270 = vector.shape_cast %get3A_1269 : vector<1x16xf32> to vector<16xf32>
      %add3A_1271 = arith.addf %add3A_1264, %get3A_1270 : vector<16xf32>
      %add3A_1272 = arith.constant 10 : i32
      %add3A_1273 = arith.addi %mul3A_912, %add3A_1272 : i32
      %get3A_1274 = arith.index_cast %add3A_1273 : i32 to index
      %get3A_1275 = arith.constant 32 : index
      %get3A_1276 = tpu.vector_load %arg7[%get3A_1274, %get3A_1275] {strides = array<i32>} : memref<320x128xf32, #tpu.memory_space<vmem>>, vector<1x16xf32>,
      %get3A_1277 = vector.shape_cast %get3A_1276 : vector<1x16xf32> to vector<16xf32>
      %add3A_1278 = arith.addf %add3A_1271, %get3A_1277 : vector<16xf32>
      %add3A_1279 = arith.constant 11 : i32
      %add3A_1280 = arith.addi %mul3A_912, %add3A_1279 : i32
      %get3A_1281 = arith.index_cast %add3A_1280 : i32 to index
      %get3A_1282 = arith.constant 32 : index
      %get3A_1283 = tpu.vector_load %arg7[%get3A_1281, %get3A_1282] {strides = array<i32>} : memref<320x128xf32, #tpu.memory_space<vmem>>, vector<1x16xf32>,
      %get3A_1284 = vector.shape_cast %get3A_1283 : vector<1x16xf32> to vector<16xf32>
      %add3A_1285 = arith.addf %add3A_1278, %get3A_1284 : vector<16xf32>
      %add3A_1286 = arith.constant 12 : i32
      %add3A_1287 = arith.addi %mul3A_912, %add3A_1286 : i32
      %get3A_1288 = arith.index_cast %add3A_1287 : i32 to index
      %get3A_1289 = arith.constant 32 : index
      %get3A_1290 = tpu.vector_load %arg7[%get3A_1288, %get3A_1289] {strides = array<i32>} : memref<320x128xf32, #tpu.memory_space<vmem>>, vector<1x16xf32>,
      %get3A_1291 = vector.shape_cast %get3A_1290 : vector<1x16xf32> to vector<16xf32>
      %add3A_1292 = arith.addf %add3A_1285, %get3A_1291 : vector<16xf32>
      %add3A_1293 = arith.constant 13 : i32
      %add3A_1294 = arith.addi %mul3A_912, %add3A_1293 : i32
      %get3A_1295 = arith.index_cast %add3A_1294 : i32 to index
      %get3A_1296 = arith.constant 32 : index
      %get3A_1297 = tpu.vector_load %arg7[%get3A_1295, %get3A_1296] {strides = array<i32>} : memref<320x128xf32, #tpu.memory_space<vmem>>, vector<1x16xf32>,
      %get3A_1298 = vector.shape_cast %get3A_1297 : vector<1x16xf32> to vector<16xf32>
      %add3A_1299 = arith.addf %add3A_1292, %get3A_1298 : vector<16xf32>
      %add3A_1300 = arith.constant 14 : i32
      %add3A_1301 = arith.addi %mul3A_912, %add3A_1300 : i32
      %get3A_1302 = arith.index_cast %add3A_1301 : i32 to index
      %get3A_1303 = arith.constant 32 : index
      %get3A_1304 = tpu.vector_load %arg7[%get3A_1302, %get3A_1303] {strides = array<i32>} : memref<320x128xf32, #tpu.memory_space<vmem>>, vector<1x16xf32>,
      %get3A_1305 = vector.shape_cast %get3A_1304 : vector<1x16xf32> to vector<16xf32>
      %add3A_1306 = arith.addf %add3A_1299, %get3A_1305 : vector<16xf32>
      %add3A_1307 = arith.constant 15 : i32
      %add3A_1308 = arith.addi %mul3A_912, %add3A_1307 : i32
      %get3A_1309 = arith.index_cast %add3A_1308 : i32 to index
      %get3A_1310 = arith.constant 32 : index
      %get3A_1311 = tpu.vector_load %arg7[%get3A_1309, %get3A_1310] {strides = array<i32>} : memref<320x128xf32, #tpu.memory_space<vmem>>, vector<1x16xf32>,
      %get3A_1312 = vector.shape_cast %get3A_1311 : vector<1x16xf32> to vector<16xf32>
      %add3A_1313 = arith.addf %add3A_1306, %get3A_1312 : vector<16xf32>
      %add3A_1314 = arith.constant 16 : i32
      %add3A_1315 = arith.addi %mul3A_912, %add3A_1314 : i32
      %get3A_1316 = arith.index_cast %add3A_1315 : i32 to index
      %get3A_1317 = arith.constant 32 : index
      %get3A_1318 = tpu.vector_load %arg7[%get3A_1316, %get3A_1317] {strides = array<i32>} : memref<320x128xf32, #tpu.memory_space<vmem>>, vector<1x16xf32>,
      %get3A_1319 = vector.shape_cast %get3A_1318 : vector<1x16xf32> to vector<16xf32>
      %add3A_1320 = arith.addf %add3A_1313, %get3A_1319 : vector<16xf32>
      %add3A_1321 = arith.constant 17 : i32
      %add3A_1322 = arith.addi %mul3A_912, %add3A_1321 : i32
      %get3A_1323 = arith.index_cast %add3A_1322 : i32 to index
      %get3A_1324 = arith.constant 32 : index
      %get3A_1325 = tpu.vector_load %arg7[%get3A_1323, %get3A_1324] {strides = array<i32>} : memref<320x128xf32, #tpu.memory_space<vmem>>, vector<1x16xf32>,
      %get3A_1326 = vector.shape_cast %get3A_1325 : vector<1x16xf32> to vector<16xf32>
      %add3A_1327 = arith.addf %add3A_1320, %get3A_1326 : vector<16xf32>
      %add3A_1328 = arith.constant 18 : i32
      %add3A_1329 = arith.addi %mul3A_912, %add3A_1328 : i32
      %get3A_1330 = arith.index_cast %add3A_1329 : i32 to index
      %get3A_1331 = arith.constant 32 : index
      %get3A_1332 = tpu.vector_load %arg7[%get3A_1330, %get3A_1331] {strides = array<i32>} : memref<320x128xf32, #tpu.memory_space<vmem>>, vector<1x16xf32>,
      %get3A_1333 = vector.shape_cast %get3A_1332 : vector<1x16xf32> to vector<16xf32>
      %add3A_1334 = arith.addf %add3A_1327, %get3A_1333 : vector<16xf32>
      %add3A_1335 = arith.constant 19 : i32
      %add3A_1336 = arith.addi %mul3A_912, %add3A_1335 : i32
      %get3A_1337 = arith.index_cast %add3A_1336 : i32 to index
      %get3A_1338 = arith.constant 32 : index
      %get3A_1339 = tpu.vector_load %arg7[%get3A_1337, %get3A_1338] {strides = array<i32>} : memref<320x128xf32, #tpu.memory_space<vmem>>, vector<1x16xf32>,
      %get3A_1340 = vector.shape_cast %get3A_1339 : vector<1x16xf32> to vector<16xf32>
      %add3A_1341 = arith.addf %add3A_1334, %get3A_1340 : vector<16xf32>
      %mul3A_1342 = arith.constant 5.000000e-02 : f32
      %mul3A_1343 = vector.broadcast %mul3A_1342 : f32 to vector<16xf32>
      %mul3A_1344 = arith.mulf %add3A_1341, %mul3A_1343 : vector<16xf32>
      %add3A_1345 = arith.constant 16 : i32
      %add3A_1346 = arith.addi %add3A_1345, %scan3A_910 : i32
      %swap3A_1347 = arith.index_cast %add3A_1346 : i32 to index
      %swap3A_1348 = arith.constant 32 : index
      %swap3A_1349 = tpu.vector_load %arg8[%swap3A_1347, %swap3A_1348] {strides = array<i32>} : memref<32x128xf32, #tpu.memory_space<vmem>>, vector<1x16xf32>,
      %swap3A_1350 = vector.shape_cast %swap3A_1349 : vector<1x16xf32> to vector<16xf32>
      %swap3A_1351 = vector.shape_cast %mul3A_1344 : vector<16xf32> to vector<1x16xf32>
      tpu.vector_store %arg8[%swap3A_1347, %swap3A_1348], %swap3A_1351 {strides = array<i32>} : memref<32x128xf32, #tpu.memory_space<vmem>>, vector<1x16xf32>,
      %get3A_1352 = arith.index_cast %mul3A_912 : i32 to index
      %get3A_1353 = arith.constant 48 : index
      %get3A_1354 = tpu.vector_load %arg7[%get3A_1352, %get3A_1353] {strides = array<i32>} : memref<320x128xf32, #tpu.memory_space<vmem>>, vector<1x16xf32>,
      %get3A_1355 = vector.shape_cast %get3A_1354 : vector<1x16xf32> to vector<16xf32>
      %add3A_1356 = arith.constant 1 : i32
      %add3A_1357 = arith.addi %mul3A_912, %add3A_1356 : i32
      %get3A_1358 = arith.index_cast %add3A_1357 : i32 to index
      %get3A_1359 = arith.constant 48 : index
      %get3A_1360 = tpu.vector_load %arg7[%get3A_1358, %get3A_1359] {strides = array<i32>} : memref<320x128xf32, #tpu.memory_space<vmem>>, vector<1x16xf32>,
      %get3A_1361 = vector.shape_cast %get3A_1360 : vector<1x16xf32> to vector<16xf32>
      %add3A_1362 = arith.addf %get3A_1355, %get3A_1361 : vector<16xf32>
      %add3A_1363 = arith.constant 2 : i32
      %add3A_1364 = arith.addi %mul3A_912, %add3A_1363 : i32
      %get3A_1365 = arith.index_cast %add3A_1364 : i32 to index
      %get3A_1366 = arith.constant 48 : index
      %get3A_1367 = tpu.vector_load %arg7[%get3A_1365, %get3A_1366] {strides = array<i32>} : memref<320x128xf32, #tpu.memory_space<vmem>>, vector<1x16xf32>,
      %get3A_1368 = vector.shape_cast %get3A_1367 : vector<1x16xf32> to vector<16xf32>
      %add3A_1369 = arith.addf %add3A_1362, %get3A_1368 : vector<16xf32>
      %add3A_1370 = arith.constant 3 : i32
      %add3A_1371 = arith.addi %mul3A_912, %add3A_1370 : i32
      %get3A_1372 = arith.index_cast %add3A_1371 : i32 to index
      %get3A_1373 = arith.constant 48 : index
      %get3A_1374 = tpu.vector_load %arg7[%get3A_1372, %get3A_1373] {strides = array<i32>} : memref<320x128xf32, #tpu.memory_space<vmem>>, vector<1x16xf32>,
      %get3A_1375 = vector.shape_cast %get3A_1374 : vector<1x16xf32> to vector<16xf32>
      %add3A_1376 = arith.addf %add3A_1369, %get3A_1375 : vector<16xf32>
      %add3A_1377 = arith.constant 4 : i32
      %add3A_1378 = arith.addi %mul3A_912, %add3A_1377 : i32
      %get3A_1379 = arith.index_cast %add3A_1378 : i32 to index
      %get3A_1380 = arith.constant 48 : index
      %get3A_1381 = tpu.vector_load %arg7[%get3A_1379, %get3A_1380] {strides = array<i32>} : memref<320x128xf32, #tpu.memory_space<vmem>>, vector<1x16xf32>,
      %get3A_1382 = vector.shape_cast %get3A_1381 : vector<1x16xf32> to vector<16xf32>
      %add3A_1383 = arith.addf %add3A_1376, %get3A_1382 : vector<16xf32>
      %add3A_1384 = arith.constant 5 : i32
      %add3A_1385 = arith.addi %mul3A_912, %add3A_1384 : i32
      %get3A_1386 = arith.index_cast %add3A_1385 : i32 to index
      %get3A_1387 = arith.constant 48 : index
      %get3A_1388 = tpu.vector_load %arg7[%get3A_1386, %get3A_1387] {strides = array<i32>} : memref<320x128xf32, #tpu.memory_space<vmem>>, vector<1x16xf32>,
      %get3A_1389 = vector.shape_cast %get3A_1388 : vector<1x16xf32> to vector<16xf32>
      %add3A_1390 = arith.addf %add3A_1383, %get3A_1389 : vector<16xf32>
      %add3A_1391 = arith.constant 6 : i32
      %add3A_1392 = arith.addi %mul3A_912, %add3A_1391 : i32
      %get3A_1393 = arith.index_cast %add3A_1392 : i32 to index
      %get3A_1394 = arith.constant 48 : index
      %get3A_1395 = tpu.vector_load %arg7[%get3A_1393, %get3A_1394] {strides = array<i32>} : memref<320x128xf32, #tpu.memory_space<vmem>>, vector<1x16xf32>,
      %get3A_1396 = vector.shape_cast %get3A_1395 : vector<1x16xf32> to vector<16xf32>
      %add3A_1397 = arith.addf %add3A_1390, %get3A_1396 : vector<16xf32>
      %add3A_1398 = arith.constant 7 : i32
      %add3A_1399 = arith.addi %mul3A_912, %add3A_1398 : i32
      %get3A_1400 = arith.index_cast %add3A_1399 : i32 to index
      %get3A_1401 = arith.constant 48 : index
      %get3A_1402 = tpu.vector_load %arg7[%get3A_1400, %get3A_1401] {strides = array<i32>} : memref<320x128xf32, #tpu.memory_space<vmem>>, vector<1x16xf32>,
      %get3A_1403 = vector.shape_cast %get3A_1402 : vector<1x16xf32> to vector<16xf32>
      %add3A_1404 = arith.addf %add3A_1397, %get3A_1403 : vector<16xf32>
      %add3A_1405 = arith.constant 8 : i32
      %add3A_1406 = arith.addi %mul3A_912, %add3A_1405 : i32
      %get3A_1407 = arith.index_cast %add3A_1406 : i32 to index
      %get3A_1408 = arith.constant 48 : index
      %get3A_1409 = tpu.vector_load %arg7[%get3A_1407, %get3A_1408] {strides = array<i32>} : memref<320x128xf32, #tpu.memory_space<vmem>>, vector<1x16xf32>,
      %get3A_1410 = vector.shape_cast %get3A_1409 : vector<1x16xf32> to vector<16xf32>
      %add3A_1411 = arith.addf %add3A_1404, %get3A_1410 : vector<16xf32>
      %add3A_1412 = arith.constant 9 : i32
      %add3A_1413 = arith.addi %mul3A_912, %add3A_1412 : i32
      %get3A_1414 = arith.index_cast %add3A_1413 : i32 to index
      %get3A_1415 = arith.constant 48 : index
      %get3A_1416 = tpu.vector_load %arg7[%get3A_1414, %get3A_1415] {strides = array<i32>} : memref<320x128xf32, #tpu.memory_space<vmem>>, vector<1x16xf32>,
      %get3A_1417 = vector.shape_cast %get3A_1416 : vector<1x16xf32> to vector<16xf32>
      %add3A_1418 = arith.addf %add3A_1411, %get3A_1417 : vector<16xf32>
      %add3A_1419 = arith.constant 10 : i32
      %add3A_1420 = arith.addi %mul3A_912, %add3A_1419 : i32
      %get3A_1421 = arith.index_cast %add3A_1420 : i32 to index
      %get3A_1422 = arith.constant 48 : index
      %get3A_1423 = tpu.vector_load %arg7[%get3A_1421, %get3A_1422] {strides = array<i32>} : memref<320x128xf32, #tpu.memory_space<vmem>>, vector<1x16xf32>,
      %get3A_1424 = vector.shape_cast %get3A_1423 : vector<1x16xf32> to vector<16xf32>
      %add3A_1425 = arith.addf %add3A_1418, %get3A_1424 : vector<16xf32>
      %add3A_1426 = arith.constant 11 : i32
      %add3A_1427 = arith.addi %mul3A_912, %add3A_1426 : i32
      %get3A_1428 = arith.index_cast %add3A_1427 : i32 to index
      %get3A_1429 = arith.constant 48 : index
      %get3A_1430 = tpu.vector_load %arg7[%get3A_1428, %get3A_1429] {strides = array<i32>} : memref<320x128xf32, #tpu.memory_space<vmem>>, vector<1x16xf32>,
      %get3A_1431 = vector.shape_cast %get3A_1430 : vector<1x16xf32> to vector<16xf32>
      %add3A_1432 = arith.addf %add3A_1425, %get3A_1431 : vector<16xf32>
      %add3A_1433 = arith.constant 12 : i32
      %add3A_1434 = arith.addi %mul3A_912, %add3A_1433 : i32
      %get3A_1435 = arith.index_cast %add3A_1434 : i32 to index
      %get3A_1436 = arith.constant 48 : index
      %get3A_1437 = tpu.vector_load %arg7[%get3A_1435, %get3A_1436] {strides = array<i32>} : memref<320x128xf32, #tpu.memory_space<vmem>>, vector<1x16xf32>,
      %get3A_1438 = vector.shape_cast %get3A_1437 : vector<1x16xf32> to vector<16xf32>
      %add3A_1439 = arith.addf %add3A_1432, %get3A_1438 : vector<16xf32>
      %add3A_1440 = arith.constant 13 : i32
      %add3A_1441 = arith.addi %mul3A_912, %add3A_1440 : i32
      %get3A_1442 = arith.index_cast %add3A_1441 : i32 to index
      %get3A_1443 = arith.constant 48 : index
      %get3A_1444 = tpu.vector_load %arg7[%get3A_1442, %get3A_1443] {strides = array<i32>} : memref<320x128xf32, #tpu.memory_space<vmem>>, vector<1x16xf32>,
      %get3A_1445 = vector.shape_cast %get3A_1444 : vector<1x16xf32> to vector<16xf32>
      %add3A_1446 = arith.addf %add3A_1439, %get3A_1445 : vector<16xf32>
      %add3A_1447 = arith.constant 14 : i32
      %add3A_1448 = arith.addi %mul3A_912, %add3A_1447 : i32
      %get3A_1449 = arith.index_cast %add3A_1448 : i32 to index
      %get3A_1450 = arith.constant 48 : index
      %get3A_1451 = tpu.vector_load %arg7[%get3A_1449, %get3A_1450] {strides = array<i32>} : memref<320x128xf32, #tpu.memory_space<vmem>>, vector<1x16xf32>,
      %get3A_1452 = vector.shape_cast %get3A_1451 : vector<1x16xf32> to vector<16xf32>
      %add3A_1453 = arith.addf %add3A_1446, %get3A_1452 : vector<16xf32>
      %add3A_1454 = arith.constant 15 : i32
      %add3A_1455 = arith.addi %mul3A_912, %add3A_1454 : i32
      %get3A_1456 = arith.index_cast %add3A_1455 : i32 to index
      %get3A_1457 = arith.constant 48 : index
      %get3A_1458 = tpu.vector_load %arg7[%get3A_1456, %get3A_1457] {strides = array<i32>} : memref<320x128xf32, #tpu.memory_space<vmem>>, vector<1x16xf32>,
      %get3A_1459 = vector.shape_cast %get3A_1458 : vector<1x16xf32> to vector<16xf32>
      %add3A_1460 = arith.addf %add3A_1453, %get3A_1459 : vector<16xf32>
      %add3A_1461 = arith.constant 16 : i32
      %add3A_1462 = arith.addi %mul3A_912, %add3A_1461 : i32
      %get3A_1463 = arith.index_cast %add3A_1462 : i32 to index
      %get3A_1464 = arith.constant 48 : index
      %get3A_1465 = tpu.vector_load %arg7[%get3A_1463, %get3A_1464] {strides = array<i32>} : memref<320x128xf32, #tpu.memory_space<vmem>>, vector<1x16xf32>,
      %get3A_1466 = vector.shape_cast %get3A_1465 : vector<1x16xf32> to vector<16xf32>
      %add3A_1467 = arith.addf %add3A_1460, %get3A_1466 : vector<16xf32>
      %add3A_1468 = arith.constant 17 : i32
      %add3A_1469 = arith.addi %mul3A_912, %add3A_1468 : i32
      %get3A_1470 = arith.index_cast %add3A_1469 : i32 to index
      %get3A_1471 = arith.constant 48 : index
      %get3A_1472 = tpu.vector_load %arg7[%get3A_1470, %get3A_1471] {strides = array<i32>} : memref<320x128xf32, #tpu.memory_space<vmem>>, vector<1x16xf32>,
      %get3A_1473 = vector.shape_cast %get3A_1472 : vector<1x16xf32> to vector<16xf32>
      %add3A_1474 = arith.addf %add3A_1467, %get3A_1473 : vector<16xf32>
      %add3A_1475 = arith.constant 18 : i32
      %add3A_1476 = arith.addi %mul3A_912, %add3A_1475 : i32
      %get3A_1477 = arith.index_cast %add3A_1476 : i32 to index
      %get3A_1478 = arith.constant 48 : index
      %get3A_1479 = tpu.vector_load %arg7[%get3A_1477, %get3A_1478] {strides = array<i32>} : memref<320x128xf32, #tpu.memory_space<vmem>>, vector<1x16xf32>,
      %get3A_1480 = vector.shape_cast %get3A_1479 : vector<1x16xf32> to vector<16xf32>
      %add3A_1481 = arith.addf %add3A_1474, %get3A_1480 : vector<16xf32>
      %add3A_1482 = arith.constant 19 : i32
      %add3A_1483 = arith.addi %mul3A_912, %add3A_1482 : i32
      %get3A_1484 = arith.index_cast %add3A_1483 : i32 to index
      %get3A_1485 = arith.constant 48 : index
      %get3A_1486 = tpu.vector_load %arg7[%get3A_1484, %get3A_1485] {strides = array<i32>} : memref<320x128xf32, #tpu.memory_space<vmem>>, vector<1x16xf32>,
      %get3A_1487 = vector.shape_cast %get3A_1486 : vector<1x16xf32> to vector<16xf32>
      %add3A_1488 = arith.addf %add3A_1481, %get3A_1487 : vector<16xf32>
      %mul3A_1489 = arith.constant 5.000000e-02 : f32
      %mul3A_1490 = vector.broadcast %mul3A_1489 : f32 to vector<16xf32>
      %mul3A_1491 = arith.mulf %add3A_1488, %mul3A_1490 : vector<16xf32>
      %add3A_1492 = arith.constant 16 : i32
      %add3A_1493 = arith.addi %add3A_1492, %scan3A_910 : i32
      %swap3A_1494 = arith.index_cast %add3A_1493 : i32 to index
      %swap3A_1495 = arith.constant 48 : index
      %swap3A_1496 = tpu.vector_load %arg8[%swap3A_1494, %swap3A_1495] {strides = array<i32>} : memref<32x128xf32, #tpu.memory_space<vmem>>, vector<1x16xf32>,
      %swap3A_1497 = vector.shape_cast %swap3A_1496 : vector<1x16xf32> to vector<16xf32>
      %swap3A_1498 = vector.shape_cast %mul3A_1491 : vector<16xf32> to vector<1x16xf32>
      tpu.vector_store %arg8[%swap3A_1494, %swap3A_1495], %swap3A_1498 {strides = array<i32>} : memref<32x128xf32, #tpu.memory_space<vmem>>, vector<1x16xf32>,
      %get3A_1499 = arith.index_cast %mul3A_912 : i32 to index
      %get3A_1500 = arith.constant 64 : index
      %get3A_1501 = tpu.vector_load %arg7[%get3A_1499, %get3A_1500] {strides = array<i32>} : memref<320x128xf32, #tpu.memory_space<vmem>>, vector<1x16xf32>,
      %get3A_1502 = vector.shape_cast %get3A_1501 : vector<1x16xf32> to vector<16xf32>
      %add3A_1503 = arith.constant 1 : i32
      %add3A_1504 = arith.addi %mul3A_912, %add3A_1503 : i32
      %get3A_1505 = arith.index_cast %add3A_1504 : i32 to index
      %get3A_1506 = arith.constant 64 : index
      %get3A_1507 = tpu.vector_load %arg7[%get3A_1505, %get3A_1506] {strides = array<i32>} : memref<320x128xf32, #tpu.memory_space<vmem>>, vector<1x16xf32>,
      %get3A_1508 = vector.shape_cast %get3A_1507 : vector<1x16xf32> to vector<16xf32>
      %add3A_1509 = arith.addf %get3A_1502, %get3A_1508 : vector<16xf32>
      %add3A_1510 = arith.constant 2 : i32
      %add3A_1511 = arith.addi %mul3A_912, %add3A_1510 : i32
      %get3A_1512 = arith.index_cast %add3A_1511 : i32 to index
      %get3A_1513 = arith.constant 64 : index
      %get3A_1514 = tpu.vector_load %arg7[%get3A_1512, %get3A_1513] {strides = array<i32>} : memref<320x128xf32, #tpu.memory_space<vmem>>, vector<1x16xf32>,
      %get3A_1515 = vector.shape_cast %get3A_1514 : vector<1x16xf32> to vector<16xf32>
      %add3A_1516 = arith.addf %add3A_1509, %get3A_1515 : vector<16xf32>
      %add3A_1517 = arith.constant 3 : i32
      %add3A_1518 = arith.addi %mul3A_912, %add3A_1517 : i32
      %get3A_1519 = arith.index_cast %add3A_1518 : i32 to index
      %get3A_1520 = arith.constant 64 : index
      %get3A_1521 = tpu.vector_load %arg7[%get3A_1519, %get3A_1520] {strides = array<i32>} : memref<320x128xf32, #tpu.memory_space<vmem>>, vector<1x16xf32>,
      %get3A_1522 = vector.shape_cast %get3A_1521 : vector<1x16xf32> to vector<16xf32>
      %add3A_1523 = arith.addf %add3A_1516, %get3A_1522 : vector<16xf32>
      %add3A_1524 = arith.constant 4 : i32
      %add3A_1525 = arith.addi %mul3A_912, %add3A_1524 : i32
      %get3A_1526 = arith.index_cast %add3A_1525 : i32 to index
      %get3A_1527 = arith.constant 64 : index
      %get3A_1528 = tpu.vector_load %arg7[%get3A_1526, %get3A_1527] {strides = array<i32>} : memref<320x128xf32, #tpu.memory_space<vmem>>, vector<1x16xf32>,
      %get3A_1529 = vector.shape_cast %get3A_1528 : vector<1x16xf32> to vector<16xf32>
      %add3A_1530 = arith.addf %add3A_1523, %get3A_1529 : vector<16xf32>
      %add3A_1531 = arith.constant 5 : i32
      %add3A_1532 = arith.addi %mul3A_912, %add3A_1531 : i32
      %get3A_1533 = arith.index_cast %add3A_1532 : i32 to index
      %get3A_1534 = arith.constant 64 : index
      %get3A_1535 = tpu.vector_load %arg7[%get3A_1533, %get3A_1534] {strides = array<i32>} : memref<320x128xf32, #tpu.memory_space<vmem>>, vector<1x16xf32>,
      %get3A_1536 = vector.shape_cast %get3A_1535 : vector<1x16xf32> to vector<16xf32>
      %add3A_1537 = arith.addf %add3A_1530, %get3A_1536 : vector<16xf32>
      %add3A_1538 = arith.constant 6 : i32
      %add3A_1539 = arith.addi %mul3A_912, %add3A_1538 : i32
      %get3A_1540 = arith.index_cast %add3A_1539 : i32 to index
      %get3A_1541 = arith.constant 64 : index
      %get3A_1542 = tpu.vector_load %arg7[%get3A_1540, %get3A_1541] {strides = array<i32>} : memref<320x128xf32, #tpu.memory_space<vmem>>, vector<1x16xf32>,
      %get3A_1543 = vector.shape_cast %get3A_1542 : vector<1x16xf32> to vector<16xf32>
      %add3A_1544 = arith.addf %add3A_1537, %get3A_1543 : vector<16xf32>
      %add3A_1545 = arith.constant 7 : i32
      %add3A_1546 = arith.addi %mul3A_912, %add3A_1545 : i32
      %get3A_1547 = arith.index_cast %add3A_1546 : i32 to index
      %get3A_1548 = arith.constant 64 : index
      %get3A_1549 = tpu.vector_load %arg7[%get3A_1547, %get3A_1548] {strides = array<i32>} : memref<320x128xf32, #tpu.memory_space<vmem>>, vector<1x16xf32>,
      %get3A_1550 = vector.shape_cast %get3A_1549 : vector<1x16xf32> to vector<16xf32>
      %add3A_1551 = arith.addf %add3A_1544, %get3A_1550 : vector<16xf32>
      %add3A_1552 = arith.constant 8 : i32
      %add3A_1553 = arith.addi %mul3A_912, %add3A_1552 : i32
      %get3A_1554 = arith.index_cast %add3A_1553 : i32 to index
      %get3A_1555 = arith.constant 64 : index
      %get3A_1556 = tpu.vector_load %arg7[%get3A_1554, %get3A_1555] {strides = array<i32>} : memref<320x128xf32, #tpu.memory_space<vmem>>, vector<1x16xf32>,
      %get3A_1557 = vector.shape_cast %get3A_1556 : vector<1x16xf32> to vector<16xf32>
      %add3A_1558 = arith.addf %add3A_1551, %get3A_1557 : vector<16xf32>
      %add3A_1559 = arith.constant 9 : i32
      %add3A_1560 = arith.addi %mul3A_912, %add3A_1559 : i32
      %get3A_1561 = arith.index_cast %add3A_1560 : i32 to index
      %get3A_1562 = arith.constant 64 : index
      %get3A_1563 = tpu.vector_load %arg7[%get3A_1561, %get3A_1562] {strides = array<i32>} : memref<320x128xf32, #tpu.memory_space<vmem>>, vector<1x16xf32>,
      %get3A_1564 = vector.shape_cast %get3A_1563 : vector<1x16xf32> to vector<16xf32>
      %add3A_1565 = arith.addf %add3A_1558, %get3A_1564 : vector<16xf32>
      %add3A_1566 = arith.constant 10 : i32
      %add3A_1567 = arith.addi %mul3A_912, %add3A_1566 : i32
      %get3A_1568 = arith.index_cast %add3A_1567 : i32 to index
      %get3A_1569 = arith.constant 64 : index
      %get3A_1570 = tpu.vector_load %arg7[%get3A_1568, %get3A_1569] {strides = array<i32>} : memref<320x128xf32, #tpu.memory_space<vmem>>, vector<1x16xf32>,
      %get3A_1571 = vector.shape_cast %get3A_1570 : vector<1x16xf32> to vector<16xf32>
      %add3A_1572 = arith.addf %add3A_1565, %get3A_1571 : vector<16xf32>
      %add3A_1573 = arith.constant 11 : i32
      %add3A_1574 = arith.addi %mul3A_912, %add3A_1573 : i32
      %get3A_1575 = arith.index_cast %add3A_1574 : i32 to index
      %get3A_1576 = arith.constant 64 : index
      %get3A_1577 = tpu.vector_load %arg7[%get3A_1575, %get3A_1576] {strides = array<i32>} : memref<320x128xf32, #tpu.memory_space<vmem>>, vector<1x16xf32>,
      %get3A_1578 = vector.shape_cast %get3A_1577 : vector<1x16xf32> to vector<16xf32>
      %add3A_1579 = arith.addf %add3A_1572, %get3A_1578 : vector<16xf32>
      %add3A_1580 = arith.constant 12 : i32
      %add3A_1581 = arith.addi %mul3A_912, %add3A_1580 : i32
      %get3A_1582 = arith.index_cast %add3A_1581 : i32 to index
      %get3A_1583 = arith.constant 64 : index
      %get3A_1584 = tpu.vector_load %arg7[%get3A_1582, %get3A_1583] {strides = array<i32>} : memref<320x128xf32, #tpu.memory_space<vmem>>, vector<1x16xf32>,
      %get3A_1585 = vector.shape_cast %get3A_1584 : vector<1x16xf32> to vector<16xf32>
      %add3A_1586 = arith.addf %add3A_1579, %get3A_1585 : vector<16xf32>
      %add3A_1587 = arith.constant 13 : i32
      %add3A_1588 = arith.addi %mul3A_912, %add3A_1587 : i32
      %get3A_1589 = arith.index_cast %add3A_1588 : i32 to index
      %get3A_1590 = arith.constant 64 : index
      %get3A_1591 = tpu.vector_load %arg7[%get3A_1589, %get3A_1590] {strides = array<i32>} : memref<320x128xf32, #tpu.memory_space<vmem>>, vector<1x16xf32>,
      %get3A_1592 = vector.shape_cast %get3A_1591 : vector<1x16xf32> to vector<16xf32>
      %add3A_1593 = arith.addf %add3A_1586, %get3A_1592 : vector<16xf32>
      %add3A_1594 = arith.constant 14 : i32
      %add3A_1595 = arith.addi %mul3A_912, %add3A_1594 : i32
      %get3A_1596 = arith.index_cast %add3A_1595 : i32 to index
      %get3A_1597 = arith.constant 64 : index
      %get3A_1598 = tpu.vector_load %arg7[%get3A_1596, %get3A_1597] {strides = array<i32>} : memref<320x128xf32, #tpu.memory_space<vmem>>, vector<1x16xf32>,
      %get3A_1599 = vector.shape_cast %get3A_1598 : vector<1x16xf32> to vector<16xf32>
      %add3A_1600 = arith.addf %add3A_1593, %get3A_1599 : vector<16xf32>
      %add3A_1601 = arith.constant 15 : i32
      %add3A_1602 = arith.addi %mul3A_912, %add3A_1601 : i32
      %get3A_1603 = arith.index_cast %add3A_1602 : i32 to index
      %get3A_1604 = arith.constant 64 : index
      %get3A_1605 = tpu.vector_load %arg7[%get3A_1603, %get3A_1604] {strides = array<i32>} : memref<320x128xf32, #tpu.memory_space<vmem>>, vector<1x16xf32>,
      %get3A_1606 = vector.shape_cast %get3A_1605 : vector<1x16xf32> to vector<16xf32>
      %add3A_1607 = arith.addf %add3A_1600, %get3A_1606 : vector<16xf32>
      %add3A_1608 = arith.constant 16 : i32
      %add3A_1609 = arith.addi %mul3A_912, %add3A_1608 : i32
      %get3A_1610 = arith.index_cast %add3A_1609 : i32 to index
      %get3A_1611 = arith.constant 64 : index
      %get3A_1612 = tpu.vector_load %arg7[%get3A_1610, %get3A_1611] {strides = array<i32>} : memref<320x128xf32, #tpu.memory_space<vmem>>, vector<1x16xf32>,
      %get3A_1613 = vector.shape_cast %get3A_1612 : vector<1x16xf32> to vector<16xf32>
      %add3A_1614 = arith.addf %add3A_1607, %get3A_1613 : vector<16xf32>
      %add3A_1615 = arith.constant 17 : i32
      %add3A_1616 = arith.addi %mul3A_912, %add3A_1615 : i32
      %get3A_1617 = arith.index_cast %add3A_1616 : i32 to index
      %get3A_1618 = arith.constant 64 : index
      %get3A_1619 = tpu.vector_load %arg7[%get3A_1617, %get3A_1618] {strides = array<i32>} : memref<320x128xf32, #tpu.memory_space<vmem>>, vector<1x16xf32>,
      %get3A_1620 = vector.shape_cast %get3A_1619 : vector<1x16xf32> to vector<16xf32>
      %add3A_1621 = arith.addf %add3A_1614, %get3A_1620 : vector<16xf32>
      %add3A_1622 = arith.constant 18 : i32
      %add3A_1623 = arith.addi %mul3A_912, %add3A_1622 : i32
      %get3A_1624 = arith.index_cast %add3A_1623 : i32 to index
      %get3A_1625 = arith.constant 64 : index
      %get3A_1626 = tpu.vector_load %arg7[%get3A_1624, %get3A_1625] {strides = array<i32>} : memref<320x128xf32, #tpu.memory_space<vmem>>, vector<1x16xf32>,
      %get3A_1627 = vector.shape_cast %get3A_1626 : vector<1x16xf32> to vector<16xf32>
      %add3A_1628 = arith.addf %add3A_1621, %get3A_1627 : vector<16xf32>
      %add3A_1629 = arith.constant 19 : i32
      %add3A_1630 = arith.addi %mul3A_912, %add3A_1629 : i32
      %get3A_1631 = arith.index_cast %add3A_1630 : i32 to index
      %get3A_1632 = arith.constant 64 : index
      %get3A_1633 = tpu.vector_load %arg7[%get3A_1631, %get3A_1632] {strides = array<i32>} : memref<320x128xf32, #tpu.memory_space<vmem>>, vector<1x16xf32>,
      %get3A_1634 = vector.shape_cast %get3A_1633 : vector<1x16xf32> to vector<16xf32>
      %add3A_1635 = arith.addf %add3A_1628, %get3A_1634 : vector<16xf32>
      %mul3A_1636 = arith.constant 5.000000e-02 : f32
      %mul3A_1637 = vector.broadcast %mul3A_1636 : f32 to vector<16xf32>
      %mul3A_1638 = arith.mulf %add3A_1635, %mul3A_1637 : vector<16xf32>
      %add3A_1639 = arith.constant 16 : i32
      %add3A_1640 = arith.addi %add3A_1639, %scan3A_910 : i32
      %swap3A_1641 = arith.index_cast %add3A_1640 : i32 to index
      %swap3A_1642 = arith.constant 64 : index
      %swap3A_1643 = tpu.vector_load %arg8[%swap3A_1641, %swap3A_1642] {strides = array<i32>} : memref<32x128xf32, #tpu.memory_space<vmem>>, vector<1x16xf32>,
      %swap3A_1644 = vector.shape_cast %swap3A_1643 : vector<1x16xf32> to vector<16xf32>
      %swap3A_1645 = vector.shape_cast %mul3A_1638 : vector<16xf32> to vector<1x16xf32>
      tpu.vector_store %arg8[%swap3A_1641, %swap3A_1642], %swap3A_1645 {strides = array<i32>} : memref<32x128xf32, #tpu.memory_space<vmem>>, vector<1x16xf32>,
      %get3A_1646 = arith.index_cast %mul3A_912 : i32 to index
      %get3A_1647 = arith.constant 80 : index
      %get3A_1648 = tpu.vector_load %arg7[%get3A_1646, %get3A_1647] {strides = array<i32>} : memref<320x128xf32, #tpu.memory_space<vmem>>, vector<1x16xf32>,
      %get3A_1649 = vector.shape_cast %get3A_1648 : vector<1x16xf32> to vector<16xf32>
      %add3A_1650 = arith.constant 1 : i32
      %add3A_1651 = arith.addi %mul3A_912, %add3A_1650 : i32
      %get3A_1652 = arith.index_cast %add3A_1651 : i32 to index
      %get3A_1653 = arith.constant 80 : index
      %get3A_1654 = tpu.vector_load %arg7[%get3A_1652, %get3A_1653] {strides = array<i32>} : memref<320x128xf32, #tpu.memory_space<vmem>>, vector<1x16xf32>,
      %get3A_1655 = vector.shape_cast %get3A_1654 : vector<1x16xf32> to vector<16xf32>
      %add3A_1656 = arith.addf %get3A_1649, %get3A_1655 : vector<16xf32>
      %add3A_1657 = arith.constant 2 : i32
      %add3A_1658 = arith.addi %mul3A_912, %add3A_1657 : i32
      %get3A_1659 = arith.index_cast %add3A_1658 : i32 to index
      %get3A_1660 = arith.constant 80 : index
      %get3A_1661 = tpu.vector_load %arg7[%get3A_1659, %get3A_1660] {strides = array<i32>} : memref<320x128xf32, #tpu.memory_space<vmem>>, vector<1x16xf32>,
      %get3A_1662 = vector.shape_cast %get3A_1661 : vector<1x16xf32> to vector<16xf32>
      %add3A_1663 = arith.addf %add3A_1656, %get3A_1662 : vector<16xf32>
      %add3A_1664 = arith.constant 3 : i32
      %add3A_1665 = arith.addi %mul3A_912, %add3A_1664 : i32
      %get3A_1666 = arith.index_cast %add3A_1665 : i32 to index
      %get3A_1667 = arith.constant 80 : index
      %get3A_1668 = tpu.vector_load %arg7[%get3A_1666, %get3A_1667] {strides = array<i32>} : memref<320x128xf32, #tpu.memory_space<vmem>>, vector<1x16xf32>,
      %get3A_1669 = vector.shape_cast %get3A_1668 : vector<1x16xf32> to vector<16xf32>
      %add3A_1670 = arith.addf %add3A_1663, %get3A_1669 : vector<16xf32>
      %add3A_1671 = arith.constant 4 : i32
      %add3A_1672 = arith.addi %mul3A_912, %add3A_1671 : i32
      %get3A_1673 = arith.index_cast %add3A_1672 : i32 to index
      %get3A_1674 = arith.constant 80 : index
      %get3A_1675 = tpu.vector_load %arg7[%get3A_1673, %get3A_1674] {strides = array<i32>} : memref<320x128xf32, #tpu.memory_space<vmem>>, vector<1x16xf32>,
      %get3A_1676 = vector.shape_cast %get3A_1675 : vector<1x16xf32> to vector<16xf32>
      %add3A_1677 = arith.addf %add3A_1670, %get3A_1676 : vector<16xf32>
      %add3A_1678 = arith.constant 5 : i32
      %add3A_1679 = arith.addi %mul3A_912, %add3A_1678 : i32
      %get3A_1680 = arith.index_cast %add3A_1679 : i32 to index
      %get3A_1681 = arith.constant 80 : index
      %get3A_1682 = tpu.vector_load %arg7[%get3A_1680, %get3A_1681] {strides = array<i32>} : memref<320x128xf32, #tpu.memory_space<vmem>>, vector<1x16xf32>,
      %get3A_1683 = vector.shape_cast %get3A_1682 : vector<1x16xf32> to vector<16xf32>
      %add3A_1684 = arith.addf %add3A_1677, %get3A_1683 : vector<16xf32>
      %add3A_1685 = arith.constant 6 : i32
      %add3A_1686 = arith.addi %mul3A_912, %add3A_1685 : i32
      %get3A_1687 = arith.index_cast %add3A_1686 : i32 to index
      %get3A_1688 = arith.constant 80 : index
      %get3A_1689 = tpu.vector_load %arg7[%get3A_1687, %get3A_1688] {strides = array<i32>} : memref<320x128xf32, #tpu.memory_space<vmem>>, vector<1x16xf32>,
      %get3A_1690 = vector.shape_cast %get3A_1689 : vector<1x16xf32> to vector<16xf32>
      %add3A_1691 = arith.addf %add3A_1684, %get3A_1690 : vector<16xf32>
      %add3A_1692 = arith.constant 7 : i32
      %add3A_1693 = arith.addi %mul3A_912, %add3A_1692 : i32
      %get3A_1694 = arith.index_cast %add3A_1693 : i32 to index
      %get3A_1695 = arith.constant 80 : index
      %get3A_1696 = tpu.vector_load %arg7[%get3A_1694, %get3A_1695] {strides = array<i32>} : memref<320x128xf32, #tpu.memory_space<vmem>>, vector<1x16xf32>,
      %get3A_1697 = vector.shape_cast %get3A_1696 : vector<1x16xf32> to vector<16xf32>
      %add3A_1698 = arith.addf %add3A_1691, %get3A_1697 : vector<16xf32>
      %add3A_1699 = arith.constant 8 : i32
      %add3A_1700 = arith.addi %mul3A_912, %add3A_1699 : i32
      %get3A_1701 = arith.index_cast %add3A_1700 : i32 to index
      %get3A_1702 = arith.constant 80 : index
      %get3A_1703 = tpu.vector_load %arg7[%get3A_1701, %get3A_1702] {strides = array<i32>} : memref<320x128xf32, #tpu.memory_space<vmem>>, vector<1x16xf32>,
      %get3A_1704 = vector.shape_cast %get3A_1703 : vector<1x16xf32> to vector<16xf32>
      %add3A_1705 = arith.addf %add3A_1698, %get3A_1704 : vector<16xf32>
      %add3A_1706 = arith.constant 9 : i32
      %add3A_1707 = arith.addi %mul3A_912, %add3A_1706 : i32
      %get3A_1708 = arith.index_cast %add3A_1707 : i32 to index
      %get3A_1709 = arith.constant 80 : index
      %get3A_1710 = tpu.vector_load %arg7[%get3A_1708, %get3A_1709] {strides = array<i32>} : memref<320x128xf32, #tpu.memory_space<vmem>>, vector<1x16xf32>,
      %get3A_1711 = vector.shape_cast %get3A_1710 : vector<1x16xf32> to vector<16xf32>
      %add3A_1712 = arith.addf %add3A_1705, %get3A_1711 : vector<16xf32>
      %add3A_1713 = arith.constant 10 : i32
      %add3A_1714 = arith.addi %mul3A_912, %add3A_1713 : i32
      %get3A_1715 = arith.index_cast %add3A_1714 : i32 to index
      %get3A_1716 = arith.constant 80 : index
      %get3A_1717 = tpu.vector_load %arg7[%get3A_1715, %get3A_1716] {strides = array<i32>} : memref<320x128xf32, #tpu.memory_space<vmem>>, vector<1x16xf32>,
      %get3A_1718 = vector.shape_cast %get3A_1717 : vector<1x16xf32> to vector<16xf32>
      %add3A_1719 = arith.addf %add3A_1712, %get3A_1718 : vector<16xf32>
      %add3A_1720 = arith.constant 11 : i32
      %add3A_1721 = arith.addi %mul3A_912, %add3A_1720 : i32
      %get3A_1722 = arith.index_cast %add3A_1721 : i32 to index
      %get3A_1723 = arith.constant 80 : index
      %get3A_1724 = tpu.vector_load %arg7[%get3A_1722, %get3A_1723] {strides = array<i32>} : memref<320x128xf32, #tpu.memory_space<vmem>>, vector<1x16xf32>,
      %get3A_1725 = vector.shape_cast %get3A_1724 : vector<1x16xf32> to vector<16xf32>
      %add3A_1726 = arith.addf %add3A_1719, %get3A_1725 : vector<16xf32>
      %add3A_1727 = arith.constant 12 : i32
      %add3A_1728 = arith.addi %mul3A_912, %add3A_1727 : i32
      %get3A_1729 = arith.index_cast %add3A_1728 : i32 to index
      %get3A_1730 = arith.constant 80 : index
      %get3A_1731 = tpu.vector_load %arg7[%get3A_1729, %get3A_1730] {strides = array<i32>} : memref<320x128xf32, #tpu.memory_space<vmem>>, vector<1x16xf32>,
      %get3A_1732 = vector.shape_cast %get3A_1731 : vector<1x16xf32> to vector<16xf32>
      %add3A_1733 = arith.addf %add3A_1726, %get3A_1732 : vector<16xf32>
      %add3A_1734 = arith.constant 13 : i32
      %add3A_1735 = arith.addi %mul3A_912, %add3A_1734 : i32
      %get3A_1736 = arith.index_cast %add3A_1735 : i32 to index
      %get3A_1737 = arith.constant 80 : index
      %get3A_1738 = tpu.vector_load %arg7[%get3A_1736, %get3A_1737] {strides = array<i32>} : memref<320x128xf32, #tpu.memory_space<vmem>>, vector<1x16xf32>,
      %get3A_1739 = vector.shape_cast %get3A_1738 : vector<1x16xf32> to vector<16xf32>
      %add3A_1740 = arith.addf %add3A_1733, %get3A_1739 : vector<16xf32>
      %add3A_1741 = arith.constant 14 : i32
      %add3A_1742 = arith.addi %mul3A_912, %add3A_1741 : i32
      %get3A_1743 = arith.index_cast %add3A_1742 : i32 to index
      %get3A_1744 = arith.constant 80 : index
      %get3A_1745 = tpu.vector_load %arg7[%get3A_1743, %get3A_1744] {strides = array<i32>} : memref<320x128xf32, #tpu.memory_space<vmem>>, vector<1x16xf32>,
      %get3A_1746 = vector.shape_cast %get3A_1745 : vector<1x16xf32> to vector<16xf32>
      %add3A_1747 = arith.addf %add3A_1740, %get3A_1746 : vector<16xf32>
      %add3A_1748 = arith.constant 15 : i32
      %add3A_1749 = arith.addi %mul3A_912, %add3A_1748 : i32
      %get3A_1750 = arith.index_cast %add3A_1749 : i32 to index
      %get3A_1751 = arith.constant 80 : index
      %get3A_1752 = tpu.vector_load %arg7[%get3A_1750, %get3A_1751] {strides = array<i32>} : memref<320x128xf32, #tpu.memory_space<vmem>>, vector<1x16xf32>,
      %get3A_1753 = vector.shape_cast %get3A_1752 : vector<1x16xf32> to vector<16xf32>
      %add3A_1754 = arith.addf %add3A_1747, %get3A_1753 : vector<16xf32>
      %add3A_1755 = arith.constant 16 : i32
      %add3A_1756 = arith.addi %mul3A_912, %add3A_1755 : i32
      %get3A_1757 = arith.index_cast %add3A_1756 : i32 to index
      %get3A_1758 = arith.constant 80 : index
      %get3A_1759 = tpu.vector_load %arg7[%get3A_1757, %get3A_1758] {strides = array<i32>} : memref<320x128xf32, #tpu.memory_space<vmem>>, vector<1x16xf32>,
      %get3A_1760 = vector.shape_cast %get3A_1759 : vector<1x16xf32> to vector<16xf32>
      %add3A_1761 = arith.addf %add3A_1754, %get3A_1760 : vector<16xf32>
      %add3A_1762 = arith.constant 17 : i32
      %add3A_1763 = arith.addi %mul3A_912, %add3A_1762 : i32
      %get3A_1764 = arith.index_cast %add3A_1763 : i32 to index
      %get3A_1765 = arith.constant 80 : index
      %get3A_1766 = tpu.vector_load %arg7[%get3A_1764, %get3A_1765] {strides = array<i32>} : memref<320x128xf32, #tpu.memory_space<vmem>>, vector<1x16xf32>,
      %get3A_1767 = vector.shape_cast %get3A_1766 : vector<1x16xf32> to vector<16xf32>
      %add3A_1768 = arith.addf %add3A_1761, %get3A_1767 : vector<16xf32>
      %add3A_1769 = arith.constant 18 : i32
      %add3A_1770 = arith.addi %mul3A_912, %add3A_1769 : i32
      %get3A_1771 = arith.index_cast %add3A_1770 : i32 to index
      %get3A_1772 = arith.constant 80 : index
      %get3A_1773 = tpu.vector_load %arg7[%get3A_1771, %get3A_1772] {strides = array<i32>} : memref<320x128xf32, #tpu.memory_space<vmem>>, vector<1x16xf32>,
      %get3A_1774 = vector.shape_cast %get3A_1773 : vector<1x16xf32> to vector<16xf32>
      %add3A_1775 = arith.addf %add3A_1768, %get3A_1774 : vector<16xf32>
      %add3A_1776 = arith.constant 19 : i32
      %add3A_1777 = arith.addi %mul3A_912, %add3A_1776 : i32
      %get3A_1778 = arith.index_cast %add3A_1777 : i32 to index
      %get3A_1779 = arith.constant 80 : index
      %get3A_1780 = tpu.vector_load %arg7[%get3A_1778, %get3A_1779] {strides = array<i32>} : memref<320x128xf32, #tpu.memory_space<vmem>>, vector<1x16xf32>,
      %get3A_1781 = vector.shape_cast %get3A_1780 : vector<1x16xf32> to vector<16xf32>
      %add3A_1782 = arith.addf %add3A_1775, %get3A_1781 : vector<16xf32>
      %mul3A_1783 = arith.constant 5.000000e-02 : f32
      %mul3A_1784 = vector.broadcast %mul3A_1783 : f32 to vector<16xf32>
      %mul3A_1785 = arith.mulf %add3A_1782, %mul3A_1784 : vector<16xf32>
      %add3A_1786 = arith.constant 16 : i32
      %add3A_1787 = arith.addi %add3A_1786, %scan3A_910 : i32
      %swap3A_1788 = arith.index_cast %add3A_1787 : i32 to index
      %swap3A_1789 = arith.constant 80 : index
      %swap3A_1790 = tpu.vector_load %arg8[%swap3A_1788, %swap3A_1789] {strides = array<i32>} : memref<32x128xf32, #tpu.memory_space<vmem>>, vector<1x16xf32>,
      %swap3A_1791 = vector.shape_cast %swap3A_1790 : vector<1x16xf32> to vector<16xf32>
      %swap3A_1792 = vector.shape_cast %mul3A_1785 : vector<16xf32> to vector<1x16xf32>
      tpu.vector_store %arg8[%swap3A_1788, %swap3A_1789], %swap3A_1792 {strides = array<i32>} : memref<32x128xf32, #tpu.memory_space<vmem>>, vector<1x16xf32>,
      %get3A_1793 = arith.index_cast %mul3A_912 : i32 to index
      %get3A_1794 = arith.constant 96 : index
      %get3A_1795 = tpu.vector_load %arg7[%get3A_1793, %get3A_1794] {strides = array<i32>} : memref<320x128xf32, #tpu.memory_space<vmem>>, vector<1x16xf32>,
      %get3A_1796 = vector.shape_cast %get3A_1795 : vector<1x16xf32> to vector<16xf32>
      %add3A_1797 = arith.constant 1 : i32
      %add3A_1798 = arith.addi %mul3A_912, %add3A_1797 : i32
      %get3A_1799 = arith.index_cast %add3A_1798 : i32 to index
      %get3A_1800 = arith.constant 96 : index
      %get3A_1801 = tpu.vector_load %arg7[%get3A_1799, %get3A_1800] {strides = array<i32>} : memref<320x128xf32, #tpu.memory_space<vmem>>, vector<1x16xf32>,
      %get3A_1802 = vector.shape_cast %get3A_1801 : vector<1x16xf32> to vector<16xf32>
      %add3A_1803 = arith.addf %get3A_1796, %get3A_1802 : vector<16xf32>
      %add3A_1804 = arith.constant 2 : i32
      %add3A_1805 = arith.addi %mul3A_912, %add3A_1804 : i32
      %get3A_1806 = arith.index_cast %add3A_1805 : i32 to index
      %get3A_1807 = arith.constant 96 : index
      %get3A_1808 = tpu.vector_load %arg7[%get3A_1806, %get3A_1807] {strides = array<i32>} : memref<320x128xf32, #tpu.memory_space<vmem>>, vector<1x16xf32>,
      %get3A_1809 = vector.shape_cast %get3A_1808 : vector<1x16xf32> to vector<16xf32>
      %add3A_1810 = arith.addf %add3A_1803, %get3A_1809 : vector<16xf32>
      %add3A_1811 = arith.constant 3 : i32
      %add3A_1812 = arith.addi %mul3A_912, %add3A_1811 : i32
      %get3A_1813 = arith.index_cast %add3A_1812 : i32 to index
      %get3A_1814 = arith.constant 96 : index
      %get3A_1815 = tpu.vector_load %arg7[%get3A_1813, %get3A_1814] {strides = array<i32>} : memref<320x128xf32, #tpu.memory_space<vmem>>, vector<1x16xf32>,
      %get3A_1816 = vector.shape_cast %get3A_1815 : vector<1x16xf32> to vector<16xf32>
      %add3A_1817 = arith.addf %add3A_1810, %get3A_1816 : vector<16xf32>
      %add3A_1818 = arith.constant 4 : i32
      %add3A_1819 = arith.addi %mul3A_912, %add3A_1818 : i32
      %get3A_1820 = arith.index_cast %add3A_1819 : i32 to index
      %get3A_1821 = arith.constant 96 : index
      %get3A_1822 = tpu.vector_load %arg7[%get3A_1820, %get3A_1821] {strides = array<i32>} : memref<320x128xf32, #tpu.memory_space<vmem>>, vector<1x16xf32>,
      %get3A_1823 = vector.shape_cast %get3A_1822 : vector<1x16xf32> to vector<16xf32>
      %add3A_1824 = arith.addf %add3A_1817, %get3A_1823 : vector<16xf32>
      %add3A_1825 = arith.constant 5 : i32
      %add3A_1826 = arith.addi %mul3A_912, %add3A_1825 : i32
      %get3A_1827 = arith.index_cast %add3A_1826 : i32 to index
      %get3A_1828 = arith.constant 96 : index
      %get3A_1829 = tpu.vector_load %arg7[%get3A_1827, %get3A_1828] {strides = array<i32>} : memref<320x128xf32, #tpu.memory_space<vmem>>, vector<1x16xf32>,
      %get3A_1830 = vector.shape_cast %get3A_1829 : vector<1x16xf32> to vector<16xf32>
      %add3A_1831 = arith.addf %add3A_1824, %get3A_1830 : vector<16xf32>
      %add3A_1832 = arith.constant 6 : i32
      %add3A_1833 = arith.addi %mul3A_912, %add3A_1832 : i32
      %get3A_1834 = arith.index_cast %add3A_1833 : i32 to index
      %get3A_1835 = arith.constant 96 : index
      %get3A_1836 = tpu.vector_load %arg7[%get3A_1834, %get3A_1835] {strides = array<i32>} : memref<320x128xf32, #tpu.memory_space<vmem>>, vector<1x16xf32>,
      %get3A_1837 = vector.shape_cast %get3A_1836 : vector<1x16xf32> to vector<16xf32>
      %add3A_1838 = arith.addf %add3A_1831, %get3A_1837 : vector<16xf32>
      %add3A_1839 = arith.constant 7 : i32
      %add3A_1840 = arith.addi %mul3A_912, %add3A_1839 : i32
      %get3A_1841 = arith.index_cast %add3A_1840 : i32 to index
      %get3A_1842 = arith.constant 96 : index
      %get3A_1843 = tpu.vector_load %arg7[%get3A_1841, %get3A_1842] {strides = array<i32>} : memref<320x128xf32, #tpu.memory_space<vmem>>, vector<1x16xf32>,
      %get3A_1844 = vector.shape_cast %get3A_1843 : vector<1x16xf32> to vector<16xf32>
      %add3A_1845 = arith.addf %add3A_1838, %get3A_1844 : vector<16xf32>
      %add3A_1846 = arith.constant 8 : i32
      %add3A_1847 = arith.addi %mul3A_912, %add3A_1846 : i32
      %get3A_1848 = arith.index_cast %add3A_1847 : i32 to index
      %get3A_1849 = arith.constant 96 : index
      %get3A_1850 = tpu.vector_load %arg7[%get3A_1848, %get3A_1849] {strides = array<i32>} : memref<320x128xf32, #tpu.memory_space<vmem>>, vector<1x16xf32>,
      %get3A_1851 = vector.shape_cast %get3A_1850 : vector<1x16xf32> to vector<16xf32>
      %add3A_1852 = arith.addf %add3A_1845, %get3A_1851 : vector<16xf32>
      %add3A_1853 = arith.constant 9 : i32
      %add3A_1854 = arith.addi %mul3A_912, %add3A_1853 : i32
      %get3A_1855 = arith.index_cast %add3A_1854 : i32 to index
      %get3A_1856 = arith.constant 96 : index
      %get3A_1857 = tpu.vector_load %arg7[%get3A_1855, %get3A_1856] {strides = array<i32>} : memref<320x128xf32, #tpu.memory_space<vmem>>, vector<1x16xf32>,
      %get3A_1858 = vector.shape_cast %get3A_1857 : vector<1x16xf32> to vector<16xf32>
      %add3A_1859 = arith.addf %add3A_1852, %get3A_1858 : vector<16xf32>
      %add3A_1860 = arith.constant 10 : i32
      %add3A_1861 = arith.addi %mul3A_912, %add3A_1860 : i32
      %get3A_1862 = arith.index_cast %add3A_1861 : i32 to index
      %get3A_1863 = arith.constant 96 : index
      %get3A_1864 = tpu.vector_load %arg7[%get3A_1862, %get3A_1863] {strides = array<i32>} : memref<320x128xf32, #tpu.memory_space<vmem>>, vector<1x16xf32>,
      %get3A_1865 = vector.shape_cast %get3A_1864 : vector<1x16xf32> to vector<16xf32>
      %add3A_1866 = arith.addf %add3A_1859, %get3A_1865 : vector<16xf32>
      %add3A_1867 = arith.constant 11 : i32
      %add3A_1868 = arith.addi %mul3A_912, %add3A_1867 : i32
      %get3A_1869 = arith.index_cast %add3A_1868 : i32 to index
      %get3A_1870 = arith.constant 96 : index
      %get3A_1871 = tpu.vector_load %arg7[%get3A_1869, %get3A_1870] {strides = array<i32>} : memref<320x128xf32, #tpu.memory_space<vmem>>, vector<1x16xf32>,
      %get3A_1872 = vector.shape_cast %get3A_1871 : vector<1x16xf32> to vector<16xf32>
      %add3A_1873 = arith.addf %add3A_1866, %get3A_1872 : vector<16xf32>
      %add3A_1874 = arith.constant 12 : i32
      %add3A_1875 = arith.addi %mul3A_912, %add3A_1874 : i32
      %get3A_1876 = arith.index_cast %add3A_1875 : i32 to index
      %get3A_1877 = arith.constant 96 : index
      %get3A_1878 = tpu.vector_load %arg7[%get3A_1876, %get3A_1877] {strides = array<i32>} : memref<320x128xf32, #tpu.memory_space<vmem>>, vector<1x16xf32>,
      %get3A_1879 = vector.shape_cast %get3A_1878 : vector<1x16xf32> to vector<16xf32>
      %add3A_1880 = arith.addf %add3A_1873, %get3A_1879 : vector<16xf32>
      %add3A_1881 = arith.constant 13 : i32
      %add3A_1882 = arith.addi %mul3A_912, %add3A_1881 : i32
      %get3A_1883 = arith.index_cast %add3A_1882 : i32 to index
      %get3A_1884 = arith.constant 96 : index
      %get3A_1885 = tpu.vector_load %arg7[%get3A_1883, %get3A_1884] {strides = array<i32>} : memref<320x128xf32, #tpu.memory_space<vmem>>, vector<1x16xf32>,
      %get3A_1886 = vector.shape_cast %get3A_1885 : vector<1x16xf32> to vector<16xf32>
      %add3A_1887 = arith.addf %add3A_1880, %get3A_1886 : vector<16xf32>
      %add3A_1888 = arith.constant 14 : i32
      %add3A_1889 = arith.addi %mul3A_912, %add3A_1888 : i32
      %get3A_1890 = arith.index_cast %add3A_1889 : i32 to index
      %get3A_1891 = arith.constant 96 : index
      %get3A_1892 = tpu.vector_load %arg7[%get3A_1890, %get3A_1891] {strides = array<i32>} : memref<320x128xf32, #tpu.memory_space<vmem>>, vector<1x16xf32>,
      %get3A_1893 = vector.shape_cast %get3A_1892 : vector<1x16xf32> to vector<16xf32>
      %add3A_1894 = arith.addf %add3A_1887, %get3A_1893 : vector<16xf32>
      %add3A_1895 = arith.constant 15 : i32
      %add3A_1896 = arith.addi %mul3A_912, %add3A_1895 : i32
      %get3A_1897 = arith.index_cast %add3A_1896 : i32 to index
      %get3A_1898 = arith.constant 96 : index
      %get3A_1899 = tpu.vector_load %arg7[%get3A_1897, %get3A_1898] {strides = array<i32>} : memref<320x128xf32, #tpu.memory_space<vmem>>, vector<1x16xf32>,
      %get3A_1900 = vector.shape_cast %get3A_1899 : vector<1x16xf32> to vector<16xf32>
      %add3A_1901 = arith.addf %add3A_1894, %get3A_1900 : vector<16xf32>
      %add3A_1902 = arith.constant 16 : i32
      %add3A_1903 = arith.addi %mul3A_912, %add3A_1902 : i32
      %get3A_1904 = arith.index_cast %add3A_1903 : i32 to index
      %get3A_1905 = arith.constant 96 : index
      %get3A_1906 = tpu.vector_load %arg7[%get3A_1904, %get3A_1905] {strides = array<i32>} : memref<320x128xf32, #tpu.memory_space<vmem>>, vector<1x16xf32>,
      %get3A_1907 = vector.shape_cast %get3A_1906 : vector<1x16xf32> to vector<16xf32>
      %add3A_1908 = arith.addf %add3A_1901, %get3A_1907 : vector<16xf32>
      %add3A_1909 = arith.constant 17 : i32
      %add3A_1910 = arith.addi %mul3A_912, %add3A_1909 : i32
      %get3A_1911 = arith.index_cast %add3A_1910 : i32 to index
      %get3A_1912 = arith.constant 96 : index
      %get3A_1913 = tpu.vector_load %arg7[%get3A_1911, %get3A_1912] {strides = array<i32>} : memref<320x128xf32, #tpu.memory_space<vmem>>, vector<1x16xf32>,
      %get3A_1914 = vector.shape_cast %get3A_1913 : vector<1x16xf32> to vector<16xf32>
      %add3A_1915 = arith.addf %add3A_1908, %get3A_1914 : vector<16xf32>
      %add3A_1916 = arith.constant 18 : i32
      %add3A_1917 = arith.addi %mul3A_912, %add3A_1916 : i32
      %get3A_1918 = arith.index_cast %add3A_1917 : i32 to index
      %get3A_1919 = arith.constant 96 : index
      %get3A_1920 = tpu.vector_load %arg7[%get3A_1918, %get3A_1919] {strides = array<i32>} : memref<320x128xf32, #tpu.memory_space<vmem>>, vector<1x16xf32>,
      %get3A_1921 = vector.shape_cast %get3A_1920 : vector<1x16xf32> to vector<16xf32>
      %add3A_1922 = arith.addf %add3A_1915, %get3A_1921 : vector<16xf32>
      %add3A_1923 = arith.constant 19 : i32
      %add3A_1924 = arith.addi %mul3A_912, %add3A_1923 : i32
      %get3A_1925 = arith.index_cast %add3A_1924 : i32 to index
      %get3A_1926 = arith.constant 96 : index
      %get3A_1927 = tpu.vector_load %arg7[%get3A_1925, %get3A_1926] {strides = array<i32>} : memref<320x128xf32, #tpu.memory_space<vmem>>, vector<1x16xf32>,
      %get3A_1928 = vector.shape_cast %get3A_1927 : vector<1x16xf32> to vector<16xf32>
      %add3A_1929 = arith.addf %add3A_1922, %get3A_1928 : vector<16xf32>
      %mul3A_1930 = arith.constant 5.000000e-02 : f32
      %mul3A_1931 = vector.broadcast %mul3A_1930 : f32 to vector<16xf32>
      %mul3A_1932 = arith.mulf %add3A_1929, %mul3A_1931 : vector<16xf32>
      %add3A_1933 = arith.constant 16 : i32
      %add3A_1934 = arith.addi %add3A_1933, %scan3A_910 : i32
      %swap3A_1935 = arith.index_cast %add3A_1934 : i32 to index
      %swap3A_1936 = arith.constant 96 : index
      %swap3A_1937 = tpu.vector_load %arg8[%swap3A_1935, %swap3A_1936] {strides = array<i32>} : memref<32x128xf32, #tpu.memory_space<vmem>>, vector<1x16xf32>,
      %swap3A_1938 = vector.shape_cast %swap3A_1937 : vector<1x16xf32> to vector<16xf32>
      %swap3A_1939 = vector.shape_cast %mul3A_1932 : vector<16xf32> to vector<1x16xf32>
      tpu.vector_store %arg8[%swap3A_1935, %swap3A_1936], %swap3A_1939 {strides = array<i32>} : memref<32x128xf32, #tpu.memory_space<vmem>>, vector<1x16xf32>,
      %get3A_1940 = arith.index_cast %mul3A_912 : i32 to index
      %get3A_1941 = arith.constant 112 : index
      %get3A_1942 = tpu.vector_load %arg7[%get3A_1940, %get3A_1941] {strides = array<i32>} : memref<320x128xf32, #tpu.memory_space<vmem>>, vector<1x16xf32>,
      %get3A_1943 = vector.shape_cast %get3A_1942 : vector<1x16xf32> to vector<16xf32>
      %add3A_1944 = arith.constant 1 : i32
      %add3A_1945 = arith.addi %mul3A_912, %add3A_1944 : i32
      %get3A_1946 = arith.index_cast %add3A_1945 : i32 to index
      %get3A_1947 = arith.constant 112 : index
      %get3A_1948 = tpu.vector_load %arg7[%get3A_1946, %get3A_1947] {strides = array<i32>} : memref<320x128xf32, #tpu.memory_space<vmem>>, vector<1x16xf32>,
      %get3A_1949 = vector.shape_cast %get3A_1948 : vector<1x16xf32> to vector<16xf32>
      %add3A_1950 = arith.addf %get3A_1943, %get3A_1949 : vector<16xf32>
      %add3A_1951 = arith.constant 2 : i32
      %add3A_1952 = arith.addi %mul3A_912, %add3A_1951 : i32
      %get3A_1953 = arith.index_cast %add3A_1952 : i32 to index
      %get3A_1954 = arith.constant 112 : index
      %get3A_1955 = tpu.vector_load %arg7[%get3A_1953, %get3A_1954] {strides = array<i32>} : memref<320x128xf32, #tpu.memory_space<vmem>>, vector<1x16xf32>,
      %get3A_1956 = vector.shape_cast %get3A_1955 : vector<1x16xf32> to vector<16xf32>
      %add3A_1957 = arith.addf %add3A_1950, %get3A_1956 : vector<16xf32>
      %add3A_1958 = arith.constant 3 : i32
      %add3A_1959 = arith.addi %mul3A_912, %add3A_1958 : i32
      %get3A_1960 = arith.index_cast %add3A_1959 : i32 to index
      %get3A_1961 = arith.constant 112 : index
      %get3A_1962 = tpu.vector_load %arg7[%get3A_1960, %get3A_1961] {strides = array<i32>} : memref<320x128xf32, #tpu.memory_space<vmem>>, vector<1x16xf32>,
      %get3A_1963 = vector.shape_cast %get3A_1962 : vector<1x16xf32> to vector<16xf32>
      %add3A_1964 = arith.addf %add3A_1957, %get3A_1963 : vector<16xf32>
      %add3A_1965 = arith.constant 4 : i32
      %add3A_1966 = arith.addi %mul3A_912, %add3A_1965 : i32
      %get3A_1967 = arith.index_cast %add3A_1966 : i32 to index
      %get3A_1968 = arith.constant 112 : index
      %get3A_1969 = tpu.vector_load %arg7[%get3A_1967, %get3A_1968] {strides = array<i32>} : memref<320x128xf32, #tpu.memory_space<vmem>>, vector<1x16xf32>,
      %get3A_1970 = vector.shape_cast %get3A_1969 : vector<1x16xf32> to vector<16xf32>
      %add3A_1971 = arith.addf %add3A_1964, %get3A_1970 : vector<16xf32>
      %add3A_1972 = arith.constant 5 : i32
      %add3A_1973 = arith.addi %mul3A_912, %add3A_1972 : i32
      %get3A_1974 = arith.index_cast %add3A_1973 : i32 to index
      %get3A_1975 = arith.constant 112 : index
      %get3A_1976 = tpu.vector_load %arg7[%get3A_1974, %get3A_1975] {strides = array<i32>} : memref<320x128xf32, #tpu.memory_space<vmem>>, vector<1x16xf32>,
      %get3A_1977 = vector.shape_cast %get3A_1976 : vector<1x16xf32> to vector<16xf32>
      %add3A_1978 = arith.addf %add3A_1971, %get3A_1977 : vector<16xf32>
      %add3A_1979 = arith.constant 6 : i32
      %add3A_1980 = arith.addi %mul3A_912, %add3A_1979 : i32
      %get3A_1981 = arith.index_cast %add3A_1980 : i32 to index
      %get3A_1982 = arith.constant 112 : index
      %get3A_1983 = tpu.vector_load %arg7[%get3A_1981, %get3A_1982] {strides = array<i32>} : memref<320x128xf32, #tpu.memory_space<vmem>>, vector<1x16xf32>,
      %get3A_1984 = vector.shape_cast %get3A_1983 : vector<1x16xf32> to vector<16xf32>
      %add3A_1985 = arith.addf %add3A_1978, %get3A_1984 : vector<16xf32>
      %add3A_1986 = arith.constant 7 : i32
      %add3A_1987 = arith.addi %mul3A_912, %add3A_1986 : i32
      %get3A_1988 = arith.index_cast %add3A_1987 : i32 to index
      %get3A_1989 = arith.constant 112 : index
      %get3A_1990 = tpu.vector_load %arg7[%get3A_1988, %get3A_1989] {strides = array<i32>} : memref<320x128xf32, #tpu.memory_space<vmem>>, vector<1x16xf32>,
      %get3A_1991 = vector.shape_cast %get3A_1990 : vector<1x16xf32> to vector<16xf32>
      %add3A_1992 = arith.addf %add3A_1985, %get3A_1991 : vector<16xf32>
      %add3A_1993 = arith.constant 8 : i32
      %add3A_1994 = arith.addi %mul3A_912, %add3A_1993 : i32
      %get3A_1995 = arith.index_cast %add3A_1994 : i32 to index
      %get3A_1996 = arith.constant 112 : index
      %get3A_1997 = tpu.vector_load %arg7[%get3A_1995, %get3A_1996] {strides = array<i32>} : memref<320x128xf32, #tpu.memory_space<vmem>>, vector<1x16xf32>,
      %get3A_1998 = vector.shape_cast %get3A_1997 : vector<1x16xf32> to vector<16xf32>
      %add3A_1999 = arith.addf %add3A_1992, %get3A_1998 : vector<16xf32>
      %add3A_2000 = arith.constant 9 : i32
      %add3A_2001 = arith.addi %mul3A_912, %add3A_2000 : i32
      %get3A_2002 = arith.index_cast %add3A_2001 : i32 to index
      %get3A_2003 = arith.constant 112 : index
      %get3A_2004 = tpu.vector_load %arg7[%get3A_2002, %get3A_2003] {strides = array<i32>} : memref<320x128xf32, #tpu.memory_space<vmem>>, vector<1x16xf32>,
      %get3A_2005 = vector.shape_cast %get3A_2004 : vector<1x16xf32> to vector<16xf32>
      %add3A_2006 = arith.addf %add3A_1999, %get3A_2005 : vector<16xf32>
      %add3A_2007 = arith.constant 10 : i32
      %add3A_2008 = arith.addi %mul3A_912, %add3A_2007 : i32
      %get3A_2009 = arith.index_cast %add3A_2008 : i32 to index
      %get3A_2010 = arith.constant 112 : index
      %get3A_2011 = tpu.vector_load %arg7[%get3A_2009, %get3A_2010] {strides = array<i32>} : memref<320x128xf32, #tpu.memory_space<vmem>>, vector<1x16xf32>,
      %get3A_2012 = vector.shape_cast %get3A_2011 : vector<1x16xf32> to vector<16xf32>
      %add3A_2013 = arith.addf %add3A_2006, %get3A_2012 : vector<16xf32>
      %add3A_2014 = arith.constant 11 : i32
      %add3A_2015 = arith.addi %mul3A_912, %add3A_2014 : i32
      %get3A_2016 = arith.index_cast %add3A_2015 : i32 to index
      %get3A_2017 = arith.constant 112 : index
      %get3A_2018 = tpu.vector_load %arg7[%get3A_2016, %get3A_2017] {strides = array<i32>} : memref<320x128xf32, #tpu.memory_space<vmem>>, vector<1x16xf32>,
      %get3A_2019 = vector.shape_cast %get3A_2018 : vector<1x16xf32> to vector<16xf32>
      %add3A_2020 = arith.addf %add3A_2013, %get3A_2019 : vector<16xf32>
      %add3A_2021 = arith.constant 12 : i32
      %add3A_2022 = arith.addi %mul3A_912, %add3A_2021 : i32
      %get3A_2023 = arith.index_cast %add3A_2022 : i32 to index
      %get3A_2024 = arith.constant 112 : index
      %get3A_2025 = tpu.vector_load %arg7[%get3A_2023, %get3A_2024] {strides = array<i32>} : memref<320x128xf32, #tpu.memory_space<vmem>>, vector<1x16xf32>,
      %get3A_2026 = vector.shape_cast %get3A_2025 : vector<1x16xf32> to vector<16xf32>
      %add3A_2027 = arith.addf %add3A_2020, %get3A_2026 : vector<16xf32>
      %add3A_2028 = arith.constant 13 : i32
      %add3A_2029 = arith.addi %mul3A_912, %add3A_2028 : i32
      %get3A_2030 = arith.index_cast %add3A_2029 : i32 to index
      %get3A_2031 = arith.constant 112 : index
      %get3A_2032 = tpu.vector_load %arg7[%get3A_2030, %get3A_2031] {strides = array<i32>} : memref<320x128xf32, #tpu.memory_space<vmem>>, vector<1x16xf32>,
      %get3A_2033 = vector.shape_cast %get3A_2032 : vector<1x16xf32> to vector<16xf32>
      %add3A_2034 = arith.addf %add3A_2027, %get3A_2033 : vector<16xf32>
      %add3A_2035 = arith.constant 14 : i32
      %add3A_2036 = arith.addi %mul3A_912, %add3A_2035 : i32
      %get3A_2037 = arith.index_cast %add3A_2036 : i32 to index
      %get3A_2038 = arith.constant 112 : index
      %get3A_2039 = tpu.vector_load %arg7[%get3A_2037, %get3A_2038] {strides = array<i32>} : memref<320x128xf32, #tpu.memory_space<vmem>>, vector<1x16xf32>,
      %get3A_2040 = vector.shape_cast %get3A_2039 : vector<1x16xf32> to vector<16xf32>
      %add3A_2041 = arith.addf %add3A_2034, %get3A_2040 : vector<16xf32>
      %add3A_2042 = arith.constant 15 : i32
      %add3A_2043 = arith.addi %mul3A_912, %add3A_2042 : i32
      %get3A_2044 = arith.index_cast %add3A_2043 : i32 to index
      %get3A_2045 = arith.constant 112 : index
      %get3A_2046 = tpu.vector_load %arg7[%get3A_2044, %get3A_2045] {strides = array<i32>} : memref<320x128xf32, #tpu.memory_space<vmem>>, vector<1x16xf32>,
      %get3A_2047 = vector.shape_cast %get3A_2046 : vector<1x16xf32> to vector<16xf32>
      %add3A_2048 = arith.addf %add3A_2041, %get3A_2047 : vector<16xf32>
      %add3A_2049 = arith.constant 16 : i32
      %add3A_2050 = arith.addi %mul3A_912, %add3A_2049 : i32
      %get3A_2051 = arith.index_cast %add3A_2050 : i32 to index
      %get3A_2052 = arith.constant 112 : index
      %get3A_2053 = tpu.vector_load %arg7[%get3A_2051, %get3A_2052] {strides = array<i32>} : memref<320x128xf32, #tpu.memory_space<vmem>>, vector<1x16xf32>,
      %get3A_2054 = vector.shape_cast %get3A_2053 : vector<1x16xf32> to vector<16xf32>
      %add3A_2055 = arith.addf %add3A_2048, %get3A_2054 : vector<16xf32>
      %add3A_2056 = arith.constant 17 : i32
      %add3A_2057 = arith.addi %mul3A_912, %add3A_2056 : i32
      %get3A_2058 = arith.index_cast %add3A_2057 : i32 to index
      %get3A_2059 = arith.constant 112 : index
      %get3A_2060 = tpu.vector_load %arg7[%get3A_2058, %get3A_2059] {strides = array<i32>} : memref<320x128xf32, #tpu.memory_space<vmem>>, vector<1x16xf32>,
      %get3A_2061 = vector.shape_cast %get3A_2060 : vector<1x16xf32> to vector<16xf32>
      %add3A_2062 = arith.addf %add3A_2055, %get3A_2061 : vector<16xf32>
      %add3A_2063 = arith.constant 18 : i32
      %add3A_2064 = arith.addi %mul3A_912, %add3A_2063 : i32
      %get3A_2065 = arith.index_cast %add3A_2064 : i32 to index
      %get3A_2066 = arith.constant 112 : index
      %get3A_2067 = tpu.vector_load %arg7[%get3A_2065, %get3A_2066] {strides = array<i32>} : memref<320x128xf32, #tpu.memory_space<vmem>>, vector<1x16xf32>,
      %get3A_2068 = vector.shape_cast %get3A_2067 : vector<1x16xf32> to vector<16xf32>
      %add3A_2069 = arith.addf %add3A_2062, %get3A_2068 : vector<16xf32>
      %add3A_2070 = arith.constant 19 : i32
      %add3A_2071 = arith.addi %mul3A_912, %add3A_2070 : i32
      %get3A_2072 = arith.index_cast %add3A_2071 : i32 to index
      %get3A_2073 = arith.constant 112 : index
      %get3A_2074 = tpu.vector_load %arg7[%get3A_2072, %get3A_2073] {strides = array<i32>} : memref<320x128xf32, #tpu.memory_space<vmem>>, vector<1x16xf32>,
      %get3A_2075 = vector.shape_cast %get3A_2074 : vector<1x16xf32> to vector<16xf32>
      %add3A_2076 = arith.addf %add3A_2069, %get3A_2075 : vector<16xf32>
      %mul3A_2077 = arith.constant 5.000000e-02 : f32
      %mul3A_2078 = vector.broadcast %mul3A_2077 : f32 to vector<16xf32>
      %mul3A_2079 = arith.mulf %add3A_2076, %mul3A_2078 : vector<16xf32>
      %add3A_2080 = arith.constant 16 : i32
      %add3A_2081 = arith.addi %add3A_2080, %scan3A_910 : i32
      %swap3A_2082 = arith.index_cast %add3A_2081 : i32 to index
      %swap3A_2083 = arith.constant 112 : index
      %swap3A_2084 = tpu.vector_load %arg8[%swap3A_2082, %swap3A_2083] {strides = array<i32>} : memref<32x128xf32, #tpu.memory_space<vmem>>, vector<1x16xf32>,
      %swap3A_2085 = vector.shape_cast %swap3A_2084 : vector<1x16xf32> to vector<16xf32>
      %swap3A_2086 = vector.shape_cast %mul3A_2079 : vector<16xf32> to vector<1x16xf32>
      tpu.vector_store %arg8[%swap3A_2082, %swap3A_2083], %swap3A_2086 {strides = array<i32>} : memref<32x128xf32, #tpu.memory_space<vmem>>, vector<1x16xf32>,
    }
    %scan3A_907 = arith.constant 16 : i32
    %mul3A_908 = arith.constant 32 : i32
    %mul3A_909 = arith.muli %add3A, %mul3A_908 : i32
    "tpu.region"() ({
      %run_scoped3A = tpu.sem_alloc : memref<!tpu.dma_semaphore, #tpu.memory_space<semaphore_mem>>
      %dma_start3A_910 = arith.constant 0 : i32
      %dma_start3A_911 = tpu.memref_slice %arg4[%mul3A_909, %dma_start3A_910] : memref<1024x128xf32, #tpu.memory_space<hbm>> -> memref<32x128xf32, #tpu.memory_space<hbm>>
      %dma_start3A_912 = arith.constant 0 : i32
      %dma_start3A_913 = tpu.memref_slice %arg4[%mul3A_909, %dma_start3A_912] : memref<1024x128xf32, #tpu.memory_space<hbm>> -> memref<32x128xf32, #tpu.memory_space<hbm>>
      tpu.enqueue_dma source(%arg8 : memref<32x128xf32, #tpu.memory_space<vmem>>) target(%dma_start3A_913 : memref<32x128xf32, #tpu.memory_space<hbm>>) target_semaphore(%run_scoped3A : memref<!tpu.dma_semaphore, #tpu.memory_space<semaphore_mem>>)
      %dma_wait3A_914 = arith.constant 0 : i32
      %dma_wait3A_915 = tpu.memref_slice %arg4[%mul3A_909, %dma_wait3A_914] : memref<1024x128xf32, #tpu.memory_space<hbm>> -> memref<32x128xf32, #tpu.memory_space<hbm>>
      %dma_wait3A_916 = arith.constant 0 : i32
      %dma_wait3A_917 = tpu.memref_slice %arg4[%mul3A_909, %dma_wait3A_916] : memref<1024x128xf32, #tpu.memory_space<hbm>> -> memref<32x128xf32, #tpu.memory_space<hbm>>
      tpu.wait_dma2 semaphore(%run_scoped3A : memref<!tpu.dma_semaphore, #tpu.memory_space<semaphore_mem>>) src(%arg8 : memref<32x128xf32, #tpu.memory_space<vmem>>) dst(%dma_wait3A_917 : memref<32x128xf32, #tpu.memory_space<hbm>>)
      tpu.yield
    }) : () -> ()
    return
  }
}

module attributes {stable_mosaic.version = 14 : i64} {
  func.func @_tc_dense_body(%arg0: memref<1024x128xf32, #tpu.memory_space<vmem>>, %arg1: memref<1024x128xf32, #tpu.memory_space<vmem>>, %arg2: memref<1024x20xi32, #tpu.memory_space<vmem>>, %arg3: memref<16x128xf32, #tpu.memory_space<vmem>>, %arg4: memref<1024x20xi32, #tpu.memory_space<vmem>>, %arg5: memref<64x128xf32, #tpu.memory_space<vmem>>, %arg6: memref<128x256xf32, #tpu.memory_space<vmem>>, %arg7: memref<1x256xf32, #tpu.memory_space<vmem>>, %arg8: memref<256x128xf32, #tpu.memory_space<vmem>>, %arg9: memref<1x128xf32, #tpu.memory_space<vmem>>, %arg10: memref<128x256xf32, #tpu.memory_space<vmem>>, %arg11: memref<1x256xf32, #tpu.memory_space<vmem>>, %arg12: memref<256x128xf32, #tpu.memory_space<vmem>>, %arg13: memref<1x128xf32, #tpu.memory_space<vmem>>, %arg14: memref<128x256xf32, #tpu.memory_space<vmem>>, %arg15: memref<1x256xf32, #tpu.memory_space<vmem>>, %arg16: memref<256x128xf32, #tpu.memory_space<vmem>>, %arg17: memref<1x128xf32, #tpu.memory_space<vmem>>, %arg18: memref<384x128xf32, #tpu.memory_space<vmem>>, %arg19: memref<1x128xf32, #tpu.memory_space<vmem>>, %arg20: memref<128x128xf32, #tpu.memory_space<vmem>>, %arg21: memref<1x128xf32, #tpu.memory_space<vmem>>, %arg22: memref<384x128xf32, #tpu.memory_space<vmem>>, %arg23: memref<1x128xf32, #tpu.memory_space<vmem>>, %arg24: memref<128x128xf32, #tpu.memory_space<vmem>>, %arg25: memref<1x128xf32, #tpu.memory_space<vmem>>, %arg26: memref<1024x128xf32, #tpu.memory_space<vmem>>) attributes {dimension_semantics = [], scalar_prefetch = 0 : i64, scratch_operands = 0 : i64, tpu.core_type = #tpu.core_type<tc>} {
    %get3A = arith.constant 0 : index
    %get3A_0 = arith.constant 0 : index
    %get3A_1 = vector.load %arg2[%get3A, %get3A_0] : memref<1024x20xi32, #tpu.memory_space<vmem>>, vector<1024x20xi32>
    %iota3A = tpu.iota {dimensions = array<i32: 1>} : vector<1x16xi32>
    %broadcast_in_dim3A = arith.constant 0.000000e+00 : f32
    %broadcast_in_dim3A_2 = vector.broadcast %broadcast_in_dim3A : f32 to vector<1024x16xf32>
    %slice3A = vector.extract_strided_slice %get3A_1 {offsets = [0, 0], sizes = [1024, 1], strides = [1, 1]} : vector<1024x20xi32> to vector<1024x1xi32>
    %eq3A = vector.broadcast %slice3A : vector<1024x1xi32> to vector<1024x16xi32>
    %eq3A_3 = vector.broadcast %iota3A : vector<1x16xi32> to vector<1024x16xi32>
    %eq3A_4 = arith.cmpi eq, %eq3A, %eq3A_3 : vector<1024x16xi32>
    %convert_element_type3A = arith.extui %eq3A_4 : vector<1024x16xi1> to vector<1024x16xi32>
    %convert_element_type3A_5 = arith.sitofp %convert_element_type3A : vector<1024x16xi32> to vector<1024x16xf32>
    %add3A = arith.addf %broadcast_in_dim3A_2, %convert_element_type3A_5 : vector<1024x16xf32>
    %slice3A_6 = vector.extract_strided_slice %get3A_1 {offsets = [0, 1], sizes = [1024, 1], strides = [1, 1]} : vector<1024x20xi32> to vector<1024x1xi32>
    %eq3A_7 = vector.broadcast %slice3A_6 : vector<1024x1xi32> to vector<1024x16xi32>
    %eq3A_8 = vector.broadcast %iota3A : vector<1x16xi32> to vector<1024x16xi32>
    %eq3A_9 = arith.cmpi eq, %eq3A_7, %eq3A_8 : vector<1024x16xi32>
    %convert_element_type3A_10 = arith.extui %eq3A_9 : vector<1024x16xi1> to vector<1024x16xi32>
    %convert_element_type3A_11 = arith.sitofp %convert_element_type3A_10 : vector<1024x16xi32> to vector<1024x16xf32>
    %add3A_12 = arith.addf %add3A, %convert_element_type3A_11 : vector<1024x16xf32>
    %slice3A_13 = vector.extract_strided_slice %get3A_1 {offsets = [0, 2], sizes = [1024, 1], strides = [1, 1]} : vector<1024x20xi32> to vector<1024x1xi32>
    %eq3A_14 = vector.broadcast %slice3A_13 : vector<1024x1xi32> to vector<1024x16xi32>
    %eq3A_15 = vector.broadcast %iota3A : vector<1x16xi32> to vector<1024x16xi32>
    %eq3A_16 = arith.cmpi eq, %eq3A_14, %eq3A_15 : vector<1024x16xi32>
    %convert_element_type3A_17 = arith.extui %eq3A_16 : vector<1024x16xi1> to vector<1024x16xi32>
    %convert_element_type3A_18 = arith.sitofp %convert_element_type3A_17 : vector<1024x16xi32> to vector<1024x16xf32>
    %add3A_19 = arith.addf %add3A_12, %convert_element_type3A_18 : vector<1024x16xf32>
    %slice3A_20 = vector.extract_strided_slice %get3A_1 {offsets = [0, 3], sizes = [1024, 1], strides = [1, 1]} : vector<1024x20xi32> to vector<1024x1xi32>
    %eq3A_21 = vector.broadcast %slice3A_20 : vector<1024x1xi32> to vector<1024x16xi32>
    %eq3A_22 = vector.broadcast %iota3A : vector<1x16xi32> to vector<1024x16xi32>
    %eq3A_23 = arith.cmpi eq, %eq3A_21, %eq3A_22 : vector<1024x16xi32>
    %convert_element_type3A_24 = arith.extui %eq3A_23 : vector<1024x16xi1> to vector<1024x16xi32>
    %convert_element_type3A_25 = arith.sitofp %convert_element_type3A_24 : vector<1024x16xi32> to vector<1024x16xf32>
    %add3A_26 = arith.addf %add3A_19, %convert_element_type3A_25 : vector<1024x16xf32>
    %slice3A_27 = vector.extract_strided_slice %get3A_1 {offsets = [0, 4], sizes = [1024, 1], strides = [1, 1]} : vector<1024x20xi32> to vector<1024x1xi32>
    %eq3A_28 = vector.broadcast %slice3A_27 : vector<1024x1xi32> to vector<1024x16xi32>
    %eq3A_29 = vector.broadcast %iota3A : vector<1x16xi32> to vector<1024x16xi32>
    %eq3A_30 = arith.cmpi eq, %eq3A_28, %eq3A_29 : vector<1024x16xi32>
    %convert_element_type3A_31 = arith.extui %eq3A_30 : vector<1024x16xi1> to vector<1024x16xi32>
    %convert_element_type3A_32 = arith.sitofp %convert_element_type3A_31 : vector<1024x16xi32> to vector<1024x16xf32>
    %add3A_33 = arith.addf %add3A_26, %convert_element_type3A_32 : vector<1024x16xf32>
    %slice3A_34 = vector.extract_strided_slice %get3A_1 {offsets = [0, 5], sizes = [1024, 1], strides = [1, 1]} : vector<1024x20xi32> to vector<1024x1xi32>
    %eq3A_35 = vector.broadcast %slice3A_34 : vector<1024x1xi32> to vector<1024x16xi32>
    %eq3A_36 = vector.broadcast %iota3A : vector<1x16xi32> to vector<1024x16xi32>
    %eq3A_37 = arith.cmpi eq, %eq3A_35, %eq3A_36 : vector<1024x16xi32>
    %convert_element_type3A_38 = arith.extui %eq3A_37 : vector<1024x16xi1> to vector<1024x16xi32>
    %convert_element_type3A_39 = arith.sitofp %convert_element_type3A_38 : vector<1024x16xi32> to vector<1024x16xf32>
    %add3A_40 = arith.addf %add3A_33, %convert_element_type3A_39 : vector<1024x16xf32>
    %slice3A_41 = vector.extract_strided_slice %get3A_1 {offsets = [0, 6], sizes = [1024, 1], strides = [1, 1]} : vector<1024x20xi32> to vector<1024x1xi32>
    %eq3A_42 = vector.broadcast %slice3A_41 : vector<1024x1xi32> to vector<1024x16xi32>
    %eq3A_43 = vector.broadcast %iota3A : vector<1x16xi32> to vector<1024x16xi32>
    %eq3A_44 = arith.cmpi eq, %eq3A_42, %eq3A_43 : vector<1024x16xi32>
    %convert_element_type3A_45 = arith.extui %eq3A_44 : vector<1024x16xi1> to vector<1024x16xi32>
    %convert_element_type3A_46 = arith.sitofp %convert_element_type3A_45 : vector<1024x16xi32> to vector<1024x16xf32>
    %add3A_47 = arith.addf %add3A_40, %convert_element_type3A_46 : vector<1024x16xf32>
    %slice3A_48 = vector.extract_strided_slice %get3A_1 {offsets = [0, 7], sizes = [1024, 1], strides = [1, 1]} : vector<1024x20xi32> to vector<1024x1xi32>
    %eq3A_49 = vector.broadcast %slice3A_48 : vector<1024x1xi32> to vector<1024x16xi32>
    %eq3A_50 = vector.broadcast %iota3A : vector<1x16xi32> to vector<1024x16xi32>
    %eq3A_51 = arith.cmpi eq, %eq3A_49, %eq3A_50 : vector<1024x16xi32>
    %convert_element_type3A_52 = arith.extui %eq3A_51 : vector<1024x16xi1> to vector<1024x16xi32>
    %convert_element_type3A_53 = arith.sitofp %convert_element_type3A_52 : vector<1024x16xi32> to vector<1024x16xf32>
    %add3A_54 = arith.addf %add3A_47, %convert_element_type3A_53 : vector<1024x16xf32>
    %slice3A_55 = vector.extract_strided_slice %get3A_1 {offsets = [0, 8], sizes = [1024, 1], strides = [1, 1]} : vector<1024x20xi32> to vector<1024x1xi32>
    %eq3A_56 = vector.broadcast %slice3A_55 : vector<1024x1xi32> to vector<1024x16xi32>
    %eq3A_57 = vector.broadcast %iota3A : vector<1x16xi32> to vector<1024x16xi32>
    %eq3A_58 = arith.cmpi eq, %eq3A_56, %eq3A_57 : vector<1024x16xi32>
    %convert_element_type3A_59 = arith.extui %eq3A_58 : vector<1024x16xi1> to vector<1024x16xi32>
    %convert_element_type3A_60 = arith.sitofp %convert_element_type3A_59 : vector<1024x16xi32> to vector<1024x16xf32>
    %add3A_61 = arith.addf %add3A_54, %convert_element_type3A_60 : vector<1024x16xf32>
    %slice3A_62 = vector.extract_strided_slice %get3A_1 {offsets = [0, 9], sizes = [1024, 1], strides = [1, 1]} : vector<1024x20xi32> to vector<1024x1xi32>
    %eq3A_63 = vector.broadcast %slice3A_62 : vector<1024x1xi32> to vector<1024x16xi32>
    %eq3A_64 = vector.broadcast %iota3A : vector<1x16xi32> to vector<1024x16xi32>
    %eq3A_65 = arith.cmpi eq, %eq3A_63, %eq3A_64 : vector<1024x16xi32>
    %convert_element_type3A_66 = arith.extui %eq3A_65 : vector<1024x16xi1> to vector<1024x16xi32>
    %convert_element_type3A_67 = arith.sitofp %convert_element_type3A_66 : vector<1024x16xi32> to vector<1024x16xf32>
    %add3A_68 = arith.addf %add3A_61, %convert_element_type3A_67 : vector<1024x16xf32>
    %slice3A_69 = vector.extract_strided_slice %get3A_1 {offsets = [0, 10], sizes = [1024, 1], strides = [1, 1]} : vector<1024x20xi32> to vector<1024x1xi32>
    %eq3A_70 = vector.broadcast %slice3A_69 : vector<1024x1xi32> to vector<1024x16xi32>
    %eq3A_71 = vector.broadcast %iota3A : vector<1x16xi32> to vector<1024x16xi32>
    %eq3A_72 = arith.cmpi eq, %eq3A_70, %eq3A_71 : vector<1024x16xi32>
    %convert_element_type3A_73 = arith.extui %eq3A_72 : vector<1024x16xi1> to vector<1024x16xi32>
    %convert_element_type3A_74 = arith.sitofp %convert_element_type3A_73 : vector<1024x16xi32> to vector<1024x16xf32>
    %add3A_75 = arith.addf %add3A_68, %convert_element_type3A_74 : vector<1024x16xf32>
    %slice3A_76 = vector.extract_strided_slice %get3A_1 {offsets = [0, 11], sizes = [1024, 1], strides = [1, 1]} : vector<1024x20xi32> to vector<1024x1xi32>
    %eq3A_77 = vector.broadcast %slice3A_76 : vector<1024x1xi32> to vector<1024x16xi32>
    %eq3A_78 = vector.broadcast %iota3A : vector<1x16xi32> to vector<1024x16xi32>
    %eq3A_79 = arith.cmpi eq, %eq3A_77, %eq3A_78 : vector<1024x16xi32>
    %convert_element_type3A_80 = arith.extui %eq3A_79 : vector<1024x16xi1> to vector<1024x16xi32>
    %convert_element_type3A_81 = arith.sitofp %convert_element_type3A_80 : vector<1024x16xi32> to vector<1024x16xf32>
    %add3A_82 = arith.addf %add3A_75, %convert_element_type3A_81 : vector<1024x16xf32>
    %slice3A_83 = vector.extract_strided_slice %get3A_1 {offsets = [0, 12], sizes = [1024, 1], strides = [1, 1]} : vector<1024x20xi32> to vector<1024x1xi32>
    %eq3A_84 = vector.broadcast %slice3A_83 : vector<1024x1xi32> to vector<1024x16xi32>
    %eq3A_85 = vector.broadcast %iota3A : vector<1x16xi32> to vector<1024x16xi32>
    %eq3A_86 = arith.cmpi eq, %eq3A_84, %eq3A_85 : vector<1024x16xi32>
    %convert_element_type3A_87 = arith.extui %eq3A_86 : vector<1024x16xi1> to vector<1024x16xi32>
    %convert_element_type3A_88 = arith.sitofp %convert_element_type3A_87 : vector<1024x16xi32> to vector<1024x16xf32>
    %add3A_89 = arith.addf %add3A_82, %convert_element_type3A_88 : vector<1024x16xf32>
    %slice3A_90 = vector.extract_strided_slice %get3A_1 {offsets = [0, 13], sizes = [1024, 1], strides = [1, 1]} : vector<1024x20xi32> to vector<1024x1xi32>
    %eq3A_91 = vector.broadcast %slice3A_90 : vector<1024x1xi32> to vector<1024x16xi32>
    %eq3A_92 = vector.broadcast %iota3A : vector<1x16xi32> to vector<1024x16xi32>
    %eq3A_93 = arith.cmpi eq, %eq3A_91, %eq3A_92 : vector<1024x16xi32>
    %convert_element_type3A_94 = arith.extui %eq3A_93 : vector<1024x16xi1> to vector<1024x16xi32>
    %convert_element_type3A_95 = arith.sitofp %convert_element_type3A_94 : vector<1024x16xi32> to vector<1024x16xf32>
    %add3A_96 = arith.addf %add3A_89, %convert_element_type3A_95 : vector<1024x16xf32>
    %slice3A_97 = vector.extract_strided_slice %get3A_1 {offsets = [0, 14], sizes = [1024, 1], strides = [1, 1]} : vector<1024x20xi32> to vector<1024x1xi32>
    %eq3A_98 = vector.broadcast %slice3A_97 : vector<1024x1xi32> to vector<1024x16xi32>
    %eq3A_99 = vector.broadcast %iota3A : vector<1x16xi32> to vector<1024x16xi32>
    %eq3A_100 = arith.cmpi eq, %eq3A_98, %eq3A_99 : vector<1024x16xi32>
    %convert_element_type3A_101 = arith.extui %eq3A_100 : vector<1024x16xi1> to vector<1024x16xi32>
    %convert_element_type3A_102 = arith.sitofp %convert_element_type3A_101 : vector<1024x16xi32> to vector<1024x16xf32>
    %add3A_103 = arith.addf %add3A_96, %convert_element_type3A_102 : vector<1024x16xf32>
    %slice3A_104 = vector.extract_strided_slice %get3A_1 {offsets = [0, 15], sizes = [1024, 1], strides = [1, 1]} : vector<1024x20xi32> to vector<1024x1xi32>
    %eq3A_105 = vector.broadcast %slice3A_104 : vector<1024x1xi32> to vector<1024x16xi32>
    %eq3A_106 = vector.broadcast %iota3A : vector<1x16xi32> to vector<1024x16xi32>
    %eq3A_107 = arith.cmpi eq, %eq3A_105, %eq3A_106 : vector<1024x16xi32>
    %convert_element_type3A_108 = arith.extui %eq3A_107 : vector<1024x16xi1> to vector<1024x16xi32>
    %convert_element_type3A_109 = arith.sitofp %convert_element_type3A_108 : vector<1024x16xi32> to vector<1024x16xf32>
    %add3A_110 = arith.addf %add3A_103, %convert_element_type3A_109 : vector<1024x16xf32>
    %slice3A_111 = vector.extract_strided_slice %get3A_1 {offsets = [0, 16], sizes = [1024, 1], strides = [1, 1]} : vector<1024x20xi32> to vector<1024x1xi32>
    %eq3A_112 = vector.broadcast %slice3A_111 : vector<1024x1xi32> to vector<1024x16xi32>
    %eq3A_113 = vector.broadcast %iota3A : vector<1x16xi32> to vector<1024x16xi32>
    %eq3A_114 = arith.cmpi eq, %eq3A_112, %eq3A_113 : vector<1024x16xi32>
    %convert_element_type3A_115 = arith.extui %eq3A_114 : vector<1024x16xi1> to vector<1024x16xi32>
    %convert_element_type3A_116 = arith.sitofp %convert_element_type3A_115 : vector<1024x16xi32> to vector<1024x16xf32>
    %add3A_117 = arith.addf %add3A_110, %convert_element_type3A_116 : vector<1024x16xf32>
    %slice3A_118 = vector.extract_strided_slice %get3A_1 {offsets = [0, 17], sizes = [1024, 1], strides = [1, 1]} : vector<1024x20xi32> to vector<1024x1xi32>
    %eq3A_119 = vector.broadcast %slice3A_118 : vector<1024x1xi32> to vector<1024x16xi32>
    %eq3A_120 = vector.broadcast %iota3A : vector<1x16xi32> to vector<1024x16xi32>
    %eq3A_121 = arith.cmpi eq, %eq3A_119, %eq3A_120 : vector<1024x16xi32>
    %convert_element_type3A_122 = arith.extui %eq3A_121 : vector<1024x16xi1> to vector<1024x16xi32>
    %convert_element_type3A_123 = arith.sitofp %convert_element_type3A_122 : vector<1024x16xi32> to vector<1024x16xf32>
    %add3A_124 = arith.addf %add3A_117, %convert_element_type3A_123 : vector<1024x16xf32>
    %slice3A_125 = vector.extract_strided_slice %get3A_1 {offsets = [0, 18], sizes = [1024, 1], strides = [1, 1]} : vector<1024x20xi32> to vector<1024x1xi32>
    %eq3A_126 = vector.broadcast %slice3A_125 : vector<1024x1xi32> to vector<1024x16xi32>
    %eq3A_127 = vector.broadcast %iota3A : vector<1x16xi32> to vector<1024x16xi32>
    %eq3A_128 = arith.cmpi eq, %eq3A_126, %eq3A_127 : vector<1024x16xi32>
    %convert_element_type3A_129 = arith.extui %eq3A_128 : vector<1024x16xi1> to vector<1024x16xi32>
    %convert_element_type3A_130 = arith.sitofp %convert_element_type3A_129 : vector<1024x16xi32> to vector<1024x16xf32>
    %add3A_131 = arith.addf %add3A_124, %convert_element_type3A_130 : vector<1024x16xf32>
    %slice3A_132 = vector.extract_strided_slice %get3A_1 {offsets = [0, 19], sizes = [1024, 1], strides = [1, 1]} : vector<1024x20xi32> to vector<1024x1xi32>
    %eq3A_133 = vector.broadcast %slice3A_132 : vector<1024x1xi32> to vector<1024x16xi32>
    %eq3A_134 = vector.broadcast %iota3A : vector<1x16xi32> to vector<1024x16xi32>
    %eq3A_135 = arith.cmpi eq, %eq3A_133, %eq3A_134 : vector<1024x16xi32>
    %convert_element_type3A_136 = arith.extui %eq3A_135 : vector<1024x16xi1> to vector<1024x16xi32>
    %convert_element_type3A_137 = arith.sitofp %convert_element_type3A_136 : vector<1024x16xi32> to vector<1024x16xf32>
    %add3A_138 = arith.addf %add3A_131, %convert_element_type3A_137 : vector<1024x16xf32>
    %get3A_139 = arith.constant 0 : index
    %get3A_140 = arith.constant 0 : index
    %get3A_141 = vector.load %arg3[%get3A_139, %get3A_140] : memref<16x128xf32, #tpu.memory_space<vmem>>, vector<16x128xf32>
    %dot_general3A = arith.constant dense<0.000000e+00> : vector<1024x128xf32>
    %dot_general3A_142 = tpu.matmul %add3A_138, %get3A_141, %dot_general3A {dimension_numbers = #tpu.dot_dimension_numbers<[1], [0], [0], [1], [0, 0, 1, 1], [], []>, precision = #tpu.contract_precision<fp32>, transpose_lhs_hint = false} : vector<1024x16xf32>, vector<16x128xf32>, vector<1024x128xf32> -> vector<1024x128xf32>
    %mul3A = arith.constant 5.000000e-02 : f32
    %mul3A_143 = vector.broadcast %mul3A : f32 to vector<1024x128xf32>
    %mul3A_144 = arith.mulf %dot_general3A_142, %mul3A_143 : vector<1024x128xf32>
    %get3A_145 = arith.constant 0 : index
    %get3A_146 = arith.constant 0 : index
    %get3A_147 = vector.load %arg4[%get3A_145, %get3A_146] : memref<1024x20xi32, #tpu.memory_space<vmem>>, vector<1024x20xi32>
    %iota3A_148 = tpu.iota {dimensions = array<i32: 1>} : vector<1x64xi32>
    %broadcast_in_dim3A_149 = arith.constant 0.000000e+00 : f32
    %broadcast_in_dim3A_150 = vector.broadcast %broadcast_in_dim3A_149 : f32 to vector<1024x64xf32>
    %slice3A_151 = vector.extract_strided_slice %get3A_147 {offsets = [0, 0], sizes = [1024, 1], strides = [1, 1]} : vector<1024x20xi32> to vector<1024x1xi32>
    %eq3A_152 = vector.broadcast %slice3A_151 : vector<1024x1xi32> to vector<1024x64xi32>
    %eq3A_153 = vector.broadcast %iota3A_148 : vector<1x64xi32> to vector<1024x64xi32>
    %eq3A_154 = arith.cmpi eq, %eq3A_152, %eq3A_153 : vector<1024x64xi32>
    %convert_element_type3A_155 = arith.extui %eq3A_154 : vector<1024x64xi1> to vector<1024x64xi32>
    %convert_element_type3A_156 = arith.sitofp %convert_element_type3A_155 : vector<1024x64xi32> to vector<1024x64xf32>
    %add3A_157 = arith.addf %broadcast_in_dim3A_150, %convert_element_type3A_156 : vector<1024x64xf32>
    %slice3A_158 = vector.extract_strided_slice %get3A_147 {offsets = [0, 1], sizes = [1024, 1], strides = [1, 1]} : vector<1024x20xi32> to vector<1024x1xi32>
    %eq3A_159 = vector.broadcast %slice3A_158 : vector<1024x1xi32> to vector<1024x64xi32>
    %eq3A_160 = vector.broadcast %iota3A_148 : vector<1x64xi32> to vector<1024x64xi32>
    %eq3A_161 = arith.cmpi eq, %eq3A_159, %eq3A_160 : vector<1024x64xi32>
    %convert_element_type3A_162 = arith.extui %eq3A_161 : vector<1024x64xi1> to vector<1024x64xi32>
    %convert_element_type3A_163 = arith.sitofp %convert_element_type3A_162 : vector<1024x64xi32> to vector<1024x64xf32>
    %add3A_164 = arith.addf %add3A_157, %convert_element_type3A_163 : vector<1024x64xf32>
    %slice3A_165 = vector.extract_strided_slice %get3A_147 {offsets = [0, 2], sizes = [1024, 1], strides = [1, 1]} : vector<1024x20xi32> to vector<1024x1xi32>
    %eq3A_166 = vector.broadcast %slice3A_165 : vector<1024x1xi32> to vector<1024x64xi32>
    %eq3A_167 = vector.broadcast %iota3A_148 : vector<1x64xi32> to vector<1024x64xi32>
    %eq3A_168 = arith.cmpi eq, %eq3A_166, %eq3A_167 : vector<1024x64xi32>
    %convert_element_type3A_169 = arith.extui %eq3A_168 : vector<1024x64xi1> to vector<1024x64xi32>
    %convert_element_type3A_170 = arith.sitofp %convert_element_type3A_169 : vector<1024x64xi32> to vector<1024x64xf32>
    %add3A_171 = arith.addf %add3A_164, %convert_element_type3A_170 : vector<1024x64xf32>
    %slice3A_172 = vector.extract_strided_slice %get3A_147 {offsets = [0, 3], sizes = [1024, 1], strides = [1, 1]} : vector<1024x20xi32> to vector<1024x1xi32>
    %eq3A_173 = vector.broadcast %slice3A_172 : vector<1024x1xi32> to vector<1024x64xi32>
    %eq3A_174 = vector.broadcast %iota3A_148 : vector<1x64xi32> to vector<1024x64xi32>
    %eq3A_175 = arith.cmpi eq, %eq3A_173, %eq3A_174 : vector<1024x64xi32>
    %convert_element_type3A_176 = arith.extui %eq3A_175 : vector<1024x64xi1> to vector<1024x64xi32>
    %convert_element_type3A_177 = arith.sitofp %convert_element_type3A_176 : vector<1024x64xi32> to vector<1024x64xf32>
    %add3A_178 = arith.addf %add3A_171, %convert_element_type3A_177 : vector<1024x64xf32>
    %slice3A_179 = vector.extract_strided_slice %get3A_147 {offsets = [0, 4], sizes = [1024, 1], strides = [1, 1]} : vector<1024x20xi32> to vector<1024x1xi32>
    %eq3A_180 = vector.broadcast %slice3A_179 : vector<1024x1xi32> to vector<1024x64xi32>
    %eq3A_181 = vector.broadcast %iota3A_148 : vector<1x64xi32> to vector<1024x64xi32>
    %eq3A_182 = arith.cmpi eq, %eq3A_180, %eq3A_181 : vector<1024x64xi32>
    %convert_element_type3A_183 = arith.extui %eq3A_182 : vector<1024x64xi1> to vector<1024x64xi32>
    %convert_element_type3A_184 = arith.sitofp %convert_element_type3A_183 : vector<1024x64xi32> to vector<1024x64xf32>
    %add3A_185 = arith.addf %add3A_178, %convert_element_type3A_184 : vector<1024x64xf32>
    %slice3A_186 = vector.extract_strided_slice %get3A_147 {offsets = [0, 5], sizes = [1024, 1], strides = [1, 1]} : vector<1024x20xi32> to vector<1024x1xi32>
    %eq3A_187 = vector.broadcast %slice3A_186 : vector<1024x1xi32> to vector<1024x64xi32>
    %eq3A_188 = vector.broadcast %iota3A_148 : vector<1x64xi32> to vector<1024x64xi32>
    %eq3A_189 = arith.cmpi eq, %eq3A_187, %eq3A_188 : vector<1024x64xi32>
    %convert_element_type3A_190 = arith.extui %eq3A_189 : vector<1024x64xi1> to vector<1024x64xi32>
    %convert_element_type3A_191 = arith.sitofp %convert_element_type3A_190 : vector<1024x64xi32> to vector<1024x64xf32>
    %add3A_192 = arith.addf %add3A_185, %convert_element_type3A_191 : vector<1024x64xf32>
    %slice3A_193 = vector.extract_strided_slice %get3A_147 {offsets = [0, 6], sizes = [1024, 1], strides = [1, 1]} : vector<1024x20xi32> to vector<1024x1xi32>
    %eq3A_194 = vector.broadcast %slice3A_193 : vector<1024x1xi32> to vector<1024x64xi32>
    %eq3A_195 = vector.broadcast %iota3A_148 : vector<1x64xi32> to vector<1024x64xi32>
    %eq3A_196 = arith.cmpi eq, %eq3A_194, %eq3A_195 : vector<1024x64xi32>
    %convert_element_type3A_197 = arith.extui %eq3A_196 : vector<1024x64xi1> to vector<1024x64xi32>
    %convert_element_type3A_198 = arith.sitofp %convert_element_type3A_197 : vector<1024x64xi32> to vector<1024x64xf32>
    %add3A_199 = arith.addf %add3A_192, %convert_element_type3A_198 : vector<1024x64xf32>
    %slice3A_200 = vector.extract_strided_slice %get3A_147 {offsets = [0, 7], sizes = [1024, 1], strides = [1, 1]} : vector<1024x20xi32> to vector<1024x1xi32>
    %eq3A_201 = vector.broadcast %slice3A_200 : vector<1024x1xi32> to vector<1024x64xi32>
    %eq3A_202 = vector.broadcast %iota3A_148 : vector<1x64xi32> to vector<1024x64xi32>
    %eq3A_203 = arith.cmpi eq, %eq3A_201, %eq3A_202 : vector<1024x64xi32>
    %convert_element_type3A_204 = arith.extui %eq3A_203 : vector<1024x64xi1> to vector<1024x64xi32>
    %convert_element_type3A_205 = arith.sitofp %convert_element_type3A_204 : vector<1024x64xi32> to vector<1024x64xf32>
    %add3A_206 = arith.addf %add3A_199, %convert_element_type3A_205 : vector<1024x64xf32>
    %slice3A_207 = vector.extract_strided_slice %get3A_147 {offsets = [0, 8], sizes = [1024, 1], strides = [1, 1]} : vector<1024x20xi32> to vector<1024x1xi32>
    %eq3A_208 = vector.broadcast %slice3A_207 : vector<1024x1xi32> to vector<1024x64xi32>
    %eq3A_209 = vector.broadcast %iota3A_148 : vector<1x64xi32> to vector<1024x64xi32>
    %eq3A_210 = arith.cmpi eq, %eq3A_208, %eq3A_209 : vector<1024x64xi32>
    %convert_element_type3A_211 = arith.extui %eq3A_210 : vector<1024x64xi1> to vector<1024x64xi32>
    %convert_element_type3A_212 = arith.sitofp %convert_element_type3A_211 : vector<1024x64xi32> to vector<1024x64xf32>
    %add3A_213 = arith.addf %add3A_206, %convert_element_type3A_212 : vector<1024x64xf32>
    %slice3A_214 = vector.extract_strided_slice %get3A_147 {offsets = [0, 9], sizes = [1024, 1], strides = [1, 1]} : vector<1024x20xi32> to vector<1024x1xi32>
    %eq3A_215 = vector.broadcast %slice3A_214 : vector<1024x1xi32> to vector<1024x64xi32>
    %eq3A_216 = vector.broadcast %iota3A_148 : vector<1x64xi32> to vector<1024x64xi32>
    %eq3A_217 = arith.cmpi eq, %eq3A_215, %eq3A_216 : vector<1024x64xi32>
    %convert_element_type3A_218 = arith.extui %eq3A_217 : vector<1024x64xi1> to vector<1024x64xi32>
    %convert_element_type3A_219 = arith.sitofp %convert_element_type3A_218 : vector<1024x64xi32> to vector<1024x64xf32>
    %add3A_220 = arith.addf %add3A_213, %convert_element_type3A_219 : vector<1024x64xf32>
    %slice3A_221 = vector.extract_strided_slice %get3A_147 {offsets = [0, 10], sizes = [1024, 1], strides = [1, 1]} : vector<1024x20xi32> to vector<1024x1xi32>
    %eq3A_222 = vector.broadcast %slice3A_221 : vector<1024x1xi32> to vector<1024x64xi32>
    %eq3A_223 = vector.broadcast %iota3A_148 : vector<1x64xi32> to vector<1024x64xi32>
    %eq3A_224 = arith.cmpi eq, %eq3A_222, %eq3A_223 : vector<1024x64xi32>
    %convert_element_type3A_225 = arith.extui %eq3A_224 : vector<1024x64xi1> to vector<1024x64xi32>
    %convert_element_type3A_226 = arith.sitofp %convert_element_type3A_225 : vector<1024x64xi32> to vector<1024x64xf32>
    %add3A_227 = arith.addf %add3A_220, %convert_element_type3A_226 : vector<1024x64xf32>
    %slice3A_228 = vector.extract_strided_slice %get3A_147 {offsets = [0, 11], sizes = [1024, 1], strides = [1, 1]} : vector<1024x20xi32> to vector<1024x1xi32>
    %eq3A_229 = vector.broadcast %slice3A_228 : vector<1024x1xi32> to vector<1024x64xi32>
    %eq3A_230 = vector.broadcast %iota3A_148 : vector<1x64xi32> to vector<1024x64xi32>
    %eq3A_231 = arith.cmpi eq, %eq3A_229, %eq3A_230 : vector<1024x64xi32>
    %convert_element_type3A_232 = arith.extui %eq3A_231 : vector<1024x64xi1> to vector<1024x64xi32>
    %convert_element_type3A_233 = arith.sitofp %convert_element_type3A_232 : vector<1024x64xi32> to vector<1024x64xf32>
    %add3A_234 = arith.addf %add3A_227, %convert_element_type3A_233 : vector<1024x64xf32>
    %slice3A_235 = vector.extract_strided_slice %get3A_147 {offsets = [0, 12], sizes = [1024, 1], strides = [1, 1]} : vector<1024x20xi32> to vector<1024x1xi32>
    %eq3A_236 = vector.broadcast %slice3A_235 : vector<1024x1xi32> to vector<1024x64xi32>
    %eq3A_237 = vector.broadcast %iota3A_148 : vector<1x64xi32> to vector<1024x64xi32>
    %eq3A_238 = arith.cmpi eq, %eq3A_236, %eq3A_237 : vector<1024x64xi32>
    %convert_element_type3A_239 = arith.extui %eq3A_238 : vector<1024x64xi1> to vector<1024x64xi32>
    %convert_element_type3A_240 = arith.sitofp %convert_element_type3A_239 : vector<1024x64xi32> to vector<1024x64xf32>
    %add3A_241 = arith.addf %add3A_234, %convert_element_type3A_240 : vector<1024x64xf32>
    %slice3A_242 = vector.extract_strided_slice %get3A_147 {offsets = [0, 13], sizes = [1024, 1], strides = [1, 1]} : vector<1024x20xi32> to vector<1024x1xi32>
    %eq3A_243 = vector.broadcast %slice3A_242 : vector<1024x1xi32> to vector<1024x64xi32>
    %eq3A_244 = vector.broadcast %iota3A_148 : vector<1x64xi32> to vector<1024x64xi32>
    %eq3A_245 = arith.cmpi eq, %eq3A_243, %eq3A_244 : vector<1024x64xi32>
    %convert_element_type3A_246 = arith.extui %eq3A_245 : vector<1024x64xi1> to vector<1024x64xi32>
    %convert_element_type3A_247 = arith.sitofp %convert_element_type3A_246 : vector<1024x64xi32> to vector<1024x64xf32>
    %add3A_248 = arith.addf %add3A_241, %convert_element_type3A_247 : vector<1024x64xf32>
    %slice3A_249 = vector.extract_strided_slice %get3A_147 {offsets = [0, 14], sizes = [1024, 1], strides = [1, 1]} : vector<1024x20xi32> to vector<1024x1xi32>
    %eq3A_250 = vector.broadcast %slice3A_249 : vector<1024x1xi32> to vector<1024x64xi32>
    %eq3A_251 = vector.broadcast %iota3A_148 : vector<1x64xi32> to vector<1024x64xi32>
    %eq3A_252 = arith.cmpi eq, %eq3A_250, %eq3A_251 : vector<1024x64xi32>
    %convert_element_type3A_253 = arith.extui %eq3A_252 : vector<1024x64xi1> to vector<1024x64xi32>
    %convert_element_type3A_254 = arith.sitofp %convert_element_type3A_253 : vector<1024x64xi32> to vector<1024x64xf32>
    %add3A_255 = arith.addf %add3A_248, %convert_element_type3A_254 : vector<1024x64xf32>
    %slice3A_256 = vector.extract_strided_slice %get3A_147 {offsets = [0, 15], sizes = [1024, 1], strides = [1, 1]} : vector<1024x20xi32> to vector<1024x1xi32>
    %eq3A_257 = vector.broadcast %slice3A_256 : vector<1024x1xi32> to vector<1024x64xi32>
    %eq3A_258 = vector.broadcast %iota3A_148 : vector<1x64xi32> to vector<1024x64xi32>
    %eq3A_259 = arith.cmpi eq, %eq3A_257, %eq3A_258 : vector<1024x64xi32>
    %convert_element_type3A_260 = arith.extui %eq3A_259 : vector<1024x64xi1> to vector<1024x64xi32>
    %convert_element_type3A_261 = arith.sitofp %convert_element_type3A_260 : vector<1024x64xi32> to vector<1024x64xf32>
    %add3A_262 = arith.addf %add3A_255, %convert_element_type3A_261 : vector<1024x64xf32>
    %slice3A_263 = vector.extract_strided_slice %get3A_147 {offsets = [0, 16], sizes = [1024, 1], strides = [1, 1]} : vector<1024x20xi32> to vector<1024x1xi32>
    %eq3A_264 = vector.broadcast %slice3A_263 : vector<1024x1xi32> to vector<1024x64xi32>
    %eq3A_265 = vector.broadcast %iota3A_148 : vector<1x64xi32> to vector<1024x64xi32>
    %eq3A_266 = arith.cmpi eq, %eq3A_264, %eq3A_265 : vector<1024x64xi32>
    %convert_element_type3A_267 = arith.extui %eq3A_266 : vector<1024x64xi1> to vector<1024x64xi32>
    %convert_element_type3A_268 = arith.sitofp %convert_element_type3A_267 : vector<1024x64xi32> to vector<1024x64xf32>
    %add3A_269 = arith.addf %add3A_262, %convert_element_type3A_268 : vector<1024x64xf32>
    %slice3A_270 = vector.extract_strided_slice %get3A_147 {offsets = [0, 17], sizes = [1024, 1], strides = [1, 1]} : vector<1024x20xi32> to vector<1024x1xi32>
    %eq3A_271 = vector.broadcast %slice3A_270 : vector<1024x1xi32> to vector<1024x64xi32>
    %eq3A_272 = vector.broadcast %iota3A_148 : vector<1x64xi32> to vector<1024x64xi32>
    %eq3A_273 = arith.cmpi eq, %eq3A_271, %eq3A_272 : vector<1024x64xi32>
    %convert_element_type3A_274 = arith.extui %eq3A_273 : vector<1024x64xi1> to vector<1024x64xi32>
    %convert_element_type3A_275 = arith.sitofp %convert_element_type3A_274 : vector<1024x64xi32> to vector<1024x64xf32>
    %add3A_276 = arith.addf %add3A_269, %convert_element_type3A_275 : vector<1024x64xf32>
    %slice3A_277 = vector.extract_strided_slice %get3A_147 {offsets = [0, 18], sizes = [1024, 1], strides = [1, 1]} : vector<1024x20xi32> to vector<1024x1xi32>
    %eq3A_278 = vector.broadcast %slice3A_277 : vector<1024x1xi32> to vector<1024x64xi32>
    %eq3A_279 = vector.broadcast %iota3A_148 : vector<1x64xi32> to vector<1024x64xi32>
    %eq3A_280 = arith.cmpi eq, %eq3A_278, %eq3A_279 : vector<1024x64xi32>
    %convert_element_type3A_281 = arith.extui %eq3A_280 : vector<1024x64xi1> to vector<1024x64xi32>
    %convert_element_type3A_282 = arith.sitofp %convert_element_type3A_281 : vector<1024x64xi32> to vector<1024x64xf32>
    %add3A_283 = arith.addf %add3A_276, %convert_element_type3A_282 : vector<1024x64xf32>
    %slice3A_284 = vector.extract_strided_slice %get3A_147 {offsets = [0, 19], sizes = [1024, 1], strides = [1, 1]} : vector<1024x20xi32> to vector<1024x1xi32>
    %eq3A_285 = vector.broadcast %slice3A_284 : vector<1024x1xi32> to vector<1024x64xi32>
    %eq3A_286 = vector.broadcast %iota3A_148 : vector<1x64xi32> to vector<1024x64xi32>
    %eq3A_287 = arith.cmpi eq, %eq3A_285, %eq3A_286 : vector<1024x64xi32>
    %convert_element_type3A_288 = arith.extui %eq3A_287 : vector<1024x64xi1> to vector<1024x64xi32>
    %convert_element_type3A_289 = arith.sitofp %convert_element_type3A_288 : vector<1024x64xi32> to vector<1024x64xf32>
    %add3A_290 = arith.addf %add3A_283, %convert_element_type3A_289 : vector<1024x64xf32>
    %get3A_291 = arith.constant 0 : index
    %get3A_292 = arith.constant 0 : index
    %get3A_293 = vector.load %arg5[%get3A_291, %get3A_292] : memref<64x128xf32, #tpu.memory_space<vmem>>, vector<64x128xf32>
    %dot_general3A_294 = arith.constant dense<0.000000e+00> : vector<1024x128xf32>
    %dot_general3A_295 = tpu.matmul %add3A_290, %get3A_293, %dot_general3A_294 {dimension_numbers = #tpu.dot_dimension_numbers<[1], [0], [0], [1], [0, 0, 1, 1], [], []>, precision = #tpu.contract_precision<fp32>, transpose_lhs_hint = false} : vector<1024x64xf32>, vector<64x128xf32>, vector<1024x128xf32> -> vector<1024x128xf32>
    %mul3A_296 = arith.constant 5.000000e-02 : f32
    %mul3A_297 = vector.broadcast %mul3A_296 : f32 to vector<1024x128xf32>
    %mul3A_298 = arith.mulf %dot_general3A_295, %mul3A_297 : vector<1024x128xf32>
    %get3A_299 = arith.constant 0 : index
    %get3A_300 = arith.constant 0 : index
    %get3A_301 = vector.load %arg6[%get3A_299, %get3A_300] : memref<128x256xf32, #tpu.memory_space<vmem>>, vector<128x256xf32>
    %dot_general3A_302 = arith.constant dense<0.000000e+00> : vector<1024x256xf32>
    %dot_general3A_303 = tpu.matmul %mul3A_144, %get3A_301, %dot_general3A_302 {dimension_numbers = #tpu.dot_dimension_numbers<[1], [0], [0], [1], [0, 0, 1, 1], [], []>, precision = #tpu.contract_precision<fp32>, transpose_lhs_hint = false} : vector<1024x128xf32>, vector<128x256xf32>, vector<1024x256xf32> -> vector<1024x256xf32>
    %get3A_304 = arith.constant 0 : index
    %get3A_305 = arith.constant 0 : index
    %get3A_306 = vector.load %arg7[%get3A_304, %get3A_305] : memref<1x256xf32, #tpu.memory_space<vmem>>, vector<1x256xf32>
    %add3A_307 = vector.broadcast %get3A_306 : vector<1x256xf32> to vector<1024x256xf32>
    %add3A_308 = arith.addf %dot_general3A_303, %add3A_307 : vector<1024x256xf32>
    %logistic3A = arith.negf %add3A_308 : vector<1024x256xf32>
    %logistic3A_309 = math.exp %logistic3A : vector<1024x256xf32>
    %logistic3A_310 = arith.constant 1.000000e+00 : f32
    %logistic3A_311 = vector.broadcast %logistic3A_310 : f32 to vector<1024x256xf32>
    %logistic3A_312 = arith.addf %logistic3A_311, %logistic3A_309 : vector<1024x256xf32>
    %logistic3A_313 = arith.divf %logistic3A_311, %logistic3A_312 : vector<1024x256xf32>
    %mul3A_314 = arith.mulf %add3A_308, %logistic3A_313 : vector<1024x256xf32>
    %get3A_315 = arith.constant 0 : index
    %get3A_316 = arith.constant 0 : index
    %get3A_317 = vector.load %arg8[%get3A_315, %get3A_316] : memref<256x128xf32, #tpu.memory_space<vmem>>, vector<256x128xf32>
    %dot_general3A_318 = arith.constant dense<0.000000e+00> : vector<1024x128xf32>
    %dot_general3A_319 = tpu.matmul %mul3A_314, %get3A_317, %dot_general3A_318 {dimension_numbers = #tpu.dot_dimension_numbers<[1], [0], [0], [1], [0, 0, 1, 1], [], []>, precision = #tpu.contract_precision<fp32>, transpose_lhs_hint = false} : vector<1024x256xf32>, vector<256x128xf32>, vector<1024x128xf32> -> vector<1024x128xf32>
    %get3A_320 = arith.constant 0 : index
    %get3A_321 = arith.constant 0 : index
    %get3A_322 = vector.load %arg9[%get3A_320, %get3A_321] : memref<1x128xf32, #tpu.memory_space<vmem>>, vector<1x128xf32>
    %add3A_323 = vector.broadcast %get3A_322 : vector<1x128xf32> to vector<1024x128xf32>
    %add3A_324 = arith.addf %dot_general3A_319, %add3A_323 : vector<1024x128xf32>
    %logistic3A_325 = arith.negf %add3A_324 : vector<1024x128xf32>
    %logistic3A_326 = math.exp %logistic3A_325 : vector<1024x128xf32>
    %logistic3A_327 = arith.constant 1.000000e+00 : f32
    %logistic3A_328 = vector.broadcast %logistic3A_327 : f32 to vector<1024x128xf32>
    %logistic3A_329 = arith.addf %logistic3A_328, %logistic3A_326 : vector<1024x128xf32>
    %logistic3A_330 = arith.divf %logistic3A_328, %logistic3A_329 : vector<1024x128xf32>
    %mul3A_331 = arith.mulf %add3A_324, %logistic3A_330 : vector<1024x128xf32>
    %get3A_332 = arith.constant 0 : index
    %get3A_333 = arith.constant 0 : index
    %get3A_334 = vector.load %arg10[%get3A_332, %get3A_333] : memref<128x256xf32, #tpu.memory_space<vmem>>, vector<128x256xf32>
    %dot_general3A_335 = arith.constant dense<0.000000e+00> : vector<1024x256xf32>
    %dot_general3A_336 = tpu.matmul %mul3A_298, %get3A_334, %dot_general3A_335 {dimension_numbers = #tpu.dot_dimension_numbers<[1], [0], [0], [1], [0, 0, 1, 1], [], []>, precision = #tpu.contract_precision<fp32>, transpose_lhs_hint = false} : vector<1024x128xf32>, vector<128x256xf32>, vector<1024x256xf32> -> vector<1024x256xf32>
    %get3A_337 = arith.constant 0 : index
    %get3A_338 = arith.constant 0 : index
    %get3A_339 = vector.load %arg11[%get3A_337, %get3A_338] : memref<1x256xf32, #tpu.memory_space<vmem>>, vector<1x256xf32>
    %add3A_340 = vector.broadcast %get3A_339 : vector<1x256xf32> to vector<1024x256xf32>
    %add3A_341 = arith.addf %dot_general3A_336, %add3A_340 : vector<1024x256xf32>
    %logistic3A_342 = arith.negf %add3A_341 : vector<1024x256xf32>
    %logistic3A_343 = math.exp %logistic3A_342 : vector<1024x256xf32>
    %logistic3A_344 = arith.constant 1.000000e+00 : f32
    %logistic3A_345 = vector.broadcast %logistic3A_344 : f32 to vector<1024x256xf32>
    %logistic3A_346 = arith.addf %logistic3A_345, %logistic3A_343 : vector<1024x256xf32>
    %logistic3A_347 = arith.divf %logistic3A_345, %logistic3A_346 : vector<1024x256xf32>
    %mul3A_348 = arith.mulf %add3A_341, %logistic3A_347 : vector<1024x256xf32>
    %get3A_349 = arith.constant 0 : index
    %get3A_350 = arith.constant 0 : index
    %get3A_351 = vector.load %arg12[%get3A_349, %get3A_350] : memref<256x128xf32, #tpu.memory_space<vmem>>, vector<256x128xf32>
    %dot_general3A_352 = arith.constant dense<0.000000e+00> : vector<1024x128xf32>
    %dot_general3A_353 = tpu.matmul %mul3A_348, %get3A_351, %dot_general3A_352 {dimension_numbers = #tpu.dot_dimension_numbers<[1], [0], [0], [1], [0, 0, 1, 1], [], []>, precision = #tpu.contract_precision<fp32>, transpose_lhs_hint = false} : vector<1024x256xf32>, vector<256x128xf32>, vector<1024x128xf32> -> vector<1024x128xf32>
    %get3A_354 = arith.constant 0 : index
    %get3A_355 = arith.constant 0 : index
    %get3A_356 = vector.load %arg13[%get3A_354, %get3A_355] : memref<1x128xf32, #tpu.memory_space<vmem>>, vector<1x128xf32>
    %add3A_357 = vector.broadcast %get3A_356 : vector<1x128xf32> to vector<1024x128xf32>
    %add3A_358 = arith.addf %dot_general3A_353, %add3A_357 : vector<1024x128xf32>
    %logistic3A_359 = arith.negf %add3A_358 : vector<1024x128xf32>
    %logistic3A_360 = math.exp %logistic3A_359 : vector<1024x128xf32>
    %logistic3A_361 = arith.constant 1.000000e+00 : f32
    %logistic3A_362 = vector.broadcast %logistic3A_361 : f32 to vector<1024x128xf32>
    %logistic3A_363 = arith.addf %logistic3A_362, %logistic3A_360 : vector<1024x128xf32>
    %logistic3A_364 = arith.divf %logistic3A_362, %logistic3A_363 : vector<1024x128xf32>
    %mul3A_365 = arith.mulf %add3A_358, %logistic3A_364 : vector<1024x128xf32>
    %get3A_366 = arith.constant 0 : index
    %get3A_367 = arith.constant 0 : index
    %get3A_368 = vector.load %arg0[%get3A_366, %get3A_367] : memref<1024x128xf32, #tpu.memory_space<vmem>>, vector<1024x128xf32>
    %get3A_369 = arith.constant 0 : index
    %get3A_370 = arith.constant 0 : index
    %get3A_371 = vector.load %arg14[%get3A_369, %get3A_370] : memref<128x256xf32, #tpu.memory_space<vmem>>, vector<128x256xf32>
    %dot_general3A_372 = arith.constant dense<0.000000e+00> : vector<1024x256xf32>
    %dot_general3A_373 = tpu.matmul %get3A_368, %get3A_371, %dot_general3A_372 {dimension_numbers = #tpu.dot_dimension_numbers<[1], [0], [0], [1], [0, 0, 1, 1], [], []>, precision = #tpu.contract_precision<fp32>, transpose_lhs_hint = false} : vector<1024x128xf32>, vector<128x256xf32>, vector<1024x256xf32> -> vector<1024x256xf32>
    %get3A_374 = arith.constant 0 : index
    %get3A_375 = arith.constant 0 : index
    %get3A_376 = vector.load %arg15[%get3A_374, %get3A_375] : memref<1x256xf32, #tpu.memory_space<vmem>>, vector<1x256xf32>
    %add3A_377 = vector.broadcast %get3A_376 : vector<1x256xf32> to vector<1024x256xf32>
    %add3A_378 = arith.addf %dot_general3A_373, %add3A_377 : vector<1024x256xf32>
    %logistic3A_379 = arith.negf %add3A_378 : vector<1024x256xf32>
    %logistic3A_380 = math.exp %logistic3A_379 : vector<1024x256xf32>
    %logistic3A_381 = arith.constant 1.000000e+00 : f32
    %logistic3A_382 = vector.broadcast %logistic3A_381 : f32 to vector<1024x256xf32>
    %logistic3A_383 = arith.addf %logistic3A_382, %logistic3A_380 : vector<1024x256xf32>
    %logistic3A_384 = arith.divf %logistic3A_382, %logistic3A_383 : vector<1024x256xf32>
    %mul3A_385 = arith.mulf %add3A_378, %logistic3A_384 : vector<1024x256xf32>
    %get3A_386 = arith.constant 0 : index
    %get3A_387 = arith.constant 0 : index
    %get3A_388 = vector.load %arg16[%get3A_386, %get3A_387] : memref<256x128xf32, #tpu.memory_space<vmem>>, vector<256x128xf32>
    %dot_general3A_389 = arith.constant dense<0.000000e+00> : vector<1024x128xf32>
    %dot_general3A_390 = tpu.matmul %mul3A_385, %get3A_388, %dot_general3A_389 {dimension_numbers = #tpu.dot_dimension_numbers<[1], [0], [0], [1], [0, 0, 1, 1], [], []>, precision = #tpu.contract_precision<fp32>, transpose_lhs_hint = false} : vector<1024x256xf32>, vector<256x128xf32>, vector<1024x128xf32> -> vector<1024x128xf32>
    %get3A_391 = arith.constant 0 : index
    %get3A_392 = arith.constant 0 : index
    %get3A_393 = vector.load %arg17[%get3A_391, %get3A_392] : memref<1x128xf32, #tpu.memory_space<vmem>>, vector<1x128xf32>
    %add3A_394 = vector.broadcast %get3A_393 : vector<1x128xf32> to vector<1024x128xf32>
    %add3A_395 = arith.addf %dot_general3A_390, %add3A_394 : vector<1024x128xf32>
    %logistic3A_396 = arith.negf %add3A_395 : vector<1024x128xf32>
    %logistic3A_397 = math.exp %logistic3A_396 : vector<1024x128xf32>
    %logistic3A_398 = arith.constant 1.000000e+00 : f32
    %logistic3A_399 = vector.broadcast %logistic3A_398 : f32 to vector<1024x128xf32>
    %logistic3A_400 = arith.addf %logistic3A_399, %logistic3A_397 : vector<1024x128xf32>
    %logistic3A_401 = arith.divf %logistic3A_399, %logistic3A_400 : vector<1024x128xf32>
    %mul3A_402 = arith.mulf %add3A_395, %logistic3A_401 : vector<1024x128xf32>
    %concatenate3A = tpu.concatenate %mul3A_331, %mul3A_365, %mul3A_402 in 1 : vector<1024x128xf32>, vector<1024x128xf32>, vector<1024x128xf32> -> vector<1024x384xf32>
    %get3A_403 = arith.constant 0 : index
    %get3A_404 = arith.constant 0 : index
    %get3A_405 = vector.load %arg18[%get3A_403, %get3A_404] : memref<384x128xf32, #tpu.memory_space<vmem>>, vector<384x128xf32>
    %dot_general3A_406 = arith.constant dense<0.000000e+00> : vector<1024x128xf32>
    %dot_general3A_407 = tpu.matmul %concatenate3A, %get3A_405, %dot_general3A_406 {dimension_numbers = #tpu.dot_dimension_numbers<[1], [0], [0], [1], [0, 0, 1, 1], [], []>, precision = #tpu.contract_precision<fp32>, transpose_lhs_hint = false} : vector<1024x384xf32>, vector<384x128xf32>, vector<1024x128xf32> -> vector<1024x128xf32>
    %get3A_408 = arith.constant 0 : index
    %get3A_409 = arith.constant 0 : index
    %get3A_410 = vector.load %arg19[%get3A_408, %get3A_409] : memref<1x128xf32, #tpu.memory_space<vmem>>, vector<1x128xf32>
    %add3A_411 = vector.broadcast %get3A_410 : vector<1x128xf32> to vector<1024x128xf32>
    %add3A_412 = arith.addf %dot_general3A_407, %add3A_411 : vector<1024x128xf32>
    %max3A = arith.constant 0.000000e+00 : f32
    %max3A_413 = vector.broadcast %max3A : f32 to vector<1024x128xf32>
    %max3A_414 = arith.maximumf %add3A_412, %max3A_413 : vector<1024x128xf32>
    %get3A_415 = arith.constant 0 : index
    %get3A_416 = arith.constant 0 : index
    %get3A_417 = vector.load %arg20[%get3A_415, %get3A_416] : memref<128x128xf32, #tpu.memory_space<vmem>>, vector<128x128xf32>
    %dot_general3A_418 = arith.constant dense<0.000000e+00> : vector<1024x128xf32>
    %dot_general3A_419 = tpu.matmul %max3A_414, %get3A_417, %dot_general3A_418 {dimension_numbers = #tpu.dot_dimension_numbers<[1], [0], [0], [1], [0, 0, 1, 1], [], []>, precision = #tpu.contract_precision<fp32>, transpose_lhs_hint = false} : vector<1024x128xf32>, vector<128x128xf32>, vector<1024x128xf32> -> vector<1024x128xf32>
    %get3A_420 = arith.constant 0 : index
    %get3A_421 = arith.constant 0 : index
    %get3A_422 = vector.load %arg21[%get3A_420, %get3A_421] : memref<1x128xf32, #tpu.memory_space<vmem>>, vector<1x128xf32>
    %add3A_423 = vector.broadcast %get3A_422 : vector<1x128xf32> to vector<1024x128xf32>
    %add3A_424 = arith.addf %dot_general3A_419, %add3A_423 : vector<1024x128xf32>
    %get3A_425 = arith.constant 0 : index
    %get3A_426 = arith.constant 0 : index
    %get3A_427 = vector.load %arg22[%get3A_425, %get3A_426] : memref<384x128xf32, #tpu.memory_space<vmem>>, vector<384x128xf32>
    %dot_general3A_428 = arith.constant dense<0.000000e+00> : vector<1024x128xf32>
    %dot_general3A_429 = tpu.matmul %concatenate3A, %get3A_427, %dot_general3A_428 {dimension_numbers = #tpu.dot_dimension_numbers<[1], [0], [0], [1], [0, 0, 1, 1], [], []>, precision = #tpu.contract_precision<fp32>, transpose_lhs_hint = false} : vector<1024x384xf32>, vector<384x128xf32>, vector<1024x128xf32> -> vector<1024x128xf32>
    %get3A_430 = arith.constant 0 : index
    %get3A_431 = arith.constant 0 : index
    %get3A_432 = vector.load %arg23[%get3A_430, %get3A_431] : memref<1x128xf32, #tpu.memory_space<vmem>>, vector<1x128xf32>
    %add3A_433 = vector.broadcast %get3A_432 : vector<1x128xf32> to vector<1024x128xf32>
    %add3A_434 = arith.addf %dot_general3A_429, %add3A_433 : vector<1024x128xf32>
    %max3A_435 = arith.constant 0.000000e+00 : f32
    %max3A_436 = vector.broadcast %max3A_435 : f32 to vector<1024x128xf32>
    %max3A_437 = arith.maximumf %add3A_434, %max3A_436 : vector<1024x128xf32>
    %get3A_438 = arith.constant 0 : index
    %get3A_439 = arith.constant 0 : index
    %get3A_440 = vector.load %arg24[%get3A_438, %get3A_439] : memref<128x128xf32, #tpu.memory_space<vmem>>, vector<128x128xf32>
    %dot_general3A_441 = arith.constant dense<0.000000e+00> : vector<1024x128xf32>
    %dot_general3A_442 = tpu.matmul %max3A_437, %get3A_440, %dot_general3A_441 {dimension_numbers = #tpu.dot_dimension_numbers<[1], [0], [0], [1], [0, 0, 1, 1], [], []>, precision = #tpu.contract_precision<fp32>, transpose_lhs_hint = false} : vector<1024x128xf32>, vector<128x128xf32>, vector<1024x128xf32> -> vector<1024x128xf32>
    %get3A_443 = arith.constant 0 : index
    %get3A_444 = arith.constant 0 : index
    %get3A_445 = vector.load %arg25[%get3A_443, %get3A_444] : memref<1x128xf32, #tpu.memory_space<vmem>>, vector<1x128xf32>
    %add3A_446 = vector.broadcast %get3A_445 : vector<1x128xf32> to vector<1024x128xf32>
    %add3A_447 = arith.addf %dot_general3A_442, %add3A_446 : vector<1024x128xf32>
    %mul3A_448 = arith.constant 5.000000e-01 : f32
    %mul3A_449 = vector.broadcast %mul3A_448 : f32 to vector<1024x128xf32>
    %mul3A_450 = arith.mulf %mul3A_449, %add3A_447 : vector<1024x128xf32>
    %exp3A = math.exp %mul3A_450 : vector<1024x128xf32>
    %get3A_451 = arith.constant 0 : index
    %get3A_452 = arith.constant 0 : index
    %get3A_453 = vector.load %arg1[%get3A_451, %get3A_452] : memref<1024x128xf32, #tpu.memory_space<vmem>>, vector<1024x128xf32>
    %mul3A_454 = arith.mulf %exp3A, %get3A_453 : vector<1024x128xf32>
    %add3A_455 = arith.addf %add3A_424, %mul3A_454 : vector<1024x128xf32>
    %swap3A = arith.constant 0 : index
    %swap3A_456 = arith.constant 0 : index
    %swap3A_457 = vector.load %arg26[%swap3A, %swap3A_456] : memref<1024x128xf32, #tpu.memory_space<vmem>>, vector<1024x128xf32>
    tpu.vector_store %arg26[%swap3A, %swap3A_456], %add3A_455 {strides = array<i32>} : memref<1024x128xf32, #tpu.memory_space<vmem>>, vector<1024x128xf32>,
    return
  }
}

</mosaic_0001>

<sc_bundles>
// kernel: kernel.4.cloned.1.call-start
scs
__scs_entry_jumppad:
0x0: {  	(pc) =	sbr.rel $0x88, $3  }
0x1: {  	(tag) =	ssettag $0x0;
	lr =	simm.s32 $0x1  }
0x2: {  	[smem:$0x3F86] =	sst lr;
	_ =	strace $0xD0000000  }
0x3: {  	_ = 	snop  }
0x4: {  	_ = 	snop  }
0x5: {  	_ = 	snop  }
0x6: {  	_ = 	snop  }
0x7: {  	_ = 	snop  }
__scs_overlays_trampoline_lowered:
0x8: {  	[smem:$0x3F95] =	sst s0  }
0x9: {  	[smem:$0x3F96] =	sst s1  }
0xa: {  	[smem:$0x3F97] =	sst s2  }
0xb: {  	[smem:$0x3F98] =	sst s3  }
0xc: {  	[smem:$0x3F99] =	sst s4  }
0xd: {  	[smem:$0x3F9A] =	sst s5  }
0xe: {  	[smem:$0x3F9B] =	sst s6  }
0xf: {  	[smem:$0x3F9C] =	sst s7  }
0x10: {  	[smem:$0x3F9D] =	sst s8  }
0x11: {  	[smem:$0x3F9E] =	sst s9;
	s0 =	simm.s32 @!p0 $0x0  }
0x12: {  	s1 =	sld [smem:$0x3F84];
	s0 =	simm.s32 @p0 $0x1  }
0x13: {  	[smem:$0x3F9F] =	sst s0;
	s0 =	simm.s32 @!p1 $0x0  }
0x14: {  	s2 =	sld [smem:$0x3F83];
	s0 =	simm.s32 @p1 $0x1  }
0x15: {  	[smem:$0x3FA0] =	sst s0;
	s0 =	simm.s32 @!p2 $0x0  }
0x16: {  	s3 =	sld [smem:$0x3FDB];
	s0 =	simm.s32 @p2 $0x1  }
0x17: {  	s4 =	simm.s32 $0x1BF5;
	[smem:$0x3FA2] =	sst s0  }
0x18: {  	s0 =	sld [smem:$0x3F85];
	_ =	swait.ge [sflag:s4], $0x0  }
0x19: {  	s7 =	sld [smem:$0x3F86]  }
0x1a: {  	s8 =	sadd.s32 $0xFFFFE003, lr  }
0x1b: {  	s9 =	sadd.s32 $0xFFFFFEF7, lr;
	s5 =	simm.s32 $0xFFFFFFFF;
	p2 =	slt.u32 s8, $0xFFFFF086  }
0x1c: {  	p1 =	slt.u32 s9, $0xF7A;
	s5 =	simm.s32 @!p2 $0x0  }
0x1d: {  	s5 =	simm.s32 @p1 $0x1;
	p0 =	seq.s32 s7, s2  }
0x1e: {  	s7 =	smul.u32 @!p0 $0xF7A, s2;
	p2 =	seq.s32 @!p0 s5, $0x0  }
0x1f: {  	s9 =	smul.u32 $0xF7A, s1;
	s8 =	simm.s32 @!p0 $0x1BF5;
	p2 =	por !p2, p0  }
0x20: {  	[sflag:s8] =	ssyncset.s32 @!p0 $0xFFFFF086;
	s6 =	sadd.s32 @!p0 s3, s7;
	s7 =	simm.s32 @!p0 $0x108  }
0x21: {  	s3 =	sadd.s32 s3, s9;
	s6 =	sadd.s32 @!p0 $0x88, s6;
	s7 =	simm.s32 @p2 $0x1082  }
0x22: {  	[simem:s7], [sflag:s8] =	dma.local @!p0 [hbm:s6], $0xF7A  }
0x23: {  	s9 =	sor.u32 $0xD0000000, s2;
	s6 =	simm.s32 $0x108;
	_ =	swait.ge @!p0 [sflag:s8], $0x0  }
0x24: {  	s3 =	sadd.s32 $0x88, s3;
	s6 =	simm.s32 @!p1 $0x1082;
	[sflag:s4] =	ssyncset.s32 $0xFFFFF086  }
0x25: {  	[simem:s6], [sflag:s4] =	dma.local [hbm:s3], $0xF7A  }
0x26: {  	[smem:$0x3F86] =	sst s1;
	(tag) =	ssettag s2;
	_ =	strace s9  }
0x27: {  	s1 =	sld [smem:$0x3F96]  }
0x28: {  	s2 =	sld [smem:$0x3F97]  }
0x29: {  	s4 =	sld [smem:$0x3F99]  }
0x2a: {  	p0 =	seq.s32 s5, $0x0;
	s5 =	sld [smem:$0x3F9A]  }
0x2b: {  	s6 =	sld [smem:$0x3F9B]  }
0x2c: {  	s7 =	sld [smem:$0x3F9C]  }
0x2d: {  	s3 =	simm.s32 $0x108;
	s8 =	sld [smem:$0x3F9D]  }
0x2e: {  	s3 =	simm.s32 @!p0 $0x1082;
	s9 =	sld [smem:$0x3F9E]  }
0x2f: {  	lr =	sadd.s32 s0, s3;
	s0 =	sld [smem:$0x3F95]  }
0x30: {  	s3 =	sld [smem:$0x3F98]  }
0x31: {  	[smem:$0x3FA1] =	sst s10  }
0x32: {  	s10 =	sld [smem:$0x3F9F];
	_ =	sdelay $0x3  }
0x33: {  	p0 =	seq.s32 s10, $0x1;
	s10 =	sld [smem:$0x3FA1];
	_ =	sdelay $0x3  }
0x34: {  	[smem:$0x3FA1] =	sst s10  }
0x35: {  	s10 =	sld [smem:$0x3FA0];
	_ =	sdelay $0x3  }
0x36: {  	p1 =	seq.s32 s10, $0x1;
	s10 =	sld [smem:$0x3FA1];
	_ =	sdelay $0x3  }
0x37: {  	[smem:$0x3FA1] =	sst s10  }
0x38: {  	s10 =	sld [smem:$0x3FA2]  }
0x39: {  	_ = 	snop;
	(pc) =	sbr.ind lr, $3  }
0x3a: {  	_ = 	snop  }
0x3b: {  	_ = 	snop  }
0x3c: {  	p2 =	seq.s32 s10, $0x1;
	s10 =	sld [smem:$0x3FA1]  }
0x3d: {  	_ =	shalt  }
0x3e: {  	_ =	shalt  }
0x3f: {  	_ =	shalt  }
0x40: {  	_ =	shalt  }
0x41: {  	_ =	shalt  }
0x42: {  	_ =	shalt  }
0x43: {  	_ =	shalt  }
0x44: {  	_ =	shalt  }
0x45: {  	_ =	shalt  }
0x46: {  	_ =	shalt  }
0x47: {  	_ =	shalt  }
0x48: {  	_ =	shalt  }
0x49: {  	_ =	shalt  }
0x4a: {  	_ =	shalt  }
0x4b: {  	_ =	shalt  }
0x4c: {  	_ =	shalt  }
0x4d: {  	_ =	shalt  }
0x4e: {  	_ =	shalt  }
0x4f: {  	_ =	shalt  }
0x50: {  	_ =	shalt  }
0x51: {  	_ =	shalt  }
0x52: {  	_ =	shalt  }
0x53: {  	_ =	shalt  }
0x54: {  	_ =	shalt  }
0x55: {  	_ =	shalt  }
0x56: {  	_ =	shalt  }
0x57: {  	_ =	shalt  }
0x58: {  	_ =	shalt  }
0x59: {  	_ =	shalt  }
0x5a: {  	_ =	shalt  }
0x5b: {  	_ =	shalt  }
0x5c: {  	_ =	shalt  }
0x5d: {  	_ =	shalt  }
0x5e: {  	_ =	shalt  }
0x5f: {  	_ =	shalt  }
0x60: {  	_ =	shalt  }
0x61: {  	_ =	shalt  }
0x62: {  	_ =	shalt  }
0x63: {  	_ =	shalt  }
0x64: {  	_ =	shalt  }
0x65: {  	_ =	shalt  }
0x66: {  	_ =	shalt  }
0x67: {  	_ =	shalt  }
0x68: {  	_ =	shalt  }
0x69: {  	_ =	shalt  }
0x6a: {  	_ =	shalt  }
0x6b: {  	_ =	shalt  }
0x6c: {  	_ =	shalt  }
0x6d: {  	_ =	shalt  }
0x6e: {  	_ =	shalt  }
0x6f: {  	_ =	shalt  }
0x70: {  	_ =	shalt  }
0x71: {  	_ =	shalt  }
0x72: {  	_ =	shalt  }
0x73: {  	_ =	shalt  }
0x74: {  	_ =	shalt  }
0x75: {  	_ =	shalt  }
0x76: {  	_ =	shalt  }
0x77: {  	_ =	shalt  }
0x78: {  	_ =	shalt  }
0x79: {  	_ =	shalt  }
0x7a: {  	_ =	shalt  }
0x7b: {  	_ =	shalt  }
0x7c: {  	_ =	shalt  }
0x7d: {  	_ =	shalt  }
0x7e: {  	_ =	shalt  }
0x7f: {  	_ =	shalt  }
0x80: {  	_ =	shalt  }
0x81: {  	_ =	shalt  }
0x82: {  	_ =	shalt  }
0x83: {  	_ =	shalt  }
0x84: {  	_ =	shalt  }
0x85: {  	_ =	shalt  }
0x86: {  	_ =	shalt  }
0x87: {  	_ =	shalt  }
.Lfunc_end0:
.L_simem_size_0:
called_computation_lowered:
.L_overlay_start_0:
0x88: {  	s2 =	sld [smem:$0x3FD9]  }
0x89: {  	s3 =	sld [smem:$0x3FFE];
	_ =	sdelay $0x1  }
0x8a: {  	s1 =	srdreg.scid  }
0x8b: {  	s0 =	sand.u32 $0x1, s1  }
0x8c: {  	s17 =	sshll.u32 s0, $0xA;
	s2 =	sadd.s32 s3, s2  }
0x8d: {  	s2 =	sadd.s32 s2, s17  }
0x8e: {  	[smem:$0x3FAD] =	sst s2  }
0x8f: {  	_ = 	snop  }
0x90: {  	s2 =	sld [smem:$0x3FD0];
	(tm) =	ssettm $0x1  }
0x91: {  	s18 =	sld [smem:$0x3FFB];
	_ =	sdelay $0x3  }
0x92: {  	_ =	strace s18  }
0x93: {  	s3 =	sld [smem:$0x3FFC];
	_ =	sdelay $0x3  }
0x94: {  	_ =	strace s3  }
0x95: {  	s3 =	sld [smem:$0x3FFD];
	_ =	sdelay $0x3  }
0x96: {  	_ =	strace s3  }
0x97: {  	_ =	strace $0x8FFFFFFF  }
0x98: {  	s19 =	sld [smem:$0x3FDB];
	_ =	sdelay $0x1  }
0x99: {  	s4 =	simm.s32 $_scs_section_size  }
0x9a: {  	s5 =	simm.s32 $_size__tile_overlayer_lowered;
	s6 =	simm.s32 $_tile_overlayer_lowered  }
0x9b: {  	s22 =	simm.s32 $0x1BFF;
	s21 =	sshll.u32 s6, $0x1;
	s3 =	sadd.s32 s4, s19  }
0x9c: {  	s7 =	simm.s32 $0x0;
	s20 =	sshll.u32 s5, $0x1;
	s5 =	sadd.s32 s21, s3  }
0x9d: {  	[timem:s7], [sflag:s22] =	dma.local [hbm:s5], s20  }
0x9e: {  	_ =	swait.ge [sflag:s22], s20  }
0x9f: {  	s4 =	ssub.s32 $0x0, s20;
	[sflag:s22] =	ssyncset.done $0x0  }
0xa0: {  	[sflag:s22] =	ssyncadd.s32 s4;
	_ =	sdelay $0x1  }
0xa1: {  	s23 =	simm.s32 $0x1B8B  }
0xa2: {  	_ =	swait.ge [sflag:s23], $0x1  }
0xa3: {  	[sflag:s23] =	ssyncset.done $0x0  }
0xa4: {  	s25 =	simm.s32 $0x1B8E;
	s24 =	sld [smem:$0x3FFE];
	[sflag:s23] =	ssyncadd.s32 $0xFFFFFFFF  }
0xa5: {  	s26 =	simm.s32 $execute0_lowered;
	[smem:$0x3FD2] =	sst s25  }
0xa6: {  	s5 =	sshll.u32 s26, $0x1;
	_ =	strace $0x80000046;
	[dreg:$0x1] =	wrdreg $0xFFFFFFFF  }
0xa7: {  	s28 =	simm.s32 $_size_execute0_lowered;
	s3 =	sadd.s32 s3, s5;
	[dreg:$0x0] =	wrdreg $0x0  }
0xa8: {  	s5 =	sshll.u32 s28, $0x1;
	[dreg:$0x2] =	wrdreg s3  }
0xa9: {  	[dreg:$0x3] =	wrdreg s5  }
0xaa: {  	[dreg:$0x4] =	wrdreg $0xC0  }
0xab: {  	_ =	task [dreg:s7], $0x5FFFF  }
0xac: {  	[dreg:$0x1] =	wrdreg $0xFFFFFFFF  }
0xad: {  	[dreg:$0x0] =	wrdreg $0x60  }
0xae: {  	[dreg:$0x2] =	wrdreg s2  }
0xaf: {  	[dreg:$0x3] =	wrdreg s24  }
0xb0: {  	[dreg:$0x4] =	wrdreg $0x9  }
0xb1: {  	_ =	task.clear_ibuf [dreg:s7], $0x5FFFF;
	_ =	strace $0x90000046  }
0xb2: {  	s29 =	simm.s32 $0x9;
	_ =	strace $0x80000048  }
0xb3: {  	_ =	swait.ge [sflag:s29], $0x1  }
0xb4: {  	[sflag:s29] =	ssyncadd.s32 $0xFFFFFFFF  }
0xb5: {  	_ =	strace $0x90000048  }
0xb6: {  	_ =	sfence  }
0xb7: {  	s30 =	sld [smem:$0x0];
	_ =	sdelay $0x2  }
0xb8: {  	s31 =	sshll.u32 s1, $0xD;
	s1 =	sshrl.u32 s1, $0x2  }
0xb9: {  	s3 =	sand.u32 $0x4000, s31;
	s1 =	sadd.s32 s1, s30  }
0xba: {  	s0 =	sor.u32 s3, s0;
	s1 =	sshll.u32 s1, $0x11  }
0xbb: {  	s0 =	sor.u32 s1, s0  }
0xbc: {  	s0 =	sadd.s32 $0x8F2B, s0  }
0xbd: {  	[sflag:s0] =	ssyncadd.remote.s32 $0x1  }
0xbe: {  	_ =	sfence.sel $0xFFFF  }
0xbf: {  	[dreg:$0x0] =	wrdreg $0xFFFFFFFF;
	(pc) =	sbr.abs _section_cstart, $3  }
0xc0: {  	[dreg:$0x1] =	wrdreg $0xFFFFFFFF  }
0xc1: {  	_ =	task.clear_ibuf [dreg:s7], $0x2FFFF;
	_ =	strace $0x9FFFFFFF  }
0xc2: {  	(tm) =	ssettm $0x7FFFFFFF  }
0xc3: {  	_ =	shalt  }
tec
execute0_lowered:
.L_overlay_start_1:
0x0: {  	(tag) =	ssettag $0x1  }
0x1: {  	s0 =	rddreg [dreg:$0x0]  }
0x2: {  	s1 =	rddreg [dreg:$0x1]  }
0x3: {  	s3 =	srdreg.scid;
	s4 =	stileid.u32  }
0x4: {  	s2 =	simm.s32 $0x0;
	s7 =	simm.s32 $0x3;
	s8 =	simm.s32 $0x14  }
0x5: {  	s9 =	simm.s32 $0x10000;
	s10 =	simm.s32 $0xC80;
	s11 =	simm.s32 $0x10A00  }
0x6: {  	s12 =	simm.s32 $0xD00;
	s13 =	simm.s32 $0x11400;
	s14 =	simm.s32 $0xD80  }
0x7: {  	s15 =	simm.s32 $0x11E00;
	s16 =	simm.s32 $0xE00;
	s17 =	simm.s32 $0x12800  }
0x8: {  	s18 =	simm.s32 $0xE80;
	s19 =	simm.s32 $0x13200;
	s20 =	simm.s32 $0xF00  }
0x9: {  	s21 =	simm.s32 $0x13C00;
	s22 =	simm.s32 $0xF80;
	s23 =	simm.s32 $0x14600  }
0xa: {  	s24 =	simm.s32 $0x1;
	s25 =	simm.s32 $0x2;
	s26 =	simm.s32 $0x15000  }
0xb: {  	s3 =	sand.u32 $0x1, s3;
	s4 =	sshll.u32 s4, $0x1;
	[smem:$0x7FF] =	sst s2  }
0xc: {  	s28 =	simm.s32 $0x0;
	s4 =	sor.u32 s3, s4;
	_ =	strace $0x80000047  }
0xd: {  	s3 =	ssub.s32 $0x2, s3;
	s5 =	sshll.u32 s4, $0xB;
	s4 =	sshll.u32 s4, $0x9  }
0xe: {  	s6 =	sshrl.u32 s3, $0x1;
	s5 =	sadd.s32 s5, s1;
	s1 =	sadd.s32 s4, s1  }
0xf: {  	s6 =	ssub.s32 s3, s6;
	s3 =	sadd.s32 s0, s4;
	s4 =	sadd.s32 $0x3800, s5  }
0x10: {  	s5 =	sadd.s32 $0x13800, s1;
	s6 =	smax.u32 s6, $0x1;
	s1 =	simm.s32 $0xC00  }
.LBB2_1:
0x11: {  	[tilespmem:s2], [sflag:$0x3] =	stream.linear.gather [hbm4b:s3+s2], $0x1000, $0x38;
	[tilespmem:$0x16000] =	vst v63  }
0x12: {  	_ =	swait.ge [sflag:s7], $0x1000  }
0x13: {  	[sflag:s7] =	ssyncset.done $0x0  }
0x14: {  	s0 =	simm.s32 $0x1000;
	[sflag:s7] =	ssyncadd.s32 $0xFFFFF000  }
0x15: {  	[tilespmem:s0], [sflag:$0x1] =	stream.indirect.gather [hbm4b:s4+s8], $0x80, s2, s8, $0xb8;
	[tilespmem:$0x16000] =	vst v63  }
0x16: {  	s29 =	simm.s32 $0x1A00;
	s0 =	simm.s32 $0x80  }
0x17: {  	[tilespmem:s29], [sflag:$0x1] =	stream.indirect.gather [hbm4b:s4+s8], $0x80, s0, s8, $0xb8;
	[tilespmem:$0x16000] =	vst v63  }
0x18: {  	s0 =	simm.s32 $0x100;
	s29 =	simm.s32 $0x2400  }
0x19: {  	[tilespmem:s29], [sflag:$0x1] =	stream.indirect.gather [hbm4b:s4+s8], $0x80, s0, s8, $0xb8;
	[tilespmem:$0x16000] =	vst v63  }
0x1a: {  	s0 =	simm.s32 $0x180;
	s29 =	simm.s32 $0x2E00  }
0x1b: {  	[tilespmem:s29], [sflag:$0x1] =	stream.indirect.gather [hbm4b:s4+s8], $0x80, s0, s8, $0xb8;
	[tilespmem:$0x16000] =	vst v63  }
0x1c: {  	s0 =	simm.s32 $0x200;
	s29 =	simm.s32 $0x3800  }
0x1d: {  	[tilespmem:s29], [sflag:$0x1] =	stream.indirect.gather [hbm4b:s4+s8], $0x80, s0, s8, $0xb8;
	[tilespmem:$0x16000] =	vst v63  }
0x1e: {  	s0 =	simm.s32 $0x280;
	s29 =	simm.s32 $0x4200  }
0x1f: {  	[tilespmem:s29], [sflag:$0x1] =	stream.indirect.gather [hbm4b:s4+s8], $0x80, s0, s8, $0xb8;
	[tilespmem:$0x16000] =	vst v63  }
0x20: {  	s0 =	simm.s32 $0x300;
	s29 =	simm.s32 $0x4C00  }
0x21: {  	[tilespmem:s29], [sflag:$0x1] =	stream.indirect.gather [hbm4b:s4+s8], $0x80, s0, s8, $0xb8;
	[tilespmem:$0x16000] =	vst v63  }
0x22: {  	s0 =	simm.s32 $0x380;
	s29 =	simm.s32 $0x5600  }
0x23: {  	[tilespmem:s29], [sflag:$0x1] =	stream.indirect.gather [hbm4b:s4+s8], $0x80, s0, s8, $0xb8;
	[tilespmem:$0x16000] =	vst v63  }
0x24: {  	s0 =	simm.s32 $0x400;
	s29 =	simm.s32 $0x6000  }
0x25: {  	[tilespmem:s29], [sflag:$0x1] =	stream.indirect.gather [hbm4b:s4+s8], $0x80, s0, s8, $0xb8;
	[tilespmem:$0x16000] =	vst v63  }
0x26: {  	s0 =	simm.s32 $0x480;
	s29 =	simm.s32 $0x6A00  }
0x27: {  	[tilespmem:s29], [sflag:$0x1] =	stream.indirect.gather [hbm4b:s4+s8], $0x80, s0, s8, $0xb8;
	[tilespmem:$0x16000] =	vst v63  }
0x28: {  	s0 =	simm.s32 $0x500;
	s29 =	simm.s32 $0x7400  }
0x29: {  	[tilespmem:s29], [sflag:$0x1] =	stream.indirect.gather [hbm4b:s4+s8], $0x80, s0, s8, $0xb8;
	[tilespmem:$0x16000] =	vst v63  }
0x2a: {  	s0 =	simm.s32 $0x580;
	s29 =	simm.s32 $0x7E00  }
0x2b: {  	[tilespmem:s29], [sflag:$0x1] =	stream.indirect.gather [hbm4b:s4+s8], $0x80, s0, s8, $0xb8;
	[tilespmem:$0x16000] =	vst v63  }
0x2c: {  	s0 =	simm.s32 $0x600;
	s29 =	simm.s32 $0x8800  }
0x2d: {  	[tilespmem:s29], [sflag:$0x1] =	stream.indirect.gather [hbm4b:s4+s8], $0x80, s0, s8, $0xb8;
	[tilespmem:$0x16000] =	vst v63  }
0x2e: {  	s0 =	simm.s32 $0x680;
	s29 =	simm.s32 $0x9200  }
0x2f: {  	[tilespmem:s29], [sflag:$0x1] =	stream.indirect.gather [hbm4b:s4+s8], $0x80, s0, s8, $0xb8;
	[tilespmem:$0x16000] =	vst v63  }
0x30: {  	s0 =	simm.s32 $0x700;
	s29 =	simm.s32 $0x9C00  }
0x31: {  	[tilespmem:s29], [sflag:$0x1] =	stream.indirect.gather [hbm4b:s4+s8], $0x80, s0, s8, $0xb8;
	[tilespmem:$0x16000] =	vst v63  }
0x32: {  	s0 =	simm.s32 $0x780;
	s29 =	simm.s32 $0xA600  }
0x33: {  	[tilespmem:s29], [sflag:$0x1] =	stream.indirect.gather [hbm4b:s4+s8], $0x80, s0, s8, $0xb8;
	[tilespmem:$0x16000] =	vst v63  }
0x34: {  	s0 =	simm.s32 $0x800;
	s29 =	simm.s32 $0xB000  }
0x35: {  	[tilespmem:s29], [sflag:$0x2] =	stream.indirect.gather [hbm4b:s4+s8], $0x80, s0, s8, $0xb8;
	[tilespmem:$0x16000] =	vst v63  }
0x36: {  	s0 =	simm.s32 $0x880;
	s29 =	simm.s32 $0xBA00  }
0x37: {  	[tilespmem:s29], [sflag:$0x2] =	stream.indirect.gather [hbm4b:s4+s8], $0x80, s0, s8, $0xb8;
	[tilespmem:$0x16000] =	vst v63  }
0x38: {  	s0 =	simm.s32 $0x900;
	s29 =	simm.s32 $0xC400  }
0x39: {  	[tilespmem:s29], [sflag:$0x2] =	stream.indirect.gather [hbm4b:s4+s8], $0x80, s0, s8, $0xb8;
	[tilespmem:$0x16000] =	vst v63  }
0x3a: {  	s0 =	simm.s32 $0x980;
	s29 =	simm.s32 $0xCE00  }
0x3b: {  	[tilespmem:s29], [sflag:$0x2] =	stream.indirect.gather [hbm4b:s4+s8], $0x80, s0, s8, $0xb8;
	[tilespmem:$0x16000] =	vst v63  }
0x3c: {  	s0 =	simm.s32 $0xA00;
	s29 =	simm.s32 $0xD800  }
0x3d: {  	[tilespmem:s29], [sflag:$0x2] =	stream.indirect.gather [hbm4b:s4+s8], $0x80, s0, s8, $0xb8;
	[tilespmem:$0x16000] =	vst v63  }
0x3e: {  	s0 =	simm.s32 $0xA80;
	s29 =	simm.s32 $0xE200  }
0x3f: {  	[tilespmem:s29], [sflag:$0x2] =	stream.indirect.gather [hbm4b:s4+s8], $0x80, s0, s8, $0xb8;
	[tilespmem:$0x16000] =	vst v63  }
0x40: {  	s0 =	simm.s32 $0xB00;
	s29 =	simm.s32 $0xEC00  }
0x41: {  	[tilespmem:s29], [sflag:$0x2] =	stream.indirect.gather [hbm4b:s4+s8], $0x80, s0, s8, $0xb8;
	[tilespmem:$0x16000] =	vst v63  }
0x42: {  	s0 =	simm.s32 $0xB80;
	s29 =	simm.s32 $0xF600  }
0x43: {  	[tilespmem:s29], [sflag:$0x2] =	stream.indirect.gather [hbm4b:s4+s8], $0x80, s0, s8, $0xb8;
	[tilespmem:$0x16000] =	vst v63  }
0x44: {  	_ = 	snop  }
0x45: {  	[tilespmem:s9], [sflag:$0x2] =	stream.indirect.gather [hbm4b:s4+s8], $0x80, s1, s8, $0xb8;
	[tilespmem:$0x16000] =	vst v63  }
0x46: {  	_ = 	snop  }
0x47: {  	[tilespmem:s11], [sflag:$0x2] =	stream.indirect.gather [hbm4b:s4+s8], $0x80, s10, s8, $0xb8;
	[tilespmem:$0x16000] =	vst v63  }
0x48: {  	_ = 	snop  }
0x49: {  	[tilespmem:s13], [sflag:$0x2] =	stream.indirect.gather [hbm4b:s4+s8], $0x80, s12, s8, $0xb8;
	[tilespmem:$0x16000] =	vst v63  }
0x4a: {  	_ = 	snop  }
0x4b: {  	[tilespmem:s15], [sflag:$0x2] =	stream.indirect.gather [hbm4b:s4+s8], $0x80, s14, s8, $0xb8;
	[tilespmem:$0x16000] =	vst v63  }
0x4c: {  	_ = 	snop  }
0x4d: {  	[tilespmem:s17], [sflag:$0x2] =	stream.indirect.gather [hbm4b:s4+s8], $0x80, s16, s8, $0xb8;
	[tilespmem:$0x16000] =	vst v63  }
0x4e: {  	_ = 	snop  }
0x4f: {  	[tilespmem:s19], [sflag:$0x2] =	stream.indirect.gather [hbm4b:s4+s8], $0x80, s18, s8, $0xb8;
	[tilespmem:$0x16000] =	vst v63  }
0x50: {  	_ = 	snop  }
0x51: {  	[tilespmem:s21], [sflag:$0x2] =	stream.indirect.gather [hbm4b:s4+s8], $0x80, s20, s8, $0xb8;
	[tilespmem:$0x16000] =	vst v63  }
0x52: {  	_ = 	snop  }
0x53: {  	[tilespmem:s23], [sflag:$0x2] =	stream.indirect.gather [hbm4b:s4+s8], $0x80, s22, s8, $0xb8;
	[tilespmem:$0x16000] =	vst v63  }
0x54: {  	_ =	swait.ge [sflag:s24], $0xA00  }
0x55: {  	[sflag:s24] =	ssyncset.done $0x0  }
0x56: {  	[sflag:s24] =	ssyncadd.s32 $0xFFFFF600  }
0x57: {  	_ =	swait.ge [sflag:s24], $0xA00  }
0x58: {  	[sflag:s24] =	ssyncset.done $0x0  }
0x59: {  	[sflag:s24] =	ssyncadd.s32 $0xFFFFF600  }
0x5a: {  	_ =	swait.ge [sflag:s24], $0xA00  }
0x5b: {  	[sflag:s24] =	ssyncset.done $0x0  }
0x5c: {  	[sflag:s24] =	ssyncadd.s32 $0xFFFFF600  }
0x5d: {  	_ =	swait.ge [sflag:s24], $0xA00  }
0x5e: {  	[sflag:s24] =	ssyncset.done $0x0  }
0x5f: {  	[sflag:s24] =	ssyncadd.s32 $0xFFFFF600  }
0x60: {  	_ =	swait.ge [sflag:s24], $0xA00  }
0x61: {  	[sflag:s24] =	ssyncset.done $0x0  }
0x62: {  	[sflag:s24] =	ssyncadd.s32 $0xFFFFF600  }
0x63: {  	_ =	swait.ge [sflag:s24], $0xA00  }
0x64: {  	[sflag:s24] =	ssyncset.done $0x0  }
0x65: {  	[sflag:s24] =	ssyncadd.s32 $0xFFFFF600  }
0x66: {  	_ =	swait.ge [sflag:s24], $0xA00  }
0x67: {  	[sflag:s24] =	ssyncset.done $0x0  }
0x68: {  	[sflag:s24] =	ssyncadd.s32 $0xFFFFF600  }
0x69: {  	_ =	swait.ge [sflag:s24], $0xA00  }
0x6a: {  	[sflag:s24] =	ssyncset.done $0x0  }
0x6b: {  	[sflag:s24] =	ssyncadd.s32 $0xFFFFF600  }
0x6c: {  	_ =	swait.ge [sflag:s24], $0xA00  }
0x6d: {  	[sflag:s24] =	ssyncset.done $0x0  }
0x6e: {  	[sflag:s24] =	ssyncadd.s32 $0xFFFFF600  }
0x6f: {  	_ =	swait.ge [sflag:s24], $0xA00  }
0x70: {  	[sflag:s24] =	ssyncset.done $0x0  }
0x71: {  	[sflag:s24] =	ssyncadd.s32 $0xFFFFF600  }
0x72: {  	_ =	swait.ge [sflag:s24], $0xA00  }
0x73: {  	[sflag:s24] =	ssyncset.done $0x0  }
0x74: {  	[sflag:s24] =	ssyncadd.s32 $0xFFFFF600  }
0x75: {  	_ =	swait.ge [sflag:s24], $0xA00  }
0x76: {  	[sflag:s24] =	ssyncset.done $0x0  }
0x77: {  	[sflag:s24] =	ssyncadd.s32 $0xFFFFF600  }
0x78: {  	_ =	swait.ge [sflag:s24], $0xA00  }
0x79: {  	[sflag:s24] =	ssyncset.done $0x0  }
0x7a: {  	[sflag:s24] =	ssyncadd.s32 $0xFFFFF600  }
0x7b: {  	_ =	swait.ge [sflag:s24], $0xA00  }
0x7c: {  	[sflag:s24] =	ssyncset.done $0x0  }
0x7d: {  	[sflag:s24] =	ssyncadd.s32 $0xFFFFF600  }
0x7e: {  	_ =	swait.ge [sflag:s24], $0xA00  }
0x7f: {  	[sflag:s24] =	ssyncset.done $0x0  }
0x80: {  	[sflag:s24] =	ssyncadd.s32 $0xFFFFF600  }
0x81: {  	_ =	swait.ge [sflag:s24], $0xA00  }
0x82: {  	[sflag:s24] =	ssyncset.done $0x0  }
0x83: {  	s29 =	simm.s32 $0x1500;
	[sflag:s24] =	ssyncadd.s32 $0xFFFFF600  }
0x84: {  	v0 =	vld [tilespmem:s29+$0xFFFFFB80]  }
0x85: {  	v1 =	vld [tilespmem:s29+$0xFFFFFB00];
	_ =	sdelay $0x1  }
0x86: {  	v2 =	vld [tilespmem:s29+$0xFFFFFC00];
	_ =	sdelay $0x1  }
0x87: {  	v3 =	vld [tilespmem:s29+$0xFFFFFC80]  }
0x88: {  	v0 =	vadd.f32 v0, v1  }
0x89: {  	v1 =	vld [tilespmem:s29+$0xFFFFFD00]  }
0x8a: {  	v0 =	vadd.f32 v2, v0  }
0x8b: {  	v2 =	vld [tilespmem:s29+$0xFFFFFD80]  }
0x8c: {  	v0 =	vadd.f32 v3, v0  }
0x8d: {  	v3 =	vld [tilespmem:s29+$0xFFFFFE00]  }
0x8e: {  	v0 =	vadd.f32 v1, v0  }
0x8f: {  	v1 =	vld [tilespmem:s29+$0xFFFFFE80]  }
0x90: {  	v0 =	vadd.f32 v2, v0  }
0x91: {  	v2 =	vld [tilespmem:s29+$0xFFFFFF00]  }
0x92: {  	v0 =	vadd.f32 v3, v0  }
0x93: {  	v3 =	vld [tilespmem:s29+$0xFFFFFF80]  }
0x94: {  	v0 =	vadd.f32 v1, v0  }
0x95: {  	v1 =	vld [tilespmem:s29+$0x0]  }
0x96: {  	v0 =	vadd.f32 v2, v0  }
0x97: {  	v2 =	vld [tilespmem:s29+$0x80]  }
0x98: {  	v0 =	vadd.f32 v3, v0  }
0x99: {  	v3 =	vld [tilespmem:s29+$0x100]  }
0x9a: {  	v0 =	vadd.f32 v1, v0  }
0x9b: {  	v1 =	vld [tilespmem:s29+$0x180]  }
0x9c: {  	v0 =	vadd.f32 v2, v0  }
0x9d: {  	v2 =	vld [tilespmem:s29+$0x200]  }
0x9e: {  	v0 =	vadd.f32 v3, v0  }
0x9f: {  	v3 =	vld [tilespmem:s29+$0x280]  }
0xa0: {  	v0 =	vadd.f32 v1, v0  }
0xa1: {  	v1 =	vld [tilespmem:s29+$0x300]  }
0xa2: {  	v0 =	vadd.f32 v2, v0  }
0xa3: {  	v2 =	vld [tilespmem:s29+$0x380]  }
0xa4: {  	v0 =	vadd.f32 v3, v0  }
0xa5: {  	v3 =	vld [tilespmem:s29+$0x400]  }
0xa6: {  	v0 =	vadd.f32 v1, v0  }
0xa7: {  	v1 =	vld [tilespmem:s29+$0x480]  }
0xa8: {  	v0 =	vadd.f32 v2, v0;
	_ =	sdelay $0x1  }
0xa9: {  	v0 =	vadd.f32 v3, v0;
	_ =	sdelay $0x1  }
0xaa: {  	v0 =	vadd.f32 v1, v0;
	_ =	sdelay $0x1  }
0xab: {  	v0 =	vmul.f32 $5.000000070e-02, v0  }
0xac: {  	s30 =	simm.s32 $0x0  }
0xad: {  	[tilespmem:s30+$0x15000] =	vst v0  }
0xae: {  	v0 =	vld [tilespmem:s29+$0xFFFFFB10]  }
0xaf: {  	v1 =	vld [tilespmem:s29+$0xFFFFFB90];
	_ =	sdelay $0x1  }
0xb0: {  	v2 =	vld [tilespmem:s29+$0xFFFFFC10];
	_ =	sdelay $0x1  }
0xb1: {  	v3 =	vld [tilespmem:s29+$0xFFFFFC90]  }
0xb2: {  	v0 =	vadd.f32 v1, v0  }
0xb3: {  	v1 =	vld [tilespmem:s29+$0xFFFFFD10]  }
0xb4: {  	v0 =	vadd.f32 v2, v0  }
0xb5: {  	v2 =	vld [tilespmem:s29+$0xFFFFFD90]  }
0xb6: {  	v0 =	vadd.f32 v3, v0  }
0xb7: {  	v3 =	vld [tilespmem:s29+$0xFFFFFE10]  }
0xb8: {  	v0 =	vadd.f32 v1, v0  }
0xb9: {  	v1 =	vld [tilespmem:s29+$0xFFFFFE90]  }
0xba: {  	v0 =	vadd.f32 v2, v0  }
0xbb: {  	v2 =	vld [tilespmem:s29+$0xFFFFFF10]  }
0xbc: {  	v0 =	vadd.f32 v3, v0  }
0xbd: {  	v3 =	vld [tilespmem:s29+$0xFFFFFF90]  }
0xbe: {  	v0 =	vadd.f32 v1, v0  }
0xbf: {  	v1 =	vld [tilespmem:s29+$0x10]  }
0xc0: {  	v0 =	vadd.f32 v2, v0  }
0xc1: {  	v2 =	vld [tilespmem:s29+$0x90]  }
0xc2: {  	v0 =	vadd.f32 v3, v0  }
0xc3: {  	v3 =	vld [tilespmem:s29+$0x110]  }
0xc4: {  	v0 =	vadd.f32 v1, v0  }
0xc5: {  	v1 =	vld [tilespmem:s29+$0x190]  }
0xc6: {  	v0 =	vadd.f32 v2, v0  }
0xc7: {  	v2 =	vld [tilespmem:s29+$0x210]  }
0xc8: {  	v0 =	vadd.f32 v3, v0  }
0xc9: {  	v3 =	vld [tilespmem:s29+$0x290]  }
0xca: {  	v0 =	vadd.f32 v1, v0  }
0xcb: {  	v1 =	vld [tilespmem:s29+$0x310]  }
0xcc: {  	v0 =	vadd.f32 v2, v0  }
0xcd: {  	v2 =	vld [tilespmem:s29+$0x390]  }
0xce: {  	v0 =	vadd.f32 v3, v0  }
0xcf: {  	v3 =	vld [tilespmem:s29+$0x410]  }
0xd0: {  	v0 =	vadd.f32 v1, v0  }
0xd1: {  	v1 =	vld [tilespmem:s29+$0x490]  }
0xd2: {  	v0 =	vadd.f32 v2, v0;
	_ =	sdelay $0x1  }
0xd3: {  	v0 =	vadd.f32 v3, v0;
	_ =	sdelay $0x1  }
0xd4: {  	v0 =	vadd.f32 v1, v0;
	_ =	sdelay $0x1  }
0xd5: {  	v0 =	vmul.f32 $5.000000070e-02, v0;
	_ =	sdelay $0x1  }
0xd6: {  	[tilespmem:s30+$0x15010] =	vst v0  }
0xd7: {  	v0 =	vld [tilespmem:s29+$0xFFFFFB20]  }
0xd8: {  	v1 =	vld [tilespmem:s29+$0xFFFFFBA0];
	_ =	sdelay $0x1  }
0xd9: {  	v2 =	vld [tilespmem:s29+$0xFFFFFC20];
	_ =	sdelay $0x1  }
0xda: {  	v3 =	vld [tilespmem:s29+$0xFFFFFCA0]  }
0xdb: {  	v0 =	vadd.f32 v1, v0  }
0xdc: {  	v1 =	vld [tilespmem:s29+$0xFFFFFD20]  }
0xdd: {  	v0 =	vadd.f32 v2, v0  }
0xde: {  	v2 =	vld [tilespmem:s29+$0xFFFFFDA0]  }
0xdf: {  	v0 =	vadd.f32 v3, v0  }
0xe0: {  	v3 =	vld [tilespmem:s29+$0xFFFFFE20]  }
0xe1: {  	v0 =	vadd.f32 v1, v0  }
0xe2: {  	v1 =	vld [tilespmem:s29+$0xFFFFFEA0]  }
0xe3: {  	v0 =	vadd.f32 v2, v0  }
0xe4: {  	v2 =	vld [tilespmem:s29+$0xFFFFFF20]  }
0xe5: {  	v0 =	vadd.f32 v3, v0  }
0xe6: {  	v3 =	vld [tilespmem:s29+$0xFFFFFFA0]  }
0xe7: {  	v0 =	vadd.f32 v1, v0  }
0xe8: {  	v1 =	vld [tilespmem:s29+$0x20]  }
0xe9: {  	v0 =	vadd.f32 v2, v0  }
0xea: {  	v2 =	vld [tilespmem:s29+$0xA0]  }
0xeb: {  	v0 =	vadd.f32 v3, v0  }
0xec: {  	v3 =	vld [tilespmem:s29+$0x120]  }
0xed: {  	v0 =	vadd.f32 v1, v0  }
0xee: {  	v1 =	vld [tilespmem:s29+$0x1A0]  }
0xef: {  	v0 =	vadd.f32 v2, v0  }
0xf0: {  	v2 =	vld [tilespmem:s29+$0x220]  }
0xf1: {  	v0 =	vadd.f32 v3, v0  }
0xf2: {  	v3 =	vld [tilespmem:s29+$0x2A0]  }
0xf3: {  	v0 =	vadd.f32 v1, v0  }
0xf4: {  	v1 =	vld [tilespmem:s29+$0x320]  }
0xf5: {  	v0 =	vadd.f32 v2, v0  }
0xf6: {  	v2 =	vld [tilespmem:s29+$0x3A0]  }
0xf7: {  	v0 =	vadd.f32 v3, v0  }
0xf8: {  	v3 =	vld [tilespmem:s29+$0x420]  }
0xf9: {  	v0 =	vadd.f32 v1, v0  }
0xfa: {  	v1 =	vld [tilespmem:s29+$0x4A0]  }
0xfb: {  	v0 =	vadd.f32 v2, v0;
	_ =	sdelay $0x1  }
0xfc: {  	v0 =	vadd.f32 v3, v0;
	_ =	sdelay $0x1  }
0xfd: {  	v0 =	vadd.f32 v1, v0;
	_ =	sdelay $0x1  }
0xfe: {  	v0 =	vmul.f32 $5.000000070e-02, v0;
	_ =	sdelay $0x1  }
0xff: {  	[tilespmem:s30+$0x15020] =	vst v0  }
0x100: {  	v0 =	vld [tilespmem:s29+$0xFFFFFB30]  }
0x101: {  	v1 =	vld [tilespmem:s29+$0xFFFFFBB0];
	_ =	sdelay $0x1  }
0x102: {  	v2 =	vld [tilespmem:s29+$0xFFFFFC30];
	_ =	sdelay $0x1  }
0x103: {  	v3 =	vld [tilespmem:s29+$0xFFFFFCB0]  }
0x104: {  	v0 =	vadd.f32 v1, v0  }
0x105: {  	v1 =	vld [tilespmem:s29+$0xFFFFFD30]  }
0x106: {  	v0 =	vadd.f32 v2, v0  }
0x107: {  	v2 =	vld [tilespmem:s29+$0xFFFFFDB0]  }
0x108: {  	v0 =	vadd.f32 v3, v0  }
0x109: {  	v3 =	vld [tilespmem:s29+$0xFFFFFE30]  }
0x10a: {  	v0 =	vadd.f32 v1, v0  }
0x10b: {  	v1 =	vld [tilespmem:s29+$0xFFFFFEB0]  }
0x10c: {  	v0 =	vadd.f32 v2, v0  }
0x10d: {  	v2 =	vld [tilespmem:s29+$0xFFFFFF30]  }
0x10e: {  	v0 =	vadd.f32 v3, v0  }
0x10f: {  	v3 =	vld [tilespmem:s29+$0xFFFFFFB0]  }
0x110: {  	v0 =	vadd.f32 v1, v0  }
0x111: {  	v1 =	vld [tilespmem:s29+$0x30]  }
0x112: {  	v0 =	vadd.f32 v2, v0  }
0x113: {  	v2 =	vld [tilespmem:s29+$0xB0]  }
0x114: {  	v0 =	vadd.f32 v3, v0  }
0x115: {  	v3 =	vld [tilespmem:s29+$0x130]  }
0x116: {  	v0 =	vadd.f32 v1, v0  }
0x117: {  	v1 =	vld [tilespmem:s29+$0x1B0]  }
0x118: {  	v0 =	vadd.f32 v2, v0  }
0x119: {  	v2 =	vld [tilespmem:s29+$0x230]  }
0x11a: {  	v0 =	vadd.f32 v3, v0  }
0x11b: {  	v3 =	vld [tilespmem:s29+$0x2B0]  }
0x11c: {  	v0 =	vadd.f32 v1, v0  }
0x11d: {  	v1 =	vld [tilespmem:s29+$0x330]  }
0x11e: {  	v0 =	vadd.f32 v2, v0  }
0x11f: {  	v2 =	vld [tilespmem:s29+$0x3B0]  }
0x120: {  	v0 =	vadd.f32 v3, v0  }
0x121: {  	v3 =	vld [tilespmem:s29+$0x430]  }
0x122: {  	v0 =	vadd.f32 v1, v0  }
0x123: {  	v1 =	vld [tilespmem:s29+$0x4B0]  }
0x124: {  	v0 =	vadd.f32 v2, v0;
	_ =	sdelay $0x1  }
0x125: {  	v0 =	vadd.f32 v3, v0;
	_ =	sdelay $0x1  }
0x126: {  	v0 =	vadd.f32 v1, v0;
	_ =	sdelay $0x1  }
0x127: {  	v0 =	vmul.f32 $5.000000070e-02, v0;
	_ =	sdelay $0x1  }
0x128: {  	[tilespmem:s30+$0x15030] =	vst v0  }
0x129: {  	v0 =	vld [tilespmem:s29+$0xFFFFFB40]  }
0x12a: {  	v1 =	vld [tilespmem:s29+$0xFFFFFBC0];
	_ =	sdelay $0x1  }
0x12b: {  	v2 =	vld [tilespmem:s29+$0xFFFFFC40];
	_ =	sdelay $0x1  }
0x12c: {  	v3 =	vld [tilespmem:s29+$0xFFFFFCC0]  }
0x12d: {  	v0 =	vadd.f32 v1, v0  }
0x12e: {  	v1 =	vld [tilespmem:s29+$0xFFFFFD40]  }
0x12f: {  	v0 =	vadd.f32 v2, v0  }
0x130: {  	v2 =	vld [tilespmem:s29+$0xFFFFFDC0]  }
0x131: {  	v0 =	vadd.f32 v3, v0  }
0x132: {  	v3 =	vld [tilespmem:s29+$0xFFFFFE40]  }
0x133: {  	v0 =	vadd.f32 v1, v0  }
0x134: {  	v1 =	vld [tilespmem:s29+$0xFFFFFEC0]  }
0x135: {  	v0 =	vadd.f32 v2, v0  }
0x136: {  	v2 =	vld [tilespmem:s29+$0xFFFFFF40]  }
0x137: {  	v0 =	vadd.f32 v3, v0  }
0x138: {  	v3 =	vld [tilespmem:s29+$0xFFFFFFC0]  }
0x139: {  	v0 =	vadd.f32 v1, v0  }
0x13a: {  	v1 =	vld [tilespmem:s29+$0x40]  }
0x13b: {  	v0 =	vadd.f32 v2, v0  }
0x13c: {  	v2 =	vld [tilespmem:s29+$0xC0]  }
0x13d: {  	v0 =	vadd.f32 v3, v0  }
0x13e: {  	v3 =	vld [tilespmem:s29+$0x140]  }
0x13f: {  	v0 =	vadd.f32 v1, v0  }
0x140: {  	v1 =	vld [tilespmem:s29+$0x1C0]  }
0x141: {  	v0 =	vadd.f32 v2, v0  }
0x142: {  	v2 =	vld [tilespmem:s29+$0x240]  }
0x143: {  	v0 =	vadd.f32 v3, v0  }
0x144: {  	v3 =	vld [tilespmem:s29+$0x2C0]  }
0x145: {  	v0 =	vadd.f32 v1, v0  }
0x146: {  	v1 =	vld [tilespmem:s29+$0x340]  }
0x147: {  	v0 =	vadd.f32 v2, v0  }
0x148: {  	v2 =	vld [tilespmem:s29+$0x3C0]  }
0x149: {  	v0 =	vadd.f32 v3, v0  }
0x14a: {  	v3 =	vld [tilespmem:s29+$0x440]  }
0x14b: {  	v0 =	vadd.f32 v1, v0  }
0x14c: {  	v1 =	vld [tilespmem:s29+$0x4C0]  }
0x14d: {  	v0 =	vadd.f32 v2, v0;
	_ =	sdelay $0x1  }
0x14e: {  	v0 =	vadd.f32 v3, v0;
	_ =	sdelay $0x1  }
0x14f: {  	v0 =	vadd.f32 v1, v0;
	_ =	sdelay $0x1  }
0x150: {  	v0 =	vmul.f32 $5.000000070e-02, v0;
	_ =	sdelay $0x1  }
0x151: {  	[tilespmem:s30+$0x15040] =	vst v0  }
0x152: {  	v0 =	vld [tilespmem:s29+$0xFFFFFB50]  }
0x153: {  	v1 =	vld [tilespmem:s29+$0xFFFFFBD0];
	_ =	sdelay $0x1  }
0x154: {  	v2 =	vld [tilespmem:s29+$0xFFFFFC50];
	_ =	sdelay $0x1  }
0x155: {  	v3 =	vld [tilespmem:s29+$0xFFFFFCD0]  }
0x156: {  	v0 =	vadd.f32 v1, v0  }
0x157: {  	v1 =	vld [tilespmem:s29+$0xFFFFFD50]  }
0x158: {  	v0 =	vadd.f32 v2, v0  }
0x159: {  	v2 =	vld [tilespmem:s29+$0xFFFFFDD0]  }
0x15a: {  	v0 =	vadd.f32 v3, v0  }
0x15b: {  	v3 =	vld [tilespmem:s29+$0xFFFFFE50]  }
0x15c: {  	v0 =	vadd.f32 v1, v0  }
0x15d: {  	v1 =	vld [tilespmem:s29+$0xFFFFFED0]  }
0x15e: {  	v0 =	vadd.f32 v2, v0  }
0x15f: {  	v2 =	vld [tilespmem:s29+$0xFFFFFF50]  }
0x160: {  	v0 =	vadd.f32 v3, v0  }
0x161: {  	v3 =	vld [tilespmem:s29+$0xFFFFFFD0]  }
0x162: {  	v0 =	vadd.f32 v1, v0  }
0x163: {  	v1 =	vld [tilespmem:s29+$0x50]  }
0x164: {  	v0 =	vadd.f32 v2, v0  }
0x165: {  	v2 =	vld [tilespmem:s29+$0xD0]  }
0x166: {  	v0 =	vadd.f32 v3, v0  }
0x167: {  	v3 =	vld [tilespmem:s29+$0x150]  }
0x168: {  	v0 =	vadd.f32 v1, v0  }
0x169: {  	v1 =	vld [tilespmem:s29+$0x1D0]  }
0x16a: {  	v0 =	vadd.f32 v2, v0  }
0x16b: {  	v2 =	vld [tilespmem:s29+$0x250]  }
0x16c: {  	v0 =	vadd.f32 v3, v0  }
0x16d: {  	v3 =	vld [tilespmem:s29+$0x2D0]  }
0x16e: {  	v0 =	vadd.f32 v1, v0  }
0x16f: {  	v1 =	vld [tilespmem:s29+$0x350]  }
0x170: {  	v0 =	vadd.f32 v2, v0  }
0x171: {  	v2 =	vld [tilespmem:s29+$0x3D0]  }
0x172: {  	v0 =	vadd.f32 v3, v0  }
0x173: {  	v3 =	vld [tilespmem:s29+$0x450]  }
0x174: {  	v0 =	vadd.f32 v1, v0  }
0x175: {  	v1 =	vld [tilespmem:s29+$0x4D0]  }
0x176: {  	v0 =	vadd.f32 v2, v0;
	_ =	sdelay $0x1  }
0x177: {  	v0 =	vadd.f32 v3, v0;
	_ =	sdelay $0x1  }
0x178: {  	v0 =	vadd.f32 v1, v0;
	_ =	sdelay $0x1  }
0x179: {  	v0 =	vmul.f32 $5.000000070e-02, v0;
	_ =	sdelay $0x1  }
0x17a: {  	[tilespmem:s30+$0x15050] =	vst v0  }
0x17b: {  	v0 =	vld [tilespmem:s29+$0xFFFFFB60]  }
0x17c: {  	v1 =	vld [tilespmem:s29+$0xFFFFFBE0];
	_ =	sdelay $0x1  }
0x17d: {  	v2 =	vld [tilespmem:s29+$0xFFFFFC60];
	_ =	sdelay $0x1  }
0x17e: {  	v3 =	vld [tilespmem:s29+$0xFFFFFCE0]  }
0x17f: {  	v0 =	vadd.f32 v1, v0  }
0x180: {  	v1 =	vld [tilespmem:s29+$0xFFFFFD60]  }
0x181: {  	v0 =	vadd.f32 v2, v0  }
0x182: {  	v2 =	vld [tilespmem:s29+$0xFFFFFDE0]  }
0x183: {  	v0 =	vadd.f32 v3, v0  }
0x184: {  	v3 =	vld [tilespmem:s29+$0xFFFFFE60]  }
0x185: {  	v0 =	vadd.f32 v1, v0  }
0x186: {  	v1 =	vld [tilespmem:s29+$0xFFFFFEE0]  }
0x187: {  	v0 =	vadd.f32 v2, v0  }
0x188: {  	v2 =	vld [tilespmem:s29+$0xFFFFFF60]  }
0x189: {  	v0 =	vadd.f32 v3, v0  }
0x18a: {  	v3 =	vld [tilespmem:s29+$0xFFFFFFE0]  }
0x18b: {  	v0 =	vadd.f32 v1, v0  }
0x18c: {  	v1 =	vld [tilespmem:s29+$0x60]  }
0x18d: {  	v0 =	vadd.f32 v2, v0  }
0x18e: {  	v2 =	vld [tilespmem:s29+$0xE0]  }
0x18f: {  	v0 =	vadd.f32 v3, v0  }
0x190: {  	v3 =	vld [tilespmem:s29+$0x160]  }
0x191: {  	v0 =	vadd.f32 v1, v0  }
0x192: {  	v1 =	vld [tilespmem:s29+$0x1E0]  }
0x193: {  	v0 =	vadd.f32 v2, v0  }
0x194: {  	v2 =	vld [tilespmem:s29+$0x260]  }
0x195: {  	v0 =	vadd.f32 v3, v0  }
0x196: {  	v3 =	vld [tilespmem:s29+$0x2E0]  }
0x197: {  	v0 =	vadd.f32 v1, v0  }
0x198: {  	v1 =	vld [tilespmem:s29+$0x360]  }
0x199: {  	v0 =	vadd.f32 v2, v0  }
0x19a: {  	v2 =	vld [tilespmem:s29+$0x3E0]  }
0x19b: {  	v0 =	vadd.f32 v3, v0  }
0x19c: {  	v3 =	vld [tilespmem:s29+$0x460]  }
0x19d: {  	v0 =	vadd.f32 v1, v0  }
0x19e: {  	v1 =	vld [tilespmem:s29+$0x4E0]  }
0x19f: {  	v0 =	vadd.f32 v2, v0;
	_ =	sdelay $0x1  }
0x1a0: {  	v0 =	vadd.f32 v3, v0;
	_ =	sdelay $0x1  }
0x1a1: {  	v0 =	vadd.f32 v1, v0;
	_ =	sdelay $0x1  }
0x1a2: {  	v0 =	vmul.f32 $5.000000070e-02, v0;
	_ =	sdelay $0x1  }
0x1a3: {  	[tilespmem:s30+$0x15060] =	vst v0  }
0x1a4: {  	v0 =	vld [tilespmem:s29+$0xFFFFFB70]  }
0x1a5: {  	v1 =	vld [tilespmem:s29+$0xFFFFFBF0];
	_ =	sdelay $0x1  }
0x1a6: {  	v2 =	vld [tilespmem:s29+$0xFFFFFC70];
	_ =	sdelay $0x1  }
0x1a7: {  	v3 =	vld [tilespmem:s29+$0xFFFFFCF0]  }
0x1a8: {  	v0 =	vadd.f32 v1, v0  }
0x1a9: {  	v1 =	vld [tilespmem:s29+$0xFFFFFD70]  }
0x1aa: {  	v0 =	vadd.f32 v2, v0  }
0x1ab: {  	v2 =	vld [tilespmem:s29+$0xFFFFFDF0]  }
0x1ac: {  	v0 =	vadd.f32 v3, v0  }
0x1ad: {  	v3 =	vld [tilespmem:s29+$0xFFFFFE70]  }
0x1ae: {  	v0 =	vadd.f32 v1, v0  }
0x1af: {  	v1 =	vld [tilespmem:s29+$0xFFFFFEF0]  }
0x1b0: {  	v0 =	vadd.f32 v2, v0  }
0x1b1: {  	v2 =	vld [tilespmem:s29+$0xFFFFFF70]  }
0x1b2: {  	v0 =	vadd.f32 v3, v0  }
0x1b3: {  	v3 =	vld [tilespmem:s29+$0xFFFFFFF0]  }
0x1b4: {  	v0 =	vadd.f32 v1, v0  }
0x1b5: {  	v1 =	vld [tilespmem:s29+$0x70]  }
0x1b6: {  	v0 =	vadd.f32 v2, v0  }
0x1b7: {  	v2 =	vld [tilespmem:s29+$0xF0]  }
0x1b8: {  	v0 =	vadd.f32 v3, v0  }
0x1b9: {  	v3 =	vld [tilespmem:s29+$0x170]  }
0x1ba: {  	v0 =	vadd.f32 v1, v0  }
0x1bb: {  	v1 =	vld [tilespmem:s29+$0x1F0]  }
0x1bc: {  	v0 =	vadd.f32 v2, v0  }
0x1bd: {  	v2 =	vld [tilespmem:s29+$0x270]  }
0x1be: {  	v0 =	vadd.f32 v3, v0  }
0x1bf: {  	v3 =	vld [tilespmem:s29+$0x2F0]  }
0x1c0: {  	v0 =	vadd.f32 v1, v0  }
0x1c1: {  	v4 =	vld [tilespmem:s29+$0x370]  }
0x1c2: {  	v0 =	vadd.f32 v2, v0  }
0x1c3: {  	v2 =	vld [tilespmem:s29+$0x3F0]  }
0x1c4: {  	v3 =	vadd.f32 v3, v0  }
0x1c5: {  	v0 =	vld [tilespmem:s29+$0x470]  }
0x1c6: {  	s31 =	simm.s32 $0x200;
	v1 =	vld [tilespmem:s29+$0x4F0];
	v3 =	vadd.f32 v4, v3  }
.LBB2_2:
0x1c7: {  	p0 =	sne.s32 s31, $0x1E00  }
0x1c8: {  	s29 =	sadd.s32 $0xA00, s29;
	s0 =	smov.u32 s31;
	s31 =	sadd.s32 $0x200, s31;
	v2 =	vadd.f32 v2, v3  }
0x1c9: {  	_ = 	snop  }
0x1ca: {  	v0 =	vadd.f32 v0, v2;
	_ =	sdelay $0x1  }
0x1cb: {  	v0 =	vadd.f32 v1, v0;
	_ =	sdelay $0x1  }
0x1cc: {  	v0 =	vmul.f32 $5.000000070e-02, v0;
	_ =	sdelay $0x1  }
0x1cd: {  	[tilespmem:s30+$0x15070] =	vst v0  }
0x1ce: {  	v0 =	vld [tilespmem:s29+$0xFFFFFB80]  }
0x1cf: {  	v1 =	vld [tilespmem:s29+$0xFFFFFB00]  }
0x1d0: {  	v2 =	vld [tilespmem:s29+$0xFFFFFC00];
	_ =	sdelay $0x2  }
0x1d1: {  	v3 =	vld [tilespmem:s29+$0xFFFFFC80]  }
0x1d2: {  	v0 =	vadd.f32 v0, v1  }
0x1d3: {  	v1 =	vld [tilespmem:s29+$0xFFFFFD00]  }
0x1d4: {  	v0 =	vadd.f32 v2, v0  }
0x1d5: {  	v2 =	vld [tilespmem:s29+$0xFFFFFD80]  }
0x1d6: {  	v0 =	vadd.f32 v3, v0  }
0x1d7: {  	v3 =	vld [tilespmem:s29+$0xFFFFFE00]  }
0x1d8: {  	v0 =	vadd.f32 v1, v0  }
0x1d9: {  	v1 =	vld [tilespmem:s29+$0xFFFFFE80]  }
0x1da: {  	v0 =	vadd.f32 v2, v0  }
0x1db: {  	v2 =	vld [tilespmem:s29+$0xFFFFFF00]  }
0x1dc: {  	v0 =	vadd.f32 v3, v0  }
0x1dd: {  	v3 =	vld [tilespmem:s29+$0xFFFFFF80]  }
0x1de: {  	v0 =	vadd.f32 v1, v0  }
0x1df: {  	v1 =	vld [tilespmem:s29+$0x0]  }
0x1e0: {  	v0 =	vadd.f32 v2, v0  }
0x1e1: {  	v2 =	vld [tilespmem:s29+$0x80]  }
0x1e2: {  	v0 =	vadd.f32 v3, v0  }
0x1e3: {  	v3 =	vld [tilespmem:s29+$0x100]  }
0x1e4: {  	v0 =	vadd.f32 v1, v0  }
0x1e5: {  	v1 =	vld [tilespmem:s29+$0x180]  }
0x1e6: {  	v0 =	vadd.f32 v2, v0  }
0x1e7: {  	v2 =	vld [tilespmem:s29+$0x200]  }
0x1e8: {  	v0 =	vadd.f32 v3, v0  }
0x1e9: {  	v3 =	vld [tilespmem:s29+$0x280]  }
0x1ea: {  	v0 =	vadd.f32 v1, v0  }
0x1eb: {  	v1 =	vld [tilespmem:s29+$0x300]  }
0x1ec: {  	v0 =	vadd.f32 v2, v0  }
0x1ed: {  	v2 =	vld [tilespmem:s29+$0x380]  }
0x1ee: {  	v0 =	vadd.f32 v3, v0  }
0x1ef: {  	v3 =	vld [tilespmem:s29+$0x400]  }
0x1f0: {  	v0 =	vadd.f32 v1, v0  }
0x1f1: {  	v1 =	vld [tilespmem:s29+$0x480]  }
0x1f2: {  	v0 =	vadd.f32 v2, v0;
	_ =	sdelay $0x1  }
0x1f3: {  	v0 =	vadd.f32 v3, v0;
	_ =	sdelay $0x1  }
0x1f4: {  	v0 =	vadd.f32 v1, v0;
	_ =	sdelay $0x1  }
0x1f5: {  	v0 =	vmul.f32 $5.000000070e-02, v0  }
0x1f6: {  	s30 =	sshra.s32 s0, $0x2  }
0x1f7: {  	[tilespmem:s30+$0x15000] =	vst v0  }
0x1f8: {  	v0 =	vld [tilespmem:s29+$0xFFFFFB10]  }
0x1f9: {  	v1 =	vld [tilespmem:s29+$0xFFFFFB90];
	_ =	sdelay $0x1  }
0x1fa: {  	v2 =	vld [tilespmem:s29+$0xFFFFFC10];
	_ =	sdelay $0x1  }
0x1fb: {  	v3 =	vld [tilespmem:s29+$0xFFFFFC90]  }
0x1fc: {  	v0 =	vadd.f32 v1, v0  }
0x1fd: {  	v1 =	vld [tilespmem:s29+$0xFFFFFD10]  }
0x1fe: {  	v0 =	vadd.f32 v2, v0  }
0x1ff: {  	v2 =	vld [tilespmem:s29+$0xFFFFFD90]  }
0x200: {  	v0 =	vadd.f32 v3, v0  }
0x201: {  	v3 =	vld [tilespmem:s29+$0xFFFFFE10]  }
0x202: {  	v0 =	vadd.f32 v1, v0  }
0x203: {  	v1 =	vld [tilespmem:s29+$0xFFFFFE90]  }
0x204: {  	v0 =	vadd.f32 v2, v0  }
0x205: {  	v2 =	vld [tilespmem:s29+$0xFFFFFF10]  }
0x206: {  	v0 =	vadd.f32 v3, v0  }
0x207: {  	v3 =	vld [tilespmem:s29+$0xFFFFFF90]  }
0x208: {  	v0 =	vadd.f32 v1, v0  }
0x209: {  	v1 =	vld [tilespmem:s29+$0x10]  }
0x20a: {  	v0 =	vadd.f32 v2, v0  }
0x20b: {  	v2 =	vld [tilespmem:s29+$0x90]  }
0x20c: {  	v0 =	vadd.f32 v3, v0  }
0x20d: {  	v3 =	vld [tilespmem:s29+$0x110]  }
0x20e: {  	v0 =	vadd.f32 v1, v0  }
0x20f: {  	v1 =	vld [tilespmem:s29+$0x190]  }
0x210: {  	v0 =	vadd.f32 v2, v0  }
0x211: {  	v2 =	vld [tilespmem:s29+$0x210]  }
0x212: {  	v0 =	vadd.f32 v3, v0  }
0x213: {  	v3 =	vld [tilespmem:s29+$0x290]  }
0x214: {  	v0 =	vadd.f32 v1, v0  }
0x215: {  	v1 =	vld [tilespmem:s29+$0x310]  }
0x216: {  	v0 =	vadd.f32 v2, v0  }
0x217: {  	v2 =	vld [tilespmem:s29+$0x390]  }
0x218: {  	v0 =	vadd.f32 v3, v0  }
0x219: {  	v3 =	vld [tilespmem:s29+$0x410]  }
0x21a: {  	v0 =	vadd.f32 v1, v0  }
0x21b: {  	v1 =	vld [tilespmem:s29+$0x490]  }
0x21c: {  	v0 =	vadd.f32 v2, v0;
	_ =	sdelay $0x1  }
0x21d: {  	v0 =	vadd.f32 v3, v0;
	_ =	sdelay $0x1  }
0x21e: {  	v0 =	vadd.f32 v1, v0;
	_ =	sdelay $0x1  }
0x21f: {  	v0 =	vmul.f32 $5.000000070e-02, v0;
	_ =	sdelay $0x1  }
0x220: {  	[tilespmem:s30+$0x15010] =	vst v0  }
0x221: {  	v0 =	vld [tilespmem:s29+$0xFFFFFB20]  }
0x222: {  	v1 =	vld [tilespmem:s29+$0xFFFFFBA0];
	_ =	sdelay $0x1  }
0x223: {  	v2 =	vld [tilespmem:s29+$0xFFFFFC20];
	_ =	sdelay $0x1  }
0x224: {  	v3 =	vld [tilespmem:s29+$0xFFFFFCA0]  }
0x225: {  	v0 =	vadd.f32 v1, v0  }
0x226: {  	v1 =	vld [tilespmem:s29+$0xFFFFFD20]  }
0x227: {  	v0 =	vadd.f32 v2, v0  }
0x228: {  	v2 =	vld [tilespmem:s29+$0xFFFFFDA0]  }
0x229: {  	v0 =	vadd.f32 v3, v0  }
0x22a: {  	v3 =	vld [tilespmem:s29+$0xFFFFFE20]  }
0x22b: {  	v0 =	vadd.f32 v1, v0  }
0x22c: {  	v1 =	vld [tilespmem:s29+$0xFFFFFEA0]  }
0x22d: {  	v0 =	vadd.f32 v2, v0  }
0x22e: {  	v2 =	vld [tilespmem:s29+$0xFFFFFF20]  }
0x22f: {  	v0 =	vadd.f32 v3, v0  }
0x230: {  	v3 =	vld [tilespmem:s29+$0xFFFFFFA0]  }
0x231: {  	v0 =	vadd.f32 v1, v0  }
0x232: {  	v1 =	vld [tilespmem:s29+$0x20]  }
0x233: {  	v0 =	vadd.f32 v2, v0  }
0x234: {  	v2 =	vld [tilespmem:s29+$0xA0]  }
0x235: {  	v0 =	vadd.f32 v3, v0  }
0x236: {  	v3 =	vld [tilespmem:s29+$0x120]  }
0x237: {  	v0 =	vadd.f32 v1, v0  }
0x238: {  	v1 =	vld [tilespmem:s29+$0x1A0]  }
0x239: {  	v0 =	vadd.f32 v2, v0  }
0x23a: {  	v2 =	vld [tilespmem:s29+$0x220]  }
0x23b: {  	v0 =	vadd.f32 v3, v0  }
0x23c: {  	v3 =	vld [tilespmem:s29+$0x2A0]  }
0x23d: {  	v0 =	vadd.f32 v1, v0  }
0x23e: {  	v1 =	vld [tilespmem:s29+$0x320]  }
0x23f: {  	v0 =	vadd.f32 v2, v0  }
0x240: {  	v2 =	vld [tilespmem:s29+$0x3A0]  }
0x241: {  	v0 =	vadd.f32 v3, v0  }
0x242: {  	v3 =	vld [tilespmem:s29+$0x420]  }
0x243: {  	v0 =	vadd.f32 v1, v0  }
0x244: {  	v1 =	vld [tilespmem:s29+$0x4A0]  }
0x245: {  	v0 =	vadd.f32 v2, v0;
	_ =	sdelay $0x1  }
0x246: {  	v0 =	vadd.f32 v3, v0;
	_ =	sdelay $0x1  }
0x247: {  	v0 =	vadd.f32 v1, v0;
	_ =	sdelay $0x1  }
0x248: {  	v0 =	vmul.f32 $5.000000070e-02, v0;
	_ =	sdelay $0x1  }
0x249: {  	[tilespmem:s30+$0x15020] =	vst v0  }
0x24a: {  	v0 =	vld [tilespmem:s29+$0xFFFFFB30]  }
0x24b: {  	v1 =	vld [tilespmem:s29+$0xFFFFFBB0];
	_ =	sdelay $0x1  }
0x24c: {  	v2 =	vld [tilespmem:s29+$0xFFFFFC30];
	_ =	sdelay $0x1  }
0x24d: {  	v3 =	vld [tilespmem:s29+$0xFFFFFCB0]  }
0x24e: {  	v0 =	vadd.f32 v1, v0  }
0x24f: {  	v1 =	vld [tilespmem:s29+$0xFFFFFD30]  }
0x250: {  	v0 =	vadd.f32 v2, v0  }
0x251: {  	v2 =	vld [tilespmem:s29+$0xFFFFFDB0]  }
0x252: {  	v0 =	vadd.f32 v3, v0  }
0x253: {  	v3 =	vld [tilespmem:s29+$0xFFFFFE30]  }
0x254: {  	v0 =	vadd.f32 v1, v0  }
0x255: {  	v1 =	vld [tilespmem:s29+$0xFFFFFEB0]  }
0x256: {  	v0 =	vadd.f32 v2, v0  }
0x257: {  	v2 =	vld [tilespmem:s29+$0xFFFFFF30]  }
0x258: {  	v0 =	vadd.f32 v3, v0  }
0x259: {  	v3 =	vld [tilespmem:s29+$0xFFFFFFB0]  }
0x25a: {  	v0 =	vadd.f32 v1, v0  }
0x25b: {  	v1 =	vld [tilespmem:s29+$0x30]  }
0x25c: {  	v0 =	vadd.f32 v2, v0  }
0x25d: {  	v2 =	vld [tilespmem:s29+$0xB0]  }
0x25e: {  	v0 =	vadd.f32 v3, v0  }
0x25f: {  	v3 =	vld [tilespmem:s29+$0x130]  }
0x260: {  	v0 =	vadd.f32 v1, v0  }
0x261: {  	v1 =	vld [tilespmem:s29+$0x1B0]  }
0x262: {  	v0 =	vadd.f32 v2, v0  }
0x263: {  	v2 =	vld [tilespmem:s29+$0x230]  }
0x264: {  	v0 =	vadd.f32 v3, v0  }
0x265: {  	v3 =	vld [tilespmem:s29+$0x2B0]  }
0x266: {  	v0 =	vadd.f32 v1, v0  }
0x267: {  	v1 =	vld [tilespmem:s29+$0x330]  }
0x268: {  	v0 =	vadd.f32 v2, v0  }
0x269: {  	v2 =	vld [tilespmem:s29+$0x3B0]  }
0x26a: {  	v0 =	vadd.f32 v3, v0  }
0x26b: {  	v3 =	vld [tilespmem:s29+$0x430]  }
0x26c: {  	v0 =	vadd.f32 v1, v0  }
0x26d: {  	v1 =	vld [tilespmem:s29+$0x4B0]  }
0x26e: {  	v0 =	vadd.f32 v2, v0;
	_ =	sdelay $0x1  }
0x26f: {  	v0 =	vadd.f32 v3, v0;
	_ =	sdelay $0x1  }
0x270: {  	v0 =	vadd.f32 v1, v0;
	_ =	sdelay $0x1  }
0x271: {  	v0 =	vmul.f32 $5.000000070e-02, v0;
	_ =	sdelay $0x1  }
0x272: {  	[tilespmem:s30+$0x15030] =	vst v0  }
0x273: {  	v0 =	vld [tilespmem:s29+$0xFFFFFB40]  }
0x274: {  	v1 =	vld [tilespmem:s29+$0xFFFFFBC0];
	_ =	sdelay $0x1  }
0x275: {  	v2 =	vld [tilespmem:s29+$0xFFFFFC40];
	_ =	sdelay $0x1  }
0x276: {  	v3 =	vld [tilespmem:s29+$0xFFFFFCC0]  }
0x277: {  	v0 =	vadd.f32 v1, v0  }
0x278: {  	v1 =	vld [tilespmem:s29+$0xFFFFFD40]  }
0x279: {  	v0 =	vadd.f32 v2, v0  }
0x27a: {  	v2 =	vld [tilespmem:s29+$0xFFFFFDC0]  }
0x27b: {  	v0 =	vadd.f32 v3, v0  }
0x27c: {  	v3 =	vld [tilespmem:s29+$0xFFFFFE40]  }
0x27d: {  	v0 =	vadd.f32 v1, v0  }
0x27e: {  	v1 =	vld [tilespmem:s29+$0xFFFFFEC0]  }
0x27f: {  	v0 =	vadd.f32 v2, v0  }
0x280: {  	v2 =	vld [tilespmem:s29+$0xFFFFFF40]  }
0x281: {  	v0 =	vadd.f32 v3, v0  }
0x282: {  	v3 =	vld [tilespmem:s29+$0xFFFFFFC0]  }
0x283: {  	v0 =	vadd.f32 v1, v0  }
0x284: {  	v1 =	vld [tilespmem:s29+$0x40]  }
0x285: {  	v0 =	vadd.f32 v2, v0  }
0x286: {  	v2 =	vld [tilespmem:s29+$0xC0]  }
0x287: {  	v0 =	vadd.f32 v3, v0  }
0x288: {  	v3 =	vld [tilespmem:s29+$0x140]  }
0x289: {  	v0 =	vadd.f32 v1, v0  }
0x28a: {  	v1 =	vld [tilespmem:s29+$0x1C0]  }
0x28b: {  	v0 =	vadd.f32 v2, v0  }
0x28c: {  	v2 =	vld [tilespmem:s29+$0x240]  }
0x28d: {  	v0 =	vadd.f32 v3, v0  }
0x28e: {  	v3 =	vld [tilespmem:s29+$0x2C0]  }
0x28f: {  	v0 =	vadd.f32 v1, v0  }
0x290: {  	v1 =	vld [tilespmem:s29+$0x340]  }
0x291: {  	v0 =	vadd.f32 v2, v0  }
0x292: {  	v2 =	vld [tilespmem:s29+$0x3C0]  }
0x293: {  	v0 =	vadd.f32 v3, v0  }
0x294: {  	v3 =	vld [tilespmem:s29+$0x440]  }
0x295: {  	v0 =	vadd.f32 v1, v0  }
0x296: {  	v1 =	vld [tilespmem:s29+$0x4C0]  }
0x297: {  	v0 =	vadd.f32 v2, v0;
	_ =	sdelay $0x1  }
0x298: {  	v0 =	vadd.f32 v3, v0;
	_ =	sdelay $0x1  }
0x299: {  	v0 =	vadd.f32 v1, v0;
	_ =	sdelay $0x1  }
0x29a: {  	v0 =	vmul.f32 $5.000000070e-02, v0;
	_ =	sdelay $0x1  }
0x29b: {  	[tilespmem:s30+$0x15040] =	vst v0  }
0x29c: {  	v0 =	vld [tilespmem:s29+$0xFFFFFB50]  }
0x29d: {  	v1 =	vld [tilespmem:s29+$0xFFFFFBD0]  }
0x29e: {  	v2 =	vld [tilespmem:s29+$0xFFFFFC50]  }
0x29f: {  	v3 =	vld [tilespmem:s29+$0xFFFFFCD0]  }
0x2a0: {  	v4 =	vld [tilespmem:s29+$0xFFFFFD50]  }
0x2a1: {  	v5 =	vld [tilespmem:s29+$0xFFFFFDD0]  }
0x2a2: {  	v0 =	vadd.f32 v1, v0;
	v1 =	vld [tilespmem:s29+$0xFFFFFE50]  }
0x2a3: {  	v6 =	vld [tilespmem:s29+$0xFFFFFED0]  }
0x2a4: {  	v0 =	vadd.f32 v2, v0;
	v2 =	vld [tilespmem:s29+$0xFFFFFF50]  }
0x2a5: {  	v7 =	vld [tilespmem:s29+$0xFFFFFFD0]  }
0x2a6: {  	v0 =	vadd.f32 v3, v0;
	v3 =	vld [tilespmem:s29+$0x50]  }
0x2a7: {  	v8 =	vld [tilespmem:s29+$0xD0]  }
0x2a8: {  	v0 =	vadd.f32 v4, v0;
	v4 =	vld [tilespmem:s29+$0x150]  }
0x2a9: {  	v9 =	vld [tilespmem:s29+$0x1D0]  }
0x2aa: {  	v0 =	vadd.f32 v5, v0;
	v5 =	vld [tilespmem:s29+$0x250]  }
0x2ab: {  	v10 =	vld [tilespmem:s29+$0x2D0]  }
0x2ac: {  	v0 =	vadd.f32 v1, v0;
	v1 =	vld [tilespmem:s29+$0x350]  }
0x2ad: {  	v11 =	vld [tilespmem:s29+$0x3D0]  }
0x2ae: {  	v0 =	vadd.f32 v6, v0;
	v6 =	vld [tilespmem:s29+$0x450]  }
0x2af: {  	v12 =	vld [tilespmem:s29+$0x4D0]  }
0x2b0: {  	v0 =	vadd.f32 v2, v0;
	_ =	sdelay $0x1  }
0x2b1: {  	v0 =	vadd.f32 v7, v0;
	_ =	sdelay $0x1  }
0x2b2: {  	v0 =	vadd.f32 v3, v0;
	_ =	sdelay $0x1  }
0x2b3: {  	v0 =	vadd.f32 v8, v0;
	_ =	sdelay $0x1  }
0x2b4: {  	v0 =	vadd.f32 v4, v0;
	_ =	sdelay $0x1  }
0x2b5: {  	v0 =	vadd.f32 v9, v0;
	_ =	sdelay $0x1  }
0x2b6: {  	v0 =	vadd.f32 v5, v0;
	_ =	sdelay $0x1  }
0x2b7: {  	v0 =	vadd.f32 v10, v0;
	_ =	sdelay $0x1  }
0x2b8: {  	v0 =	vadd.f32 v1, v0;
	_ =	sdelay $0x1  }
0x2b9: {  	v0 =	vadd.f32 v11, v0;
	_ =	sdelay $0x1  }
0x2ba: {  	v0 =	vadd.f32 v6, v0;
	_ =	sdelay $0x1  }
0x2bb: {  	v0 =	vadd.f32 v12, v0;
	_ =	sdelay $0x1  }
0x2bc: {  	v0 =	vmul.f32 $5.000000070e-02, v0;
	_ =	sdelay $0x1  }
0x2bd: {  	[tilespmem:s30+$0x15050] =	vst v0  }
0x2be: {  	v0 =	vld [tilespmem:s29+$0xFFFFFB60]  }
0x2bf: {  	v1 =	vld [tilespmem:s29+$0xFFFFFBE0]  }
0x2c0: {  	v2 =	vld [tilespmem:s29+$0xFFFFFC60]  }
0x2c1: {  	v3 =	vld [tilespmem:s29+$0xFFFFFCE0]  }
0x2c2: {  	v4 =	vld [tilespmem:s29+$0xFFFFFD60]  }
0x2c3: {  	v5 =	vld [tilespmem:s29+$0xFFFFFDE0]  }
0x2c4: {  	v0 =	vadd.f32 v1, v0;
	v1 =	vld [tilespmem:s29+$0xFFFFFE60]  }
0x2c5: {  	v6 =	vld [tilespmem:s29+$0xFFFFFEE0]  }
0x2c6: {  	v0 =	vadd.f32 v2, v0;
	v2 =	vld [tilespmem:s29+$0xFFFFFF60]  }
0x2c7: {  	v7 =	vld [tilespmem:s29+$0xFFFFFFE0]  }
0x2c8: {  	v0 =	vadd.f32 v3, v0;
	v3 =	vld [tilespmem:s29+$0x60]  }
0x2c9: {  	v8 =	vld [tilespmem:s29+$0xE0]  }
0x2ca: {  	v0 =	vadd.f32 v4, v0;
	v4 =	vld [tilespmem:s29+$0x160]  }
0x2cb: {  	v9 =	vld [tilespmem:s29+$0x1E0]  }
0x2cc: {  	v0 =	vadd.f32 v5, v0;
	v5 =	vld [tilespmem:s29+$0x260]  }
0x2cd: {  	v10 =	vld [tilespmem:s29+$0x2E0]  }
0x2ce: {  	v0 =	vadd.f32 v1, v0;
	v1 =	vld [tilespmem:s29+$0x360]  }
0x2cf: {  	v11 =	vld [tilespmem:s29+$0x3E0]  }
0x2d0: {  	v0 =	vadd.f32 v6, v0;
	v6 =	vld [tilespmem:s29+$0x460]  }
0x2d1: {  	v12 =	vld [tilespmem:s29+$0x4E0]  }
0x2d2: {  	v0 =	vadd.f32 v2, v0;
	_ =	sdelay $0x1  }
0x2d3: {  	v0 =	vadd.f32 v7, v0;
	_ =	sdelay $0x1  }
0x2d4: {  	v0 =	vadd.f32 v3, v0;
	_ =	sdelay $0x1  }
0x2d5: {  	v0 =	vadd.f32 v8, v0;
	_ =	sdelay $0x1  }
0x2d6: {  	v0 =	vadd.f32 v4, v0;
	_ =	sdelay $0x1  }
0x2d7: {  	v0 =	vadd.f32 v9, v0;
	_ =	sdelay $0x1  }
0x2d8: {  	v0 =	vadd.f32 v5, v0;
	_ =	sdelay $0x1  }
0x2d9: {  	v0 =	vadd.f32 v10, v0;
	_ =	sdelay $0x1  }
0x2da: {  	v0 =	vadd.f32 v1, v0;
	_ =	sdelay $0x1  }
0x2db: {  	v0 =	vadd.f32 v11, v0;
	_ =	sdelay $0x1  }
0x2dc: {  	v0 =	vadd.f32 v6, v0;
	_ =	sdelay $0x1  }
0x2dd: {  	v0 =	vadd.f32 v12, v0;
	_ =	sdelay $0x1  }
0x2de: {  	v0 =	vmul.f32 $5.000000070e-02, v0;
	_ =	sdelay $0x1  }
0x2df: {  	[tilespmem:s30+$0x15060] =	vst v0  }
0x2e0: {  	v0 =	vld [tilespmem:s29+$0xFFFFFB70]  }
0x2e1: {  	v1 =	vld [tilespmem:s29+$0xFFFFFBF0]  }
0x2e2: {  	v2 =	vld [tilespmem:s29+$0xFFFFFC70]  }
0x2e3: {  	v3 =	vld [tilespmem:s29+$0xFFFFFCF0]  }
0x2e4: {  	v4 =	vld [tilespmem:s29+$0xFFFFFD70]  }
0x2e5: {  	v5 =	vld [tilespmem:s29+$0xFFFFFDF0]  }
0x2e6: {  	v0 =	vadd.f32 v1, v0;
	v1 =	vld [tilespmem:s29+$0xFFFFFE70]  }
0x2e7: {  	v6 =	vld [tilespmem:s29+$0xFFFFFEF0]  }
0x2e8: {  	v0 =	vadd.f32 v2, v0;
	v7 =	vld [tilespmem:s29+$0xFFFFFF70]  }
0x2e9: {  	v8 =	vld [tilespmem:s29+$0xFFFFFFF0]  }
0x2ea: {  	v0 =	vadd.f32 v3, v0;
	v3 =	vld [tilespmem:s29+$0x70]  }
0x2eb: {  	v9 =	vld [tilespmem:s29+$0xF0]  }
0x2ec: {  	v0 =	vadd.f32 v4, v0;
	v4 =	vld [tilespmem:s29+$0x170]  }
0x2ed: {  	v10 =	vld [tilespmem:s29+$0x1F0]  }
0x2ee: {  	v0 =	vadd.f32 v5, v0;
	v5 =	vld [tilespmem:s29+$0x270]  }
0x2ef: {  	v11 =	vld [tilespmem:s29+$0x2F0]  }
0x2f0: {  	v0 =	vadd.f32 v1, v0;
	v12 =	vld [tilespmem:s29+$0x370]  }
0x2f1: {  	v2 =	vld [tilespmem:s29+$0x3F0]  }
0x2f2: {  	v6 =	vadd.f32 v6, v0;
	v0 =	vld [tilespmem:s29+$0x470]  }
0x2f3: {  	v1 =	vld [tilespmem:s29+$0x4F0]  }
0x2f4: {  	v6 =	vadd.f32 v7, v6;
	_ =	sdelay $0x1  }
0x2f5: {  	v6 =	vadd.f32 v8, v6;
	_ =	sdelay $0x1  }
0x2f6: {  	v3 =	vadd.f32 v3, v6;
	_ =	sdelay $0x1  }
0x2f7: {  	v3 =	vadd.f32 v9, v3;
	_ =	sdelay $0x1  }
0x2f8: {  	v3 =	vadd.f32 v4, v3;
	_ =	sdelay $0x1  }
0x2f9: {  	v3 =	vadd.f32 v10, v3;
	_ =	sdelay $0x1  }
.Ltmp0:
0x2fa: {  	v3 =	vadd.f32 v5, v3;
	(pc) =	sbr.rel @p0 .LBB2_2-.Ltmp0, $3  }
0x2fb: {  	_ = 	snop  }
0x2fc: {  	v3 =	vadd.f32 v11, v3;
	_ =	sdelay $0x1  }
0x2fd: {  	v3 =	vadd.f32 v12, v3  }
0x2fe: {  	_ = 	snop  }
0x2ff: {  	v2 =	vadd.f32 v2, v3;
	_ =	sdelay $0x1  }
0x300: {  	v0 =	vadd.f32 v0, v2;
	_ =	sdelay $0x1  }
0x301: {  	v0 =	vadd.f32 v1, v0;
	_ =	sdelay $0x1  }
0x302: {  	v0 =	vmul.f32 $5.000000070e-02, v0;
	_ =	sdelay $0x1  }
0x303: {  	[tilespmem:s30+$0x15070] =	vst v0  }
0x304: {  	_ =	swait.ge [sflag:s25], $0xA00  }
0x305: {  	[sflag:s25] =	ssyncset.done $0x0  }
0x306: {  	[sflag:s25] =	ssyncadd.s32 $0xFFFFF600  }
0x307: {  	_ =	swait.ge [sflag:s25], $0xA00  }
0x308: {  	[sflag:s25] =	ssyncset.done $0x0  }
0x309: {  	[sflag:s25] =	ssyncadd.s32 $0xFFFFF600  }
0x30a: {  	_ =	swait.ge [sflag:s25], $0xA00  }
0x30b: {  	[sflag:s25] =	ssyncset.done $0x0  }
0x30c: {  	[sflag:s25] =	ssyncadd.s32 $0xFFFFF600  }
0x30d: {  	_ =	swait.ge [sflag:s25], $0xA00  }
0x30e: {  	[sflag:s25] =	ssyncset.done $0x0  }
0x30f: {  	[sflag:s25] =	ssyncadd.s32 $0xFFFFF600  }
0x310: {  	_ =	swait.ge [sflag:s25], $0xA00  }
0x311: {  	[sflag:s25] =	ssyncset.done $0x0  }
0x312: {  	[sflag:s25] =	ssyncadd.s32 $0xFFFFF600  }
0x313: {  	_ =	swait.ge [sflag:s25], $0xA00  }
0x314: {  	[sflag:s25] =	ssyncset.done $0x0  }
0x315: {  	[sflag:s25] =	ssyncadd.s32 $0xFFFFF600  }
0x316: {  	_ =	swait.ge [sflag:s25], $0xA00  }
0x317: {  	[sflag:s25] =	ssyncset.done $0x0  }
0x318: {  	[sflag:s25] =	ssyncadd.s32 $0xFFFFF600  }
0x319: {  	_ =	swait.ge [sflag:s25], $0xA00  }
0x31a: {  	[sflag:s25] =	ssyncset.done $0x0  }
0x31b: {  	[sflag:s25] =	ssyncadd.s32 $0xFFFFF600  }
0x31c: {  	_ =	swait.ge [sflag:s25], $0xA00  }
0x31d: {  	[sflag:s25] =	ssyncset.done $0x0  }
0x31e: {  	[sflag:s25] =	ssyncadd.s32 $0xFFFFF600  }
0x31f: {  	_ =	swait.ge [sflag:s25], $0xA00  }
0x320: {  	[sflag:s25] =	ssyncset.done $0x0  }
0x321: {  	[sflag:s25] =	ssyncadd.s32 $0xFFFFF600  }
0x322: {  	_ =	swait.ge [sflag:s25], $0xA00  }
0x323: {  	[sflag:s25] =	ssyncset.done $0x0  }
0x324: {  	[sflag:s25] =	ssyncadd.s32 $0xFFFFF600  }
0x325: {  	_ =	swait.ge [sflag:s25], $0xA00  }
0x326: {  	[sflag:s25] =	ssyncset.done $0x0  }
0x327: {  	[sflag:s25] =	ssyncadd.s32 $0xFFFFF600  }
0x328: {  	_ =	swait.ge [sflag:s25], $0xA00  }
0x329: {  	[sflag:s25] =	ssyncset.done $0x0  }
0x32a: {  	[sflag:s25] =	ssyncadd.s32 $0xFFFFF600  }
0x32b: {  	_ =	swait.ge [sflag:s25], $0xA00  }
0x32c: {  	[sflag:s25] =	ssyncset.done $0x0  }
0x32d: {  	[sflag:s25] =	ssyncadd.s32 $0xFFFFF600  }
0x32e: {  	_ =	swait.ge [sflag:s25], $0xA00  }
0x32f: {  	[sflag:s25] =	ssyncset.done $0x0  }
0x330: {  	[sflag:s25] =	ssyncadd.s32 $0xFFFFF600  }
0x331: {  	_ =	swait.ge [sflag:s25], $0xA00  }
0x332: {  	[sflag:s25] =	ssyncset.done $0x0  }
0x333: {  	s29 =	simm.s32 $0xB500;
	[sflag:s25] =	ssyncadd.s32 $0xFFFFF600  }
0x334: {  	v0 =	vld [tilespmem:s29+$0xFFFFFB80]  }
0x335: {  	v1 =	vld [tilespmem:s29+$0xFFFFFB00];
	_ =	sdelay $0x1  }
0x336: {  	v2 =	vld [tilespmem:s29+$0xFFFFFC00];
	_ =	sdelay $0x1  }
0x337: {  	v3 =	vld [tilespmem:s29+$0xFFFFFC80]  }
0x338: {  	v0 =	vadd.f32 v0, v1  }
0x339: {  	v1 =	vld [tilespmem:s29+$0xFFFFFD00]  }
0x33a: {  	v0 =	vadd.f32 v2, v0  }
0x33b: {  	v2 =	vld [tilespmem:s29+$0xFFFFFD80]  }
0x33c: {  	v0 =	vadd.f32 v3, v0  }
0x33d: {  	v3 =	vld [tilespmem:s29+$0xFFFFFE00]  }
0x33e: {  	v0 =	vadd.f32 v1, v0  }
0x33f: {  	v1 =	vld [tilespmem:s29+$0xFFFFFE80]  }
0x340: {  	v0 =	vadd.f32 v2, v0  }
0x341: {  	v2 =	vld [tilespmem:s29+$0xFFFFFF00]  }
0x342: {  	v0 =	vadd.f32 v3, v0  }
0x343: {  	v3 =	vld [tilespmem:s29+$0xFFFFFF80]  }
0x344: {  	v0 =	vadd.f32 v1, v0  }
0x345: {  	v1 =	vld [tilespmem:s29+$0x0]  }
0x346: {  	v0 =	vadd.f32 v2, v0  }
0x347: {  	v2 =	vld [tilespmem:s29+$0x80]  }
0x348: {  	v0 =	vadd.f32 v3, v0  }
0x349: {  	v3 =	vld [tilespmem:s29+$0x100]  }
0x34a: {  	v0 =	vadd.f32 v1, v0  }
0x34b: {  	v1 =	vld [tilespmem:s29+$0x180]  }
0x34c: {  	v0 =	vadd.f32 v2, v0  }
0x34d: {  	v2 =	vld [tilespmem:s29+$0x200]  }
0x34e: {  	v0 =	vadd.f32 v3, v0  }
0x34f: {  	v3 =	vld [tilespmem:s29+$0x280]  }
0x350: {  	v0 =	vadd.f32 v1, v0  }
0x351: {  	v1 =	vld [tilespmem:s29+$0x300]  }
0x352: {  	v0 =	vadd.f32 v2, v0  }
0x353: {  	v2 =	vld [tilespmem:s29+$0x380]  }
0x354: {  	v0 =	vadd.f32 v3, v0  }
0x355: {  	v3 =	vld [tilespmem:s29+$0x400]  }
0x356: {  	v0 =	vadd.f32 v1, v0  }
0x357: {  	v1 =	vld [tilespmem:s29+$0x480]  }
0x358: {  	v0 =	vadd.f32 v2, v0;
	_ =	sdelay $0x1  }
0x359: {  	v0 =	vadd.f32 v3, v0;
	_ =	sdelay $0x1  }
0x35a: {  	v0 =	vadd.f32 v1, v0;
	_ =	sdelay $0x1  }
0x35b: {  	v0 =	vmul.f32 $5.000000070e-02, v0  }
0x35c: {  	s30 =	simm.s32 $0x0  }
0x35d: {  	[tilespmem:s30+$0x15800] =	vst v0  }
0x35e: {  	v0 =	vld [tilespmem:s29+$0xFFFFFB10]  }
0x35f: {  	v1 =	vld [tilespmem:s29+$0xFFFFFB90];
	_ =	sdelay $0x1  }
0x360: {  	v2 =	vld [tilespmem:s29+$0xFFFFFC10];
	_ =	sdelay $0x1  }
0x361: {  	v3 =	vld [tilespmem:s29+$0xFFFFFC90]  }
0x362: {  	v0 =	vadd.f32 v1, v0  }
0x363: {  	v1 =	vld [tilespmem:s29+$0xFFFFFD10]  }
0x364: {  	v0 =	vadd.f32 v2, v0  }
0x365: {  	v2 =	vld [tilespmem:s29+$0xFFFFFD90]  }
0x366: {  	v0 =	vadd.f32 v3, v0  }
0x367: {  	v3 =	vld [tilespmem:s29+$0xFFFFFE10]  }
0x368: {  	v0 =	vadd.f32 v1, v0  }
0x369: {  	v1 =	vld [tilespmem:s29+$0xFFFFFE90]  }
0x36a: {  	v0 =	vadd.f32 v2, v0  }
0x36b: {  	v2 =	vld [tilespmem:s29+$0xFFFFFF10]  }
0x36c: {  	v0 =	vadd.f32 v3, v0  }
0x36d: {  	v3 =	vld [tilespmem:s29+$0xFFFFFF90]  }
0x36e: {  	v0 =	vadd.f32 v1, v0  }
0x36f: {  	v1 =	vld [tilespmem:s29+$0x10]  }
0x370: {  	v0 =	vadd.f32 v2, v0  }
0x371: {  	v2 =	vld [tilespmem:s29+$0x90]  }
0x372: {  	v0 =	vadd.f32 v3, v0  }
0x373: {  	v3 =	vld [tilespmem:s29+$0x110]  }
0x374: {  	v0 =	vadd.f32 v1, v0  }
0x375: {  	v1 =	vld [tilespmem:s29+$0x190]  }
0x376: {  	v0 =	vadd.f32 v2, v0  }
0x377: {  	v2 =	vld [tilespmem:s29+$0x210]  }
0x378: {  	v0 =	vadd.f32 v3, v0  }
0x379: {  	v3 =	vld [tilespmem:s29+$0x290]  }
0x37a: {  	v0 =	vadd.f32 v1, v0  }
0x37b: {  	v1 =	vld [tilespmem:s29+$0x310]  }
0x37c: {  	v0 =	vadd.f32 v2, v0  }
0x37d: {  	v2 =	vld [tilespmem:s29+$0x390]  }
0x37e: {  	v0 =	vadd.f32 v3, v0  }
0x37f: {  	v3 =	vld [tilespmem:s29+$0x410]  }
0x380: {  	v0 =	vadd.f32 v1, v0  }
0x381: {  	v1 =	vld [tilespmem:s29+$0x490]  }
0x382: {  	v0 =	vadd.f32 v2, v0;
	_ =	sdelay $0x1  }
0x383: {  	v0 =	vadd.f32 v3, v0;
	_ =	sdelay $0x1  }
0x384: {  	v0 =	vadd.f32 v1, v0;
	_ =	sdelay $0x1  }
0x385: {  	v0 =	vmul.f32 $5.000000070e-02, v0;
	_ =	sdelay $0x1  }
0x386: {  	[tilespmem:s30+$0x15810] =	vst v0  }
0x387: {  	v0 =	vld [tilespmem:s29+$0xFFFFFB20]  }
0x388: {  	v1 =	vld [tilespmem:s29+$0xFFFFFBA0];
	_ =	sdelay $0x1  }
0x389: {  	v2 =	vld [tilespmem:s29+$0xFFFFFC20];
	_ =	sdelay $0x1  }
0x38a: {  	v3 =	vld [tilespmem:s29+$0xFFFFFCA0]  }
0x38b: {  	v0 =	vadd.f32 v1, v0  }
0x38c: {  	v1 =	vld [tilespmem:s29+$0xFFFFFD20]  }
0x38d: {  	v0 =	vadd.f32 v2, v0  }
0x38e: {  	v2 =	vld [tilespmem:s29+$0xFFFFFDA0]  }
0x38f: {  	v0 =	vadd.f32 v3, v0  }
0x390: {  	v3 =	vld [tilespmem:s29+$0xFFFFFE20]  }
0x391: {  	v0 =	vadd.f32 v1, v0  }
0x392: {  	v1 =	vld [tilespmem:s29+$0xFFFFFEA0]  }
0x393: {  	v0 =	vadd.f32 v2, v0  }
0x394: {  	v2 =	vld [tilespmem:s29+$0xFFFFFF20]  }
0x395: {  	v0 =	vadd.f32 v3, v0  }
0x396: {  	v3 =	vld [tilespmem:s29+$0xFFFFFFA0]  }
0x397: {  	v0 =	vadd.f32 v1, v0  }
0x398: {  	v1 =	vld [tilespmem:s29+$0x20]  }
0x399: {  	v0 =	vadd.f32 v2, v0  }
0x39a: {  	v2 =	vld [tilespmem:s29+$0xA0]  }
0x39b: {  	v0 =	vadd.f32 v3, v0  }
0x39c: {  	v3 =	vld [tilespmem:s29+$0x120]  }
0x39d: {  	v0 =	vadd.f32 v1, v0  }
0x39e: {  	v1 =	vld [tilespmem:s29+$0x1A0]  }
0x39f: {  	v0 =	vadd.f32 v2, v0  }
0x3a0: {  	v2 =	vld [tilespmem:s29+$0x220]  }
0x3a1: {  	v0 =	vadd.f32 v3, v0  }
0x3a2: {  	v3 =	vld [tilespmem:s29+$0x2A0]  }
0x3a3: {  	v0 =	vadd.f32 v1, v0  }
0x3a4: {  	v1 =	vld [tilespmem:s29+$0x320]  }
0x3a5: {  	v0 =	vadd.f32 v2, v0  }
0x3a6: {  	v2 =	vld [tilespmem:s29+$0x3A0]  }
0x3a7: {  	v0 =	vadd.f32 v3, v0  }
0x3a8: {  	v3 =	vld [tilespmem:s29+$0x420]  }
0x3a9: {  	v0 =	vadd.f32 v1, v0  }
0x3aa: {  	v1 =	vld [tilespmem:s29+$0x4A0]  }
0x3ab: {  	v0 =	vadd.f32 v2, v0;
	_ =	sdelay $0x1  }
0x3ac: {  	v0 =	vadd.f32 v3, v0;
	_ =	sdelay $0x1  }
0x3ad: {  	v0 =	vadd.f32 v1, v0;
	_ =	sdelay $0x1  }
0x3ae: {  	v0 =	vmul.f32 $5.000000070e-02, v0;
	_ =	sdelay $0x1  }
0x3af: {  	[tilespmem:s30+$0x15820] =	vst v0  }
0x3b0: {  	v0 =	vld [tilespmem:s29+$0xFFFFFB30]  }
0x3b1: {  	v1 =	vld [tilespmem:s29+$0xFFFFFBB0];
	_ =	sdelay $0x1  }
0x3b2: {  	v2 =	vld [tilespmem:s29+$0xFFFFFC30];
	_ =	sdelay $0x1  }
0x3b3: {  	v3 =	vld [tilespmem:s29+$0xFFFFFCB0]  }
0x3b4: {  	v0 =	vadd.f32 v1, v0  }
0x3b5: {  	v1 =	vld [tilespmem:s29+$0xFFFFFD30]  }
0x3b6: {  	v0 =	vadd.f32 v2, v0  }
0x3b7: {  	v2 =	vld [tilespmem:s29+$0xFFFFFDB0]  }
0x3b8: {  	v0 =	vadd.f32 v3, v0  }
0x3b9: {  	v3 =	vld [tilespmem:s29+$0xFFFFFE30]  }
0x3ba: {  	v0 =	vadd.f32 v1, v0  }
0x3bb: {  	v1 =	vld [tilespmem:s29+$0xFFFFFEB0]  }
0x3bc: {  	v0 =	vadd.f32 v2, v0  }
0x3bd: {  	v2 =	vld [tilespmem:s29+$0xFFFFFF30]  }
0x3be: {  	v0 =	vadd.f32 v3, v0  }
0x3bf: {  	v3 =	vld [tilespmem:s29+$0xFFFFFFB0]  }
0x3c0: {  	v0 =	vadd.f32 v1, v0  }
0x3c1: {  	v1 =	vld [tilespmem:s29+$0x30]  }
0x3c2: {  	v0 =	vadd.f32 v2, v0  }
0x3c3: {  	v2 =	vld [tilespmem:s29+$0xB0]  }
0x3c4: {  	v0 =	vadd.f32 v3, v0  }
0x3c5: {  	v3 =	vld [tilespmem:s29+$0x130]  }
0x3c6: {  	v0 =	vadd.f32 v1, v0  }
0x3c7: {  	v1 =	vld [tilespmem:s29+$0x1B0]  }
0x3c8: {  	v0 =	vadd.f32 v2, v0  }
0x3c9: {  	v2 =	vld [tilespmem:s29+$0x230]  }
0x3ca: {  	v0 =	vadd.f32 v3, v0  }
0x3cb: {  	v3 =	vld [tilespmem:s29+$0x2B0]  }
0x3cc: {  	v0 =	vadd.f32 v1, v0  }
0x3cd: {  	v1 =	vld [tilespmem:s29+$0x330]  }
0x3ce: {  	v0 =	vadd.f32 v2, v0  }
0x3cf: {  	v2 =	vld [tilespmem:s29+$0x3B0]  }
0x3d0: {  	v0 =	vadd.f32 v3, v0  }
0x3d1: {  	v3 =	vld [tilespmem:s29+$0x430]  }
0x3d2: {  	v0 =	vadd.f32 v1, v0  }
0x3d3: {  	v1 =	vld [tilespmem:s29+$0x4B0]  }
0x3d4: {  	v0 =	vadd.f32 v2, v0;
	_ =	sdelay $0x1  }
0x3d5: {  	v0 =	vadd.f32 v3, v0;
	_ =	sdelay $0x1  }
0x3d6: {  	v0 =	vadd.f32 v1, v0;
	_ =	sdelay $0x1  }
0x3d7: {  	v0 =	vmul.f32 $5.000000070e-02, v0;
	_ =	sdelay $0x1  }
0x3d8: {  	[tilespmem:s30+$0x15830] =	vst v0  }
0x3d9: {  	v0 =	vld [tilespmem:s29+$0xFFFFFB40]  }
0x3da: {  	v1 =	vld [tilespmem:s29+$0xFFFFFBC0];
	_ =	sdelay $0x1  }
0x3db: {  	v2 =	vld [tilespmem:s29+$0xFFFFFC40];
	_ =	sdelay $0x1  }
0x3dc: {  	v3 =	vld [tilespmem:s29+$0xFFFFFCC0]  }
0x3dd: {  	v0 =	vadd.f32 v1, v0  }
0x3de: {  	v1 =	vld [tilespmem:s29+$0xFFFFFD40]  }
0x3df: {  	v0 =	vadd.f32 v2, v0  }
0x3e0: {  	v2 =	vld [tilespmem:s29+$0xFFFFFDC0]  }
0x3e1: {  	v0 =	vadd.f32 v3, v0  }
0x3e2: {  	v3 =	vld [tilespmem:s29+$0xFFFFFE40]  }
0x3e3: {  	v0 =	vadd.f32 v1, v0  }
0x3e4: {  	v1 =	vld [tilespmem:s29+$0xFFFFFEC0]  }
0x3e5: {  	v0 =	vadd.f32 v2, v0  }
0x3e6: {  	v2 =	vld [tilespmem:s29+$0xFFFFFF40]  }
0x3e7: {  	v0 =	vadd.f32 v3, v0  }
0x3e8: {  	v3 =	vld [tilespmem:s29+$0xFFFFFFC0]  }
0x3e9: {  	v0 =	vadd.f32 v1, v0  }
0x3ea: {  	v1 =	vld [tilespmem:s29+$0x40]  }
0x3eb: {  	v0 =	vadd.f32 v2, v0  }
0x3ec: {  	v2 =	vld [tilespmem:s29+$0xC0]  }
0x3ed: {  	v0 =	vadd.f32 v3, v0  }
0x3ee: {  	v3 =	vld [tilespmem:s29+$0x140]  }
0x3ef: {  	v0 =	vadd.f32 v1, v0  }
0x3f0: {  	v1 =	vld [tilespmem:s29+$0x1C0]  }
0x3f1: {  	v0 =	vadd.f32 v2, v0  }
0x3f2: {  	v2 =	vld [tilespmem:s29+$0x240]  }
0x3f3: {  	v0 =	vadd.f32 v3, v0  }
0x3f4: {  	v3 =	vld [tilespmem:s29+$0x2C0]  }
0x3f5: {  	v0 =	vadd.f32 v1, v0  }
0x3f6: {  	v1 =	vld [tilespmem:s29+$0x340]  }
0x3f7: {  	v0 =	vadd.f32 v2, v0  }
0x3f8: {  	v2 =	vld [tilespmem:s29+$0x3C0]  }
0x3f9: {  	v0 =	vadd.f32 v3, v0  }
0x3fa: {  	v3 =	vld [tilespmem:s29+$0x440]  }
0x3fb: {  	v0 =	vadd.f32 v1, v0  }
0x3fc: {  	v1 =	vld [tilespmem:s29+$0x4C0]  }
0x3fd: {  	v0 =	vadd.f32 v2, v0;
	_ =	sdelay $0x1  }
0x3fe: {  	v0 =	vadd.f32 v3, v0;
	_ =	sdelay $0x1  }
0x3ff: {  	v0 =	vadd.f32 v1, v0;
	_ =	sdelay $0x1  }
0x400: {  	v0 =	vmul.f32 $5.000000070e-02, v0;
	_ =	sdelay $0x1  }
0x401: {  	[tilespmem:s30+$0x15840] =	vst v0  }
0x402: {  	v0 =	vld [tilespmem:s29+$0xFFFFFB50]  }
0x403: {  	v1 =	vld [tilespmem:s29+$0xFFFFFBD0];
	_ =	sdelay $0x1  }
0x404: {  	v2 =	vld [tilespmem:s29+$0xFFFFFC50];
	_ =	sdelay $0x1  }
0x405: {  	v3 =	vld [tilespmem:s29+$0xFFFFFCD0]  }
0x406: {  	v0 =	vadd.f32 v1, v0  }
0x407: {  	v1 =	vld [tilespmem:s29+$0xFFFFFD50]  }
0x408: {  	v0 =	vadd.f32 v2, v0  }
0x409: {  	v2 =	vld [tilespmem:s29+$0xFFFFFDD0]  }
0x40a: {  	v0 =	vadd.f32 v3, v0  }
0x40b: {  	v3 =	vld [tilespmem:s29+$0xFFFFFE50]  }
0x40c: {  	v0 =	vadd.f32 v1, v0  }
0x40d: {  	v1 =	vld [tilespmem:s29+$0xFFFFFED0]  }
0x40e: {  	v0 =	vadd.f32 v2, v0  }
0x40f: {  	v2 =	vld [tilespmem:s29+$0xFFFFFF50]  }
0x410: {  	v0 =	vadd.f32 v3, v0  }
0x411: {  	v3 =	vld [tilespmem:s29+$0xFFFFFFD0]  }
0x412: {  	v0 =	vadd.f32 v1, v0  }
0x413: {  	v1 =	vld [tilespmem:s29+$0x50]  }
0x414: {  	v0 =	vadd.f32 v2, v0  }
0x415: {  	v2 =	vld [tilespmem:s29+$0xD0]  }
0x416: {  	v0 =	vadd.f32 v3, v0  }
0x417: {  	v3 =	vld [tilespmem:s29+$0x150]  }
0x418: {  	v0 =	vadd.f32 v1, v0  }
0x419: {  	v1 =	vld [tilespmem:s29+$0x1D0]  }
0x41a: {  	v0 =	vadd.f32 v2, v0  }
0x41b: {  	v2 =	vld [tilespmem:s29+$0x250]  }
0x41c: {  	v0 =	vadd.f32 v3, v0  }
0x41d: {  	v3 =	vld [tilespmem:s29+$0x2D0]  }
0x41e: {  	v0 =	vadd.f32 v1, v0  }
0x41f: {  	v1 =	vld [tilespmem:s29+$0x350]  }
0x420: {  	v0 =	vadd.f32 v2, v0  }
0x421: {  	v2 =	vld [tilespmem:s29+$0x3D0]  }
0x422: {  	v0 =	vadd.f32 v3, v0  }
0x423: {  	v3 =	vld [tilespmem:s29+$0x450]  }
0x424: {  	v0 =	vadd.f32 v1, v0  }
0x425: {  	v1 =	vld [tilespmem:s29+$0x4D0]  }
0x426: {  	v0 =	vadd.f32 v2, v0;
	_ =	sdelay $0x1  }
0x427: {  	v0 =	vadd.f32 v3, v0;
	_ =	sdelay $0x1  }
0x428: {  	v0 =	vadd.f32 v1, v0;
	_ =	sdelay $0x1  }
0x429: {  	v0 =	vmul.f32 $5.000000070e-02, v0;
	_ =	sdelay $0x1  }
0x42a: {  	[tilespmem:s30+$0x15850] =	vst v0  }
0x42b: {  	v0 =	vld [tilespmem:s29+$0xFFFFFB60]  }
0x42c: {  	v1 =	vld [tilespmem:s29+$0xFFFFFBE0];
	_ =	sdelay $0x1  }
0x42d: {  	v2 =	vld [tilespmem:s29+$0xFFFFFC60];
	_ =	sdelay $0x1  }
0x42e: {  	v3 =	vld [tilespmem:s29+$0xFFFFFCE0]  }
0x42f: {  	v0 =	vadd.f32 v1, v0  }
0x430: {  	v1 =	vld [tilespmem:s29+$0xFFFFFD60]  }
0x431: {  	v0 =	vadd.f32 v2, v0  }
0x432: {  	v2 =	vld [tilespmem:s29+$0xFFFFFDE0]  }
0x433: {  	v0 =	vadd.f32 v3, v0  }
0x434: {  	v3 =	vld [tilespmem:s29+$0xFFFFFE60]  }
0x435: {  	v0 =	vadd.f32 v1, v0  }
0x436: {  	v1 =	vld [tilespmem:s29+$0xFFFFFEE0]  }
0x437: {  	v0 =	vadd.f32 v2, v0  }
0x438: {  	v2 =	vld [tilespmem:s29+$0xFFFFFF60]  }
0x439: {  	v0 =	vadd.f32 v3, v0  }
0x43a: {  	v3 =	vld [tilespmem:s29+$0xFFFFFFE0]  }
0x43b: {  	v0 =	vadd.f32 v1, v0  }
0x43c: {  	v1 =	vld [tilespmem:s29+$0x60]  }
0x43d: {  	v0 =	vadd.f32 v2, v0  }
0x43e: {  	v2 =	vld [tilespmem:s29+$0xE0]  }
0x43f: {  	v0 =	vadd.f32 v3, v0  }
0x440: {  	v3 =	vld [tilespmem:s29+$0x160]  }
0x441: {  	v0 =	vadd.f32 v1, v0  }
0x442: {  	v1 =	vld [tilespmem:s29+$0x1E0]  }
0x443: {  	v0 =	vadd.f32 v2, v0  }
0x444: {  	v2 =	vld [tilespmem:s29+$0x260]  }
0x445: {  	v0 =	vadd.f32 v3, v0  }
0x446: {  	v3 =	vld [tilespmem:s29+$0x2E0]  }
0x447: {  	v0 =	vadd.f32 v1, v0  }
0x448: {  	v1 =	vld [tilespmem:s29+$0x360]  }
0x449: {  	v0 =	vadd.f32 v2, v0  }
0x44a: {  	v2 =	vld [tilespmem:s29+$0x3E0]  }
0x44b: {  	v0 =	vadd.f32 v3, v0  }
0x44c: {  	v3 =	vld [tilespmem:s29+$0x460]  }
0x44d: {  	v0 =	vadd.f32 v1, v0  }
0x44e: {  	v1 =	vld [tilespmem:s29+$0x4E0]  }
0x44f: {  	v0 =	vadd.f32 v2, v0;
	_ =	sdelay $0x1  }
0x450: {  	v0 =	vadd.f32 v3, v0;
	_ =	sdelay $0x1  }
0x451: {  	v0 =	vadd.f32 v1, v0;
	_ =	sdelay $0x1  }
0x452: {  	v0 =	vmul.f32 $5.000000070e-02, v0;
	_ =	sdelay $0x1  }
0x453: {  	[tilespmem:s30+$0x15860] =	vst v0  }
0x454: {  	v0 =	vld [tilespmem:s29+$0xFFFFFB70]  }
0x455: {  	v1 =	vld [tilespmem:s29+$0xFFFFFBF0];
	_ =	sdelay $0x1  }
0x456: {  	v2 =	vld [tilespmem:s29+$0xFFFFFC70];
	_ =	sdelay $0x1  }
0x457: {  	v3 =	vld [tilespmem:s29+$0xFFFFFCF0]  }
0x458: {  	v0 =	vadd.f32 v1, v0  }
0x459: {  	v1 =	vld [tilespmem:s29+$0xFFFFFD70]  }
0x45a: {  	v0 =	vadd.f32 v2, v0  }
0x45b: {  	v2 =	vld [tilespmem:s29+$0xFFFFFDF0]  }
0x45c: {  	v0 =	vadd.f32 v3, v0  }
0x45d: {  	v3 =	vld [tilespmem:s29+$0xFFFFFE70]  }
0x45e: {  	v0 =	vadd.f32 v1, v0  }
0x45f: {  	v1 =	vld [tilespmem:s29+$0xFFFFFEF0]  }
0x460: {  	v0 =	vadd.f32 v2, v0  }
0x461: {  	v2 =	vld [tilespmem:s29+$0xFFFFFF70]  }
0x462: {  	v0 =	vadd.f32 v3, v0  }
0x463: {  	v3 =	vld [tilespmem:s29+$0xFFFFFFF0]  }
0x464: {  	v0 =	vadd.f32 v1, v0  }
0x465: {  	v1 =	vld [tilespmem:s29+$0x70]  }
0x466: {  	v0 =	vadd.f32 v2, v0  }
0x467: {  	v2 =	vld [tilespmem:s29+$0xF0]  }
0x468: {  	v0 =	vadd.f32 v3, v0  }
0x469: {  	v3 =	vld [tilespmem:s29+$0x170]  }
0x46a: {  	v0 =	vadd.f32 v1, v0  }
0x46b: {  	v1 =	vld [tilespmem:s29+$0x1F0]  }
0x46c: {  	v0 =	vadd.f32 v2, v0  }
0x46d: {  	v2 =	vld [tilespmem:s29+$0x270]  }
0x46e: {  	v0 =	vadd.f32 v3, v0  }
0x46f: {  	v3 =	vld [tilespmem:s29+$0x2F0]  }
0x470: {  	v0 =	vadd.f32 v1, v0  }
0x471: {  	v4 =	vld [tilespmem:s29+$0x370]  }
0x472: {  	v0 =	vadd.f32 v2, v0  }
0x473: {  	v2 =	vld [tilespmem:s29+$0x3F0]  }
0x474: {  	v3 =	vadd.f32 v3, v0  }
0x475: {  	v0 =	vld [tilespmem:s29+$0x470]  }
0x476: {  	s31 =	simm.s32 $0x200;
	v1 =	vld [tilespmem:s29+$0x4F0];
	v3 =	vadd.f32 v4, v3  }
.LBB2_4:
0x477: {  	p0 =	sne.s32 s31, $0x1E00  }
0x478: {  	s29 =	sadd.s32 $0xA00, s29;
	s0 =	smov.u32 s31;
	s31 =	sadd.s32 $0x200, s31;
	v2 =	vadd.f32 v2, v3  }
0x479: {  	_ = 	snop  }
0x47a: {  	v0 =	vadd.f32 v0, v2;
	_ =	sdelay $0x1  }
0x47b: {  	v0 =	vadd.f32 v1, v0;
	_ =	sdelay $0x1  }
0x47c: {  	v0 =	vmul.f32 $5.000000070e-02, v0;
	_ =	sdelay $0x1  }
0x47d: {  	[tilespmem:s30+$0x15870] =	vst v0  }
0x47e: {  	v0 =	vld [tilespmem:s29+$0xFFFFFB80]  }
0x47f: {  	v1 =	vld [tilespmem:s29+$0xFFFFFB00]  }
0x480: {  	v2 =	vld [tilespmem:s29+$0xFFFFFC00];
	_ =	sdelay $0x2  }
0x481: {  	v3 =	vld [tilespmem:s29+$0xFFFFFC80]  }
0x482: {  	v0 =	vadd.f32 v0, v1  }
0x483: {  	v1 =	vld [tilespmem:s29+$0xFFFFFD00]  }
0x484: {  	v0 =	vadd.f32 v2, v0  }
0x485: {  	v2 =	vld [tilespmem:s29+$0xFFFFFD80]  }
0x486: {  	v0 =	vadd.f32 v3, v0  }
0x487: {  	v3 =	vld [tilespmem:s29+$0xFFFFFE00]  }
0x488: {  	v0 =	vadd.f32 v1, v0  }
0x489: {  	v1 =	vld [tilespmem:s29+$0xFFFFFE80]  }
0x48a: {  	v0 =	vadd.f32 v2, v0  }
0x48b: {  	v2 =	vld [tilespmem:s29+$0xFFFFFF00]  }
0x48c: {  	v0 =	vadd.f32 v3, v0  }
0x48d: {  	v3 =	vld [tilespmem:s29+$0xFFFFFF80]  }
0x48e: {  	v0 =	vadd.f32 v1, v0  }
0x48f: {  	v1 =	vld [tilespmem:s29+$0x0]  }
0x490: {  	v0 =	vadd.f32 v2, v0  }
0x491: {  	v2 =	vld [tilespmem:s29+$0x80]  }
0x492: {  	v0 =	vadd.f32 v3, v0  }
0x493: {  	v3 =	vld [tilespmem:s29+$0x100]  }
0x494: {  	v0 =	vadd.f32 v1, v0  }
0x495: {  	v1 =	vld [tilespmem:s29+$0x180]  }
0x496: {  	v0 =	vadd.f32 v2, v0  }
0x497: {  	v2 =	vld [tilespmem:s29+$0x200]  }
0x498: {  	v0 =	vadd.f32 v3, v0  }
0x499: {  	v3 =	vld [tilespmem:s29+$0x280]  }
0x49a: {  	v0 =	vadd.f32 v1, v0  }
0x49b: {  	v1 =	vld [tilespmem:s29+$0x300]  }
0x49c: {  	v0 =	vadd.f32 v2, v0  }
0x49d: {  	v2 =	vld [tilespmem:s29+$0x380]  }
0x49e: {  	v0 =	vadd.f32 v3, v0  }
0x49f: {  	v3 =	vld [tilespmem:s29+$0x400]  }
0x4a0: {  	v0 =	vadd.f32 v1, v0  }
0x4a1: {  	v1 =	vld [tilespmem:s29+$0x480]  }
0x4a2: {  	v0 =	vadd.f32 v2, v0;
	_ =	sdelay $0x1  }
0x4a3: {  	v0 =	vadd.f32 v3, v0;
	_ =	sdelay $0x1  }
0x4a4: {  	v0 =	vadd.f32 v1, v0;
	_ =	sdelay $0x1  }
0x4a5: {  	v0 =	vmul.f32 $5.000000070e-02, v0  }
0x4a6: {  	s30 =	sshra.s32 s0, $0x2  }
0x4a7: {  	[tilespmem:s30+$0x15800] =	vst v0  }
0x4a8: {  	v0 =	vld [tilespmem:s29+$0xFFFFFB10]  }
0x4a9: {  	v1 =	vld [tilespmem:s29+$0xFFFFFB90];
	_ =	sdelay $0x1  }
0x4aa: {  	v2 =	vld [tilespmem:s29+$0xFFFFFC10];
	_ =	sdelay $0x1  }
0x4ab: {  	v3 =	vld [tilespmem:s29+$0xFFFFFC90]  }
0x4ac: {  	v0 =	vadd.f32 v1, v0  }
0x4ad: {  	v1 =	vld [tilespmem:s29+$0xFFFFFD10]  }
0x4ae: {  	v0 =	vadd.f32 v2, v0  }
0x4af: {  	v2 =	vld [tilespmem:s29+$0xFFFFFD90]  }
0x4b0: {  	v0 =	vadd.f32 v3, v0  }
0x4b1: {  	v3 =	vld [tilespmem:s29+$0xFFFFFE10]  }
0x4b2: {  	v0 =	vadd.f32 v1, v0  }
0x4b3: {  	v1 =	vld [tilespmem:s29+$0xFFFFFE90]  }
0x4b4: {  	v0 =	vadd.f32 v2, v0  }
0x4b5: {  	v2 =	vld [tilespmem:s29+$0xFFFFFF10]  }
0x4b6: {  	v0 =	vadd.f32 v3, v0  }
0x4b7: {  	v3 =	vld [tilespmem:s29+$0xFFFFFF90]  }
0x4b8: {  	v0 =	vadd.f32 v1, v0  }
0x4b9: {  	v1 =	vld [tilespmem:s29+$0x10]  }
0x4ba: {  	v0 =	vadd.f32 v2, v0  }
0x4bb: {  	v2 =	vld [tilespmem:s29+$0x90]  }
0x4bc: {  	v0 =	vadd.f32 v3, v0  }
0x4bd: {  	v3 =	vld [tilespmem:s29+$0x110]  }
0x4be: {  	v0 =	vadd.f32 v1, v0  }
0x4bf: {  	v1 =	vld [tilespmem:s29+$0x190]  }
0x4c0: {  	v0 =	vadd.f32 v2, v0  }
0x4c1: {  	v2 =	vld [tilespmem:s29+$0x210]  }
0x4c2: {  	v0 =	vadd.f32 v3, v0  }
0x4c3: {  	v3 =	vld [tilespmem:s29+$0x290]  }
0x4c4: {  	v0 =	vadd.f32 v1, v0  }
0x4c5: {  	v1 =	vld [tilespmem:s29+$0x310]  }
0x4c6: {  	v0 =	vadd.f32 v2, v0  }
0x4c7: {  	v2 =	vld [tilespmem:s29+$0x390]  }
0x4c8: {  	v0 =	vadd.f32 v3, v0  }
0x4c9: {  	v3 =	vld [tilespmem:s29+$0x410]  }
0x4ca: {  	v0 =	vadd.f32 v1, v0  }
0x4cb: {  	v1 =	vld [tilespmem:s29+$0x490]  }
0x4cc: {  	v0 =	vadd.f32 v2, v0;
	_ =	sdelay $0x1  }
0x4cd: {  	v0 =	vadd.f32 v3, v0;
	_ =	sdelay $0x1  }
0x4ce: {  	v0 =	vadd.f32 v1, v0;
	_ =	sdelay $0x1  }
0x4cf: {  	v0 =	vmul.f32 $5.000000070e-02, v0;
	_ =	sdelay $0x1  }
0x4d0: {  	[tilespmem:s30+$0x15810] =	vst v0  }
0x4d1: {  	v0 =	vld [tilespmem:s29+$0xFFFFFB20]  }
0x4d2: {  	v1 =	vld [tilespmem:s29+$0xFFFFFBA0];
	_ =	sdelay $0x1  }
0x4d3: {  	v2 =	vld [tilespmem:s29+$0xFFFFFC20];
	_ =	sdelay $0x1  }
0x4d4: {  	v3 =	vld [tilespmem:s29+$0xFFFFFCA0]  }
0x4d5: {  	v0 =	vadd.f32 v1, v0  }
0x4d6: {  	v1 =	vld [tilespmem:s29+$0xFFFFFD20]  }
0x4d7: {  	v0 =	vadd.f32 v2, v0  }
0x4d8: {  	v2 =	vld [tilespmem:s29+$0xFFFFFDA0]  }
0x4d9: {  	v0 =	vadd.f32 v3, v0  }
0x4da: {  	v3 =	vld [tilespmem:s29+$0xFFFFFE20]  }
0x4db: {  	v0 =	vadd.f32 v1, v0  }
0x4dc: {  	v1 =	vld [tilespmem:s29+$0xFFFFFEA0]  }
0x4dd: {  	v0 =	vadd.f32 v2, v0  }
0x4de: {  	v2 =	vld [tilespmem:s29+$0xFFFFFF20]  }
0x4df: {  	v0 =	vadd.f32 v3, v0  }
0x4e0: {  	v3 =	vld [tilespmem:s29+$0xFFFFFFA0]  }
0x4e1: {  	v0 =	vadd.f32 v1, v0  }
0x4e2: {  	v1 =	vld [tilespmem:s29+$0x20]  }
0x4e3: {  	v0 =	vadd.f32 v2, v0  }
0x4e4: {  	v2 =	vld [tilespmem:s29+$0xA0]  }
0x4e5: {  	v0 =	vadd.f32 v3, v0  }
0x4e6: {  	v3 =	vld [tilespmem:s29+$0x120]  }
0x4e7: {  	v0 =	vadd.f32 v1, v0  }
0x4e8: {  	v1 =	vld [tilespmem:s29+$0x1A0]  }
0x4e9: {  	v0 =	vadd.f32 v2, v0  }
0x4ea: {  	v2 =	vld [tilespmem:s29+$0x220]  }
0x4eb: {  	v0 =	vadd.f32 v3, v0  }
0x4ec: {  	v3 =	vld [tilespmem:s29+$0x2A0]  }
0x4ed: {  	v0 =	vadd.f32 v1, v0  }
0x4ee: {  	v1 =	vld [tilespmem:s29+$0x320]  }
0x4ef: {  	v0 =	vadd.f32 v2, v0  }
0x4f0: {  	v2 =	vld [tilespmem:s29+$0x3A0]  }
0x4f1: {  	v0 =	vadd.f32 v3, v0  }
0x4f2: {  	v3 =	vld [tilespmem:s29+$0x420]  }
0x4f3: {  	v0 =	vadd.f32 v1, v0  }
0x4f4: {  	v1 =	vld [tilespmem:s29+$0x4A0]  }
0x4f5: {  	v0 =	vadd.f32 v2, v0;
	_ =	sdelay $0x1  }
0x4f6: {  	v0 =	vadd.f32 v3, v0;
	_ =	sdelay $0x1  }
0x4f7: {  	v0 =	vadd.f32 v1, v0;
	_ =	sdelay $0x1  }
0x4f8: {  	v0 =	vmul.f32 $5.000000070e-02, v0;
	_ =	sdelay $0x1  }
0x4f9: {  	[tilespmem:s30+$0x15820] =	vst v0  }
0x4fa: {  	v0 =	vld [tilespmem:s29+$0xFFFFFB30]  }
0x4fb: {  	v1 =	vld [tilespmem:s29+$0xFFFFFBB0];
	_ =	sdelay $0x1  }
0x4fc: {  	v2 =	vld [tilespmem:s29+$0xFFFFFC30];
	_ =	sdelay $0x1  }
0x4fd: {  	v3 =	vld [tilespmem:s29+$0xFFFFFCB0]  }
0x4fe: {  	v0 =	vadd.f32 v1, v0  }
0x4ff: {  	v1 =	vld [tilespmem:s29+$0xFFFFFD30]  }
0x500: {  	v0 =	vadd.f32 v2, v0  }
0x501: {  	v2 =	vld [tilespmem:s29+$0xFFFFFDB0]  }
0x502: {  	v0 =	vadd.f32 v3, v0  }
0x503: {  	v3 =	vld [tilespmem:s29+$0xFFFFFE30]  }
0x504: {  	v0 =	vadd.f32 v1, v0  }
0x505: {  	v1 =	vld [tilespmem:s29+$0xFFFFFEB0]  }
0x506: {  	v0 =	vadd.f32 v2, v0  }
0x507: {  	v2 =	vld [tilespmem:s29+$0xFFFFFF30]  }
0x508: {  	v0 =	vadd.f32 v3, v0  }
0x509: {  	v3 =	vld [tilespmem:s29+$0xFFFFFFB0]  }
0x50a: {  	v0 =	vadd.f32 v1, v0  }
0x50b: {  	v1 =	vld [tilespmem:s29+$0x30]  }
0x50c: {  	v0 =	vadd.f32 v2, v0  }
0x50d: {  	v2 =	vld [tilespmem:s29+$0xB0]  }
0x50e: {  	v0 =	vadd.f32 v3, v0  }
0x50f: {  	v3 =	vld [tilespmem:s29+$0x130]  }
0x510: {  	v0 =	vadd.f32 v1, v0  }
0x511: {  	v1 =	vld [tilespmem:s29+$0x1B0]  }
0x512: {  	v0 =	vadd.f32 v2, v0  }
0x513: {  	v2 =	vld [tilespmem:s29+$0x230]  }
0x514: {  	v0 =	vadd.f32 v3, v0  }
0x515: {  	v3 =	vld [tilespmem:s29+$0x2B0]  }
0x516: {  	v0 =	vadd.f32 v1, v0  }
0x517: {  	v1 =	vld [tilespmem:s29+$0x330]  }
0x518: {  	v0 =	vadd.f32 v2, v0  }
0x519: {  	v2 =	vld [tilespmem:s29+$0x3B0]  }
0x51a: {  	v0 =	vadd.f32 v3, v0  }
0x51b: {  	v3 =	vld [tilespmem:s29+$0x430]  }
0x51c: {  	v0 =	vadd.f32 v1, v0  }
0x51d: {  	v1 =	vld [tilespmem:s29+$0x4B0]  }
0x51e: {  	v0 =	vadd.f32 v2, v0;
	_ =	sdelay $0x1  }
0x51f: {  	v0 =	vadd.f32 v3, v0;
	_ =	sdelay $0x1  }
0x520: {  	v0 =	vadd.f32 v1, v0;
	_ =	sdelay $0x1  }
0x521: {  	v0 =	vmul.f32 $5.000000070e-02, v0;
	_ =	sdelay $0x1  }
0x522: {  	[tilespmem:s30+$0x15830] =	vst v0  }
0x523: {  	v0 =	vld [tilespmem:s29+$0xFFFFFB40]  }
0x524: {  	v1 =	vld [tilespmem:s29+$0xFFFFFBC0];
	_ =	sdelay $0x1  }
0x525: {  	v2 =	vld [tilespmem:s29+$0xFFFFFC40];
	_ =	sdelay $0x1  }
0x526: {  	v3 =	vld [tilespmem:s29+$0xFFFFFCC0]  }
0x527: {  	v0 =	vadd.f32 v1, v0  }
0x528: {  	v1 =	vld [tilespmem:s29+$0xFFFFFD40]  }
0x529: {  	v0 =	vadd.f32 v2, v0  }
0x52a: {  	v2 =	vld [tilespmem:s29+$0xFFFFFDC0]  }
0x52b: {  	v0 =	vadd.f32 v3, v0  }
0x52c: {  	v3 =	vld [tilespmem:s29+$0xFFFFFE40]  }
0x52d: {  	v0 =	vadd.f32 v1, v0  }
0x52e: {  	v1 =	vld [tilespmem:s29+$0xFFFFFEC0]  }
0x52f: {  	v0 =	vadd.f32 v2, v0  }
0x530: {  	v2 =	vld [tilespmem:s29+$0xFFFFFF40]  }
0x531: {  	v0 =	vadd.f32 v3, v0  }
0x532: {  	v3 =	vld [tilespmem:s29+$0xFFFFFFC0]  }
0x533: {  	v0 =	vadd.f32 v1, v0  }
0x534: {  	v1 =	vld [tilespmem:s29+$0x40]  }
0x535: {  	v0 =	vadd.f32 v2, v0  }
0x536: {  	v2 =	vld [tilespmem:s29+$0xC0]  }
0x537: {  	v0 =	vadd.f32 v3, v0  }
0x538: {  	v3 =	vld [tilespmem:s29+$0x140]  }
0x539: {  	v0 =	vadd.f32 v1, v0  }
0x53a: {  	v1 =	vld [tilespmem:s29+$0x1C0]  }
0x53b: {  	v0 =	vadd.f32 v2, v0  }
0x53c: {  	v2 =	vld [tilespmem:s29+$0x240]  }
0x53d: {  	v0 =	vadd.f32 v3, v0  }
0x53e: {  	v3 =	vld [tilespmem:s29+$0x2C0]  }
0x53f: {  	v0 =	vadd.f32 v1, v0  }
0x540: {  	v1 =	vld [tilespmem:s29+$0x340]  }
0x541: {  	v0 =	vadd.f32 v2, v0  }
0x542: {  	v2 =	vld [tilespmem:s29+$0x3C0]  }
0x543: {  	v0 =	vadd.f32 v3, v0  }
0x544: {  	v3 =	vld [tilespmem:s29+$0x440]  }
0x545: {  	v0 =	vadd.f32 v1, v0  }
0x546: {  	v1 =	vld [tilespmem:s29+$0x4C0]  }
0x547: {  	v0 =	vadd.f32 v2, v0;
	_ =	sdelay $0x1  }
0x548: {  	v0 =	vadd.f32 v3, v0;
	_ =	sdelay $0x1  }
0x549: {  	v0 =	vadd.f32 v1, v0;
	_ =	sdelay $0x1  }
0x54a: {  	v0 =	vmul.f32 $5.000000070e-02, v0;
	_ =	sdelay $0x1  }
0x54b: {  	[tilespmem:s30+$0x15840] =	vst v0  }
0x54c: {  	v0 =	vld [tilespmem:s29+$0xFFFFFB50]  }
0x54d: {  	v1 =	vld [tilespmem:s29+$0xFFFFFBD0]  }
0x54e: {  	v2 =	vld [tilespmem:s29+$0xFFFFFC50]  }
0x54f: {  	v3 =	vld [tilespmem:s29+$0xFFFFFCD0]  }
0x550: {  	v4 =	vld [tilespmem:s29+$0xFFFFFD50]  }
0x551: {  	v5 =	vld [tilespmem:s29+$0xFFFFFDD0]  }
0x552: {  	v0 =	vadd.f32 v1, v0;
	v1 =	vld [tilespmem:s29+$0xFFFFFE50]  }
0x553: {  	v6 =	vld [tilespmem:s29+$0xFFFFFED0]  }
0x554: {  	v0 =	vadd.f32 v2, v0;
	v2 =	vld [tilespmem:s29+$0xFFFFFF50]  }
0x555: {  	v7 =	vld [tilespmem:s29+$0xFFFFFFD0]  }
0x556: {  	v0 =	vadd.f32 v3, v0;
	v3 =	vld [tilespmem:s29+$0x50]  }
0x557: {  	v8 =	vld [tilespmem:s29+$0xD0]  }
0x558: {  	v0 =	vadd.f32 v4, v0;
	v4 =	vld [tilespmem:s29+$0x150]  }
0x559: {  	v9 =	vld [tilespmem:s29+$0x1D0]  }
0x55a: {  	v0 =	vadd.f32 v5, v0;
	v5 =	vld [tilespmem:s29+$0x250]  }
0x55b: {  	v10 =	vld [tilespmem:s29+$0x2D0]  }
0x55c: {  	v0 =	vadd.f32 v1, v0;
	v1 =	vld [tilespmem:s29+$0x350]  }
0x55d: {  	v11 =	vld [tilespmem:s29+$0x3D0]  }
0x55e: {  	v0 =	vadd.f32 v6, v0;
	v6 =	vld [tilespmem:s29+$0x450]  }
0x55f: {  	v12 =	vld [tilespmem:s29+$0x4D0]  }
0x560: {  	v0 =	vadd.f32 v2, v0;
	_ =	sdelay $0x1  }
0x561: {  	v0 =	vadd.f32 v7, v0;
	_ =	sdelay $0x1  }
0x562: {  	v0 =	vadd.f32 v3, v0;
	_ =	sdelay $0x1  }
0x563: {  	v0 =	vadd.f32 v8, v0;
	_ =	sdelay $0x1  }
0x564: {  	v0 =	vadd.f32 v4, v0;
	_ =	sdelay $0x1  }
0x565: {  	v0 =	vadd.f32 v9, v0;
	_ =	sdelay $0x1  }
0x566: {  	v0 =	vadd.f32 v5, v0;
	_ =	sdelay $0x1  }
0x567: {  	v0 =	vadd.f32 v10, v0;
	_ =	sdelay $0x1  }
0x568: {  	v0 =	vadd.f32 v1, v0;
	_ =	sdelay $0x1  }
0x569: {  	v0 =	vadd.f32 v11, v0;
	_ =	sdelay $0x1  }
0x56a: {  	v0 =	vadd.f32 v6, v0;
	_ =	sdelay $0x1  }
0x56b: {  	v0 =	vadd.f32 v12, v0;
	_ =	sdelay $0x1  }
0x56c: {  	v0 =	vmul.f32 $5.000000070e-02, v0;
	_ =	sdelay $0x1  }
0x56d: {  	[tilespmem:s30+$0x15850] =	vst v0  }
0x56e: {  	v0 =	vld [tilespmem:s29+$0xFFFFFB60]  }
0x56f: {  	v1 =	vld [tilespmem:s29+$0xFFFFFBE0]  }
0x570: {  	v2 =	vld [tilespmem:s29+$0xFFFFFC60]  }
0x571: {  	v3 =	vld [tilespmem:s29+$0xFFFFFCE0]  }
0x572: {  	v4 =	vld [tilespmem:s29+$0xFFFFFD60]  }
0x573: {  	v5 =	vld [tilespmem:s29+$0xFFFFFDE0]  }
0x574: {  	v0 =	vadd.f32 v1, v0;
	v1 =	vld [tilespmem:s29+$0xFFFFFE60]  }
0x575: {  	v6 =	vld [tilespmem:s29+$0xFFFFFEE0]  }
0x576: {  	v0 =	vadd.f32 v2, v0;
	v2 =	vld [tilespmem:s29+$0xFFFFFF60]  }
0x577: {  	v7 =	vld [tilespmem:s29+$0xFFFFFFE0]  }
0x578: {  	v0 =	vadd.f32 v3, v0;
	v3 =	vld [tilespmem:s29+$0x60]  }
0x579: {  	v8 =	vld [tilespmem:s29+$0xE0]  }
0x57a: {  	v0 =	vadd.f32 v4, v0;
	v4 =	vld [tilespmem:s29+$0x160]  }
0x57b: {  	v9 =	vld [tilespmem:s29+$0x1E0]  }
0x57c: {  	v0 =	vadd.f32 v5, v0;
	v5 =	vld [tilespmem:s29+$0x260]  }
0x57d: {  	v10 =	vld [tilespmem:s29+$0x2E0]  }
0x57e: {  	v0 =	vadd.f32 v1, v0;
	v1 =	vld [tilespmem:s29+$0x360]  }
0x57f: {  	v11 =	vld [tilespmem:s29+$0x3E0]  }
0x580: {  	v0 =	vadd.f32 v6, v0;
	v6 =	vld [tilespmem:s29+$0x460]  }
0x581: {  	v12 =	vld [tilespmem:s29+$0x4E0]  }
0x582: {  	v0 =	vadd.f32 v2, v0;
	_ =	sdelay $0x1  }
0x583: {  	v0 =	vadd.f32 v7, v0;
	_ =	sdelay $0x1  }
0x584: {  	v0 =	vadd.f32 v3, v0;
	_ =	sdelay $0x1  }
0x585: {  	v0 =	vadd.f32 v8, v0;
	_ =	sdelay $0x1  }
0x586: {  	v0 =	vadd.f32 v4, v0;
	_ =	sdelay $0x1  }
0x587: {  	v0 =	vadd.f32 v9, v0;
	_ =	sdelay $0x1  }
0x588: {  	v0 =	vadd.f32 v5, v0;
	_ =	sdelay $0x1  }
0x589: {  	v0 =	vadd.f32 v10, v0;
	_ =	sdelay $0x1  }
0x58a: {  	v0 =	vadd.f32 v1, v0;
	_ =	sdelay $0x1  }
0x58b: {  	v0 =	vadd.f32 v11, v0;
	_ =	sdelay $0x1  }
0x58c: {  	v0 =	vadd.f32 v6, v0;
	_ =	sdelay $0x1  }
0x58d: {  	v0 =	vadd.f32 v12, v0;
	_ =	sdelay $0x1  }
0x58e: {  	v0 =	vmul.f32 $5.000000070e-02, v0;
	_ =	sdelay $0x1  }
0x58f: {  	[tilespmem:s30+$0x15860] =	vst v0  }
0x590: {  	v0 =	vld [tilespmem:s29+$0xFFFFFB70]  }
0x591: {  	v1 =	vld [tilespmem:s29+$0xFFFFFBF0]  }
0x592: {  	v2 =	vld [tilespmem:s29+$0xFFFFFC70]  }
0x593: {  	v3 =	vld [tilespmem:s29+$0xFFFFFCF0]  }
0x594: {  	v4 =	vld [tilespmem:s29+$0xFFFFFD70]  }
0x595: {  	v5 =	vld [tilespmem:s29+$0xFFFFFDF0]  }
0x596: {  	v0 =	vadd.f32 v1, v0;
	v1 =	vld [tilespmem:s29+$0xFFFFFE70]  }
0x597: {  	v6 =	vld [tilespmem:s29+$0xFFFFFEF0]  }
0x598: {  	v0 =	vadd.f32 v2, v0;
	v7 =	vld [tilespmem:s29+$0xFFFFFF70]  }
0x599: {  	v8 =	vld [tilespmem:s29+$0xFFFFFFF0]  }
0x59a: {  	v0 =	vadd.f32 v3, v0;
	v3 =	vld [tilespmem:s29+$0x70]  }
0x59b: {  	v9 =	vld [tilespmem:s29+$0xF0]  }
0x59c: {  	v0 =	vadd.f32 v4, v0;
	v4 =	vld [tilespmem:s29+$0x170]  }
0x59d: {  	v10 =	vld [tilespmem:s29+$0x1F0]  }
0x59e: {  	v0 =	vadd.f32 v5, v0;
	v5 =	vld [tilespmem:s29+$0x270]  }
0x59f: {  	v11 =	vld [tilespmem:s29+$0x2F0]  }
0x5a0: {  	v0 =	vadd.f32 v1, v0;
	v12 =	vld [tilespmem:s29+$0x370]  }
0x5a1: {  	v2 =	vld [tilespmem:s29+$0x3F0]  }
0x5a2: {  	v6 =	vadd.f32 v6, v0;
	v0 =	vld [tilespmem:s29+$0x470]  }
0x5a3: {  	v1 =	vld [tilespmem:s29+$0x4F0]  }
0x5a4: {  	v6 =	vadd.f32 v7, v6;
	_ =	sdelay $0x1  }
0x5a5: {  	v6 =	vadd.f32 v8, v6;
	_ =	sdelay $0x1  }
0x5a6: {  	v3 =	vadd.f32 v3, v6;
	_ =	sdelay $0x1  }
0x5a7: {  	v3 =	vadd.f32 v9, v3;
	_ =	sdelay $0x1  }
0x5a8: {  	v3 =	vadd.f32 v4, v3;
	_ =	sdelay $0x1  }
0x5a9: {  	v3 =	vadd.f32 v10, v3;
	_ =	sdelay $0x1  }
.Ltmp1:
0x5aa: {  	v3 =	vadd.f32 v5, v3;
	(pc) =	sbr.rel @p0 .LBB2_4-.Ltmp1, $3  }
0x5ab: {  	_ = 	snop  }
0x5ac: {  	v3 =	vadd.f32 v11, v3;
	_ =	sdelay $0x1  }
0x5ad: {  	v3 =	vadd.f32 v12, v3  }
0x5ae: {  	_ = 	snop  }
0x5af: {  	v2 =	vadd.f32 v2, v3;
	_ =	sdelay $0x1  }
0x5b0: {  	v0 =	vadd.f32 v0, v2;
	_ =	sdelay $0x1  }
0x5b1: {  	v0 =	vadd.f32 v1, v0;
	_ =	sdelay $0x1  }
0x5b2: {  	s28 =	sadd.s32 $0x1, s28;
	v0 =	vmul.f32 $5.000000070e-02, v0  }
0x5b3: {  	p0 =	sne.s32 s28, s6  }
.Ltmp2:
0x5b4: {  	[tilespmem:s30+$0x15870] =	vst v0;
	(pc) =	sbr.rel @p0 .LBB2_1-.Ltmp2, $4  }
0x5b5: {  	[hbm4b:s5+s2] =	stream.linear.scatter [tilespmem:s26], [sflag:$0x3], $0x1000, $0x38;
	[tilespmem:$0x16000] =	vst v63  }
0x5b6: {  	_ =	swait.ge [sflag:s7], $0x1000  }
0x5b7: {  	[sflag:s7] =	ssyncset.done $0x0  }
0x5b8: {  	[sflag:s7] =	ssyncadd.s32 $0xFFFFF000  }
0x5b9: {  	_ =	sfence.sel $0x180000  }
0x5ba: {  	[bflag:$0x0] =	sbarrier.arrive $0xFFFF  }
0x5bb: {  	_ =	strace $0x90000047  }
0x5bc: {  	s0 =	stileid.u32;
	[bflag:$0x2] =	sbarrier.arrive $0xFFFF  }
0x5bd: {  	p0 =	sne.s32 s0, $0x0;
	s0 =	rddreg [dreg:$0x2]  }
0x5be: {  	s0 =	sadd.s32 @!p0 $0x100000, s0  }
0x5bf: {  	[sflag:s0] =	ssyncadd.tile.s32 @!p0 $0x1;
	_ =	shalt  }
.Lfunc_end2:
_tile_overlayer_lowered:
.L_overlay_start_2:
0x5c0: {  	(tag) =	ssettag $0x2  }
0x5c1: {  	s0 =	rddreg [dreg:$0x0];
	s2 =	stileid.u32  }
0x5c2: {  	s1 =	rddreg [dreg:$0x1];
	p0 =	sne.s32 s2, $0x0  }
0x5c3: {  	s3 =	rddreg [dreg:$0x2];
	[bflag:$0x3] =	sbarrier.arrive $0xFFFF;
	s2 =	simm.s32 @!p0 $0x1C03  }
0x5c4: {  	[timem:s3], [sflag:s2] =	dma.local @!p0 [hbm:s0], s1  }
0x5c5: {  	s0 =	simm.s32 @!p0 $0x3  }
0x5c6: {  	_ =	swait.ge @!p0 [sflag:s0], s1  }
0x5c7: {  	s1 =	ssub.s32 @!p0 $0x0, s1;
	[sflag:s0] =	ssyncset.done @!p0 $0x0  }
0x5c8: {  	[sflag:s0] =	ssyncadd.s32 @!p0 s1  }
0x5c9: {  	[bflag:$0x3] =	sbarrier.arrive $0xFFFF  }
0x5ca: {  	_ =	shalt  }

</sc_bundles>
